<compile_context>
chip_gen: v7x
topology: tpu7x:2x2x1
jax: 0.10.2.dev20260603
libtpu: 0.0.44.dev20260713+nightly
codegen_flags: <defaults>
</compile_context>

<pallas_src>
import functools

import jax
import jax.numpy as jnp
from jax import lax
from jax.experimental import pallas as pl
from jax.experimental.pallas import tpu as pltpu
from jax.experimental.pallas import tpu_sc as plsc


_B, _S, _K, _D = 512, 128, 8192, 32
_NS = 16
_RPT = _K // _NS
_NG = _RPT // 16
_NB = 2048
_CAP = 272


def _iota16():
    return lax.broadcasted_iota(jnp.int32, (16,), 0)


def _sc_body(basis_hbm, out_dsq, out_idx,
             bvm, b0v, b0m, dsqv, histv, hred, redv, candd, candi,
             bst, crd_d, crd_i, cdall, ciall,
             hist_sp, red_sp, bst_sp, cd_sp, ci_sp):
    c = lax.axis_index("c")
    s = lax.axis_index("s")
    iota = _iota16()
    zeros_i = jnp.zeros((16,), jnp.int32)
    inf_f = jnp.full((16,), jnp.inf, jnp.float32)

    pltpu.sync_copy(basis_hbm.at[pl.ds(s * _RPT, _RPT), :], bvm)
    pltpu.sync_copy(basis_hbm.at[0, :], b0v)
    for half in range(2):
        bv = b0v[pl.ds(half * 16, 16)]
        for j in range(16):
            b0m[pl.ds((half * 16 + j) * 16, 16)] = bv.at[
                jnp.full((16,), j, jnp.int32)].get(mode="promise_in_bounds")

    def zero_hist(h, _):
        histv[pl.ds(h * 16, 16)] = zeros_i
        return 0
    lax.fori_loop(0, _NB // 16, zero_hist, 0)


    def dist_group(g, _):
        row16 = g * 16 + iota
        acc = jnp.zeros((16,), jnp.float32)
        for j in range(_D):
            bj = plsc.load_gather(bvm, [row16, jnp.full((16,), j, jnp.int32)])
            t = bj - b0m[pl.ds(j * 16, 16)]
            acc = acc + t * t
        dsqv[pl.ds(g * 16, 16)] = acc
        bkt = plsc.bitcast(acc, jnp.int32) >> 20
        plsc.addupdate_scatter(histv, [bkt], jnp.ones((16,), jnp.int32))
        return 0
    lax.fori_loop(0, _NG, dist_group, 0)

    pltpu.sync_copy(histv, hist_sp.at[s])
    plsc.subcore_barrier()
    pltpu.sync_copy(hist_sp.at[:, pl.ds(s * (_NB // _NS), _NB // _NS)], hred)
    for h in range(_NB // _NS // 16):
        acc = jnp.zeros((16,), jnp.int32)
        for r in range(_NS):
            acc = acc + hred[r, pl.ds(h * 16, 16)]
        redv[pl.ds(h * 16, 16)] = acc
    pltpu.sync_copy(redv, red_sp.at[pl.ds(s * (_NB // _NS), _NB // _NS)])
    plsc.subcore_barrier()

    @pl.when(s == 0)
    def _():
        pltpu.sync_copy(red_sp, histv)

        def scan_bucket(h, carry):
            running, bstar = carry
            v = histv[pl.ds(h * 16, 16)]
            cum = plsc.cumsum(v) + running
            bstar = bstar + plsc.all_reduce_population_count(cum < 128)
            running = running + jnp.sum(v)
            return running, bstar
        _, bstar = lax.fori_loop(0, _NB // 16, scan_bucket,
                                 (zeros_i, zeros_i))
        bst[...] = bstar
        pltpu.sync_copy(bst, bst_sp)

    plsc.subcore_barrier()

    pltpu.sync_copy(bst_sp, bst)
    bvec = bst[...]

    def compact_group(g, base):
        dv = dsqv[pl.ds(g * 16, 16)]
        bkt = plsc.bitcast(dv, jnp.int32) >> 20
        mask = bkt <= bvec
        incl = plsc.cumsum(mask.astype(jnp.int32))
        pos = jnp.clip(base + incl - 1, 0, 127)
        plsc.store_scatter(candd, [pos], dv, mask=mask)
        gidx = s * _RPT + g * 16 + iota
        plsc.store_scatter(candi, [pos], gidx, mask=mask)
        return base + plsc.all_reduce_population_count(mask)
    base = lax.fori_loop(0, _NG, compact_group, zeros_i)

    candi[pl.ds(128, 16)] = base
    pltpu.sync_copy(candd, cd_sp.at[s])
    pltpu.sync_copy(candi, ci_sp.at[s])
    plsc.subcore_barrier()

    @pl.when(s == 0)
    def _():
        pltpu.sync_copy(cd_sp, cdall)
        pltpu.sync_copy(ci_sp, ciall)
        counts = zeros_i
        for t in range(_NS):
            counts = jnp.where(iota == t, ciall[t, pl.ds(128, 16)], counts)
        offs = plsc.cumsum(counts) - counts

        def init_out(h, _):
            crd_d[pl.ds(h * 16, 16)] = inf_f
            crd_i[pl.ds(h * 16, 16)] = zeros_i
            return 0
        lax.fori_loop(0, _CAP // 16, init_out, 0)
        for t in range(_NS):
            tconst = jnp.full((16,), t, jnp.int32)
            offt = offs.at[tconst].get(mode="promise_in_bounds")
            cntt = counts.at[tconst].get(mode="promise_in_bounds")
            for h in range(8):
                lidx = h * 16 + iota
                m = lidx < cntt
                dvv = cdall[t, pl.ds(h * 16, 16)]
                ivv = ciall[t, pl.ds(h * 16, 16)]
                pos = jnp.clip(offt + lidx, 0, 255)
                plsc.store_scatter(crd_d, [pos], dvv, mask=m)
                plsc.store_scatter(crd_i, [pos], ivv, mask=m)

        @pl.when(c == 0)
        def _():
            pltpu.sync_copy(crd_d, out_dsq)
            pltpu.sync_copy(crd_i, out_idx)


def _sc_select(basis):
    mesh = plsc.VectorSubcoreMesh(
        core_axis_name="c", subcore_axis_name="s", num_cores=1)
    f = pl.kernel(
        _sc_body,
        out_type=(
            jax.ShapeDtypeStruct((_CAP,), jnp.float32),
            jax.ShapeDtypeStruct((_CAP,), jnp.int32),
        ),
        mesh=mesh,
        compiler_params=pltpu.CompilerParams(needs_layout_passes=False),
        scratch_types=[
            pltpu.VMEM((_RPT, _D), jnp.float32),
            pltpu.VMEM((_D,), jnp.float32),
            pltpu.VMEM((_D * 16,), jnp.float32),
            pltpu.VMEM((_RPT,), jnp.float32),
            pltpu.VMEM((_NB,), jnp.int32),
            pltpu.VMEM((_NS, _NB // _NS), jnp.int32),
            pltpu.VMEM((_NB // _NS,), jnp.int32),
            pltpu.VMEM((128,), jnp.float32),
            pltpu.VMEM((256,), jnp.int32),
            pltpu.VMEM((16,), jnp.int32),
            pltpu.VMEM((_CAP,), jnp.float32),
            pltpu.VMEM((_CAP,), jnp.int32),
            pltpu.VMEM((_NS, 128), jnp.float32),
            pltpu.VMEM((_NS, 256), jnp.int32),
            pltpu.VMEM_SHARED((_NS, _NB), jnp.int32),
            pltpu.VMEM_SHARED((_NB,), jnp.int32),
            pltpu.VMEM_SHARED((16,), jnp.int32),
            pltpu.VMEM_SHARED((_NS, 128), jnp.float32),
            pltpu.VMEM_SHARED((_NS, 256), jnp.int32),
        ],
    )
    return f(basis)


def _tc_body(x_ref, dr_ref, ir_ref, basis_ref, out_ref):
    d_row = jnp.sqrt(dr_ref[...])
    d_col = d_row.reshape(_CAP, 1)
    i_row = ir_ref[...]
    i_col = i_row.reshape(_CAP, 1)
    less = (d_col < d_row) | ((d_col == d_row) & (i_col < i_row))
    rank = jnp.sum(less.astype(jnp.int32), axis=0, keepdims=True)
    rows = lax.broadcasted_iota(jnp.int32, (_S, _CAP), 0)
    sel = jnp.sum(jnp.where(rows == rank, i_row, 0),
                  axis=1, keepdims=True)
    cols = lax.broadcasted_iota(jnp.int32, (_S, _K), 1)
    p = (cols == sel).astype(jnp.float32)
    g_sel = lax.dot_general(p, basis_ref[...], (((1,), (0,)), ((), ())),
                            preferred_element_type=jnp.float32)
    out_ref[...] = lax.dot_general(
        x_ref[...], g_sel, (((1,), (0,)), ((), ())),
        preferred_element_type=jnp.float32)


def _tc_finish(x, dsq, idx, basis):
    return pl.pallas_call(
        _tc_body,
        out_shape=jax.ShapeDtypeStruct((_B, _D), jnp.float32),
        in_specs=[pl.BlockSpec(memory_space=pltpu.VMEM)] * 4,
        out_specs=pl.BlockSpec(memory_space=pltpu.VMEM),
    )(x, dsq.reshape(1, _CAP), idx.reshape(1, _CAP), basis)


def kernel(x, basis):
    dsq, idx = _sc_select(basis)
    out = _tc_finish(x, dsq, idx, basis)
    return out.reshape(_B, _D, 1, 1)

# --- scband reference (transcript-rebuilt; emitter-appended) ---
"""Pipeline reference for scband-linear-coding-50345606644290 (READ-ONLY COPY).

The authoritative reference and input builder live on the scoring server;
editing this copy changes nothing except your own understanding.
"""

import jax, jax.numpy as jnp
import numpy as np

BATCH = 512
SPARSITY = 128
BASIS_NUM = 8192
EMBED_DIM = 32


def setup_inputs(seed: int = 0) -> dict:
    key = jax.random.key(seed)
    k1, k2 = jax.random.split(key)
    x = jax.random.normal(k1, (BATCH, SPARSITY), dtype=jnp.float32)
    basis = jax.random.normal(k2, (BASIS_NUM, EMBED_DIM), dtype=jnp.float32)
    return {"x": x, "basis": basis}


def reference(x, basis):
    # Faithful eval-mode (module.training == False) translation of linear_coding.forward
    batch_size = x.shape[0]
    sparsity = x.shape[1]
    basis_num = basis.shape[0]
    embedding_dim = basis.shape[1]
    assert sparsity <= basis_num
    # eval mode: index = zeros
    index = jnp.zeros((batch_size,), dtype=jnp.int32)
    basis_select = jnp.take(basis, index, axis=0)  # [B, D]
    # distance = ||basis_expand - select_expand||_2 along dim 2 -> [B, K]
    diff = basis[None, :, :] - basis_select[:, None, :]  # [B, K, D]
    distance = jnp.sqrt(jnp.sum(diff * diff, axis=2))  # [B, K]
    # torch.sort ascending; take first `sparsity` indices
    indices = jnp.argsort(distance, axis=1)[:, :sparsity]  # [B, S]
    # out.scatter_(1, indices, x)
    out = jnp.zeros((batch_size, basis_num), dtype=x.dtype)
    rows = jnp.arange(batch_size)[:, None]
    out = out.at[rows, indices].set(x)
    # torch.mm(out, basis)
    out = out @ basis  # [B, D]
    return out.reshape(batch_size, embedding_dim, 1, 1)

if __name__ == "__main__":
    import jax
    _d = setup_inputs()
    print(jax.jit(kernel)(*tuple(_d.values())))

</pallas_src>

<mosaic_0001>
#map = affine_map<(d0, d1) -> (0, 0)>
#map1 = affine_map<(d0, d1) -> (0)>
module attributes {stable_mosaic.version = 14 : i64} {
  func.func @_sc_body(%arg0: i32, %arg1: i32, %arg2: memref<8192x32xf32, #tpu.memory_space<hbm>>, %arg3: memref<272xf32, #tpu.memory_space<hbm>>, %arg4: memref<272xi32, #tpu.memory_space<hbm>>, %arg5: memref<512x32xf32, #tpu.memory_space<vmem>>, %arg6: memref<32xf32, #tpu.memory_space<vmem>>, %arg7: memref<512xf32, #tpu.memory_space<vmem>>, %arg8: memref<512xf32, #tpu.memory_space<vmem>>, %arg9: memref<2048xi32, #tpu.memory_space<vmem>>, %arg10: memref<16x128xi32, #tpu.memory_space<vmem>>, %arg11: memref<128xi32, #tpu.memory_space<vmem>>, %arg12: memref<128xf32, #tpu.memory_space<vmem>>, %arg13: memref<256xi32, #tpu.memory_space<vmem>>, %arg14: memref<16xi32, #tpu.memory_space<vmem>>, %arg15: memref<272xf32, #tpu.memory_space<vmem>>, %arg16: memref<272xi32, #tpu.memory_space<vmem>>, %arg17: memref<16x128xf32, #tpu.memory_space<vmem>>, %arg18: memref<16x256xi32, #tpu.memory_space<vmem>>, %arg19: memref<16x2048xi32, #tpu.memory_space<vmem_shared>>, %arg20: memref<2048xi32, #tpu.memory_space<vmem_shared>>, %arg21: memref<16xi32, #tpu.memory_space<vmem_shared>>, %arg22: memref<16x128xf32, #tpu.memory_space<vmem_shared>>, %arg23: memref<16x256xi32, #tpu.memory_space<vmem_shared>>) attributes {dimension_semantics = [#tpu.dimension_semantics<core_parallel>, #tpu.dimension_semantics<subcore_parallel>], iteration_bounds = array<i64: 1, 16>, scalar_prefetch = 0 : i64, scratch_operands = 19 : i64, tpu.core_type = #tpu.core_type<sc_vector_subcore>, window_params = [{transform_indices = #map}, {transform_indices = #map1}, {transform_indices = #map1}]} {
    %iota3A = tpu.iota {dimensions = array<i32: 0>} : vector<16xi32>
    %broadcast_in_dim3A = arith.constant 0 : i32
    %broadcast_in_dim3A_0 = vector.broadcast %broadcast_in_dim3A : i32 to vector<16xi32>
    %broadcast_in_dim3A_1 = arith.constant 0x7F800000 : f32
    %broadcast_in_dim3A_2 = vector.broadcast %broadcast_in_dim3A_1 : f32 to vector<16xf32>
    %mul3A = arith.constant 512 : i32
    %mul3A_3 = arith.muli %arg1, %mul3A : i32
    "tpu.region"() ({
      %run_scoped3A_1159 = tpu.sem_alloc : memref<!tpu.dma_semaphore, #tpu.memory_space<semaphore_mem>>
      %dma_start3A = arith.constant 0 : i32
      %dma_start3A_1160 = tpu.memref_slice %arg2[%mul3A_3, %dma_start3A] : memref<8192x32xf32, #tpu.memory_space<hbm>> -> memref<512x32xf32, #tpu.memory_space<hbm>>
      %dma_start3A_1161 = arith.constant 0 : i32
      %dma_start3A_1162 = tpu.memref_slice %arg2[%mul3A_3, %dma_start3A_1161] : memref<8192x32xf32, #tpu.memory_space<hbm>> -> memref<512x32xf32, #tpu.memory_space<hbm>>
      tpu.enqueue_dma source(%dma_start3A_1162 : memref<512x32xf32, #tpu.memory_space<hbm>>) target(%arg5 : memref<512x32xf32, #tpu.memory_space<vmem>>) target_semaphore(%run_scoped3A_1159 : memref<!tpu.dma_semaphore, #tpu.memory_space<semaphore_mem>>)
      %dma_wait3A = arith.constant 0 : i32
      %dma_wait3A_1163 = tpu.memref_slice %arg2[%mul3A_3, %dma_wait3A] : memref<8192x32xf32, #tpu.memory_space<hbm>> -> memref<512x32xf32, #tpu.memory_space<hbm>>
      %dma_wait3A_1164 = arith.constant 0 : i32
      %dma_wait3A_1165 = tpu.memref_slice %arg2[%mul3A_3, %dma_wait3A_1164] : memref<8192x32xf32, #tpu.memory_space<hbm>> -> memref<512x32xf32, #tpu.memory_space<hbm>>
      tpu.wait_dma2 semaphore(%run_scoped3A_1159 : memref<!tpu.dma_semaphore, #tpu.memory_space<semaphore_mem>>) src(%dma_wait3A_1165 : memref<512x32xf32, #tpu.memory_space<hbm>>) dst(%arg5 : memref<512x32xf32, #tpu.memory_space<vmem>>)
      tpu.yield
    }) : () -> ()
    %run_scoped3A = arith.constant 0 : i32
    "tpu.region"() ({
      %run_scoped3A_1159 = tpu.sem_alloc : memref<!tpu.dma_semaphore, #tpu.memory_space<semaphore_mem>>
      %dma_start3A = arith.constant 0 : i32
      %dma_start3A_1160 = tpu.memref_slice %arg2[%run_scoped3A, %dma_start3A] : memref<8192x32xf32, #tpu.memory_space<hbm>> -> memref<1x32xf32, #tpu.memory_space<hbm>>
      %dma_start3A_1161 = tpu.memref_squeeze %dma_start3A_1160 : memref<1x32xf32, #tpu.memory_space<hbm>> -> memref<32xf32, #tpu.memory_space<hbm>>
      %dma_start3A_1162 = arith.constant 0 : i32
      %dma_start3A_1163 = tpu.memref_slice %arg2[%run_scoped3A, %dma_start3A_1162] : memref<8192x32xf32, #tpu.memory_space<hbm>> -> memref<1x32xf32, #tpu.memory_space<hbm>>
      %dma_start3A_1164 = tpu.memref_squeeze %dma_start3A_1163 : memref<1x32xf32, #tpu.memory_space<hbm>> -> memref<32xf32, #tpu.memory_space<hbm>>
      tpu.enqueue_dma source(%dma_start3A_1164 : memref<32xf32, #tpu.memory_space<hbm>>) target(%arg6 : memref<32xf32, #tpu.memory_space<vmem>>) target_semaphore(%run_scoped3A_1159 : memref<!tpu.dma_semaphore, #tpu.memory_space<semaphore_mem>>)
      %dma_wait3A = arith.constant 0 : i32
      %dma_wait3A_1165 = tpu.memref_slice %arg2[%run_scoped3A, %dma_wait3A] : memref<8192x32xf32, #tpu.memory_space<hbm>> -> memref<1x32xf32, #tpu.memory_space<hbm>>
      %dma_wait3A_1166 = tpu.memref_squeeze %dma_wait3A_1165 : memref<1x32xf32, #tpu.memory_space<hbm>> -> memref<32xf32, #tpu.memory_space<hbm>>
      %dma_wait3A_1167 = arith.constant 0 : i32
      %dma_wait3A_1168 = tpu.memref_slice %arg2[%run_scoped3A, %dma_wait3A_1167] : memref<8192x32xf32, #tpu.memory_space<hbm>> -> memref<1x32xf32, #tpu.memory_space<hbm>>
      %dma_wait3A_1169 = tpu.memref_squeeze %dma_wait3A_1168 : memref<1x32xf32, #tpu.memory_space<hbm>> -> memref<32xf32, #tpu.memory_space<hbm>>
      tpu.wait_dma2 semaphore(%run_scoped3A_1159 : memref<!tpu.dma_semaphore, #tpu.memory_space<semaphore_mem>>) src(%dma_wait3A_1169 : memref<32xf32, #tpu.memory_space<hbm>>) dst(%arg6 : memref<32xf32, #tpu.memory_space<vmem>>)
      tpu.yield
    }) : () -> ()
    %get3A = arith.constant 0 : index
    %get3A_4 = tpu.vector_load %arg6[%get3A] {strides = array<i32>} : memref<32xf32, #tpu.memory_space<vmem>>, vector<16xf32>,
    %broadcast_in_dim3A_5 = arith.constant 0 : i32
    %broadcast_in_dim3A_6 = vector.broadcast %broadcast_in_dim3A_5 : i32 to vector<16xi32>
    %lt3A = arith.constant 0 : i32
    %lt3A_7 = vector.broadcast %lt3A : i32 to vector<16xi32>
    %lt3A_8 = arith.cmpi slt, %broadcast_in_dim3A_6, %lt3A_7 : vector<16xi32>
    %add3A = arith.constant 16 : i32
    %add3A_9 = vector.broadcast %add3A : i32 to vector<16xi32>
    %add3A_10 = arith.addi %broadcast_in_dim3A_6, %add3A_9 : vector<16xi32>
    %select_n3A = arith.select %lt3A_8, %add3A_10, %broadcast_in_dim3A_6 : vector<16xi1>, vector<16xi32>
    %broadcast_in_dim3A_11 = vector.shape_cast %select_n3A : vector<16xi32> to vector<16x1xi32>
    %gather3A = vector.shape_cast %broadcast_in_dim3A_11 : vector<16x1xi32> to vector<16xi32>
    %gather3A_12 = tpu.dynamic_gather %get3A_4[%gather3A] in [0] : vector<16xf32>, vector<16xi32> -> vector<16xf32>
    %swap3A = arith.constant 0 : index
    %swap3A_13 = tpu.vector_load %arg7[%swap3A] {strides = array<i32>} : memref<512xf32, #tpu.memory_space<vmem>>, vector<16xf32>,
    tpu.vector_store %arg7[%swap3A], %gather3A_12 {strides = array<i32>} : memref<512xf32, #tpu.memory_space<vmem>>, vector<16xf32>,
    %broadcast_in_dim3A_14 = arith.constant 1 : i32
    %broadcast_in_dim3A_15 = vector.broadcast %broadcast_in_dim3A_14 : i32 to vector<16xi32>
    %lt3A_16 = arith.constant 0 : i32
    %lt3A_17 = vector.broadcast %lt3A_16 : i32 to vector<16xi32>
    %lt3A_18 = arith.cmpi slt, %broadcast_in_dim3A_15, %lt3A_17 : vector<16xi32>
    %add3A_19 = arith.constant 16 : i32
    %add3A_20 = vector.broadcast %add3A_19 : i32 to vector<16xi32>
    %add3A_21 = arith.addi %broadcast_in_dim3A_15, %add3A_20 : vector<16xi32>
    %select_n3A_22 = arith.select %lt3A_18, %add3A_21, %broadcast_in_dim3A_15 : vector<16xi1>, vector<16xi32>
    %broadcast_in_dim3A_23 = vector.shape_cast %select_n3A_22 : vector<16xi32> to vector<16x1xi32>
    %gather3A_24 = vector.shape_cast %broadcast_in_dim3A_23 : vector<16x1xi32> to vector<16xi32>
    %gather3A_25 = tpu.dynamic_gather %get3A_4[%gather3A_24] in [0] : vector<16xf32>, vector<16xi32> -> vector<16xf32>
    %swap3A_26 = arith.constant 16 : index
    %swap3A_27 = tpu.vector_load %arg7[%swap3A_26] {strides = array<i32>} : memref<512xf32, #tpu.memory_space<vmem>>, vector<16xf32>,
    tpu.vector_store %arg7[%swap3A_26], %gather3A_25 {strides = array<i32>} : memref<512xf32, #tpu.memory_space<vmem>>, vector<16xf32>,
    %broadcast_in_dim3A_28 = arith.constant 2 : i32
    %broadcast_in_dim3A_29 = vector.broadcast %broadcast_in_dim3A_28 : i32 to vector<16xi32>
    %lt3A_30 = arith.constant 0 : i32
    %lt3A_31 = vector.broadcast %lt3A_30 : i32 to vector<16xi32>
    %lt3A_32 = arith.cmpi slt, %broadcast_in_dim3A_29, %lt3A_31 : vector<16xi32>
    %add3A_33 = arith.constant 16 : i32
    %add3A_34 = vector.broadcast %add3A_33 : i32 to vector<16xi32>
    %add3A_35 = arith.addi %broadcast_in_dim3A_29, %add3A_34 : vector<16xi32>
    %select_n3A_36 = arith.select %lt3A_32, %add3A_35, %broadcast_in_dim3A_29 : vector<16xi1>, vector<16xi32>
    %broadcast_in_dim3A_37 = vector.shape_cast %select_n3A_36 : vector<16xi32> to vector<16x1xi32>
    %gather3A_38 = vector.shape_cast %broadcast_in_dim3A_37 : vector<16x1xi32> to vector<16xi32>
    %gather3A_39 = tpu.dynamic_gather %get3A_4[%gather3A_38] in [0] : vector<16xf32>, vector<16xi32> -> vector<16xf32>
    %swap3A_40 = arith.constant 32 : index
    %swap3A_41 = tpu.vector_load %arg7[%swap3A_40] {strides = array<i32>} : memref<512xf32, #tpu.memory_space<vmem>>, vector<16xf32>,
    tpu.vector_store %arg7[%swap3A_40], %gather3A_39 {strides = array<i32>} : memref<512xf32, #tpu.memory_space<vmem>>, vector<16xf32>,
    %broadcast_in_dim3A_42 = arith.constant 3 : i32
    %broadcast_in_dim3A_43 = vector.broadcast %broadcast_in_dim3A_42 : i32 to vector<16xi32>
    %lt3A_44 = arith.constant 0 : i32
    %lt3A_45 = vector.broadcast %lt3A_44 : i32 to vector<16xi32>
    %lt3A_46 = arith.cmpi slt, %broadcast_in_dim3A_43, %lt3A_45 : vector<16xi32>
    %add3A_47 = arith.constant 16 : i32
    %add3A_48 = vector.broadcast %add3A_47 : i32 to vector<16xi32>
    %add3A_49 = arith.addi %broadcast_in_dim3A_43, %add3A_48 : vector<16xi32>
    %select_n3A_50 = arith.select %lt3A_46, %add3A_49, %broadcast_in_dim3A_43 : vector<16xi1>, vector<16xi32>
    %broadcast_in_dim3A_51 = vector.shape_cast %select_n3A_50 : vector<16xi32> to vector<16x1xi32>
    %gather3A_52 = vector.shape_cast %broadcast_in_dim3A_51 : vector<16x1xi32> to vector<16xi32>
    %gather3A_53 = tpu.dynamic_gather %get3A_4[%gather3A_52] in [0] : vector<16xf32>, vector<16xi32> -> vector<16xf32>
    %swap3A_54 = arith.constant 48 : index
    %swap3A_55 = tpu.vector_load %arg7[%swap3A_54] {strides = array<i32>} : memref<512xf32, #tpu.memory_space<vmem>>, vector<16xf32>,
    tpu.vector_store %arg7[%swap3A_54], %gather3A_53 {strides = array<i32>} : memref<512xf32, #tpu.memory_space<vmem>>, vector<16xf32>,
    %broadcast_in_dim3A_56 = arith.constant 4 : i32
    %broadcast_in_dim3A_57 = vector.broadcast %broadcast_in_dim3A_56 : i32 to vector<16xi32>
    %lt3A_58 = arith.constant 0 : i32
    %lt3A_59 = vector.broadcast %lt3A_58 : i32 to vector<16xi32>
    %lt3A_60 = arith.cmpi slt, %broadcast_in_dim3A_57, %lt3A_59 : vector<16xi32>
    %add3A_61 = arith.constant 16 : i32
    %add3A_62 = vector.broadcast %add3A_61 : i32 to vector<16xi32>
    %add3A_63 = arith.addi %broadcast_in_dim3A_57, %add3A_62 : vector<16xi32>
    %select_n3A_64 = arith.select %lt3A_60, %add3A_63, %broadcast_in_dim3A_57 : vector<16xi1>, vector<16xi32>
    %broadcast_in_dim3A_65 = vector.shape_cast %select_n3A_64 : vector<16xi32> to vector<16x1xi32>
    %gather3A_66 = vector.shape_cast %broadcast_in_dim3A_65 : vector<16x1xi32> to vector<16xi32>
    %gather3A_67 = tpu.dynamic_gather %get3A_4[%gather3A_66] in [0] : vector<16xf32>, vector<16xi32> -> vector<16xf32>
    %swap3A_68 = arith.constant 64 : index
    %swap3A_69 = tpu.vector_load %arg7[%swap3A_68] {strides = array<i32>} : memref<512xf32, #tpu.memory_space<vmem>>, vector<16xf32>,
    tpu.vector_store %arg7[%swap3A_68], %gather3A_67 {strides = array<i32>} : memref<512xf32, #tpu.memory_space<vmem>>, vector<16xf32>,
    %broadcast_in_dim3A_70 = arith.constant 5 : i32
    %broadcast_in_dim3A_71 = vector.broadcast %broadcast_in_dim3A_70 : i32 to vector<16xi32>
    %lt3A_72 = arith.constant 0 : i32
    %lt3A_73 = vector.broadcast %lt3A_72 : i32 to vector<16xi32>
    %lt3A_74 = arith.cmpi slt, %broadcast_in_dim3A_71, %lt3A_73 : vector<16xi32>
    %add3A_75 = arith.constant 16 : i32
    %add3A_76 = vector.broadcast %add3A_75 : i32 to vector<16xi32>
    %add3A_77 = arith.addi %broadcast_in_dim3A_71, %add3A_76 : vector<16xi32>
    %select_n3A_78 = arith.select %lt3A_74, %add3A_77, %broadcast_in_dim3A_71 : vector<16xi1>, vector<16xi32>
    %broadcast_in_dim3A_79 = vector.shape_cast %select_n3A_78 : vector<16xi32> to vector<16x1xi32>
    %gather3A_80 = vector.shape_cast %broadcast_in_dim3A_79 : vector<16x1xi32> to vector<16xi32>
    %gather3A_81 = tpu.dynamic_gather %get3A_4[%gather3A_80] in [0] : vector<16xf32>, vector<16xi32> -> vector<16xf32>
    %swap3A_82 = arith.constant 80 : index
    %swap3A_83 = tpu.vector_load %arg7[%swap3A_82] {strides = array<i32>} : memref<512xf32, #tpu.memory_space<vmem>>, vector<16xf32>,
    tpu.vector_store %arg7[%swap3A_82], %gather3A_81 {strides = array<i32>} : memref<512xf32, #tpu.memory_space<vmem>>, vector<16xf32>,
    %broadcast_in_dim3A_84 = arith.constant 6 : i32
    %broadcast_in_dim3A_85 = vector.broadcast %broadcast_in_dim3A_84 : i32 to vector<16xi32>
    %lt3A_86 = arith.constant 0 : i32
    %lt3A_87 = vector.broadcast %lt3A_86 : i32 to vector<16xi32>
    %lt3A_88 = arith.cmpi slt, %broadcast_in_dim3A_85, %lt3A_87 : vector<16xi32>
    %add3A_89 = arith.constant 16 : i32
    %add3A_90 = vector.broadcast %add3A_89 : i32 to vector<16xi32>
    %add3A_91 = arith.addi %broadcast_in_dim3A_85, %add3A_90 : vector<16xi32>
    %select_n3A_92 = arith.select %lt3A_88, %add3A_91, %broadcast_in_dim3A_85 : vector<16xi1>, vector<16xi32>
    %broadcast_in_dim3A_93 = vector.shape_cast %select_n3A_92 : vector<16xi32> to vector<16x1xi32>
    %gather3A_94 = vector.shape_cast %broadcast_in_dim3A_93 : vector<16x1xi32> to vector<16xi32>
    %gather3A_95 = tpu.dynamic_gather %get3A_4[%gather3A_94] in [0] : vector<16xf32>, vector<16xi32> -> vector<16xf32>
    %swap3A_96 = arith.constant 96 : index
    %swap3A_97 = tpu.vector_load %arg7[%swap3A_96] {strides = array<i32>} : memref<512xf32, #tpu.memory_space<vmem>>, vector<16xf32>,
    tpu.vector_store %arg7[%swap3A_96], %gather3A_95 {strides = array<i32>} : memref<512xf32, #tpu.memory_space<vmem>>, vector<16xf32>,
    %broadcast_in_dim3A_98 = arith.constant 7 : i32
    %broadcast_in_dim3A_99 = vector.broadcast %broadcast_in_dim3A_98 : i32 to vector<16xi32>
    %lt3A_100 = arith.constant 0 : i32
    %lt3A_101 = vector.broadcast %lt3A_100 : i32 to vector<16xi32>
    %lt3A_102 = arith.cmpi slt, %broadcast_in_dim3A_99, %lt3A_101 : vector<16xi32>
    %add3A_103 = arith.constant 16 : i32
    %add3A_104 = vector.broadcast %add3A_103 : i32 to vector<16xi32>
    %add3A_105 = arith.addi %broadcast_in_dim3A_99, %add3A_104 : vector<16xi32>
    %select_n3A_106 = arith.select %lt3A_102, %add3A_105, %broadcast_in_dim3A_99 : vector<16xi1>, vector<16xi32>
    %broadcast_in_dim3A_107 = vector.shape_cast %select_n3A_106 : vector<16xi32> to vector<16x1xi32>
    %gather3A_108 = vector.shape_cast %broadcast_in_dim3A_107 : vector<16x1xi32> to vector<16xi32>
    %gather3A_109 = tpu.dynamic_gather %get3A_4[%gather3A_108] in [0] : vector<16xf32>, vector<16xi32> -> vector<16xf32>
    %swap3A_110 = arith.constant 112 : index
    %swap3A_111 = tpu.vector_load %arg7[%swap3A_110] {strides = array<i32>} : memref<512xf32, #tpu.memory_space<vmem>>, vector<16xf32>,
    tpu.vector_store %arg7[%swap3A_110], %gather3A_109 {strides = array<i32>} : memref<512xf32, #tpu.memory_space<vmem>>, vector<16xf32>,
    %broadcast_in_dim3A_112 = arith.constant 8 : i32
    %broadcast_in_dim3A_113 = vector.broadcast %broadcast_in_dim3A_112 : i32 to vector<16xi32>
    %lt3A_114 = arith.constant 0 : i32
    %lt3A_115 = vector.broadcast %lt3A_114 : i32 to vector<16xi32>
    %lt3A_116 = arith.cmpi slt, %broadcast_in_dim3A_113, %lt3A_115 : vector<16xi32>
    %add3A_117 = arith.constant 16 : i32
    %add3A_118 = vector.broadcast %add3A_117 : i32 to vector<16xi32>
    %add3A_119 = arith.addi %broadcast_in_dim3A_113, %add3A_118 : vector<16xi32>
    %select_n3A_120 = arith.select %lt3A_116, %add3A_119, %broadcast_in_dim3A_113 : vector<16xi1>, vector<16xi32>
    %broadcast_in_dim3A_121 = vector.shape_cast %select_n3A_120 : vector<16xi32> to vector<16x1xi32>
    %gather3A_122 = vector.shape_cast %broadcast_in_dim3A_121 : vector<16x1xi32> to vector<16xi32>
    %gather3A_123 = tpu.dynamic_gather %get3A_4[%gather3A_122] in [0] : vector<16xf32>, vector<16xi32> -> vector<16xf32>
    %swap3A_124 = arith.constant 128 : index
    %swap3A_125 = tpu.vector_load %arg7[%swap3A_124] {strides = array<i32>} : memref<512xf32, #tpu.memory_space<vmem>>, vector<16xf32>,
    tpu.vector_store %arg7[%swap3A_124], %gather3A_123 {strides = array<i32>} : memref<512xf32, #tpu.memory_space<vmem>>, vector<16xf32>,
    %broadcast_in_dim3A_126 = arith.constant 9 : i32
    %broadcast_in_dim3A_127 = vector.broadcast %broadcast_in_dim3A_126 : i32 to vector<16xi32>
    %lt3A_128 = arith.constant 0 : i32
    %lt3A_129 = vector.broadcast %lt3A_128 : i32 to vector<16xi32>
    %lt3A_130 = arith.cmpi slt, %broadcast_in_dim3A_127, %lt3A_129 : vector<16xi32>
    %add3A_131 = arith.constant 16 : i32
    %add3A_132 = vector.broadcast %add3A_131 : i32 to vector<16xi32>
    %add3A_133 = arith.addi %broadcast_in_dim3A_127, %add3A_132 : vector<16xi32>
    %select_n3A_134 = arith.select %lt3A_130, %add3A_133, %broadcast_in_dim3A_127 : vector<16xi1>, vector<16xi32>
    %broadcast_in_dim3A_135 = vector.shape_cast %select_n3A_134 : vector<16xi32> to vector<16x1xi32>
    %gather3A_136 = vector.shape_cast %broadcast_in_dim3A_135 : vector<16x1xi32> to vector<16xi32>
    %gather3A_137 = tpu.dynamic_gather %get3A_4[%gather3A_136] in [0] : vector<16xf32>, vector<16xi32> -> vector<16xf32>
    %swap3A_138 = arith.constant 144 : index
    %swap3A_139 = tpu.vector_load %arg7[%swap3A_138] {strides = array<i32>} : memref<512xf32, #tpu.memory_space<vmem>>, vector<16xf32>,
    tpu.vector_store %arg7[%swap3A_138], %gather3A_137 {strides = array<i32>} : memref<512xf32, #tpu.memory_space<vmem>>, vector<16xf32>,
    %broadcast_in_dim3A_140 = arith.constant 10 : i32
    %broadcast_in_dim3A_141 = vector.broadcast %broadcast_in_dim3A_140 : i32 to vector<16xi32>
    %lt3A_142 = arith.constant 0 : i32
    %lt3A_143 = vector.broadcast %lt3A_142 : i32 to vector<16xi32>
    %lt3A_144 = arith.cmpi slt, %broadcast_in_dim3A_141, %lt3A_143 : vector<16xi32>
    %add3A_145 = arith.constant 16 : i32
    %add3A_146 = vector.broadcast %add3A_145 : i32 to vector<16xi32>
    %add3A_147 = arith.addi %broadcast_in_dim3A_141, %add3A_146 : vector<16xi32>
    %select_n3A_148 = arith.select %lt3A_144, %add3A_147, %broadcast_in_dim3A_141 : vector<16xi1>, vector<16xi32>
    %broadcast_in_dim3A_149 = vector.shape_cast %select_n3A_148 : vector<16xi32> to vector<16x1xi32>
    %gather3A_150 = vector.shape_cast %broadcast_in_dim3A_149 : vector<16x1xi32> to vector<16xi32>
    %gather3A_151 = tpu.dynamic_gather %get3A_4[%gather3A_150] in [0] : vector<16xf32>, vector<16xi32> -> vector<16xf32>
    %swap3A_152 = arith.constant 160 : index
    %swap3A_153 = tpu.vector_load %arg7[%swap3A_152] {strides = array<i32>} : memref<512xf32, #tpu.memory_space<vmem>>, vector<16xf32>,
    tpu.vector_store %arg7[%swap3A_152], %gather3A_151 {strides = array<i32>} : memref<512xf32, #tpu.memory_space<vmem>>, vector<16xf32>,
    %broadcast_in_dim3A_154 = arith.constant 11 : i32
    %broadcast_in_dim3A_155 = vector.broadcast %broadcast_in_dim3A_154 : i32 to vector<16xi32>
    %lt3A_156 = arith.constant 0 : i32
    %lt3A_157 = vector.broadcast %lt3A_156 : i32 to vector<16xi32>
    %lt3A_158 = arith.cmpi slt, %broadcast_in_dim3A_155, %lt3A_157 : vector<16xi32>
    %add3A_159 = arith.constant 16 : i32
    %add3A_160 = vector.broadcast %add3A_159 : i32 to vector<16xi32>
    %add3A_161 = arith.addi %broadcast_in_dim3A_155, %add3A_160 : vector<16xi32>
    %select_n3A_162 = arith.select %lt3A_158, %add3A_161, %broadcast_in_dim3A_155 : vector<16xi1>, vector<16xi32>
    %broadcast_in_dim3A_163 = vector.shape_cast %select_n3A_162 : vector<16xi32> to vector<16x1xi32>
    %gather3A_164 = vector.shape_cast %broadcast_in_dim3A_163 : vector<16x1xi32> to vector<16xi32>
    %gather3A_165 = tpu.dynamic_gather %get3A_4[%gather3A_164] in [0] : vector<16xf32>, vector<16xi32> -> vector<16xf32>
    %swap3A_166 = arith.constant 176 : index
    %swap3A_167 = tpu.vector_load %arg7[%swap3A_166] {strides = array<i32>} : memref<512xf32, #tpu.memory_space<vmem>>, vector<16xf32>,
    tpu.vector_store %arg7[%swap3A_166], %gather3A_165 {strides = array<i32>} : memref<512xf32, #tpu.memory_space<vmem>>, vector<16xf32>,
    %broadcast_in_dim3A_168 = arith.constant 12 : i32
    %broadcast_in_dim3A_169 = vector.broadcast %broadcast_in_dim3A_168 : i32 to vector<16xi32>
    %lt3A_170 = arith.constant 0 : i32
    %lt3A_171 = vector.broadcast %lt3A_170 : i32 to vector<16xi32>
    %lt3A_172 = arith.cmpi slt, %broadcast_in_dim3A_169, %lt3A_171 : vector<16xi32>
    %add3A_173 = arith.constant 16 : i32
    %add3A_174 = vector.broadcast %add3A_173 : i32 to vector<16xi32>
    %add3A_175 = arith.addi %broadcast_in_dim3A_169, %add3A_174 : vector<16xi32>
    %select_n3A_176 = arith.select %lt3A_172, %add3A_175, %broadcast_in_dim3A_169 : vector<16xi1>, vector<16xi32>
    %broadcast_in_dim3A_177 = vector.shape_cast %select_n3A_176 : vector<16xi32> to vector<16x1xi32>
    %gather3A_178 = vector.shape_cast %broadcast_in_dim3A_177 : vector<16x1xi32> to vector<16xi32>
    %gather3A_179 = tpu.dynamic_gather %get3A_4[%gather3A_178] in [0] : vector<16xf32>, vector<16xi32> -> vector<16xf32>
    %swap3A_180 = arith.constant 192 : index
    %swap3A_181 = tpu.vector_load %arg7[%swap3A_180] {strides = array<i32>} : memref<512xf32, #tpu.memory_space<vmem>>, vector<16xf32>,
    tpu.vector_store %arg7[%swap3A_180], %gather3A_179 {strides = array<i32>} : memref<512xf32, #tpu.memory_space<vmem>>, vector<16xf32>,
    %broadcast_in_dim3A_182 = arith.constant 13 : i32
    %broadcast_in_dim3A_183 = vector.broadcast %broadcast_in_dim3A_182 : i32 to vector<16xi32>
    %lt3A_184 = arith.constant 0 : i32
    %lt3A_185 = vector.broadcast %lt3A_184 : i32 to vector<16xi32>
    %lt3A_186 = arith.cmpi slt, %broadcast_in_dim3A_183, %lt3A_185 : vector<16xi32>
    %add3A_187 = arith.constant 16 : i32
    %add3A_188 = vector.broadcast %add3A_187 : i32 to vector<16xi32>
    %add3A_189 = arith.addi %broadcast_in_dim3A_183, %add3A_188 : vector<16xi32>
    %select_n3A_190 = arith.select %lt3A_186, %add3A_189, %broadcast_in_dim3A_183 : vector<16xi1>, vector<16xi32>
    %broadcast_in_dim3A_191 = vector.shape_cast %select_n3A_190 : vector<16xi32> to vector<16x1xi32>
    %gather3A_192 = vector.shape_cast %broadcast_in_dim3A_191 : vector<16x1xi32> to vector<16xi32>
    %gather3A_193 = tpu.dynamic_gather %get3A_4[%gather3A_192] in [0] : vector<16xf32>, vector<16xi32> -> vector<16xf32>
    %swap3A_194 = arith.constant 208 : index
    %swap3A_195 = tpu.vector_load %arg7[%swap3A_194] {strides = array<i32>} : memref<512xf32, #tpu.memory_space<vmem>>, vector<16xf32>,
    tpu.vector_store %arg7[%swap3A_194], %gather3A_193 {strides = array<i32>} : memref<512xf32, #tpu.memory_space<vmem>>, vector<16xf32>,
    %broadcast_in_dim3A_196 = arith.constant 14 : i32
    %broadcast_in_dim3A_197 = vector.broadcast %broadcast_in_dim3A_196 : i32 to vector<16xi32>
    %lt3A_198 = arith.constant 0 : i32
    %lt3A_199 = vector.broadcast %lt3A_198 : i32 to vector<16xi32>
    %lt3A_200 = arith.cmpi slt, %broadcast_in_dim3A_197, %lt3A_199 : vector<16xi32>
    %add3A_201 = arith.constant 16 : i32
    %add3A_202 = vector.broadcast %add3A_201 : i32 to vector<16xi32>
    %add3A_203 = arith.addi %broadcast_in_dim3A_197, %add3A_202 : vector<16xi32>
    %select_n3A_204 = arith.select %lt3A_200, %add3A_203, %broadcast_in_dim3A_197 : vector<16xi1>, vector<16xi32>
    %broadcast_in_dim3A_205 = vector.shape_cast %select_n3A_204 : vector<16xi32> to vector<16x1xi32>
    %gather3A_206 = vector.shape_cast %broadcast_in_dim3A_205 : vector<16x1xi32> to vector<16xi32>
    %gather3A_207 = tpu.dynamic_gather %get3A_4[%gather3A_206] in [0] : vector<16xf32>, vector<16xi32> -> vector<16xf32>
    %swap3A_208 = arith.constant 224 : index
    %swap3A_209 = tpu.vector_load %arg7[%swap3A_208] {strides = array<i32>} : memref<512xf32, #tpu.memory_space<vmem>>, vector<16xf32>,
    tpu.vector_store %arg7[%swap3A_208], %gather3A_207 {strides = array<i32>} : memref<512xf32, #tpu.memory_space<vmem>>, vector<16xf32>,
    %broadcast_in_dim3A_210 = arith.constant 15 : i32
    %broadcast_in_dim3A_211 = vector.broadcast %broadcast_in_dim3A_210 : i32 to vector<16xi32>
    %lt3A_212 = arith.constant 0 : i32
    %lt3A_213 = vector.broadcast %lt3A_212 : i32 to vector<16xi32>
    %lt3A_214 = arith.cmpi slt, %broadcast_in_dim3A_211, %lt3A_213 : vector<16xi32>
    %add3A_215 = arith.constant 16 : i32
    %add3A_216 = vector.broadcast %add3A_215 : i32 to vector<16xi32>
    %add3A_217 = arith.addi %broadcast_in_dim3A_211, %add3A_216 : vector<16xi32>
    %select_n3A_218 = arith.select %lt3A_214, %add3A_217, %broadcast_in_dim3A_211 : vector<16xi1>, vector<16xi32>
    %broadcast_in_dim3A_219 = vector.shape_cast %select_n3A_218 : vector<16xi32> to vector<16x1xi32>
    %gather3A_220 = vector.shape_cast %broadcast_in_dim3A_219 : vector<16x1xi32> to vector<16xi32>
    %gather3A_221 = tpu.dynamic_gather %get3A_4[%gather3A_220] in [0] : vector<16xf32>, vector<16xi32> -> vector<16xf32>
    %swap3A_222 = arith.constant 240 : index
    %swap3A_223 = tpu.vector_load %arg7[%swap3A_222] {strides = array<i32>} : memref<512xf32, #tpu.memory_space<vmem>>, vector<16xf32>,
    tpu.vector_store %arg7[%swap3A_222], %gather3A_221 {strides = array<i32>} : memref<512xf32, #tpu.memory_space<vmem>>, vector<16xf32>,
    %get3A_224 = arith.constant 16 : index
    %get3A_225 = tpu.vector_load %arg6[%get3A_224] {strides = array<i32>} : memref<32xf32, #tpu.memory_space<vmem>>, vector<16xf32>,
    %broadcast_in_dim3A_226 = arith.constant 0 : i32
    %broadcast_in_dim3A_227 = vector.broadcast %broadcast_in_dim3A_226 : i32 to vector<16xi32>
    %lt3A_228 = arith.constant 0 : i32
    %lt3A_229 = vector.broadcast %lt3A_228 : i32 to vector<16xi32>
    %lt3A_230 = arith.cmpi slt, %broadcast_in_dim3A_227, %lt3A_229 : vector<16xi32>
    %add3A_231 = arith.constant 16 : i32
    %add3A_232 = vector.broadcast %add3A_231 : i32 to vector<16xi32>
    %add3A_233 = arith.addi %broadcast_in_dim3A_227, %add3A_232 : vector<16xi32>
    %select_n3A_234 = arith.select %lt3A_230, %add3A_233, %broadcast_in_dim3A_227 : vector<16xi1>, vector<16xi32>
    %broadcast_in_dim3A_235 = vector.shape_cast %select_n3A_234 : vector<16xi32> to vector<16x1xi32>
    %gather3A_236 = vector.shape_cast %broadcast_in_dim3A_235 : vector<16x1xi32> to vector<16xi32>
    %gather3A_237 = tpu.dynamic_gather %get3A_225[%gather3A_236] in [0] : vector<16xf32>, vector<16xi32> -> vector<16xf32>
    %swap3A_238 = arith.constant 256 : index
    %swap3A_239 = tpu.vector_load %arg7[%swap3A_238] {strides = array<i32>} : memref<512xf32, #tpu.memory_space<vmem>>, vector<16xf32>,
    tpu.vector_store %arg7[%swap3A_238], %gather3A_237 {strides = array<i32>} : memref<512xf32, #tpu.memory_space<vmem>>, vector<16xf32>,
    %broadcast_in_dim3A_240 = arith.constant 1 : i32
    %broadcast_in_dim3A_241 = vector.broadcast %broadcast_in_dim3A_240 : i32 to vector<16xi32>
    %lt3A_242 = arith.constant 0 : i32
    %lt3A_243 = vector.broadcast %lt3A_242 : i32 to vector<16xi32>
    %lt3A_244 = arith.cmpi slt, %broadcast_in_dim3A_241, %lt3A_243 : vector<16xi32>
    %add3A_245 = arith.constant 16 : i32
    %add3A_246 = vector.broadcast %add3A_245 : i32 to vector<16xi32>
    %add3A_247 = arith.addi %broadcast_in_dim3A_241, %add3A_246 : vector<16xi32>
    %select_n3A_248 = arith.select %lt3A_244, %add3A_247, %broadcast_in_dim3A_241 : vector<16xi1>, vector<16xi32>
    %broadcast_in_dim3A_249 = vector.shape_cast %select_n3A_248 : vector<16xi32> to vector<16x1xi32>
    %gather3A_250 = vector.shape_cast %broadcast_in_dim3A_249 : vector<16x1xi32> to vector<16xi32>
    %gather3A_251 = tpu.dynamic_gather %get3A_225[%gather3A_250] in [0] : vector<16xf32>, vector<16xi32> -> vector<16xf32>
    %swap3A_252 = arith.constant 272 : index
    %swap3A_253 = tpu.vector_load %arg7[%swap3A_252] {strides = array<i32>} : memref<512xf32, #tpu.memory_space<vmem>>, vector<16xf32>,
    tpu.vector_store %arg7[%swap3A_252], %gather3A_251 {strides = array<i32>} : memref<512xf32, #tpu.memory_space<vmem>>, vector<16xf32>,
    %broadcast_in_dim3A_254 = arith.constant 2 : i32
    %broadcast_in_dim3A_255 = vector.broadcast %broadcast_in_dim3A_254 : i32 to vector<16xi32>
    %lt3A_256 = arith.constant 0 : i32
    %lt3A_257 = vector.broadcast %lt3A_256 : i32 to vector<16xi32>
    %lt3A_258 = arith.cmpi slt, %broadcast_in_dim3A_255, %lt3A_257 : vector<16xi32>
    %add3A_259 = arith.constant 16 : i32
    %add3A_260 = vector.broadcast %add3A_259 : i32 to vector<16xi32>
    %add3A_261 = arith.addi %broadcast_in_dim3A_255, %add3A_260 : vector<16xi32>
    %select_n3A_262 = arith.select %lt3A_258, %add3A_261, %broadcast_in_dim3A_255 : vector<16xi1>, vector<16xi32>
    %broadcast_in_dim3A_263 = vector.shape_cast %select_n3A_262 : vector<16xi32> to vector<16x1xi32>
    %gather3A_264 = vector.shape_cast %broadcast_in_dim3A_263 : vector<16x1xi32> to vector<16xi32>
    %gather3A_265 = tpu.dynamic_gather %get3A_225[%gather3A_264] in [0] : vector<16xf32>, vector<16xi32> -> vector<16xf32>
    %swap3A_266 = arith.constant 288 : index
    %swap3A_267 = tpu.vector_load %arg7[%swap3A_266] {strides = array<i32>} : memref<512xf32, #tpu.memory_space<vmem>>, vector<16xf32>,
    tpu.vector_store %arg7[%swap3A_266], %gather3A_265 {strides = array<i32>} : memref<512xf32, #tpu.memory_space<vmem>>, vector<16xf32>,
    %broadcast_in_dim3A_268 = arith.constant 3 : i32
    %broadcast_in_dim3A_269 = vector.broadcast %broadcast_in_dim3A_268 : i32 to vector<16xi32>
    %lt3A_270 = arith.constant 0 : i32
    %lt3A_271 = vector.broadcast %lt3A_270 : i32 to vector<16xi32>
    %lt3A_272 = arith.cmpi slt, %broadcast_in_dim3A_269, %lt3A_271 : vector<16xi32>
    %add3A_273 = arith.constant 16 : i32
    %add3A_274 = vector.broadcast %add3A_273 : i32 to vector<16xi32>
    %add3A_275 = arith.addi %broadcast_in_dim3A_269, %add3A_274 : vector<16xi32>
    %select_n3A_276 = arith.select %lt3A_272, %add3A_275, %broadcast_in_dim3A_269 : vector<16xi1>, vector<16xi32>
    %broadcast_in_dim3A_277 = vector.shape_cast %select_n3A_276 : vector<16xi32> to vector<16x1xi32>
    %gather3A_278 = vector.shape_cast %broadcast_in_dim3A_277 : vector<16x1xi32> to vector<16xi32>
    %gather3A_279 = tpu.dynamic_gather %get3A_225[%gather3A_278] in [0] : vector<16xf32>, vector<16xi32> -> vector<16xf32>
    %swap3A_280 = arith.constant 304 : index
    %swap3A_281 = tpu.vector_load %arg7[%swap3A_280] {strides = array<i32>} : memref<512xf32, #tpu.memory_space<vmem>>, vector<16xf32>,
    tpu.vector_store %arg7[%swap3A_280], %gather3A_279 {strides = array<i32>} : memref<512xf32, #tpu.memory_space<vmem>>, vector<16xf32>,
    %broadcast_in_dim3A_282 = arith.constant 4 : i32
    %broadcast_in_dim3A_283 = vector.broadcast %broadcast_in_dim3A_282 : i32 to vector<16xi32>
    %lt3A_284 = arith.constant 0 : i32
    %lt3A_285 = vector.broadcast %lt3A_284 : i32 to vector<16xi32>
    %lt3A_286 = arith.cmpi slt, %broadcast_in_dim3A_283, %lt3A_285 : vector<16xi32>
    %add3A_287 = arith.constant 16 : i32
    %add3A_288 = vector.broadcast %add3A_287 : i32 to vector<16xi32>
    %add3A_289 = arith.addi %broadcast_in_dim3A_283, %add3A_288 : vector<16xi32>
    %select_n3A_290 = arith.select %lt3A_286, %add3A_289, %broadcast_in_dim3A_283 : vector<16xi1>, vector<16xi32>
    %broadcast_in_dim3A_291 = vector.shape_cast %select_n3A_290 : vector<16xi32> to vector<16x1xi32>
    %gather3A_292 = vector.shape_cast %broadcast_in_dim3A_291 : vector<16x1xi32> to vector<16xi32>
    %gather3A_293 = tpu.dynamic_gather %get3A_225[%gather3A_292] in [0] : vector<16xf32>, vector<16xi32> -> vector<16xf32>
    %swap3A_294 = arith.constant 320 : index
    %swap3A_295 = tpu.vector_load %arg7[%swap3A_294] {strides = array<i32>} : memref<512xf32, #tpu.memory_space<vmem>>, vector<16xf32>,
    tpu.vector_store %arg7[%swap3A_294], %gather3A_293 {strides = array<i32>} : memref<512xf32, #tpu.memory_space<vmem>>, vector<16xf32>,
    %broadcast_in_dim3A_296 = arith.constant 5 : i32
    %broadcast_in_dim3A_297 = vector.broadcast %broadcast_in_dim3A_296 : i32 to vector<16xi32>
    %lt3A_298 = arith.constant 0 : i32
    %lt3A_299 = vector.broadcast %lt3A_298 : i32 to vector<16xi32>
    %lt3A_300 = arith.cmpi slt, %broadcast_in_dim3A_297, %lt3A_299 : vector<16xi32>
    %add3A_301 = arith.constant 16 : i32
    %add3A_302 = vector.broadcast %add3A_301 : i32 to vector<16xi32>
    %add3A_303 = arith.addi %broadcast_in_dim3A_297, %add3A_302 : vector<16xi32>
    %select_n3A_304 = arith.select %lt3A_300, %add3A_303, %broadcast_in_dim3A_297 : vector<16xi1>, vector<16xi32>
    %broadcast_in_dim3A_305 = vector.shape_cast %select_n3A_304 : vector<16xi32> to vector<16x1xi32>
    %gather3A_306 = vector.shape_cast %broadcast_in_dim3A_305 : vector<16x1xi32> to vector<16xi32>
    %gather3A_307 = tpu.dynamic_gather %get3A_225[%gather3A_306] in [0] : vector<16xf32>, vector<16xi32> -> vector<16xf32>
    %swap3A_308 = arith.constant 336 : index
    %swap3A_309 = tpu.vector_load %arg7[%swap3A_308] {strides = array<i32>} : memref<512xf32, #tpu.memory_space<vmem>>, vector<16xf32>,
    tpu.vector_store %arg7[%swap3A_308], %gather3A_307 {strides = array<i32>} : memref<512xf32, #tpu.memory_space<vmem>>, vector<16xf32>,
    %broadcast_in_dim3A_310 = arith.constant 6 : i32
    %broadcast_in_dim3A_311 = vector.broadcast %broadcast_in_dim3A_310 : i32 to vector<16xi32>
    %lt3A_312 = arith.constant 0 : i32
    %lt3A_313 = vector.broadcast %lt3A_312 : i32 to vector<16xi32>
    %lt3A_314 = arith.cmpi slt, %broadcast_in_dim3A_311, %lt3A_313 : vector<16xi32>
    %add3A_315 = arith.constant 16 : i32
    %add3A_316 = vector.broadcast %add3A_315 : i32 to vector<16xi32>
    %add3A_317 = arith.addi %broadcast_in_dim3A_311, %add3A_316 : vector<16xi32>
    %select_n3A_318 = arith.select %lt3A_314, %add3A_317, %broadcast_in_dim3A_311 : vector<16xi1>, vector<16xi32>
    %broadcast_in_dim3A_319 = vector.shape_cast %select_n3A_318 : vector<16xi32> to vector<16x1xi32>
    %gather3A_320 = vector.shape_cast %broadcast_in_dim3A_319 : vector<16x1xi32> to vector<16xi32>
    %gather3A_321 = tpu.dynamic_gather %get3A_225[%gather3A_320] in [0] : vector<16xf32>, vector<16xi32> -> vector<16xf32>
    %swap3A_322 = arith.constant 352 : index
    %swap3A_323 = tpu.vector_load %arg7[%swap3A_322] {strides = array<i32>} : memref<512xf32, #tpu.memory_space<vmem>>, vector<16xf32>,
    tpu.vector_store %arg7[%swap3A_322], %gather3A_321 {strides = array<i32>} : memref<512xf32, #tpu.memory_space<vmem>>, vector<16xf32>,
    %broadcast_in_dim3A_324 = arith.constant 7 : i32
    %broadcast_in_dim3A_325 = vector.broadcast %broadcast_in_dim3A_324 : i32 to vector<16xi32>
    %lt3A_326 = arith.constant 0 : i32
    %lt3A_327 = vector.broadcast %lt3A_326 : i32 to vector<16xi32>
    %lt3A_328 = arith.cmpi slt, %broadcast_in_dim3A_325, %lt3A_327 : vector<16xi32>
    %add3A_329 = arith.constant 16 : i32
    %add3A_330 = vector.broadcast %add3A_329 : i32 to vector<16xi32>
    %add3A_331 = arith.addi %broadcast_in_dim3A_325, %add3A_330 : vector<16xi32>
    %select_n3A_332 = arith.select %lt3A_328, %add3A_331, %broadcast_in_dim3A_325 : vector<16xi1>, vector<16xi32>
    %broadcast_in_dim3A_333 = vector.shape_cast %select_n3A_332 : vector<16xi32> to vector<16x1xi32>
    %gather3A_334 = vector.shape_cast %broadcast_in_dim3A_333 : vector<16x1xi32> to vector<16xi32>
    %gather3A_335 = tpu.dynamic_gather %get3A_225[%gather3A_334] in [0] : vector<16xf32>, vector<16xi32> -> vector<16xf32>
    %swap3A_336 = arith.constant 368 : index
    %swap3A_337 = tpu.vector_load %arg7[%swap3A_336] {strides = array<i32>} : memref<512xf32, #tpu.memory_space<vmem>>, vector<16xf32>,
    tpu.vector_store %arg7[%swap3A_336], %gather3A_335 {strides = array<i32>} : memref<512xf32, #tpu.memory_space<vmem>>, vector<16xf32>,
    %broadcast_in_dim3A_338 = arith.constant 8 : i32
    %broadcast_in_dim3A_339 = vector.broadcast %broadcast_in_dim3A_338 : i32 to vector<16xi32>
    %lt3A_340 = arith.constant 0 : i32
    %lt3A_341 = vector.broadcast %lt3A_340 : i32 to vector<16xi32>
    %lt3A_342 = arith.cmpi slt, %broadcast_in_dim3A_339, %lt3A_341 : vector<16xi32>
    %add3A_343 = arith.constant 16 : i32
    %add3A_344 = vector.broadcast %add3A_343 : i32 to vector<16xi32>
    %add3A_345 = arith.addi %broadcast_in_dim3A_339, %add3A_344 : vector<16xi32>
    %select_n3A_346 = arith.select %lt3A_342, %add3A_345, %broadcast_in_dim3A_339 : vector<16xi1>, vector<16xi32>
    %broadcast_in_dim3A_347 = vector.shape_cast %select_n3A_346 : vector<16xi32> to vector<16x1xi32>
    %gather3A_348 = vector.shape_cast %broadcast_in_dim3A_347 : vector<16x1xi32> to vector<16xi32>
    %gather3A_349 = tpu.dynamic_gather %get3A_225[%gather3A_348] in [0] : vector<16xf32>, vector<16xi32> -> vector<16xf32>
    %swap3A_350 = arith.constant 384 : index
    %swap3A_351 = tpu.vector_load %arg7[%swap3A_350] {strides = array<i32>} : memref<512xf32, #tpu.memory_space<vmem>>, vector<16xf32>,
    tpu.vector_store %arg7[%swap3A_350], %gather3A_349 {strides = array<i32>} : memref<512xf32, #tpu.memory_space<vmem>>, vector<16xf32>,
    %broadcast_in_dim3A_352 = arith.constant 9 : i32
    %broadcast_in_dim3A_353 = vector.broadcast %broadcast_in_dim3A_352 : i32 to vector<16xi32>
    %lt3A_354 = arith.constant 0 : i32
    %lt3A_355 = vector.broadcast %lt3A_354 : i32 to vector<16xi32>
    %lt3A_356 = arith.cmpi slt, %broadcast_in_dim3A_353, %lt3A_355 : vector<16xi32>
    %add3A_357 = arith.constant 16 : i32
    %add3A_358 = vector.broadcast %add3A_357 : i32 to vector<16xi32>
    %add3A_359 = arith.addi %broadcast_in_dim3A_353, %add3A_358 : vector<16xi32>
    %select_n3A_360 = arith.select %lt3A_356, %add3A_359, %broadcast_in_dim3A_353 : vector<16xi1>, vector<16xi32>
    %broadcast_in_dim3A_361 = vector.shape_cast %select_n3A_360 : vector<16xi32> to vector<16x1xi32>
    %gather3A_362 = vector.shape_cast %broadcast_in_dim3A_361 : vector<16x1xi32> to vector<16xi32>
    %gather3A_363 = tpu.dynamic_gather %get3A_225[%gather3A_362] in [0] : vector<16xf32>, vector<16xi32> -> vector<16xf32>
    %swap3A_364 = arith.constant 400 : index
    %swap3A_365 = tpu.vector_load %arg7[%swap3A_364] {strides = array<i32>} : memref<512xf32, #tpu.memory_space<vmem>>, vector<16xf32>,
    tpu.vector_store %arg7[%swap3A_364], %gather3A_363 {strides = array<i32>} : memref<512xf32, #tpu.memory_space<vmem>>, vector<16xf32>,
    %broadcast_in_dim3A_366 = arith.constant 10 : i32
    %broadcast_in_dim3A_367 = vector.broadcast %broadcast_in_dim3A_366 : i32 to vector<16xi32>
    %lt3A_368 = arith.constant 0 : i32
    %lt3A_369 = vector.broadcast %lt3A_368 : i32 to vector<16xi32>
    %lt3A_370 = arith.cmpi slt, %broadcast_in_dim3A_367, %lt3A_369 : vector<16xi32>
    %add3A_371 = arith.constant 16 : i32
    %add3A_372 = vector.broadcast %add3A_371 : i32 to vector<16xi32>
    %add3A_373 = arith.addi %broadcast_in_dim3A_367, %add3A_372 : vector<16xi32>
    %select_n3A_374 = arith.select %lt3A_370, %add3A_373, %broadcast_in_dim3A_367 : vector<16xi1>, vector<16xi32>
    %broadcast_in_dim3A_375 = vector.shape_cast %select_n3A_374 : vector<16xi32> to vector<16x1xi32>
    %gather3A_376 = vector.shape_cast %broadcast_in_dim3A_375 : vector<16x1xi32> to vector<16xi32>
    %gather3A_377 = tpu.dynamic_gather %get3A_225[%gather3A_376] in [0] : vector<16xf32>, vector<16xi32> -> vector<16xf32>
    %swap3A_378 = arith.constant 416 : index
    %swap3A_379 = tpu.vector_load %arg7[%swap3A_378] {strides = array<i32>} : memref<512xf32, #tpu.memory_space<vmem>>, vector<16xf32>,
    tpu.vector_store %arg7[%swap3A_378], %gather3A_377 {strides = array<i32>} : memref<512xf32, #tpu.memory_space<vmem>>, vector<16xf32>,
    %broadcast_in_dim3A_380 = arith.constant 11 : i32
    %broadcast_in_dim3A_381 = vector.broadcast %broadcast_in_dim3A_380 : i32 to vector<16xi32>
    %lt3A_382 = arith.constant 0 : i32
    %lt3A_383 = vector.broadcast %lt3A_382 : i32 to vector<16xi32>
    %lt3A_384 = arith.cmpi slt, %broadcast_in_dim3A_381, %lt3A_383 : vector<16xi32>
    %add3A_385 = arith.constant 16 : i32
    %add3A_386 = vector.broadcast %add3A_385 : i32 to vector<16xi32>
    %add3A_387 = arith.addi %broadcast_in_dim3A_381, %add3A_386 : vector<16xi32>
    %select_n3A_388 = arith.select %lt3A_384, %add3A_387, %broadcast_in_dim3A_381 : vector<16xi1>, vector<16xi32>
    %broadcast_in_dim3A_389 = vector.shape_cast %select_n3A_388 : vector<16xi32> to vector<16x1xi32>
    %gather3A_390 = vector.shape_cast %broadcast_in_dim3A_389 : vector<16x1xi32> to vector<16xi32>
    %gather3A_391 = tpu.dynamic_gather %get3A_225[%gather3A_390] in [0] : vector<16xf32>, vector<16xi32> -> vector<16xf32>
    %swap3A_392 = arith.constant 432 : index
    %swap3A_393 = tpu.vector_load %arg7[%swap3A_392] {strides = array<i32>} : memref<512xf32, #tpu.memory_space<vmem>>, vector<16xf32>,
    tpu.vector_store %arg7[%swap3A_392], %gather3A_391 {strides = array<i32>} : memref<512xf32, #tpu.memory_space<vmem>>, vector<16xf32>,
    %broadcast_in_dim3A_394 = arith.constant 12 : i32
    %broadcast_in_dim3A_395 = vector.broadcast %broadcast_in_dim3A_394 : i32 to vector<16xi32>
    %lt3A_396 = arith.constant 0 : i32
    %lt3A_397 = vector.broadcast %lt3A_396 : i32 to vector<16xi32>
    %lt3A_398 = arith.cmpi slt, %broadcast_in_dim3A_395, %lt3A_397 : vector<16xi32>
    %add3A_399 = arith.constant 16 : i32
    %add3A_400 = vector.broadcast %add3A_399 : i32 to vector<16xi32>
    %add3A_401 = arith.addi %broadcast_in_dim3A_395, %add3A_400 : vector<16xi32>
    %select_n3A_402 = arith.select %lt3A_398, %add3A_401, %broadcast_in_dim3A_395 : vector<16xi1>, vector<16xi32>
    %broadcast_in_dim3A_403 = vector.shape_cast %select_n3A_402 : vector<16xi32> to vector<16x1xi32>
    %gather3A_404 = vector.shape_cast %broadcast_in_dim3A_403 : vector<16x1xi32> to vector<16xi32>
    %gather3A_405 = tpu.dynamic_gather %get3A_225[%gather3A_404] in [0] : vector<16xf32>, vector<16xi32> -> vector<16xf32>
    %swap3A_406 = arith.constant 448 : index
    %swap3A_407 = tpu.vector_load %arg7[%swap3A_406] {strides = array<i32>} : memref<512xf32, #tpu.memory_space<vmem>>, vector<16xf32>,
    tpu.vector_store %arg7[%swap3A_406], %gather3A_405 {strides = array<i32>} : memref<512xf32, #tpu.memory_space<vmem>>, vector<16xf32>,
    %broadcast_in_dim3A_408 = arith.constant 13 : i32
    %broadcast_in_dim3A_409 = vector.broadcast %broadcast_in_dim3A_408 : i32 to vector<16xi32>
    %lt3A_410 = arith.constant 0 : i32
    %lt3A_411 = vector.broadcast %lt3A_410 : i32 to vector<16xi32>
    %lt3A_412 = arith.cmpi slt, %broadcast_in_dim3A_409, %lt3A_411 : vector<16xi32>
    %add3A_413 = arith.constant 16 : i32
    %add3A_414 = vector.broadcast %add3A_413 : i32 to vector<16xi32>
    %add3A_415 = arith.addi %broadcast_in_dim3A_409, %add3A_414 : vector<16xi32>
    %select_n3A_416 = arith.select %lt3A_412, %add3A_415, %broadcast_in_dim3A_409 : vector<16xi1>, vector<16xi32>
    %broadcast_in_dim3A_417 = vector.shape_cast %select_n3A_416 : vector<16xi32> to vector<16x1xi32>
    %gather3A_418 = vector.shape_cast %broadcast_in_dim3A_417 : vector<16x1xi32> to vector<16xi32>
    %gather3A_419 = tpu.dynamic_gather %get3A_225[%gather3A_418] in [0] : vector<16xf32>, vector<16xi32> -> vector<16xf32>
    %swap3A_420 = arith.constant 464 : index
    %swap3A_421 = tpu.vector_load %arg7[%swap3A_420] {strides = array<i32>} : memref<512xf32, #tpu.memory_space<vmem>>, vector<16xf32>,
    tpu.vector_store %arg7[%swap3A_420], %gather3A_419 {strides = array<i32>} : memref<512xf32, #tpu.memory_space<vmem>>, vector<16xf32>,
    %broadcast_in_dim3A_422 = arith.constant 14 : i32
    %broadcast_in_dim3A_423 = vector.broadcast %broadcast_in_dim3A_422 : i32 to vector<16xi32>
    %lt3A_424 = arith.constant 0 : i32
    %lt3A_425 = vector.broadcast %lt3A_424 : i32 to vector<16xi32>
    %lt3A_426 = arith.cmpi slt, %broadcast_in_dim3A_423, %lt3A_425 : vector<16xi32>
    %add3A_427 = arith.constant 16 : i32
    %add3A_428 = vector.broadcast %add3A_427 : i32 to vector<16xi32>
    %add3A_429 = arith.addi %broadcast_in_dim3A_423, %add3A_428 : vector<16xi32>
    %select_n3A_430 = arith.select %lt3A_426, %add3A_429, %broadcast_in_dim3A_423 : vector<16xi1>, vector<16xi32>
    %broadcast_in_dim3A_431 = vector.shape_cast %select_n3A_430 : vector<16xi32> to vector<16x1xi32>
    %gather3A_432 = vector.shape_cast %broadcast_in_dim3A_431 : vector<16x1xi32> to vector<16xi32>
    %gather3A_433 = tpu.dynamic_gather %get3A_225[%gather3A_432] in [0] : vector<16xf32>, vector<16xi32> -> vector<16xf32>
    %swap3A_434 = arith.constant 480 : index
    %swap3A_435 = tpu.vector_load %arg7[%swap3A_434] {strides = array<i32>} : memref<512xf32, #tpu.memory_space<vmem>>, vector<16xf32>,
    tpu.vector_store %arg7[%swap3A_434], %gather3A_433 {strides = array<i32>} : memref<512xf32, #tpu.memory_space<vmem>>, vector<16xf32>,
    %broadcast_in_dim3A_436 = arith.constant 15 : i32
    %broadcast_in_dim3A_437 = vector.broadcast %broadcast_in_dim3A_436 : i32 to vector<16xi32>
    %lt3A_438 = arith.constant 0 : i32
    %lt3A_439 = vector.broadcast %lt3A_438 : i32 to vector<16xi32>
    %lt3A_440 = arith.cmpi slt, %broadcast_in_dim3A_437, %lt3A_439 : vector<16xi32>
    %add3A_441 = arith.constant 16 : i32
    %add3A_442 = vector.broadcast %add3A_441 : i32 to vector<16xi32>
    %add3A_443 = arith.addi %broadcast_in_dim3A_437, %add3A_442 : vector<16xi32>
    %select_n3A_444 = arith.select %lt3A_440, %add3A_443, %broadcast_in_dim3A_437 : vector<16xi1>, vector<16xi32>
    %broadcast_in_dim3A_445 = vector.shape_cast %select_n3A_444 : vector<16xi32> to vector<16x1xi32>
    %gather3A_446 = vector.shape_cast %broadcast_in_dim3A_445 : vector<16x1xi32> to vector<16xi32>
    %gather3A_447 = tpu.dynamic_gather %get3A_225[%gather3A_446] in [0] : vector<16xf32>, vector<16xi32> -> vector<16xf32>
    %swap3A_448 = arith.constant 496 : index
    %swap3A_449 = tpu.vector_load %arg7[%swap3A_448] {strides = array<i32>} : memref<512xf32, #tpu.memory_space<vmem>>, vector<16xf32>,
    tpu.vector_store %arg7[%swap3A_448], %gather3A_447 {strides = array<i32>} : memref<512xf32, #tpu.memory_space<vmem>>, vector<16xf32>,
    %scan3A = arith.constant 0 : i32
    %scan3A_450 = arith.constant 0 : i32
    %scan3A_451 = arith.constant 128 : i32
    %scan3A_452 = arith.addi %scan3A_450, %scan3A_451 : i32
    %scan3A_453 = arith.constant 1 : i32
    %scan3A_454 = scf.for %scan3A_1159 = %scan3A_450 to %scan3A_452 step %scan3A_453 iter_args(%scan3A_1160 = %scan3A) -> (i32)  : i32 {
      %mul3A_1161 = arith.constant 16 : i32
      %mul3A_1162 = arith.muli %scan3A_1159, %mul3A_1161 : i32
      %swap3A_1163 = arith.index_cast %mul3A_1162 : i32 to index
      %swap3A_1164 = tpu.vector_load %arg9[%swap3A_1163] {strides = array<i32>} : memref<2048xi32, #tpu.memory_space<vmem>>, vector<16xi32>,
      tpu.vector_store %arg9[%swap3A_1163], %broadcast_in_dim3A_0 {strides = array<i32>} : memref<2048xi32, #tpu.memory_space<vmem>>, vector<16xi32>,
      %scan3A_1165 = arith.constant 0 : i32
      scf.yield %scan3A_1165 : i32
    }
    %scan3A_455 = arith.constant 128 : i32
    %scan3A_456 = arith.constant 0 : i32
    %scan3A_457 = arith.constant 0 : i32
    %scan3A_458 = arith.constant 32 : i32
    %scan3A_459 = arith.addi %scan3A_457, %scan3A_458 : i32
    %scan3A_460 = arith.constant 1 : i32
    %scan3A_461 = scf.for %scan3A_1159 = %scan3A_457 to %scan3A_459 step %scan3A_460 iter_args(%scan3A_1160 = %scan3A_456) -> (i32)  : i32 {
      %mul3A_1161 = arith.constant 16 : i32
      %mul3A_1162 = arith.muli %scan3A_1159, %mul3A_1161 : i32
      %add3A_1163 = vector.broadcast %mul3A_1162 : i32 to vector<16xi32>
      %add3A_1164 = arith.addi %add3A_1163, %iota3A : vector<16xi32>
      %broadcast_in_dim3A_1165 = arith.constant 0.000000e+00 : f32
      %broadcast_in_dim3A_1166 = vector.broadcast %broadcast_in_dim3A_1165 : f32 to vector<16xf32>
      %broadcast_in_dim3A_1167 = arith.constant 0 : i32
      %broadcast_in_dim3A_1168 = vector.broadcast %broadcast_in_dim3A_1167 : i32 to vector<16xi32>
      %gather3A_1169 = tpu.vector_load_idx %arg5[%add3A_1164, %broadcast_in_dim3A_1168] : memref<512x32xf32, #tpu.memory_space<vmem>>[vector<16xi32>, vector<16xi32>], vector<16xf32>,
      %get3A_1170 = arith.constant 0 : index
      %get3A_1171 = tpu.vector_load %arg7[%get3A_1170] {strides = array<i32>} : memref<512xf32, #tpu.memory_space<vmem>>, vector<16xf32>,
      %sub3A = arith.subf %gather3A_1169, %get3A_1171 : vector<16xf32>
      %mul3A_1172 = arith.mulf %sub3A, %sub3A : vector<16xf32>
      %add3A_1173 = arith.addf %broadcast_in_dim3A_1166, %mul3A_1172 : vector<16xf32>
      %broadcast_in_dim3A_1174 = arith.constant 1 : i32
      %broadcast_in_dim3A_1175 = vector.broadcast %broadcast_in_dim3A_1174 : i32 to vector<16xi32>
      %gather3A_1176 = tpu.vector_load_idx %arg5[%add3A_1164, %broadcast_in_dim3A_1175] : memref<512x32xf32, #tpu.memory_space<vmem>>[vector<16xi32>, vector<16xi32>], vector<16xf32>,
      %get3A_1177 = arith.constant 16 : index
      %get3A_1178 = tpu.vector_load %arg7[%get3A_1177] {strides = array<i32>} : memref<512xf32, #tpu.memory_space<vmem>>, vector<16xf32>,
      %sub3A_1179 = arith.subf %gather3A_1176, %get3A_1178 : vector<16xf32>
      %mul3A_1180 = arith.mulf %sub3A_1179, %sub3A_1179 : vector<16xf32>
      %add3A_1181 = arith.addf %add3A_1173, %mul3A_1180 : vector<16xf32>
      %broadcast_in_dim3A_1182 = arith.constant 2 : i32
      %broadcast_in_dim3A_1183 = vector.broadcast %broadcast_in_dim3A_1182 : i32 to vector<16xi32>
      %gather3A_1184 = tpu.vector_load_idx %arg5[%add3A_1164, %broadcast_in_dim3A_1183] : memref<512x32xf32, #tpu.memory_space<vmem>>[vector<16xi32>, vector<16xi32>], vector<16xf32>,
      %get3A_1185 = arith.constant 32 : index
      %get3A_1186 = tpu.vector_load %arg7[%get3A_1185] {strides = array<i32>} : memref<512xf32, #tpu.memory_space<vmem>>, vector<16xf32>,
      %sub3A_1187 = arith.subf %gather3A_1184, %get3A_1186 : vector<16xf32>
      %mul3A_1188 = arith.mulf %sub3A_1187, %sub3A_1187 : vector<16xf32>
      %add3A_1189 = arith.addf %add3A_1181, %mul3A_1188 : vector<16xf32>
      %broadcast_in_dim3A_1190 = arith.constant 3 : i32
      %broadcast_in_dim3A_1191 = vector.broadcast %broadcast_in_dim3A_1190 : i32 to vector<16xi32>
      %gather3A_1192 = tpu.vector_load_idx %arg5[%add3A_1164, %broadcast_in_dim3A_1191] : memref<512x32xf32, #tpu.memory_space<vmem>>[vector<16xi32>, vector<16xi32>], vector<16xf32>,
      %get3A_1193 = arith.constant 48 : index
      %get3A_1194 = tpu.vector_load %arg7[%get3A_1193] {strides = array<i32>} : memref<512xf32, #tpu.memory_space<vmem>>, vector<16xf32>,
      %sub3A_1195 = arith.subf %gather3A_1192, %get3A_1194 : vector<16xf32>
      %mul3A_1196 = arith.mulf %sub3A_1195, %sub3A_1195 : vector<16xf32>
      %add3A_1197 = arith.addf %add3A_1189, %mul3A_1196 : vector<16xf32>
      %broadcast_in_dim3A_1198 = arith.constant 4 : i32
      %broadcast_in_dim3A_1199 = vector.broadcast %broadcast_in_dim3A_1198 : i32 to vector<16xi32>
      %gather3A_1200 = tpu.vector_load_idx %arg5[%add3A_1164, %broadcast_in_dim3A_1199] : memref<512x32xf32, #tpu.memory_space<vmem>>[vector<16xi32>, vector<16xi32>], vector<16xf32>,
      %get3A_1201 = arith.constant 64 : index
      %get3A_1202 = tpu.vector_load %arg7[%get3A_1201] {strides = array<i32>} : memref<512xf32, #tpu.memory_space<vmem>>, vector<16xf32>,
      %sub3A_1203 = arith.subf %gather3A_1200, %get3A_1202 : vector<16xf32>
      %mul3A_1204 = arith.mulf %sub3A_1203, %sub3A_1203 : vector<16xf32>
      %add3A_1205 = arith.addf %add3A_1197, %mul3A_1204 : vector<16xf32>
      %broadcast_in_dim3A_1206 = arith.constant 5 : i32
      %broadcast_in_dim3A_1207 = vector.broadcast %broadcast_in_dim3A_1206 : i32 to vector<16xi32>
      %gather3A_1208 = tpu.vector_load_idx %arg5[%add3A_1164, %broadcast_in_dim3A_1207] : memref<512x32xf32, #tpu.memory_space<vmem>>[vector<16xi32>, vector<16xi32>], vector<16xf32>,
      %get3A_1209 = arith.constant 80 : index
      %get3A_1210 = tpu.vector_load %arg7[%get3A_1209] {strides = array<i32>} : memref<512xf32, #tpu.memory_space<vmem>>, vector<16xf32>,
      %sub3A_1211 = arith.subf %gather3A_1208, %get3A_1210 : vector<16xf32>
      %mul3A_1212 = arith.mulf %sub3A_1211, %sub3A_1211 : vector<16xf32>
      %add3A_1213 = arith.addf %add3A_1205, %mul3A_1212 : vector<16xf32>
      %broadcast_in_dim3A_1214 = arith.constant 6 : i32
      %broadcast_in_dim3A_1215 = vector.broadcast %broadcast_in_dim3A_1214 : i32 to vector<16xi32>
      %gather3A_1216 = tpu.vector_load_idx %arg5[%add3A_1164, %broadcast_in_dim3A_1215] : memref<512x32xf32, #tpu.memory_space<vmem>>[vector<16xi32>, vector<16xi32>], vector<16xf32>,
      %get3A_1217 = arith.constant 96 : index
      %get3A_1218 = tpu.vector_load %arg7[%get3A_1217] {strides = array<i32>} : memref<512xf32, #tpu.memory_space<vmem>>, vector<16xf32>,
      %sub3A_1219 = arith.subf %gather3A_1216, %get3A_1218 : vector<16xf32>
      %mul3A_1220 = arith.mulf %sub3A_1219, %sub3A_1219 : vector<16xf32>
      %add3A_1221 = arith.addf %add3A_1213, %mul3A_1220 : vector<16xf32>
      %broadcast_in_dim3A_1222 = arith.constant 7 : i32
      %broadcast_in_dim3A_1223 = vector.broadcast %broadcast_in_dim3A_1222 : i32 to vector<16xi32>
      %gather3A_1224 = tpu.vector_load_idx %arg5[%add3A_1164, %broadcast_in_dim3A_1223] : memref<512x32xf32, #tpu.memory_space<vmem>>[vector<16xi32>, vector<16xi32>], vector<16xf32>,
      %get3A_1225 = arith.constant 112 : index
      %get3A_1226 = tpu.vector_load %arg7[%get3A_1225] {strides = array<i32>} : memref<512xf32, #tpu.memory_space<vmem>>, vector<16xf32>,
      %sub3A_1227 = arith.subf %gather3A_1224, %get3A_1226 : vector<16xf32>
      %mul3A_1228 = arith.mulf %sub3A_1227, %sub3A_1227 : vector<16xf32>
      %add3A_1229 = arith.addf %add3A_1221, %mul3A_1228 : vector<16xf32>
      %broadcast_in_dim3A_1230 = arith.constant 8 : i32
      %broadcast_in_dim3A_1231 = vector.broadcast %broadcast_in_dim3A_1230 : i32 to vector<16xi32>
      %gather3A_1232 = tpu.vector_load_idx %arg5[%add3A_1164, %broadcast_in_dim3A_1231] : memref<512x32xf32, #tpu.memory_space<vmem>>[vector<16xi32>, vector<16xi32>], vector<16xf32>,
      %get3A_1233 = arith.constant 128 : index
      %get3A_1234 = tpu.vector_load %arg7[%get3A_1233] {strides = array<i32>} : memref<512xf32, #tpu.memory_space<vmem>>, vector<16xf32>,
      %sub3A_1235 = arith.subf %gather3A_1232, %get3A_1234 : vector<16xf32>
      %mul3A_1236 = arith.mulf %sub3A_1235, %sub3A_1235 : vector<16xf32>
      %add3A_1237 = arith.addf %add3A_1229, %mul3A_1236 : vector<16xf32>
      %broadcast_in_dim3A_1238 = arith.constant 9 : i32
      %broadcast_in_dim3A_1239 = vector.broadcast %broadcast_in_dim3A_1238 : i32 to vector<16xi32>
      %gather3A_1240 = tpu.vector_load_idx %arg5[%add3A_1164, %broadcast_in_dim3A_1239] : memref<512x32xf32, #tpu.memory_space<vmem>>[vector<16xi32>, vector<16xi32>], vector<16xf32>,
      %get3A_1241 = arith.constant 144 : index
      %get3A_1242 = tpu.vector_load %arg7[%get3A_1241] {strides = array<i32>} : memref<512xf32, #tpu.memory_space<vmem>>, vector<16xf32>,
      %sub3A_1243 = arith.subf %gather3A_1240, %get3A_1242 : vector<16xf32>
      %mul3A_1244 = arith.mulf %sub3A_1243, %sub3A_1243 : vector<16xf32>
      %add3A_1245 = arith.addf %add3A_1237, %mul3A_1244 : vector<16xf32>
      %broadcast_in_dim3A_1246 = arith.constant 10 : i32
      %broadcast_in_dim3A_1247 = vector.broadcast %broadcast_in_dim3A_1246 : i32 to vector<16xi32>
      %gather3A_1248 = tpu.vector_load_idx %arg5[%add3A_1164, %broadcast_in_dim3A_1247] : memref<512x32xf32, #tpu.memory_space<vmem>>[vector<16xi32>, vector<16xi32>], vector<16xf32>,
      %get3A_1249 = arith.constant 160 : index
      %get3A_1250 = tpu.vector_load %arg7[%get3A_1249] {strides = array<i32>} : memref<512xf32, #tpu.memory_space<vmem>>, vector<16xf32>,
      %sub3A_1251 = arith.subf %gather3A_1248, %get3A_1250 : vector<16xf32>
      %mul3A_1252 = arith.mulf %sub3A_1251, %sub3A_1251 : vector<16xf32>
      %add3A_1253 = arith.addf %add3A_1245, %mul3A_1252 : vector<16xf32>
      %broadcast_in_dim3A_1254 = arith.constant 11 : i32
      %broadcast_in_dim3A_1255 = vector.broadcast %broadcast_in_dim3A_1254 : i32 to vector<16xi32>
      %gather3A_1256 = tpu.vector_load_idx %arg5[%add3A_1164, %broadcast_in_dim3A_1255] : memref<512x32xf32, #tpu.memory_space<vmem>>[vector<16xi32>, vector<16xi32>], vector<16xf32>,
      %get3A_1257 = arith.constant 176 : index
      %get3A_1258 = tpu.vector_load %arg7[%get3A_1257] {strides = array<i32>} : memref<512xf32, #tpu.memory_space<vmem>>, vector<16xf32>,
      %sub3A_1259 = arith.subf %gather3A_1256, %get3A_1258 : vector<16xf32>
      %mul3A_1260 = arith.mulf %sub3A_1259, %sub3A_1259 : vector<16xf32>
      %add3A_1261 = arith.addf %add3A_1253, %mul3A_1260 : vector<16xf32>
      %broadcast_in_dim3A_1262 = arith.constant 12 : i32
      %broadcast_in_dim3A_1263 = vector.broadcast %broadcast_in_dim3A_1262 : i32 to vector<16xi32>
      %gather3A_1264 = tpu.vector_load_idx %arg5[%add3A_1164, %broadcast_in_dim3A_1263] : memref<512x32xf32, #tpu.memory_space<vmem>>[vector<16xi32>, vector<16xi32>], vector<16xf32>,
      %get3A_1265 = arith.constant 192 : index
      %get3A_1266 = tpu.vector_load %arg7[%get3A_1265] {strides = array<i32>} : memref<512xf32, #tpu.memory_space<vmem>>, vector<16xf32>,
      %sub3A_1267 = arith.subf %gather3A_1264, %get3A_1266 : vector<16xf32>
      %mul3A_1268 = arith.mulf %sub3A_1267, %sub3A_1267 : vector<16xf32>
      %add3A_1269 = arith.addf %add3A_1261, %mul3A_1268 : vector<16xf32>
      %broadcast_in_dim3A_1270 = arith.constant 13 : i32
      %broadcast_in_dim3A_1271 = vector.broadcast %broadcast_in_dim3A_1270 : i32 to vector<16xi32>
      %gather3A_1272 = tpu.vector_load_idx %arg5[%add3A_1164, %broadcast_in_dim3A_1271] : memref<512x32xf32, #tpu.memory_space<vmem>>[vector<16xi32>, vector<16xi32>], vector<16xf32>,
      %get3A_1273 = arith.constant 208 : index
      %get3A_1274 = tpu.vector_load %arg7[%get3A_1273] {strides = array<i32>} : memref<512xf32, #tpu.memory_space<vmem>>, vector<16xf32>,
      %sub3A_1275 = arith.subf %gather3A_1272, %get3A_1274 : vector<16xf32>
      %mul3A_1276 = arith.mulf %sub3A_1275, %sub3A_1275 : vector<16xf32>
      %add3A_1277 = arith.addf %add3A_1269, %mul3A_1276 : vector<16xf32>
      %broadcast_in_dim3A_1278 = arith.constant 14 : i32
      %broadcast_in_dim3A_1279 = vector.broadcast %broadcast_in_dim3A_1278 : i32 to vector<16xi32>
      %gather3A_1280 = tpu.vector_load_idx %arg5[%add3A_1164, %broadcast_in_dim3A_1279] : memref<512x32xf32, #tpu.memory_space<vmem>>[vector<16xi32>, vector<16xi32>], vector<16xf32>,
      %get3A_1281 = arith.constant 224 : index
      %get3A_1282 = tpu.vector_load %arg7[%get3A_1281] {strides = array<i32>} : memref<512xf32, #tpu.memory_space<vmem>>, vector<16xf32>,
      %sub3A_1283 = arith.subf %gather3A_1280, %get3A_1282 : vector<16xf32>
      %mul3A_1284 = arith.mulf %sub3A_1283, %sub3A_1283 : vector<16xf32>
      %add3A_1285 = arith.addf %add3A_1277, %mul3A_1284 : vector<16xf32>
      %broadcast_in_dim3A_1286 = arith.constant 15 : i32
      %broadcast_in_dim3A_1287 = vector.broadcast %broadcast_in_dim3A_1286 : i32 to vector<16xi32>
      %gather3A_1288 = tpu.vector_load_idx %arg5[%add3A_1164, %broadcast_in_dim3A_1287] : memref<512x32xf32, #tpu.memory_space<vmem>>[vector<16xi32>, vector<16xi32>], vector<16xf32>,
      %get3A_1289 = arith.constant 240 : index
      %get3A_1290 = tpu.vector_load %arg7[%get3A_1289] {strides = array<i32>} : memref<512xf32, #tpu.memory_space<vmem>>, vector<16xf32>,
      %sub3A_1291 = arith.subf %gather3A_1288, %get3A_1290 : vector<16xf32>
      %mul3A_1292 = arith.mulf %sub3A_1291, %sub3A_1291 : vector<16xf32>
      %add3A_1293 = arith.addf %add3A_1285, %mul3A_1292 : vector<16xf32>
      %broadcast_in_dim3A_1294 = arith.constant 16 : i32
      %broadcast_in_dim3A_1295 = vector.broadcast %broadcast_in_dim3A_1294 : i32 to vector<16xi32>
      %gather3A_1296 = tpu.vector_load_idx %arg5[%add3A_1164, %broadcast_in_dim3A_1295] : memref<512x32xf32, #tpu.memory_space<vmem>>[vector<16xi32>, vector<16xi32>], vector<16xf32>,
      %get3A_1297 = arith.constant 256 : index
      %get3A_1298 = tpu.vector_load %arg7[%get3A_1297] {strides = array<i32>} : memref<512xf32, #tpu.memory_space<vmem>>, vector<16xf32>,
      %sub3A_1299 = arith.subf %gather3A_1296, %get3A_1298 : vector<16xf32>
      %mul3A_1300 = arith.mulf %sub3A_1299, %sub3A_1299 : vector<16xf32>
      %add3A_1301 = arith.addf %add3A_1293, %mul3A_1300 : vector<16xf32>
      %broadcast_in_dim3A_1302 = arith.constant 17 : i32
      %broadcast_in_dim3A_1303 = vector.broadcast %broadcast_in_dim3A_1302 : i32 to vector<16xi32>
      %gather3A_1304 = tpu.vector_load_idx %arg5[%add3A_1164, %broadcast_in_dim3A_1303] : memref<512x32xf32, #tpu.memory_space<vmem>>[vector<16xi32>, vector<16xi32>], vector<16xf32>,
      %get3A_1305 = arith.constant 272 : index
      %get3A_1306 = tpu.vector_load %arg7[%get3A_1305] {strides = array<i32>} : memref<512xf32, #tpu.memory_space<vmem>>, vector<16xf32>,
      %sub3A_1307 = arith.subf %gather3A_1304, %get3A_1306 : vector<16xf32>
      %mul3A_1308 = arith.mulf %sub3A_1307, %sub3A_1307 : vector<16xf32>
      %add3A_1309 = arith.addf %add3A_1301, %mul3A_1308 : vector<16xf32>
      %broadcast_in_dim3A_1310 = arith.constant 18 : i32
      %broadcast_in_dim3A_1311 = vector.broadcast %broadcast_in_dim3A_1310 : i32 to vector<16xi32>
      %gather3A_1312 = tpu.vector_load_idx %arg5[%add3A_1164, %broadcast_in_dim3A_1311] : memref<512x32xf32, #tpu.memory_space<vmem>>[vector<16xi32>, vector<16xi32>], vector<16xf32>,
      %get3A_1313 = arith.constant 288 : index
      %get3A_1314 = tpu.vector_load %arg7[%get3A_1313] {strides = array<i32>} : memref<512xf32, #tpu.memory_space<vmem>>, vector<16xf32>,
      %sub3A_1315 = arith.subf %gather3A_1312, %get3A_1314 : vector<16xf32>
      %mul3A_1316 = arith.mulf %sub3A_1315, %sub3A_1315 : vector<16xf32>
      %add3A_1317 = arith.addf %add3A_1309, %mul3A_1316 : vector<16xf32>
      %broadcast_in_dim3A_1318 = arith.constant 19 : i32
      %broadcast_in_dim3A_1319 = vector.broadcast %broadcast_in_dim3A_1318 : i32 to vector<16xi32>
      %gather3A_1320 = tpu.vector_load_idx %arg5[%add3A_1164, %broadcast_in_dim3A_1319] : memref<512x32xf32, #tpu.memory_space<vmem>>[vector<16xi32>, vector<16xi32>], vector<16xf32>,
      %get3A_1321 = arith.constant 304 : index
      %get3A_1322 = tpu.vector_load %arg7[%get3A_1321] {strides = array<i32>} : memref<512xf32, #tpu.memory_space<vmem>>, vector<16xf32>,
      %sub3A_1323 = arith.subf %gather3A_1320, %get3A_1322 : vector<16xf32>
      %mul3A_1324 = arith.mulf %sub3A_1323, %sub3A_1323 : vector<16xf32>
      %add3A_1325 = arith.addf %add3A_1317, %mul3A_1324 : vector<16xf32>
      %broadcast_in_dim3A_1326 = arith.constant 20 : i32
      %broadcast_in_dim3A_1327 = vector.broadcast %broadcast_in_dim3A_1326 : i32 to vector<16xi32>
      %gather3A_1328 = tpu.vector_load_idx %arg5[%add3A_1164, %broadcast_in_dim3A_1327] : memref<512x32xf32, #tpu.memory_space<vmem>>[vector<16xi32>, vector<16xi32>], vector<16xf32>,
      %get3A_1329 = arith.constant 320 : index
      %get3A_1330 = tpu.vector_load %arg7[%get3A_1329] {strides = array<i32>} : memref<512xf32, #tpu.memory_space<vmem>>, vector<16xf32>,
      %sub3A_1331 = arith.subf %gather3A_1328, %get3A_1330 : vector<16xf32>
      %mul3A_1332 = arith.mulf %sub3A_1331, %sub3A_1331 : vector<16xf32>
      %add3A_1333 = arith.addf %add3A_1325, %mul3A_1332 : vector<16xf32>
      %broadcast_in_dim3A_1334 = arith.constant 21 : i32
      %broadcast_in_dim3A_1335 = vector.broadcast %broadcast_in_dim3A_1334 : i32 to vector<16xi32>
      %gather3A_1336 = tpu.vector_load_idx %arg5[%add3A_1164, %broadcast_in_dim3A_1335] : memref<512x32xf32, #tpu.memory_space<vmem>>[vector<16xi32>, vector<16xi32>], vector<16xf32>,
      %get3A_1337 = arith.constant 336 : index
      %get3A_1338 = tpu.vector_load %arg7[%get3A_1337] {strides = array<i32>} : memref<512xf32, #tpu.memory_space<vmem>>, vector<16xf32>,
      %sub3A_1339 = arith.subf %gather3A_1336, %get3A_1338 : vector<16xf32>
      %mul3A_1340 = arith.mulf %sub3A_1339, %sub3A_1339 : vector<16xf32>
      %add3A_1341 = arith.addf %add3A_1333, %mul3A_1340 : vector<16xf32>
      %broadcast_in_dim3A_1342 = arith.constant 22 : i32
      %broadcast_in_dim3A_1343 = vector.broadcast %broadcast_in_dim3A_1342 : i32 to vector<16xi32>
      %gather3A_1344 = tpu.vector_load_idx %arg5[%add3A_1164, %broadcast_in_dim3A_1343] : memref<512x32xf32, #tpu.memory_space<vmem>>[vector<16xi32>, vector<16xi32>], vector<16xf32>,
      %get3A_1345 = arith.constant 352 : index
      %get3A_1346 = tpu.vector_load %arg7[%get3A_1345] {strides = array<i32>} : memref<512xf32, #tpu.memory_space<vmem>>, vector<16xf32>,
      %sub3A_1347 = arith.subf %gather3A_1344, %get3A_1346 : vector<16xf32>
      %mul3A_1348 = arith.mulf %sub3A_1347, %sub3A_1347 : vector<16xf32>
      %add3A_1349 = arith.addf %add3A_1341, %mul3A_1348 : vector<16xf32>
      %broadcast_in_dim3A_1350 = arith.constant 23 : i32
      %broadcast_in_dim3A_1351 = vector.broadcast %broadcast_in_dim3A_1350 : i32 to vector<16xi32>
      %gather3A_1352 = tpu.vector_load_idx %arg5[%add3A_1164, %broadcast_in_dim3A_1351] : memref<512x32xf32, #tpu.memory_space<vmem>>[vector<16xi32>, vector<16xi32>], vector<16xf32>,
      %get3A_1353 = arith.constant 368 : index
      %get3A_1354 = tpu.vector_load %arg7[%get3A_1353] {strides = array<i32>} : memref<512xf32, #tpu.memory_space<vmem>>, vector<16xf32>,
      %sub3A_1355 = arith.subf %gather3A_1352, %get3A_1354 : vector<16xf32>
      %mul3A_1356 = arith.mulf %sub3A_1355, %sub3A_1355 : vector<16xf32>
      %add3A_1357 = arith.addf %add3A_1349, %mul3A_1356 : vector<16xf32>
      %broadcast_in_dim3A_1358 = arith.constant 24 : i32
      %broadcast_in_dim3A_1359 = vector.broadcast %broadcast_in_dim3A_1358 : i32 to vector<16xi32>
      %gather3A_1360 = tpu.vector_load_idx %arg5[%add3A_1164, %broadcast_in_dim3A_1359] : memref<512x32xf32, #tpu.memory_space<vmem>>[vector<16xi32>, vector<16xi32>], vector<16xf32>,
      %get3A_1361 = arith.constant 384 : index
      %get3A_1362 = tpu.vector_load %arg7[%get3A_1361] {strides = array<i32>} : memref<512xf32, #tpu.memory_space<vmem>>, vector<16xf32>,
      %sub3A_1363 = arith.subf %gather3A_1360, %get3A_1362 : vector<16xf32>
      %mul3A_1364 = arith.mulf %sub3A_1363, %sub3A_1363 : vector<16xf32>
      %add3A_1365 = arith.addf %add3A_1357, %mul3A_1364 : vector<16xf32>
      %broadcast_in_dim3A_1366 = arith.constant 25 : i32
      %broadcast_in_dim3A_1367 = vector.broadcast %broadcast_in_dim3A_1366 : i32 to vector<16xi32>
      %gather3A_1368 = tpu.vector_load_idx %arg5[%add3A_1164, %broadcast_in_dim3A_1367] : memref<512x32xf32, #tpu.memory_space<vmem>>[vector<16xi32>, vector<16xi32>], vector<16xf32>,
      %get3A_1369 = arith.constant 400 : index
      %get3A_1370 = tpu.vector_load %arg7[%get3A_1369] {strides = array<i32>} : memref<512xf32, #tpu.memory_space<vmem>>, vector<16xf32>,
      %sub3A_1371 = arith.subf %gather3A_1368, %get3A_1370 : vector<16xf32>
      %mul3A_1372 = arith.mulf %sub3A_1371, %sub3A_1371 : vector<16xf32>
      %add3A_1373 = arith.addf %add3A_1365, %mul3A_1372 : vector<16xf32>
      %broadcast_in_dim3A_1374 = arith.constant 26 : i32
      %broadcast_in_dim3A_1375 = vector.broadcast %broadcast_in_dim3A_1374 : i32 to vector<16xi32>
      %gather3A_1376 = tpu.vector_load_idx %arg5[%add3A_1164, %broadcast_in_dim3A_1375] : memref<512x32xf32, #tpu.memory_space<vmem>>[vector<16xi32>, vector<16xi32>], vector<16xf32>,
      %get3A_1377 = arith.constant 416 : index
      %get3A_1378 = tpu.vector_load %arg7[%get3A_1377] {strides = array<i32>} : memref<512xf32, #tpu.memory_space<vmem>>, vector<16xf32>,
      %sub3A_1379 = arith.subf %gather3A_1376, %get3A_1378 : vector<16xf32>
      %mul3A_1380 = arith.mulf %sub3A_1379, %sub3A_1379 : vector<16xf32>
      %add3A_1381 = arith.addf %add3A_1373, %mul3A_1380 : vector<16xf32>
      %broadcast_in_dim3A_1382 = arith.constant 27 : i32
      %broadcast_in_dim3A_1383 = vector.broadcast %broadcast_in_dim3A_1382 : i32 to vector<16xi32>
      %gather3A_1384 = tpu.vector_load_idx %arg5[%add3A_1164, %broadcast_in_dim3A_1383] : memref<512x32xf32, #tpu.memory_space<vmem>>[vector<16xi32>, vector<16xi32>], vector<16xf32>,
      %get3A_1385 = arith.constant 432 : index
      %get3A_1386 = tpu.vector_load %arg7[%get3A_1385] {strides = array<i32>} : memref<512xf32, #tpu.memory_space<vmem>>, vector<16xf32>,
      %sub3A_1387 = arith.subf %gather3A_1384, %get3A_1386 : vector<16xf32>
      %mul3A_1388 = arith.mulf %sub3A_1387, %sub3A_1387 : vector<16xf32>
      %add3A_1389 = arith.addf %add3A_1381, %mul3A_1388 : vector<16xf32>
      %broadcast_in_dim3A_1390 = arith.constant 28 : i32
      %broadcast_in_dim3A_1391 = vector.broadcast %broadcast_in_dim3A_1390 : i32 to vector<16xi32>
      %gather3A_1392 = tpu.vector_load_idx %arg5[%add3A_1164, %broadcast_in_dim3A_1391] : memref<512x32xf32, #tpu.memory_space<vmem>>[vector<16xi32>, vector<16xi32>], vector<16xf32>,
      %get3A_1393 = arith.constant 448 : index
      %get3A_1394 = tpu.vector_load %arg7[%get3A_1393] {strides = array<i32>} : memref<512xf32, #tpu.memory_space<vmem>>, vector<16xf32>,
      %sub3A_1395 = arith.subf %gather3A_1392, %get3A_1394 : vector<16xf32>
      %mul3A_1396 = arith.mulf %sub3A_1395, %sub3A_1395 : vector<16xf32>
      %add3A_1397 = arith.addf %add3A_1389, %mul3A_1396 : vector<16xf32>
      %broadcast_in_dim3A_1398 = arith.constant 29 : i32
      %broadcast_in_dim3A_1399 = vector.broadcast %broadcast_in_dim3A_1398 : i32 to vector<16xi32>
      %gather3A_1400 = tpu.vector_load_idx %arg5[%add3A_1164, %broadcast_in_dim3A_1399] : memref<512x32xf32, #tpu.memory_space<vmem>>[vector<16xi32>, vector<16xi32>], vector<16xf32>,
      %get3A_1401 = arith.constant 464 : index
      %get3A_1402 = tpu.vector_load %arg7[%get3A_1401] {strides = array<i32>} : memref<512xf32, #tpu.memory_space<vmem>>, vector<16xf32>,
      %sub3A_1403 = arith.subf %gather3A_1400, %get3A_1402 : vector<16xf32>
      %mul3A_1404 = arith.mulf %sub3A_1403, %sub3A_1403 : vector<16xf32>
      %add3A_1405 = arith.addf %add3A_1397, %mul3A_1404 : vector<16xf32>
      %broadcast_in_dim3A_1406 = arith.constant 30 : i32
      %broadcast_in_dim3A_1407 = vector.broadcast %broadcast_in_dim3A_1406 : i32 to vector<16xi32>
      %gather3A_1408 = tpu.vector_load_idx %arg5[%add3A_1164, %broadcast_in_dim3A_1407] : memref<512x32xf32, #tpu.memory_space<vmem>>[vector<16xi32>, vector<16xi32>], vector<16xf32>,
      %get3A_1409 = arith.constant 480 : index
      %get3A_1410 = tpu.vector_load %arg7[%get3A_1409] {strides = array<i32>} : memref<512xf32, #tpu.memory_space<vmem>>, vector<16xf32>,
      %sub3A_1411 = arith.subf %gather3A_1408, %get3A_1410 : vector<16xf32>
      %mul3A_1412 = arith.mulf %sub3A_1411, %sub3A_1411 : vector<16xf32>
      %add3A_1413 = arith.addf %add3A_1405, %mul3A_1412 : vector<16xf32>
      %broadcast_in_dim3A_1414 = arith.constant 31 : i32
      %broadcast_in_dim3A_1415 = vector.broadcast %broadcast_in_dim3A_1414 : i32 to vector<16xi32>
      %gather3A_1416 = tpu.vector_load_idx %arg5[%add3A_1164, %broadcast_in_dim3A_1415] : memref<512x32xf32, #tpu.memory_space<vmem>>[vector<16xi32>, vector<16xi32>], vector<16xf32>,
      %get3A_1417 = arith.constant 496 : index
      %get3A_1418 = tpu.vector_load %arg7[%get3A_1417] {strides = array<i32>} : memref<512xf32, #tpu.memory_space<vmem>>, vector<16xf32>,
      %sub3A_1419 = arith.subf %gather3A_1416, %get3A_1418 : vector<16xf32>
      %mul3A_1420 = arith.mulf %sub3A_1419, %sub3A_1419 : vector<16xf32>
      %add3A_1421 = arith.addf %add3A_1413, %mul3A_1420 : vector<16xf32>
      %mul3A_1422 = arith.constant 16 : i32
      %mul3A_1423 = arith.muli %scan3A_1159, %mul3A_1422 : i32
      %swap3A_1424 = arith.index_cast %mul3A_1423 : i32 to index
      %swap3A_1425 = tpu.vector_load %arg8[%swap3A_1424] {strides = array<i32>} : memref<512xf32, #tpu.memory_space<vmem>>, vector<16xf32>,
      tpu.vector_store %arg8[%swap3A_1424], %add3A_1421 {strides = array<i32>} : memref<512xf32, #tpu.memory_space<vmem>>, vector<16xf32>,
      %bitcast3A = vector.bitcast %add3A_1421 : vector<16xf32> to vector<16xi32>
      %shift_right_arithmetic3A = arith.constant 20 : i32
      %shift_right_arithmetic3A_1426 = vector.broadcast %shift_right_arithmetic3A : i32 to vector<16xi32>
      %shift_right_arithmetic3A_1427 = arith.shrsi %bitcast3A, %shift_right_arithmetic3A_1426 : vector<16xi32>
      %broadcast_in_dim3A_1428 = arith.constant 1 : i32
      %broadcast_in_dim3A_1429 = vector.broadcast %broadcast_in_dim3A_1428 : i32 to vector<16xi32>
      tpu.vector_store_idx %arg9[%shift_right_arithmetic3A_1427], %broadcast_in_dim3A_1429 {add = true} : memref<2048xi32, #tpu.memory_space<vmem>>[vector<16xi32>], vector<16xi32>,
      %scan3A_1430 = arith.constant 0 : i32
      scf.yield %scan3A_1430 : i32
    }
    %scan3A_462 = arith.constant 32 : i32
    "tpu.region"() ({
      %run_scoped3A_1159 = tpu.sem_alloc : memref<!tpu.dma_semaphore, #tpu.memory_space<semaphore_mem>>
      %dma_start3A = arith.constant 0 : i32
      %dma_start3A_1160 = tpu.memref_slice %arg19[%arg1, %dma_start3A] : memref<16x2048xi32, #tpu.memory_space<vmem_shared>> -> memref<1x2048xi32, #tpu.memory_space<vmem_shared>>
      %dma_start3A_1161 = tpu.memref_squeeze %dma_start3A_1160 : memref<1x2048xi32, #tpu.memory_space<vmem_shared>> -> memref<2048xi32, #tpu.memory_space<vmem_shared>>
      %dma_start3A_1162 = arith.constant 0 : i32
      %dma_start3A_1163 = tpu.memref_slice %arg19[%arg1, %dma_start3A_1162] : memref<16x2048xi32, #tpu.memory_space<vmem_shared>> -> memref<1x2048xi32, #tpu.memory_space<vmem_shared>>
      %dma_start3A_1164 = tpu.memref_squeeze %dma_start3A_1163 : memref<1x2048xi32, #tpu.memory_space<vmem_shared>> -> memref<2048xi32, #tpu.memory_space<vmem_shared>>
      tpu.enqueue_dma source(%arg9 : memref<2048xi32, #tpu.memory_space<vmem>>) target(%dma_start3A_1164 : memref<2048xi32, #tpu.memory_space<vmem_shared>>) target_semaphore(%run_scoped3A_1159 : memref<!tpu.dma_semaphore, #tpu.memory_space<semaphore_mem>>)
      %dma_wait3A = arith.constant 0 : i32
      %dma_wait3A_1165 = tpu.memref_slice %arg19[%arg1, %dma_wait3A] : memref<16x2048xi32, #tpu.memory_space<vmem_shared>> -> memref<1x2048xi32, #tpu.memory_space<vmem_shared>>
      %dma_wait3A_1166 = tpu.memref_squeeze %dma_wait3A_1165 : memref<1x2048xi32, #tpu.memory_space<vmem_shared>> -> memref<2048xi32, #tpu.memory_space<vmem_shared>>
      %dma_wait3A_1167 = arith.constant 0 : i32
      %dma_wait3A_1168 = tpu.memref_slice %arg19[%arg1, %dma_wait3A_1167] : memref<16x2048xi32, #tpu.memory_space<vmem_shared>> -> memref<1x2048xi32, #tpu.memory_space<vmem_shared>>
      %dma_wait3A_1169 = tpu.memref_squeeze %dma_wait3A_1168 : memref<1x2048xi32, #tpu.memory_space<vmem_shared>> -> memref<2048xi32, #tpu.memory_space<vmem_shared>>
      tpu.wait_dma2 semaphore(%run_scoped3A_1159 : memref<!tpu.dma_semaphore, #tpu.memory_space<semaphore_mem>>) src(%arg9 : memref<2048xi32, #tpu.memory_space<vmem>>) dst(%dma_wait3A_1169 : memref<2048xi32, #tpu.memory_space<vmem_shared>>)
      tpu.yield
    }) : () -> ()
    %barrier3A = arith.constant 0 : index
    tpu.barrier barrier_id(%barrier3A)
    %mul3A_463 = arith.constant 128 : i32
    %mul3A_464 = arith.muli %arg1, %mul3A_463 : i32
    "tpu.region"() ({
      %run_scoped3A_1159 = tpu.sem_alloc : memref<!tpu.dma_semaphore, #tpu.memory_space<semaphore_mem>>
      %dma_start3A = arith.constant 0 : i32
      %dma_start3A_1160 = tpu.memref_slice %arg19[%dma_start3A, %mul3A_464] : memref<16x2048xi32, #tpu.memory_space<vmem_shared>> -> memref<16x128xi32, #tpu.memory_space<vmem_shared>>
      %dma_start3A_1161 = arith.constant 0 : i32
      %dma_start3A_1162 = tpu.memref_slice %arg19[%dma_start3A_1161, %mul3A_464] : memref<16x2048xi32, #tpu.memory_space<vmem_shared>> -> memref<16x128xi32, #tpu.memory_space<vmem_shared>>
      tpu.enqueue_dma source(%dma_start3A_1162 : memref<16x128xi32, #tpu.memory_space<vmem_shared>>) target(%arg10 : memref<16x128xi32, #tpu.memory_space<vmem>>) target_semaphore(%run_scoped3A_1159 : memref<!tpu.dma_semaphore, #tpu.memory_space<semaphore_mem>>)
      %dma_wait3A = arith.constant 0 : i32
      %dma_wait3A_1163 = tpu.memref_slice %arg19[%dma_wait3A, %mul3A_464] : memref<16x2048xi32, #tpu.memory_space<vmem_shared>> -> memref<16x128xi32, #tpu.memory_space<vmem_shared>>
      %dma_wait3A_1164 = arith.constant 0 : i32
      %dma_wait3A_1165 = tpu.memref_slice %arg19[%dma_wait3A_1164, %mul3A_464] : memref<16x2048xi32, #tpu.memory_space<vmem_shared>> -> memref<16x128xi32, #tpu.memory_space<vmem_shared>>
      tpu.wait_dma2 semaphore(%run_scoped3A_1159 : memref<!tpu.dma_semaphore, #tpu.memory_space<semaphore_mem>>) src(%dma_wait3A_1165 : memref<16x128xi32, #tpu.memory_space<vmem_shared>>) dst(%arg10 : memref<16x128xi32, #tpu.memory_space<vmem>>)
      tpu.yield
    }) : () -> ()
    %broadcast_in_dim3A_465 = arith.constant 0 : i32
    %broadcast_in_dim3A_466 = vector.broadcast %broadcast_in_dim3A_465 : i32 to vector<16xi32>
    %get3A_467 = arith.constant 0 : i32
    %get3A_468 = arith.index_cast %get3A_467 : i32 to index
    %get3A_469 = arith.constant 0 : index
    %get3A_470 = tpu.vector_load %arg10[%get3A_468, %get3A_469] {strides = array<i32>} : memref<16x128xi32, #tpu.memory_space<vmem>>, vector<16xi32>,
    %add3A_471 = arith.addi %broadcast_in_dim3A_466, %get3A_470 : vector<16xi32>
    %get3A_472 = arith.constant 1 : i32
    %get3A_473 = arith.index_cast %get3A_472 : i32 to index
    %get3A_474 = arith.constant 0 : index
    %get3A_475 = tpu.vector_load %arg10[%get3A_473, %get3A_474] {strides = array<i32>} : memref<16x128xi32, #tpu.memory_space<vmem>>, vector<16xi32>,
    %add3A_476 = arith.addi %add3A_471, %get3A_475 : vector<16xi32>
    %get3A_477 = arith.constant 2 : i32
    %get3A_478 = arith.index_cast %get3A_477 : i32 to index
    %get3A_479 = arith.constant 0 : index
    %get3A_480 = tpu.vector_load %arg10[%get3A_478, %get3A_479] {strides = array<i32>} : memref<16x128xi32, #tpu.memory_space<vmem>>, vector<16xi32>,
    %add3A_481 = arith.addi %add3A_476, %get3A_480 : vector<16xi32>
    %get3A_482 = arith.constant 3 : i32
    %get3A_483 = arith.index_cast %get3A_482 : i32 to index
    %get3A_484 = arith.constant 0 : index
    %get3A_485 = tpu.vector_load %arg10[%get3A_483, %get3A_484] {strides = array<i32>} : memref<16x128xi32, #tpu.memory_space<vmem>>, vector<16xi32>,
    %add3A_486 = arith.addi %add3A_481, %get3A_485 : vector<16xi32>
    %get3A_487 = arith.constant 4 : i32
    %get3A_488 = arith.index_cast %get3A_487 : i32 to index
    %get3A_489 = arith.constant 0 : index
    %get3A_490 = tpu.vector_load %arg10[%get3A_488, %get3A_489] {strides = array<i32>} : memref<16x128xi32, #tpu.memory_space<vmem>>, vector<16xi32>,
    %add3A_491 = arith.addi %add3A_486, %get3A_490 : vector<16xi32>
    %get3A_492 = arith.constant 5 : i32
    %get3A_493 = arith.index_cast %get3A_492 : i32 to index
    %get3A_494 = arith.constant 0 : index
    %get3A_495 = tpu.vector_load %arg10[%get3A_493, %get3A_494] {strides = array<i32>} : memref<16x128xi32, #tpu.memory_space<vmem>>, vector<16xi32>,
    %add3A_496 = arith.addi %add3A_491, %get3A_495 : vector<16xi32>
    %get3A_497 = arith.constant 6 : i32
    %get3A_498 = arith.index_cast %get3A_497 : i32 to index
    %get3A_499 = arith.constant 0 : index
    %get3A_500 = tpu.vector_load %arg10[%get3A_498, %get3A_499] {strides = array<i32>} : memref<16x128xi32, #tpu.memory_space<vmem>>, vector<16xi32>,
    %add3A_501 = arith.addi %add3A_496, %get3A_500 : vector<16xi32>
    %get3A_502 = arith.constant 7 : i32
    %get3A_503 = arith.index_cast %get3A_502 : i32 to index
    %get3A_504 = arith.constant 0 : index
    %get3A_505 = tpu.vector_load %arg10[%get3A_503, %get3A_504] {strides = array<i32>} : memref<16x128xi32, #tpu.memory_space<vmem>>, vector<16xi32>,
    %add3A_506 = arith.addi %add3A_501, %get3A_505 : vector<16xi32>
    %get3A_507 = arith.constant 8 : i32
    %get3A_508 = arith.index_cast %get3A_507 : i32 to index
    %get3A_509 = arith.constant 0 : index
    %get3A_510 = tpu.vector_load %arg10[%get3A_508, %get3A_509] {strides = array<i32>} : memref<16x128xi32, #tpu.memory_space<vmem>>, vector<16xi32>,
    %add3A_511 = arith.addi %add3A_506, %get3A_510 : vector<16xi32>
    %get3A_512 = arith.constant 9 : i32
    %get3A_513 = arith.index_cast %get3A_512 : i32 to index
    %get3A_514 = arith.constant 0 : index
    %get3A_515 = tpu.vector_load %arg10[%get3A_513, %get3A_514] {strides = array<i32>} : memref<16x128xi32, #tpu.memory_space<vmem>>, vector<16xi32>,
    %add3A_516 = arith.addi %add3A_511, %get3A_515 : vector<16xi32>
    %get3A_517 = arith.constant 10 : i32
    %get3A_518 = arith.index_cast %get3A_517 : i32 to index
    %get3A_519 = arith.constant 0 : index
    %get3A_520 = tpu.vector_load %arg10[%get3A_518, %get3A_519] {strides = array<i32>} : memref<16x128xi32, #tpu.memory_space<vmem>>, vector<16xi32>,
    %add3A_521 = arith.addi %add3A_516, %get3A_520 : vector<16xi32>
    %get3A_522 = arith.constant 11 : i32
    %get3A_523 = arith.index_cast %get3A_522 : i32 to index
    %get3A_524 = arith.constant 0 : index
    %get3A_525 = tpu.vector_load %arg10[%get3A_523, %get3A_524] {strides = array<i32>} : memref<16x128xi32, #tpu.memory_space<vmem>>, vector<16xi32>,
    %add3A_526 = arith.addi %add3A_521, %get3A_525 : vector<16xi32>
    %get3A_527 = arith.constant 12 : i32
    %get3A_528 = arith.index_cast %get3A_527 : i32 to index
    %get3A_529 = arith.constant 0 : index
    %get3A_530 = tpu.vector_load %arg10[%get3A_528, %get3A_529] {strides = array<i32>} : memref<16x128xi32, #tpu.memory_space<vmem>>, vector<16xi32>,
    %add3A_531 = arith.addi %add3A_526, %get3A_530 : vector<16xi32>
    %get3A_532 = arith.constant 13 : i32
    %get3A_533 = arith.index_cast %get3A_532 : i32 to index
    %get3A_534 = arith.constant 0 : index
    %get3A_535 = tpu.vector_load %arg10[%get3A_533, %get3A_534] {strides = array<i32>} : memref<16x128xi32, #tpu.memory_space<vmem>>, vector<16xi32>,
    %add3A_536 = arith.addi %add3A_531, %get3A_535 : vector<16xi32>
    %get3A_537 = arith.constant 14 : i32
    %get3A_538 = arith.index_cast %get3A_537 : i32 to index
    %get3A_539 = arith.constant 0 : index
    %get3A_540 = tpu.vector_load %arg10[%get3A_538, %get3A_539] {strides = array<i32>} : memref<16x128xi32, #tpu.memory_space<vmem>>, vector<16xi32>,
    %add3A_541 = arith.addi %add3A_536, %get3A_540 : vector<16xi32>
    %get3A_542 = arith.constant 15 : i32
    %get3A_543 = arith.index_cast %get3A_542 : i32 to index
    %get3A_544 = arith.constant 0 : index
    %get3A_545 = tpu.vector_load %arg10[%get3A_543, %get3A_544] {strides = array<i32>} : memref<16x128xi32, #tpu.memory_space<vmem>>, vector<16xi32>,
    %add3A_546 = arith.addi %add3A_541, %get3A_545 : vector<16xi32>
    %swap3A_547 = arith.constant 0 : index
    %swap3A_548 = tpu.vector_load %arg11[%swap3A_547] {strides = array<i32>} : memref<128xi32, #tpu.memory_space<vmem>>, vector<16xi32>,
    tpu.vector_store %arg11[%swap3A_547], %add3A_546 {strides = array<i32>} : memref<128xi32, #tpu.memory_space<vmem>>, vector<16xi32>,
    %broadcast_in_dim3A_549 = arith.constant 0 : i32
    %broadcast_in_dim3A_550 = vector.broadcast %broadcast_in_dim3A_549 : i32 to vector<16xi32>
    %get3A_551 = arith.constant 0 : i32
    %get3A_552 = arith.index_cast %get3A_551 : i32 to index
    %get3A_553 = arith.constant 16 : index
    %get3A_554 = tpu.vector_load %arg10[%get3A_552, %get3A_553] {strides = array<i32>} : memref<16x128xi32, #tpu.memory_space<vmem>>, vector<16xi32>,
    %add3A_555 = arith.addi %broadcast_in_dim3A_550, %get3A_554 : vector<16xi32>
    %get3A_556 = arith.constant 1 : i32
    %get3A_557 = arith.index_cast %get3A_556 : i32 to index
    %get3A_558 = arith.constant 16 : index
    %get3A_559 = tpu.vector_load %arg10[%get3A_557, %get3A_558] {strides = array<i32>} : memref<16x128xi32, #tpu.memory_space<vmem>>, vector<16xi32>,
    %add3A_560 = arith.addi %add3A_555, %get3A_559 : vector<16xi32>
    %get3A_561 = arith.constant 2 : i32
    %get3A_562 = arith.index_cast %get3A_561 : i32 to index
    %get3A_563 = arith.constant 16 : index
    %get3A_564 = tpu.vector_load %arg10[%get3A_562, %get3A_563] {strides = array<i32>} : memref<16x128xi32, #tpu.memory_space<vmem>>, vector<16xi32>,
    %add3A_565 = arith.addi %add3A_560, %get3A_564 : vector<16xi32>
    %get3A_566 = arith.constant 3 : i32
    %get3A_567 = arith.index_cast %get3A_566 : i32 to index
    %get3A_568 = arith.constant 16 : index
    %get3A_569 = tpu.vector_load %arg10[%get3A_567, %get3A_568] {strides = array<i32>} : memref<16x128xi32, #tpu.memory_space<vmem>>, vector<16xi32>,
    %add3A_570 = arith.addi %add3A_565, %get3A_569 : vector<16xi32>
    %get3A_571 = arith.constant 4 : i32
    %get3A_572 = arith.index_cast %get3A_571 : i32 to index
    %get3A_573 = arith.constant 16 : index
    %get3A_574 = tpu.vector_load %arg10[%get3A_572, %get3A_573] {strides = array<i32>} : memref<16x128xi32, #tpu.memory_space<vmem>>, vector<16xi32>,
    %add3A_575 = arith.addi %add3A_570, %get3A_574 : vector<16xi32>
    %get3A_576 = arith.constant 5 : i32
    %get3A_577 = arith.index_cast %get3A_576 : i32 to index
    %get3A_578 = arith.constant 16 : index
    %get3A_579 = tpu.vector_load %arg10[%get3A_577, %get3A_578] {strides = array<i32>} : memref<16x128xi32, #tpu.memory_space<vmem>>, vector<16xi32>,
    %add3A_580 = arith.addi %add3A_575, %get3A_579 : vector<16xi32>
    %get3A_581 = arith.constant 6 : i32
    %get3A_582 = arith.index_cast %get3A_581 : i32 to index
    %get3A_583 = arith.constant 16 : index
    %get3A_584 = tpu.vector_load %arg10[%get3A_582, %get3A_583] {strides = array<i32>} : memref<16x128xi32, #tpu.memory_space<vmem>>, vector<16xi32>,
    %add3A_585 = arith.addi %add3A_580, %get3A_584 : vector<16xi32>
    %get3A_586 = arith.constant 7 : i32
    %get3A_587 = arith.index_cast %get3A_586 : i32 to index
    %get3A_588 = arith.constant 16 : index
    %get3A_589 = tpu.vector_load %arg10[%get3A_587, %get3A_588] {strides = array<i32>} : memref<16x128xi32, #tpu.memory_space<vmem>>, vector<16xi32>,
    %add3A_590 = arith.addi %add3A_585, %get3A_589 : vector<16xi32>
    %get3A_591 = arith.constant 8 : i32
    %get3A_592 = arith.index_cast %get3A_591 : i32 to index
    %get3A_593 = arith.constant 16 : index
    %get3A_594 = tpu.vector_load %arg10[%get3A_592, %get3A_593] {strides = array<i32>} : memref<16x128xi32, #tpu.memory_space<vmem>>, vector<16xi32>,
    %add3A_595 = arith.addi %add3A_590, %get3A_594 : vector<16xi32>
    %get3A_596 = arith.constant 9 : i32
    %get3A_597 = arith.index_cast %get3A_596 : i32 to index
    %get3A_598 = arith.constant 16 : index
    %get3A_599 = tpu.vector_load %arg10[%get3A_597, %get3A_598] {strides = array<i32>} : memref<16x128xi32, #tpu.memory_space<vmem>>, vector<16xi32>,
    %add3A_600 = arith.addi %add3A_595, %get3A_599 : vector<16xi32>
    %get3A_601 = arith.constant 10 : i32
    %get3A_602 = arith.index_cast %get3A_601 : i32 to index
    %get3A_603 = arith.constant 16 : index
    %get3A_604 = tpu.vector_load %arg10[%get3A_602, %get3A_603] {strides = array<i32>} : memref<16x128xi32, #tpu.memory_space<vmem>>, vector<16xi32>,
    %add3A_605 = arith.addi %add3A_600, %get3A_604 : vector<16xi32>
    %get3A_606 = arith.constant 11 : i32
    %get3A_607 = arith.index_cast %get3A_606 : i32 to index
    %get3A_608 = arith.constant 16 : index
    %get3A_609 = tpu.vector_load %arg10[%get3A_607, %get3A_608] {strides = array<i32>} : memref<16x128xi32, #tpu.memory_space<vmem>>, vector<16xi32>,
    %add3A_610 = arith.addi %add3A_605, %get3A_609 : vector<16xi32>
    %get3A_611 = arith.constant 12 : i32
    %get3A_612 = arith.index_cast %get3A_611 : i32 to index
    %get3A_613 = arith.constant 16 : index
    %get3A_614 = tpu.vector_load %arg10[%get3A_612, %get3A_613] {strides = array<i32>} : memref<16x128xi32, #tpu.memory_space<vmem>>, vector<16xi32>,
    %add3A_615 = arith.addi %add3A_610, %get3A_614 : vector<16xi32>
    %get3A_616 = arith.constant 13 : i32
    %get3A_617 = arith.index_cast %get3A_616 : i32 to index
    %get3A_618 = arith.constant 16 : index
    %get3A_619 = tpu.vector_load %arg10[%get3A_617, %get3A_618] {strides = array<i32>} : memref<16x128xi32, #tpu.memory_space<vmem>>, vector<16xi32>,
    %add3A_620 = arith.addi %add3A_615, %get3A_619 : vector<16xi32>
    %get3A_621 = arith.constant 14 : i32
    %get3A_622 = arith.index_cast %get3A_621 : i32 to index
    %get3A_623 = arith.constant 16 : index
    %get3A_624 = tpu.vector_load %arg10[%get3A_622, %get3A_623] {strides = array<i32>} : memref<16x128xi32, #tpu.memory_space<vmem>>, vector<16xi32>,
    %add3A_625 = arith.addi %add3A_620, %get3A_624 : vector<16xi32>
    %get3A_626 = arith.constant 15 : i32
    %get3A_627 = arith.index_cast %get3A_626 : i32 to index
    %get3A_628 = arith.constant 16 : index
    %get3A_629 = tpu.vector_load %arg10[%get3A_627, %get3A_628] {strides = array<i32>} : memref<16x128xi32, #tpu.memory_space<vmem>>, vector<16xi32>,
    %add3A_630 = arith.addi %add3A_625, %get3A_629 : vector<16xi32>
    %swap3A_631 = arith.constant 16 : index
    %swap3A_632 = tpu.vector_load %arg11[%swap3A_631] {strides = array<i32>} : memref<128xi32, #tpu.memory_space<vmem>>, vector<16xi32>,
    tpu.vector_store %arg11[%swap3A_631], %add3A_630 {strides = array<i32>} : memref<128xi32, #tpu.memory_space<vmem>>, vector<16xi32>,
    %broadcast_in_dim3A_633 = arith.constant 0 : i32
    %broadcast_in_dim3A_634 = vector.broadcast %broadcast_in_dim3A_633 : i32 to vector<16xi32>
    %get3A_635 = arith.constant 0 : i32
    %get3A_636 = arith.index_cast %get3A_635 : i32 to index
    %get3A_637 = arith.constant 32 : index
    %get3A_638 = tpu.vector_load %arg10[%get3A_636, %get3A_637] {strides = array<i32>} : memref<16x128xi32, #tpu.memory_space<vmem>>, vector<16xi32>,
    %add3A_639 = arith.addi %broadcast_in_dim3A_634, %get3A_638 : vector<16xi32>
    %get3A_640 = arith.constant 1 : i32
    %get3A_641 = arith.index_cast %get3A_640 : i32 to index
    %get3A_642 = arith.constant 32 : index
    %get3A_643 = tpu.vector_load %arg10[%get3A_641, %get3A_642] {strides = array<i32>} : memref<16x128xi32, #tpu.memory_space<vmem>>, vector<16xi32>,
    %add3A_644 = arith.addi %add3A_639, %get3A_643 : vector<16xi32>
    %get3A_645 = arith.constant 2 : i32
    %get3A_646 = arith.index_cast %get3A_645 : i32 to index
    %get3A_647 = arith.constant 32 : index
    %get3A_648 = tpu.vector_load %arg10[%get3A_646, %get3A_647] {strides = array<i32>} : memref<16x128xi32, #tpu.memory_space<vmem>>, vector<16xi32>,
    %add3A_649 = arith.addi %add3A_644, %get3A_648 : vector<16xi32>
    %get3A_650 = arith.constant 3 : i32
    %get3A_651 = arith.index_cast %get3A_650 : i32 to index
    %get3A_652 = arith.constant 32 : index
    %get3A_653 = tpu.vector_load %arg10[%get3A_651, %get3A_652] {strides = array<i32>} : memref<16x128xi32, #tpu.memory_space<vmem>>, vector<16xi32>,
    %add3A_654 = arith.addi %add3A_649, %get3A_653 : vector<16xi32>
    %get3A_655 = arith.constant 4 : i32
    %get3A_656 = arith.index_cast %get3A_655 : i32 to index
    %get3A_657 = arith.constant 32 : index
    %get3A_658 = tpu.vector_load %arg10[%get3A_656, %get3A_657] {strides = array<i32>} : memref<16x128xi32, #tpu.memory_space<vmem>>, vector<16xi32>,
    %add3A_659 = arith.addi %add3A_654, %get3A_658 : vector<16xi32>
    %get3A_660 = arith.constant 5 : i32
    %get3A_661 = arith.index_cast %get3A_660 : i32 to index
    %get3A_662 = arith.constant 32 : index
    %get3A_663 = tpu.vector_load %arg10[%get3A_661, %get3A_662] {strides = array<i32>} : memref<16x128xi32, #tpu.memory_space<vmem>>, vector<16xi32>,
    %add3A_664 = arith.addi %add3A_659, %get3A_663 : vector<16xi32>
    %get3A_665 = arith.constant 6 : i32
    %get3A_666 = arith.index_cast %get3A_665 : i32 to index
    %get3A_667 = arith.constant 32 : index
    %get3A_668 = tpu.vector_load %arg10[%get3A_666, %get3A_667] {strides = array<i32>} : memref<16x128xi32, #tpu.memory_space<vmem>>, vector<16xi32>,
    %add3A_669 = arith.addi %add3A_664, %get3A_668 : vector<16xi32>
    %get3A_670 = arith.constant 7 : i32
    %get3A_671 = arith.index_cast %get3A_670 : i32 to index
    %get3A_672 = arith.constant 32 : index
    %get3A_673 = tpu.vector_load %arg10[%get3A_671, %get3A_672] {strides = array<i32>} : memref<16x128xi32, #tpu.memory_space<vmem>>, vector<16xi32>,
    %add3A_674 = arith.addi %add3A_669, %get3A_673 : vector<16xi32>
    %get3A_675 = arith.constant 8 : i32
    %get3A_676 = arith.index_cast %get3A_675 : i32 to index
    %get3A_677 = arith.constant 32 : index
    %get3A_678 = tpu.vector_load %arg10[%get3A_676, %get3A_677] {strides = array<i32>} : memref<16x128xi32, #tpu.memory_space<vmem>>, vector<16xi32>,
    %add3A_679 = arith.addi %add3A_674, %get3A_678 : vector<16xi32>
    %get3A_680 = arith.constant 9 : i32
    %get3A_681 = arith.index_cast %get3A_680 : i32 to index
    %get3A_682 = arith.constant 32 : index
    %get3A_683 = tpu.vector_load %arg10[%get3A_681, %get3A_682] {strides = array<i32>} : memref<16x128xi32, #tpu.memory_space<vmem>>, vector<16xi32>,
    %add3A_684 = arith.addi %add3A_679, %get3A_683 : vector<16xi32>
    %get3A_685 = arith.constant 10 : i32
    %get3A_686 = arith.index_cast %get3A_685 : i32 to index
    %get3A_687 = arith.constant 32 : index
    %get3A_688 = tpu.vector_load %arg10[%get3A_686, %get3A_687] {strides = array<i32>} : memref<16x128xi32, #tpu.memory_space<vmem>>, vector<16xi32>,
    %add3A_689 = arith.addi %add3A_684, %get3A_688 : vector<16xi32>
    %get3A_690 = arith.constant 11 : i32
    %get3A_691 = arith.index_cast %get3A_690 : i32 to index
    %get3A_692 = arith.constant 32 : index
    %get3A_693 = tpu.vector_load %arg10[%get3A_691, %get3A_692] {strides = array<i32>} : memref<16x128xi32, #tpu.memory_space<vmem>>, vector<16xi32>,
    %add3A_694 = arith.addi %add3A_689, %get3A_693 : vector<16xi32>
    %get3A_695 = arith.constant 12 : i32
    %get3A_696 = arith.index_cast %get3A_695 : i32 to index
    %get3A_697 = arith.constant 32 : index
    %get3A_698 = tpu.vector_load %arg10[%get3A_696, %get3A_697] {strides = array<i32>} : memref<16x128xi32, #tpu.memory_space<vmem>>, vector<16xi32>,
    %add3A_699 = arith.addi %add3A_694, %get3A_698 : vector<16xi32>
    %get3A_700 = arith.constant 13 : i32
    %get3A_701 = arith.index_cast %get3A_700 : i32 to index
    %get3A_702 = arith.constant 32 : index
    %get3A_703 = tpu.vector_load %arg10[%get3A_701, %get3A_702] {strides = array<i32>} : memref<16x128xi32, #tpu.memory_space<vmem>>, vector<16xi32>,
    %add3A_704 = arith.addi %add3A_699, %get3A_703 : vector<16xi32>
    %get3A_705 = arith.constant 14 : i32
    %get3A_706 = arith.index_cast %get3A_705 : i32 to index
    %get3A_707 = arith.constant 32 : index
    %get3A_708 = tpu.vector_load %arg10[%get3A_706, %get3A_707] {strides = array<i32>} : memref<16x128xi32, #tpu.memory_space<vmem>>, vector<16xi32>,
    %add3A_709 = arith.addi %add3A_704, %get3A_708 : vector<16xi32>
    %get3A_710 = arith.constant 15 : i32
    %get3A_711 = arith.index_cast %get3A_710 : i32 to index
    %get3A_712 = arith.constant 32 : index
    %get3A_713 = tpu.vector_load %arg10[%get3A_711, %get3A_712] {strides = array<i32>} : memref<16x128xi32, #tpu.memory_space<vmem>>, vector<16xi32>,
    %add3A_714 = arith.addi %add3A_709, %get3A_713 : vector<16xi32>
    %swap3A_715 = arith.constant 32 : index
    %swap3A_716 = tpu.vector_load %arg11[%swap3A_715] {strides = array<i32>} : memref<128xi32, #tpu.memory_space<vmem>>, vector<16xi32>,
    tpu.vector_store %arg11[%swap3A_715], %add3A_714 {strides = array<i32>} : memref<128xi32, #tpu.memory_space<vmem>>, vector<16xi32>,
    %broadcast_in_dim3A_717 = arith.constant 0 : i32
    %broadcast_in_dim3A_718 = vector.broadcast %broadcast_in_dim3A_717 : i32 to vector<16xi32>
    %get3A_719 = arith.constant 0 : i32
    %get3A_720 = arith.index_cast %get3A_719 : i32 to index
    %get3A_721 = arith.constant 48 : index
    %get3A_722 = tpu.vector_load %arg10[%get3A_720, %get3A_721] {strides = array<i32>} : memref<16x128xi32, #tpu.memory_space<vmem>>, vector<16xi32>,
    %add3A_723 = arith.addi %broadcast_in_dim3A_718, %get3A_722 : vector<16xi32>
    %get3A_724 = arith.constant 1 : i32
    %get3A_725 = arith.index_cast %get3A_724 : i32 to index
    %get3A_726 = arith.constant 48 : index
    %get3A_727 = tpu.vector_load %arg10[%get3A_725, %get3A_726] {strides = array<i32>} : memref<16x128xi32, #tpu.memory_space<vmem>>, vector<16xi32>,
    %add3A_728 = arith.addi %add3A_723, %get3A_727 : vector<16xi32>
    %get3A_729 = arith.constant 2 : i32
    %get3A_730 = arith.index_cast %get3A_729 : i32 to index
    %get3A_731 = arith.constant 48 : index
    %get3A_732 = tpu.vector_load %arg10[%get3A_730, %get3A_731] {strides = array<i32>} : memref<16x128xi32, #tpu.memory_space<vmem>>, vector<16xi32>,
    %add3A_733 = arith.addi %add3A_728, %get3A_732 : vector<16xi32>
    %get3A_734 = arith.constant 3 : i32
    %get3A_735 = arith.index_cast %get3A_734 : i32 to index
    %get3A_736 = arith.constant 48 : index
    %get3A_737 = tpu.vector_load %arg10[%get3A_735, %get3A_736] {strides = array<i32>} : memref<16x128xi32, #tpu.memory_space<vmem>>, vector<16xi32>,
    %add3A_738 = arith.addi %add3A_733, %get3A_737 : vector<16xi32>
    %get3A_739 = arith.constant 4 : i32
    %get3A_740 = arith.index_cast %get3A_739 : i32 to index
    %get3A_741 = arith.constant 48 : index
    %get3A_742 = tpu.vector_load %arg10[%get3A_740, %get3A_741] {strides = array<i32>} : memref<16x128xi32, #tpu.memory_space<vmem>>, vector<16xi32>,
    %add3A_743 = arith.addi %add3A_738, %get3A_742 : vector<16xi32>
    %get3A_744 = arith.constant 5 : i32
    %get3A_745 = arith.index_cast %get3A_744 : i32 to index
    %get3A_746 = arith.constant 48 : index
    %get3A_747 = tpu.vector_load %arg10[%get3A_745, %get3A_746] {strides = array<i32>} : memref<16x128xi32, #tpu.memory_space<vmem>>, vector<16xi32>,
    %add3A_748 = arith.addi %add3A_743, %get3A_747 : vector<16xi32>
    %get3A_749 = arith.constant 6 : i32
    %get3A_750 = arith.index_cast %get3A_749 : i32 to index
    %get3A_751 = arith.constant 48 : index
    %get3A_752 = tpu.vector_load %arg10[%get3A_750, %get3A_751] {strides = array<i32>} : memref<16x128xi32, #tpu.memory_space<vmem>>, vector<16xi32>,
    %add3A_753 = arith.addi %add3A_748, %get3A_752 : vector<16xi32>
    %get3A_754 = arith.constant 7 : i32
    %get3A_755 = arith.index_cast %get3A_754 : i32 to index
    %get3A_756 = arith.constant 48 : index
    %get3A_757 = tpu.vector_load %arg10[%get3A_755, %get3A_756] {strides = array<i32>} : memref<16x128xi32, #tpu.memory_space<vmem>>, vector<16xi32>,
    %add3A_758 = arith.addi %add3A_753, %get3A_757 : vector<16xi32>
    %get3A_759 = arith.constant 8 : i32
    %get3A_760 = arith.index_cast %get3A_759 : i32 to index
    %get3A_761 = arith.constant 48 : index
    %get3A_762 = tpu.vector_load %arg10[%get3A_760, %get3A_761] {strides = array<i32>} : memref<16x128xi32, #tpu.memory_space<vmem>>, vector<16xi32>,
    %add3A_763 = arith.addi %add3A_758, %get3A_762 : vector<16xi32>
    %get3A_764 = arith.constant 9 : i32
    %get3A_765 = arith.index_cast %get3A_764 : i32 to index
    %get3A_766 = arith.constant 48 : index
    %get3A_767 = tpu.vector_load %arg10[%get3A_765, %get3A_766] {strides = array<i32>} : memref<16x128xi32, #tpu.memory_space<vmem>>, vector<16xi32>,
    %add3A_768 = arith.addi %add3A_763, %get3A_767 : vector<16xi32>
    %get3A_769 = arith.constant 10 : i32
    %get3A_770 = arith.index_cast %get3A_769 : i32 to index
    %get3A_771 = arith.constant 48 : index
    %get3A_772 = tpu.vector_load %arg10[%get3A_770, %get3A_771] {strides = array<i32>} : memref<16x128xi32, #tpu.memory_space<vmem>>, vector<16xi32>,
    %add3A_773 = arith.addi %add3A_768, %get3A_772 : vector<16xi32>
    %get3A_774 = arith.constant 11 : i32
    %get3A_775 = arith.index_cast %get3A_774 : i32 to index
    %get3A_776 = arith.constant 48 : index
    %get3A_777 = tpu.vector_load %arg10[%get3A_775, %get3A_776] {strides = array<i32>} : memref<16x128xi32, #tpu.memory_space<vmem>>, vector<16xi32>,
    %add3A_778 = arith.addi %add3A_773, %get3A_777 : vector<16xi32>
    %get3A_779 = arith.constant 12 : i32
    %get3A_780 = arith.index_cast %get3A_779 : i32 to index
    %get3A_781 = arith.constant 48 : index
    %get3A_782 = tpu.vector_load %arg10[%get3A_780, %get3A_781] {strides = array<i32>} : memref<16x128xi32, #tpu.memory_space<vmem>>, vector<16xi32>,
    %add3A_783 = arith.addi %add3A_778, %get3A_782 : vector<16xi32>
    %get3A_784 = arith.constant 13 : i32
    %get3A_785 = arith.index_cast %get3A_784 : i32 to index
    %get3A_786 = arith.constant 48 : index
    %get3A_787 = tpu.vector_load %arg10[%get3A_785, %get3A_786] {strides = array<i32>} : memref<16x128xi32, #tpu.memory_space<vmem>>, vector<16xi32>,
    %add3A_788 = arith.addi %add3A_783, %get3A_787 : vector<16xi32>
    %get3A_789 = arith.constant 14 : i32
    %get3A_790 = arith.index_cast %get3A_789 : i32 to index
    %get3A_791 = arith.constant 48 : index
    %get3A_792 = tpu.vector_load %arg10[%get3A_790, %get3A_791] {strides = array<i32>} : memref<16x128xi32, #tpu.memory_space<vmem>>, vector<16xi32>,
    %add3A_793 = arith.addi %add3A_788, %get3A_792 : vector<16xi32>
    %get3A_794 = arith.constant 15 : i32
    %get3A_795 = arith.index_cast %get3A_794 : i32 to index
    %get3A_796 = arith.constant 48 : index
    %get3A_797 = tpu.vector_load %arg10[%get3A_795, %get3A_796] {strides = array<i32>} : memref<16x128xi32, #tpu.memory_space<vmem>>, vector<16xi32>,
    %add3A_798 = arith.addi %add3A_793, %get3A_797 : vector<16xi32>
    %swap3A_799 = arith.constant 48 : index
    %swap3A_800 = tpu.vector_load %arg11[%swap3A_799] {strides = array<i32>} : memref<128xi32, #tpu.memory_space<vmem>>, vector<16xi32>,
    tpu.vector_store %arg11[%swap3A_799], %add3A_798 {strides = array<i32>} : memref<128xi32, #tpu.memory_space<vmem>>, vector<16xi32>,
    %broadcast_in_dim3A_801 = arith.constant 0 : i32
    %broadcast_in_dim3A_802 = vector.broadcast %broadcast_in_dim3A_801 : i32 to vector<16xi32>
    %get3A_803 = arith.constant 0 : i32
    %get3A_804 = arith.index_cast %get3A_803 : i32 to index
    %get3A_805 = arith.constant 64 : index
    %get3A_806 = tpu.vector_load %arg10[%get3A_804, %get3A_805] {strides = array<i32>} : memref<16x128xi32, #tpu.memory_space<vmem>>, vector<16xi32>,
    %add3A_807 = arith.addi %broadcast_in_dim3A_802, %get3A_806 : vector<16xi32>
    %get3A_808 = arith.constant 1 : i32
    %get3A_809 = arith.index_cast %get3A_808 : i32 to index
    %get3A_810 = arith.constant 64 : index
    %get3A_811 = tpu.vector_load %arg10[%get3A_809, %get3A_810] {strides = array<i32>} : memref<16x128xi32, #tpu.memory_space<vmem>>, vector<16xi32>,
    %add3A_812 = arith.addi %add3A_807, %get3A_811 : vector<16xi32>
    %get3A_813 = arith.constant 2 : i32
    %get3A_814 = arith.index_cast %get3A_813 : i32 to index
    %get3A_815 = arith.constant 64 : index
    %get3A_816 = tpu.vector_load %arg10[%get3A_814, %get3A_815] {strides = array<i32>} : memref<16x128xi32, #tpu.memory_space<vmem>>, vector<16xi32>,
    %add3A_817 = arith.addi %add3A_812, %get3A_816 : vector<16xi32>
    %get3A_818 = arith.constant 3 : i32
    %get3A_819 = arith.index_cast %get3A_818 : i32 to index
    %get3A_820 = arith.constant 64 : index
    %get3A_821 = tpu.vector_load %arg10[%get3A_819, %get3A_820] {strides = array<i32>} : memref<16x128xi32, #tpu.memory_space<vmem>>, vector<16xi32>,
    %add3A_822 = arith.addi %add3A_817, %get3A_821 : vector<16xi32>
    %get3A_823 = arith.constant 4 : i32
    %get3A_824 = arith.index_cast %get3A_823 : i32 to index
    %get3A_825 = arith.constant 64 : index
    %get3A_826 = tpu.vector_load %arg10[%get3A_824, %get3A_825] {strides = array<i32>} : memref<16x128xi32, #tpu.memory_space<vmem>>, vector<16xi32>,
    %add3A_827 = arith.addi %add3A_822, %get3A_826 : vector<16xi32>
    %get3A_828 = arith.constant 5 : i32
    %get3A_829 = arith.index_cast %get3A_828 : i32 to index
    %get3A_830 = arith.constant 64 : index
    %get3A_831 = tpu.vector_load %arg10[%get3A_829, %get3A_830] {strides = array<i32>} : memref<16x128xi32, #tpu.memory_space<vmem>>, vector<16xi32>,
    %add3A_832 = arith.addi %add3A_827, %get3A_831 : vector<16xi32>
    %get3A_833 = arith.constant 6 : i32
    %get3A_834 = arith.index_cast %get3A_833 : i32 to index
    %get3A_835 = arith.constant 64 : index
    %get3A_836 = tpu.vector_load %arg10[%get3A_834, %get3A_835] {strides = array<i32>} : memref<16x128xi32, #tpu.memory_space<vmem>>, vector<16xi32>,
    %add3A_837 = arith.addi %add3A_832, %get3A_836 : vector<16xi32>
    %get3A_838 = arith.constant 7 : i32
    %get3A_839 = arith.index_cast %get3A_838 : i32 to index
    %get3A_840 = arith.constant 64 : index
    %get3A_841 = tpu.vector_load %arg10[%get3A_839, %get3A_840] {strides = array<i32>} : memref<16x128xi32, #tpu.memory_space<vmem>>, vector<16xi32>,
    %add3A_842 = arith.addi %add3A_837, %get3A_841 : vector<16xi32>
    %get3A_843 = arith.constant 8 : i32
    %get3A_844 = arith.index_cast %get3A_843 : i32 to index
    %get3A_845 = arith.constant 64 : index
    %get3A_846 = tpu.vector_load %arg10[%get3A_844, %get3A_845] {strides = array<i32>} : memref<16x128xi32, #tpu.memory_space<vmem>>, vector<16xi32>,
    %add3A_847 = arith.addi %add3A_842, %get3A_846 : vector<16xi32>
    %get3A_848 = arith.constant 9 : i32
    %get3A_849 = arith.index_cast %get3A_848 : i32 to index
    %get3A_850 = arith.constant 64 : index
    %get3A_851 = tpu.vector_load %arg10[%get3A_849, %get3A_850] {strides = array<i32>} : memref<16x128xi32, #tpu.memory_space<vmem>>, vector<16xi32>,
    %add3A_852 = arith.addi %add3A_847, %get3A_851 : vector<16xi32>
    %get3A_853 = arith.constant 10 : i32
    %get3A_854 = arith.index_cast %get3A_853 : i32 to index
    %get3A_855 = arith.constant 64 : index
    %get3A_856 = tpu.vector_load %arg10[%get3A_854, %get3A_855] {strides = array<i32>} : memref<16x128xi32, #tpu.memory_space<vmem>>, vector<16xi32>,
    %add3A_857 = arith.addi %add3A_852, %get3A_856 : vector<16xi32>
    %get3A_858 = arith.constant 11 : i32
    %get3A_859 = arith.index_cast %get3A_858 : i32 to index
    %get3A_860 = arith.constant 64 : index
    %get3A_861 = tpu.vector_load %arg10[%get3A_859, %get3A_860] {strides = array<i32>} : memref<16x128xi32, #tpu.memory_space<vmem>>, vector<16xi32>,
    %add3A_862 = arith.addi %add3A_857, %get3A_861 : vector<16xi32>
    %get3A_863 = arith.constant 12 : i32
    %get3A_864 = arith.index_cast %get3A_863 : i32 to index
    %get3A_865 = arith.constant 64 : index
    %get3A_866 = tpu.vector_load %arg10[%get3A_864, %get3A_865] {strides = array<i32>} : memref<16x128xi32, #tpu.memory_space<vmem>>, vector<16xi32>,
    %add3A_867 = arith.addi %add3A_862, %get3A_866 : vector<16xi32>
    %get3A_868 = arith.constant 13 : i32
    %get3A_869 = arith.index_cast %get3A_868 : i32 to index
    %get3A_870 = arith.constant 64 : index
    %get3A_871 = tpu.vector_load %arg10[%get3A_869, %get3A_870] {strides = array<i32>} : memref<16x128xi32, #tpu.memory_space<vmem>>, vector<16xi32>,
    %add3A_872 = arith.addi %add3A_867, %get3A_871 : vector<16xi32>
    %get3A_873 = arith.constant 14 : i32
    %get3A_874 = arith.index_cast %get3A_873 : i32 to index
    %get3A_875 = arith.constant 64 : index
    %get3A_876 = tpu.vector_load %arg10[%get3A_874, %get3A_875] {strides = array<i32>} : memref<16x128xi32, #tpu.memory_space<vmem>>, vector<16xi32>,
    %add3A_877 = arith.addi %add3A_872, %get3A_876 : vector<16xi32>
    %get3A_878 = arith.constant 15 : i32
    %get3A_879 = arith.index_cast %get3A_878 : i32 to index
    %get3A_880 = arith.constant 64 : index
    %get3A_881 = tpu.vector_load %arg10[%get3A_879, %get3A_880] {strides = array<i32>} : memref<16x128xi32, #tpu.memory_space<vmem>>, vector<16xi32>,
    %add3A_882 = arith.addi %add3A_877, %get3A_881 : vector<16xi32>
    %swap3A_883 = arith.constant 64 : index
    %swap3A_884 = tpu.vector_load %arg11[%swap3A_883] {strides = array<i32>} : memref<128xi32, #tpu.memory_space<vmem>>, vector<16xi32>,
    tpu.vector_store %arg11[%swap3A_883], %add3A_882 {strides = array<i32>} : memref<128xi32, #tpu.memory_space<vmem>>, vector<16xi32>,
    %broadcast_in_dim3A_885 = arith.constant 0 : i32
    %broadcast_in_dim3A_886 = vector.broadcast %broadcast_in_dim3A_885 : i32 to vector<16xi32>
    %get3A_887 = arith.constant 0 : i32
    %get3A_888 = arith.index_cast %get3A_887 : i32 to index
    %get3A_889 = arith.constant 80 : index
    %get3A_890 = tpu.vector_load %arg10[%get3A_888, %get3A_889] {strides = array<i32>} : memref<16x128xi32, #tpu.memory_space<vmem>>, vector<16xi32>,
    %add3A_891 = arith.addi %broadcast_in_dim3A_886, %get3A_890 : vector<16xi32>
    %get3A_892 = arith.constant 1 : i32
    %get3A_893 = arith.index_cast %get3A_892 : i32 to index
    %get3A_894 = arith.constant 80 : index
    %get3A_895 = tpu.vector_load %arg10[%get3A_893, %get3A_894] {strides = array<i32>} : memref<16x128xi32, #tpu.memory_space<vmem>>, vector<16xi32>,
    %add3A_896 = arith.addi %add3A_891, %get3A_895 : vector<16xi32>
    %get3A_897 = arith.constant 2 : i32
    %get3A_898 = arith.index_cast %get3A_897 : i32 to index
    %get3A_899 = arith.constant 80 : index
    %get3A_900 = tpu.vector_load %arg10[%get3A_898, %get3A_899] {strides = array<i32>} : memref<16x128xi32, #tpu.memory_space<vmem>>, vector<16xi32>,
    %add3A_901 = arith.addi %add3A_896, %get3A_900 : vector<16xi32>
    %get3A_902 = arith.constant 3 : i32
    %get3A_903 = arith.index_cast %get3A_902 : i32 to index
    %get3A_904 = arith.constant 80 : index
    %get3A_905 = tpu.vector_load %arg10[%get3A_903, %get3A_904] {strides = array<i32>} : memref<16x128xi32, #tpu.memory_space<vmem>>, vector<16xi32>,
    %add3A_906 = arith.addi %add3A_901, %get3A_905 : vector<16xi32>
    %get3A_907 = arith.constant 4 : i32
    %get3A_908 = arith.index_cast %get3A_907 : i32 to index
    %get3A_909 = arith.constant 80 : index
    %get3A_910 = tpu.vector_load %arg10[%get3A_908, %get3A_909] {strides = array<i32>} : memref<16x128xi32, #tpu.memory_space<vmem>>, vector<16xi32>,
    %add3A_911 = arith.addi %add3A_906, %get3A_910 : vector<16xi32>
    %get3A_912 = arith.constant 5 : i32
    %get3A_913 = arith.index_cast %get3A_912 : i32 to index
    %get3A_914 = arith.constant 80 : index
    %get3A_915 = tpu.vector_load %arg10[%get3A_913, %get3A_914] {strides = array<i32>} : memref<16x128xi32, #tpu.memory_space<vmem>>, vector<16xi32>,
    %add3A_916 = arith.addi %add3A_911, %get3A_915 : vector<16xi32>
    %get3A_917 = arith.constant 6 : i32
    %get3A_918 = arith.index_cast %get3A_917 : i32 to index
    %get3A_919 = arith.constant 80 : index
    %get3A_920 = tpu.vector_load %arg10[%get3A_918, %get3A_919] {strides = array<i32>} : memref<16x128xi32, #tpu.memory_space<vmem>>, vector<16xi32>,
    %add3A_921 = arith.addi %add3A_916, %get3A_920 : vector<16xi32>
    %get3A_922 = arith.constant 7 : i32
    %get3A_923 = arith.index_cast %get3A_922 : i32 to index
    %get3A_924 = arith.constant 80 : index
    %get3A_925 = tpu.vector_load %arg10[%get3A_923, %get3A_924] {strides = array<i32>} : memref<16x128xi32, #tpu.memory_space<vmem>>, vector<16xi32>,
    %add3A_926 = arith.addi %add3A_921, %get3A_925 : vector<16xi32>
    %get3A_927 = arith.constant 8 : i32
    %get3A_928 = arith.index_cast %get3A_927 : i32 to index
    %get3A_929 = arith.constant 80 : index
    %get3A_930 = tpu.vector_load %arg10[%get3A_928, %get3A_929] {strides = array<i32>} : memref<16x128xi32, #tpu.memory_space<vmem>>, vector<16xi32>,
    %add3A_931 = arith.addi %add3A_926, %get3A_930 : vector<16xi32>
    %get3A_932 = arith.constant 9 : i32
    %get3A_933 = arith.index_cast %get3A_932 : i32 to index
    %get3A_934 = arith.constant 80 : index
    %get3A_935 = tpu.vector_load %arg10[%get3A_933, %get3A_934] {strides = array<i32>} : memref<16x128xi32, #tpu.memory_space<vmem>>, vector<16xi32>,
    %add3A_936 = arith.addi %add3A_931, %get3A_935 : vector<16xi32>
    %get3A_937 = arith.constant 10 : i32
    %get3A_938 = arith.index_cast %get3A_937 : i32 to index
    %get3A_939 = arith.constant 80 : index
    %get3A_940 = tpu.vector_load %arg10[%get3A_938, %get3A_939] {strides = array<i32>} : memref<16x128xi32, #tpu.memory_space<vmem>>, vector<16xi32>,
    %add3A_941 = arith.addi %add3A_936, %get3A_940 : vector<16xi32>
    %get3A_942 = arith.constant 11 : i32
    %get3A_943 = arith.index_cast %get3A_942 : i32 to index
    %get3A_944 = arith.constant 80 : index
    %get3A_945 = tpu.vector_load %arg10[%get3A_943, %get3A_944] {strides = array<i32>} : memref<16x128xi32, #tpu.memory_space<vmem>>, vector<16xi32>,
    %add3A_946 = arith.addi %add3A_941, %get3A_945 : vector<16xi32>
    %get3A_947 = arith.constant 12 : i32
    %get3A_948 = arith.index_cast %get3A_947 : i32 to index
    %get3A_949 = arith.constant 80 : index
    %get3A_950 = tpu.vector_load %arg10[%get3A_948, %get3A_949] {strides = array<i32>} : memref<16x128xi32, #tpu.memory_space<vmem>>, vector<16xi32>,
    %add3A_951 = arith.addi %add3A_946, %get3A_950 : vector<16xi32>
    %get3A_952 = arith.constant 13 : i32
    %get3A_953 = arith.index_cast %get3A_952 : i32 to index
    %get3A_954 = arith.constant 80 : index
    %get3A_955 = tpu.vector_load %arg10[%get3A_953, %get3A_954] {strides = array<i32>} : memref<16x128xi32, #tpu.memory_space<vmem>>, vector<16xi32>,
    %add3A_956 = arith.addi %add3A_951, %get3A_955 : vector<16xi32>
    %get3A_957 = arith.constant 14 : i32
    %get3A_958 = arith.index_cast %get3A_957 : i32 to index
    %get3A_959 = arith.constant 80 : index
    %get3A_960 = tpu.vector_load %arg10[%get3A_958, %get3A_959] {strides = array<i32>} : memref<16x128xi32, #tpu.memory_space<vmem>>, vector<16xi32>,
    %add3A_961 = arith.addi %add3A_956, %get3A_960 : vector<16xi32>
    %get3A_962 = arith.constant 15 : i32
    %get3A_963 = arith.index_cast %get3A_962 : i32 to index
    %get3A_964 = arith.constant 80 : index
    %get3A_965 = tpu.vector_load %arg10[%get3A_963, %get3A_964] {strides = array<i32>} : memref<16x128xi32, #tpu.memory_space<vmem>>, vector<16xi32>,
    %add3A_966 = arith.addi %add3A_961, %get3A_965 : vector<16xi32>
    %swap3A_967 = arith.constant 80 : index
    %swap3A_968 = tpu.vector_load %arg11[%swap3A_967] {strides = array<i32>} : memref<128xi32, #tpu.memory_space<vmem>>, vector<16xi32>,
    tpu.vector_store %arg11[%swap3A_967], %add3A_966 {strides = array<i32>} : memref<128xi32, #tpu.memory_space<vmem>>, vector<16xi32>,
    %broadcast_in_dim3A_969 = arith.constant 0 : i32
    %broadcast_in_dim3A_970 = vector.broadcast %broadcast_in_dim3A_969 : i32 to vector<16xi32>
    %get3A_971 = arith.constant 0 : i32
    %get3A_972 = arith.index_cast %get3A_971 : i32 to index
    %get3A_973 = arith.constant 96 : index
    %get3A_974 = tpu.vector_load %arg10[%get3A_972, %get3A_973] {strides = array<i32>} : memref<16x128xi32, #tpu.memory_space<vmem>>, vector<16xi32>,
    %add3A_975 = arith.addi %broadcast_in_dim3A_970, %get3A_974 : vector<16xi32>
    %get3A_976 = arith.constant 1 : i32
    %get3A_977 = arith.index_cast %get3A_976 : i32 to index
    %get3A_978 = arith.constant 96 : index
    %get3A_979 = tpu.vector_load %arg10[%get3A_977, %get3A_978] {strides = array<i32>} : memref<16x128xi32, #tpu.memory_space<vmem>>, vector<16xi32>,
    %add3A_980 = arith.addi %add3A_975, %get3A_979 : vector<16xi32>
    %get3A_981 = arith.constant 2 : i32
    %get3A_982 = arith.index_cast %get3A_981 : i32 to index
    %get3A_983 = arith.constant 96 : index
    %get3A_984 = tpu.vector_load %arg10[%get3A_982, %get3A_983] {strides = array<i32>} : memref<16x128xi32, #tpu.memory_space<vmem>>, vector<16xi32>,
    %add3A_985 = arith.addi %add3A_980, %get3A_984 : vector<16xi32>
    %get3A_986 = arith.constant 3 : i32
    %get3A_987 = arith.index_cast %get3A_986 : i32 to index
    %get3A_988 = arith.constant 96 : index
    %get3A_989 = tpu.vector_load %arg10[%get3A_987, %get3A_988] {strides = array<i32>} : memref<16x128xi32, #tpu.memory_space<vmem>>, vector<16xi32>,
    %add3A_990 = arith.addi %add3A_985, %get3A_989 : vector<16xi32>
    %get3A_991 = arith.constant 4 : i32
    %get3A_992 = arith.index_cast %get3A_991 : i32 to index
    %get3A_993 = arith.constant 96 : index
    %get3A_994 = tpu.vector_load %arg10[%get3A_992, %get3A_993] {strides = array<i32>} : memref<16x128xi32, #tpu.memory_space<vmem>>, vector<16xi32>,
    %add3A_995 = arith.addi %add3A_990, %get3A_994 : vector<16xi32>
    %get3A_996 = arith.constant 5 : i32
    %get3A_997 = arith.index_cast %get3A_996 : i32 to index
    %get3A_998 = arith.constant 96 : index
    %get3A_999 = tpu.vector_load %arg10[%get3A_997, %get3A_998] {strides = array<i32>} : memref<16x128xi32, #tpu.memory_space<vmem>>, vector<16xi32>,
    %add3A_1000 = arith.addi %add3A_995, %get3A_999 : vector<16xi32>
    %get3A_1001 = arith.constant 6 : i32
    %get3A_1002 = arith.index_cast %get3A_1001 : i32 to index
    %get3A_1003 = arith.constant 96 : index
    %get3A_1004 = tpu.vector_load %arg10[%get3A_1002, %get3A_1003] {strides = array<i32>} : memref<16x128xi32, #tpu.memory_space<vmem>>, vector<16xi32>,
    %add3A_1005 = arith.addi %add3A_1000, %get3A_1004 : vector<16xi32>
    %get3A_1006 = arith.constant 7 : i32
    %get3A_1007 = arith.index_cast %get3A_1006 : i32 to index
    %get3A_1008 = arith.constant 96 : index
    %get3A_1009 = tpu.vector_load %arg10[%get3A_1007, %get3A_1008] {strides = array<i32>} : memref<16x128xi32, #tpu.memory_space<vmem>>, vector<16xi32>,
    %add3A_1010 = arith.addi %add3A_1005, %get3A_1009 : vector<16xi32>
    %get3A_1011 = arith.constant 8 : i32
    %get3A_1012 = arith.index_cast %get3A_1011 : i32 to index
    %get3A_1013 = arith.constant 96 : index
    %get3A_1014 = tpu.vector_load %arg10[%get3A_1012, %get3A_1013] {strides = array<i32>} : memref<16x128xi32, #tpu.memory_space<vmem>>, vector<16xi32>,
    %add3A_1015 = arith.addi %add3A_1010, %get3A_1014 : vector<16xi32>
    %get3A_1016 = arith.constant 9 : i32
    %get3A_1017 = arith.index_cast %get3A_1016 : i32 to index
    %get3A_1018 = arith.constant 96 : index
    %get3A_1019 = tpu.vector_load %arg10[%get3A_1017, %get3A_1018] {strides = array<i32>} : memref<16x128xi32, #tpu.memory_space<vmem>>, vector<16xi32>,
    %add3A_1020 = arith.addi %add3A_1015, %get3A_1019 : vector<16xi32>
    %get3A_1021 = arith.constant 10 : i32
    %get3A_1022 = arith.index_cast %get3A_1021 : i32 to index
    %get3A_1023 = arith.constant 96 : index
    %get3A_1024 = tpu.vector_load %arg10[%get3A_1022, %get3A_1023] {strides = array<i32>} : memref<16x128xi32, #tpu.memory_space<vmem>>, vector<16xi32>,
    %add3A_1025 = arith.addi %add3A_1020, %get3A_1024 : vector<16xi32>
    %get3A_1026 = arith.constant 11 : i32
    %get3A_1027 = arith.index_cast %get3A_1026 : i32 to index
    %get3A_1028 = arith.constant 96 : index
    %get3A_1029 = tpu.vector_load %arg10[%get3A_1027, %get3A_1028] {strides = array<i32>} : memref<16x128xi32, #tpu.memory_space<vmem>>, vector<16xi32>,
    %add3A_1030 = arith.addi %add3A_1025, %get3A_1029 : vector<16xi32>
    %get3A_1031 = arith.constant 12 : i32
    %get3A_1032 = arith.index_cast %get3A_1031 : i32 to index
    %get3A_1033 = arith.constant 96 : index
    %get3A_1034 = tpu.vector_load %arg10[%get3A_1032, %get3A_1033] {strides = array<i32>} : memref<16x128xi32, #tpu.memory_space<vmem>>, vector<16xi32>,
    %add3A_1035 = arith.addi %add3A_1030, %get3A_1034 : vector<16xi32>
    %get3A_1036 = arith.constant 13 : i32
    %get3A_1037 = arith.index_cast %get3A_1036 : i32 to index
    %get3A_1038 = arith.constant 96 : index
    %get3A_1039 = tpu.vector_load %arg10[%get3A_1037, %get3A_1038] {strides = array<i32>} : memref<16x128xi32, #tpu.memory_space<vmem>>, vector<16xi32>,
    %add3A_1040 = arith.addi %add3A_1035, %get3A_1039 : vector<16xi32>
    %get3A_1041 = arith.constant 14 : i32
    %get3A_1042 = arith.index_cast %get3A_1041 : i32 to index
    %get3A_1043 = arith.constant 96 : index
    %get3A_1044 = tpu.vector_load %arg10[%get3A_1042, %get3A_1043] {strides = array<i32>} : memref<16x128xi32, #tpu.memory_space<vmem>>, vector<16xi32>,
    %add3A_1045 = arith.addi %add3A_1040, %get3A_1044 : vector<16xi32>
    %get3A_1046 = arith.constant 15 : i32
    %get3A_1047 = arith.index_cast %get3A_1046 : i32 to index
    %get3A_1048 = arith.constant 96 : index
    %get3A_1049 = tpu.vector_load %arg10[%get3A_1047, %get3A_1048] {strides = array<i32>} : memref<16x128xi32, #tpu.memory_space<vmem>>, vector<16xi32>,
    %add3A_1050 = arith.addi %add3A_1045, %get3A_1049 : vector<16xi32>
    %swap3A_1051 = arith.constant 96 : index
    %swap3A_1052 = tpu.vector_load %arg11[%swap3A_1051] {strides = array<i32>} : memref<128xi32, #tpu.memory_space<vmem>>, vector<16xi32>,
    tpu.vector_store %arg11[%swap3A_1051], %add3A_1050 {strides = array<i32>} : memref<128xi32, #tpu.memory_space<vmem>>, vector<16xi32>,
    %broadcast_in_dim3A_1053 = arith.constant 0 : i32
    %broadcast_in_dim3A_1054 = vector.broadcast %broadcast_in_dim3A_1053 : i32 to vector<16xi32>
    %get3A_1055 = arith.constant 0 : i32
    %get3A_1056 = arith.index_cast %get3A_1055 : i32 to index
    %get3A_1057 = arith.constant 112 : index
    %get3A_1058 = tpu.vector_load %arg10[%get3A_1056, %get3A_1057] {strides = array<i32>} : memref<16x128xi32, #tpu.memory_space<vmem>>, vector<16xi32>,
    %add3A_1059 = arith.addi %broadcast_in_dim3A_1054, %get3A_1058 : vector<16xi32>
    %get3A_1060 = arith.constant 1 : i32
    %get3A_1061 = arith.index_cast %get3A_1060 : i32 to index
    %get3A_1062 = arith.constant 112 : index
    %get3A_1063 = tpu.vector_load %arg10[%get3A_1061, %get3A_1062] {strides = array<i32>} : memref<16x128xi32, #tpu.memory_space<vmem>>, vector<16xi32>,
    %add3A_1064 = arith.addi %add3A_1059, %get3A_1063 : vector<16xi32>
    %get3A_1065 = arith.constant 2 : i32
    %get3A_1066 = arith.index_cast %get3A_1065 : i32 to index
    %get3A_1067 = arith.constant 112 : index
    %get3A_1068 = tpu.vector_load %arg10[%get3A_1066, %get3A_1067] {strides = array<i32>} : memref<16x128xi32, #tpu.memory_space<vmem>>, vector<16xi32>,
    %add3A_1069 = arith.addi %add3A_1064, %get3A_1068 : vector<16xi32>
    %get3A_1070 = arith.constant 3 : i32
    %get3A_1071 = arith.index_cast %get3A_1070 : i32 to index
    %get3A_1072 = arith.constant 112 : index
    %get3A_1073 = tpu.vector_load %arg10[%get3A_1071, %get3A_1072] {strides = array<i32>} : memref<16x128xi32, #tpu.memory_space<vmem>>, vector<16xi32>,
    %add3A_1074 = arith.addi %add3A_1069, %get3A_1073 : vector<16xi32>
    %get3A_1075 = arith.constant 4 : i32
    %get3A_1076 = arith.index_cast %get3A_1075 : i32 to index
    %get3A_1077 = arith.constant 112 : index
    %get3A_1078 = tpu.vector_load %arg10[%get3A_1076, %get3A_1077] {strides = array<i32>} : memref<16x128xi32, #tpu.memory_space<vmem>>, vector<16xi32>,
    %add3A_1079 = arith.addi %add3A_1074, %get3A_1078 : vector<16xi32>
    %get3A_1080 = arith.constant 5 : i32
    %get3A_1081 = arith.index_cast %get3A_1080 : i32 to index
    %get3A_1082 = arith.constant 112 : index
    %get3A_1083 = tpu.vector_load %arg10[%get3A_1081, %get3A_1082] {strides = array<i32>} : memref<16x128xi32, #tpu.memory_space<vmem>>, vector<16xi32>,
    %add3A_1084 = arith.addi %add3A_1079, %get3A_1083 : vector<16xi32>
    %get3A_1085 = arith.constant 6 : i32
    %get3A_1086 = arith.index_cast %get3A_1085 : i32 to index
    %get3A_1087 = arith.constant 112 : index
    %get3A_1088 = tpu.vector_load %arg10[%get3A_1086, %get3A_1087] {strides = array<i32>} : memref<16x128xi32, #tpu.memory_space<vmem>>, vector<16xi32>,
    %add3A_1089 = arith.addi %add3A_1084, %get3A_1088 : vector<16xi32>
    %get3A_1090 = arith.constant 7 : i32
    %get3A_1091 = arith.index_cast %get3A_1090 : i32 to index
    %get3A_1092 = arith.constant 112 : index
    %get3A_1093 = tpu.vector_load %arg10[%get3A_1091, %get3A_1092] {strides = array<i32>} : memref<16x128xi32, #tpu.memory_space<vmem>>, vector<16xi32>,
    %add3A_1094 = arith.addi %add3A_1089, %get3A_1093 : vector<16xi32>
    %get3A_1095 = arith.constant 8 : i32
    %get3A_1096 = arith.index_cast %get3A_1095 : i32 to index
    %get3A_1097 = arith.constant 112 : index
    %get3A_1098 = tpu.vector_load %arg10[%get3A_1096, %get3A_1097] {strides = array<i32>} : memref<16x128xi32, #tpu.memory_space<vmem>>, vector<16xi32>,
    %add3A_1099 = arith.addi %add3A_1094, %get3A_1098 : vector<16xi32>
    %get3A_1100 = arith.constant 9 : i32
    %get3A_1101 = arith.index_cast %get3A_1100 : i32 to index
    %get3A_1102 = arith.constant 112 : index
    %get3A_1103 = tpu.vector_load %arg10[%get3A_1101, %get3A_1102] {strides = array<i32>} : memref<16x128xi32, #tpu.memory_space<vmem>>, vector<16xi32>,
    %add3A_1104 = arith.addi %add3A_1099, %get3A_1103 : vector<16xi32>
    %get3A_1105 = arith.constant 10 : i32
    %get3A_1106 = arith.index_cast %get3A_1105 : i32 to index
    %get3A_1107 = arith.constant 112 : index
    %get3A_1108 = tpu.vector_load %arg10[%get3A_1106, %get3A_1107] {strides = array<i32>} : memref<16x128xi32, #tpu.memory_space<vmem>>, vector<16xi32>,
    %add3A_1109 = arith.addi %add3A_1104, %get3A_1108 : vector<16xi32>
    %get3A_1110 = arith.constant 11 : i32
    %get3A_1111 = arith.index_cast %get3A_1110 : i32 to index
    %get3A_1112 = arith.constant 112 : index
    %get3A_1113 = tpu.vector_load %arg10[%get3A_1111, %get3A_1112] {strides = array<i32>} : memref<16x128xi32, #tpu.memory_space<vmem>>, vector<16xi32>,
    %add3A_1114 = arith.addi %add3A_1109, %get3A_1113 : vector<16xi32>
    %get3A_1115 = arith.constant 12 : i32
    %get3A_1116 = arith.index_cast %get3A_1115 : i32 to index
    %get3A_1117 = arith.constant 112 : index
    %get3A_1118 = tpu.vector_load %arg10[%get3A_1116, %get3A_1117] {strides = array<i32>} : memref<16x128xi32, #tpu.memory_space<vmem>>, vector<16xi32>,
    %add3A_1119 = arith.addi %add3A_1114, %get3A_1118 : vector<16xi32>
    %get3A_1120 = arith.constant 13 : i32
    %get3A_1121 = arith.index_cast %get3A_1120 : i32 to index
    %get3A_1122 = arith.constant 112 : index
    %get3A_1123 = tpu.vector_load %arg10[%get3A_1121, %get3A_1122] {strides = array<i32>} : memref<16x128xi32, #tpu.memory_space<vmem>>, vector<16xi32>,
    %add3A_1124 = arith.addi %add3A_1119, %get3A_1123 : vector<16xi32>
    %get3A_1125 = arith.constant 14 : i32
    %get3A_1126 = arith.index_cast %get3A_1125 : i32 to index
    %get3A_1127 = arith.constant 112 : index
    %get3A_1128 = tpu.vector_load %arg10[%get3A_1126, %get3A_1127] {strides = array<i32>} : memref<16x128xi32, #tpu.memory_space<vmem>>, vector<16xi32>,
    %add3A_1129 = arith.addi %add3A_1124, %get3A_1128 : vector<16xi32>
    %get3A_1130 = arith.constant 15 : i32
    %get3A_1131 = arith.index_cast %get3A_1130 : i32 to index
    %get3A_1132 = arith.constant 112 : index
    %get3A_1133 = tpu.vector_load %arg10[%get3A_1131, %get3A_1132] {strides = array<i32>} : memref<16x128xi32, #tpu.memory_space<vmem>>, vector<16xi32>,
    %add3A_1134 = arith.addi %add3A_1129, %get3A_1133 : vector<16xi32>
    %swap3A_1135 = arith.constant 112 : index
    %swap3A_1136 = tpu.vector_load %arg11[%swap3A_1135] {strides = array<i32>} : memref<128xi32, #tpu.memory_space<vmem>>, vector<16xi32>,
    tpu.vector_store %arg11[%swap3A_1135], %add3A_1134 {strides = array<i32>} : memref<128xi32, #tpu.memory_space<vmem>>, vector<16xi32>,
    %mul3A_1137 = arith.constant 128 : i32
    %mul3A_1138 = arith.muli %arg1, %mul3A_1137 : i32
    "tpu.region"() ({
      %run_scoped3A_1159 = tpu.sem_alloc : memref<!tpu.dma_semaphore, #tpu.memory_space<semaphore_mem>>
      %dma_start3A = tpu.memref_slice %arg20[%mul3A_1138] : memref<2048xi32, #tpu.memory_space<vmem_shared>> -> memref<128xi32, #tpu.memory_space<vmem_shared>>
      %dma_start3A_1160 = tpu.memref_slice %arg20[%mul3A_1138] : memref<2048xi32, #tpu.memory_space<vmem_shared>> -> memref<128xi32, #tpu.memory_space<vmem_shared>>
      tpu.enqueue_dma source(%arg11 : memref<128xi32, #tpu.memory_space<vmem>>) target(%dma_start3A_1160 : memref<128xi32, #tpu.memory_space<vmem_shared>>) target_semaphore(%run_scoped3A_1159 : memref<!tpu.dma_semaphore, #tpu.memory_space<semaphore_mem>>)
      %dma_wait3A = tpu.memref_slice %arg20[%mul3A_1138] : memref<2048xi32, #tpu.memory_space<vmem_shared>> -> memref<128xi32, #tpu.memory_space<vmem_shared>>
      %dma_wait3A_1161 = tpu.memref_slice %arg20[%mul3A_1138] : memref<2048xi32, #tpu.memory_space<vmem_shared>> -> memref<128xi32, #tpu.memory_space<vmem_shared>>
      tpu.wait_dma2 semaphore(%run_scoped3A_1159 : memref<!tpu.dma_semaphore, #tpu.memory_space<semaphore_mem>>) src(%arg11 : memref<128xi32, #tpu.memory_space<vmem>>) dst(%dma_wait3A_1161 : memref<128xi32, #tpu.memory_space<vmem_shared>>)
      tpu.yield
    }) : () -> ()
    %barrier3A_1139 = arith.constant 0 : index
    tpu.barrier barrier_id(%barrier3A_1139)
    %eq3A = arith.constant 0 : i32
    %eq3A_1140 = arith.cmpi eq, %arg1, %eq3A : i32
    %convert_element_type3A = arith.extui %eq3A_1140 : i1 to i32
    %cond3A = arith.constant 0 : i32
    %cond3A_1141 = arith.cmpi ne, %convert_element_type3A, %cond3A : i32
    scf.if %cond3A_1141 {
      "tpu.region"() ({
        %run_scoped3A_1167 = tpu.sem_alloc : memref<!tpu.dma_semaphore, #tpu.memory_space<semaphore_mem>>
        tpu.enqueue_dma source(%arg20 : memref<2048xi32, #tpu.memory_space<vmem_shared>>) target(%arg9 : memref<2048xi32, #tpu.memory_space<vmem>>) target_semaphore(%run_scoped3A_1167 : memref<!tpu.dma_semaphore, #tpu.memory_space<semaphore_mem>>)
        tpu.wait_dma2 semaphore(%run_scoped3A_1167 : memref<!tpu.dma_semaphore, #tpu.memory_space<semaphore_mem>>) src(%arg20 : memref<2048xi32, #tpu.memory_space<vmem_shared>>) dst(%arg9 : memref<2048xi32, #tpu.memory_space<vmem>>)
        tpu.yield
      }) : () -> ()
      %scan3A_1159 = arith.constant 0 : i32
      %scan3A_1160 = arith.constant 128 : i32
      %scan3A_1161 = arith.addi %scan3A_1159, %scan3A_1160 : i32
      %scan3A_1162 = arith.constant 1 : i32
      %scan3A_1163:2 = scf.for %scan3A_1167 = %scan3A_1159 to %scan3A_1161 step %scan3A_1162 iter_args(%scan3A_1168 = %broadcast_in_dim3A_0, %scan3A_1169 = %broadcast_in_dim3A_0) -> (vector<16xi32>, vector<16xi32>)  : i32 {
        %mul3A_1170 = arith.constant 16 : i32
        %mul3A_1171 = arith.muli %scan3A_1167, %mul3A_1170 : i32
        %get3A_1172 = arith.index_cast %mul3A_1171 : i32 to index
        %get3A_1173 = tpu.vector_load %arg9[%get3A_1172] {strides = array<i32>} : memref<2048xi32, #tpu.memory_space<vmem>>, vector<16xi32>,
        %broadcast_in_dim3A_1174 = arith.constant true
        %broadcast_in_dim3A_1175 = vector.broadcast %broadcast_in_dim3A_1174 : i1 to vector<16xi1>
        %masked_cumsum3A = tpu.scan <sum>, %get3A_1173 masked %broadcast_in_dim3A_1175 : vector<16xi32>, vector<16xi1> -> vector<16xi32>
        %add3A_1176 = arith.addi %masked_cumsum3A, %scan3A_1168 : vector<16xi32>
        %lt3A_1177 = arith.constant 128 : i32
        %lt3A_1178 = vector.broadcast %lt3A_1177 : i32 to vector<16xi32>
        %lt3A_1179 = arith.cmpi slt, %add3A_1176, %lt3A_1178 : vector<16xi32>
        %all_reduce_population_count3A = tpu.all_reduce %lt3A_1179 {dim = 0 : i64, kind = #tpu.reduction_kind<sum>} : vector<16xi1> -> vector<16xi32>
        %add3A_1180 = arith.addi %scan3A_1169, %all_reduce_population_count3A : vector<16xi32>
        %reduce_sum3A = arith.constant true
        %reduce_sum3A_1181 = vector.broadcast %reduce_sum3A : i1 to vector<16xi1>
        %reduce_sum3A_1182 = tpu.scan <sum>, %get3A_1173 masked %reduce_sum3A_1181 : vector<16xi32>, vector<16xi1> -> vector<16xi32>
        %reduce_sum3A_1183 = vector.extract %reduce_sum3A_1182[15] : i32 from vector<16xi32>
        %add3A_1184 = vector.broadcast %reduce_sum3A_1183 : i32 to vector<16xi32>
        %add3A_1185 = arith.addi %scan3A_1168, %add3A_1184 : vector<16xi32>
        scf.yield %add3A_1185, %add3A_1180 : vector<16xi32>, vector<16xi32>
      }
      %scan3A_1164 = arith.constant 128 : i32
      %swap3A_1165 = arith.constant 0 : index
      %swap3A_1166 = tpu.vector_load %arg14[%swap3A_1165] {strides = array<i32>} : memref<16xi32, #tpu.memory_space<vmem>>, vector<16xi32>,
      tpu.vector_store %arg14[%swap3A_1165], %scan3A_1163#1 {strides = array<i32>} : memref<16xi32, #tpu.memory_space<vmem>>, vector<16xi32>,
      "tpu.region"() ({
        %run_scoped3A_1167 = tpu.sem_alloc : memref<!tpu.dma_semaphore, #tpu.memory_space<semaphore_mem>>
        tpu.enqueue_dma source(%arg14 : memref<16xi32, #tpu.memory_space<vmem>>) target(%arg21 : memref<16xi32, #tpu.memory_space<vmem_shared>>) target_semaphore(%run_scoped3A_1167 : memref<!tpu.dma_semaphore, #tpu.memory_space<semaphore_mem>>)
        tpu.wait_dma2 semaphore(%run_scoped3A_1167 : memref<!tpu.dma_semaphore, #tpu.memory_space<semaphore_mem>>) src(%arg14 : memref<16xi32, #tpu.memory_space<vmem>>) dst(%arg21 : memref<16xi32, #tpu.memory_space<vmem_shared>>)
        tpu.yield
      }) : () -> ()
    } else {
    }
    %barrier3A_1142 = arith.constant 0 : index
    tpu.barrier barrier_id(%barrier3A_1142)
    "tpu.region"() ({
      %run_scoped3A_1159 = tpu.sem_alloc : memref<!tpu.dma_semaphore, #tpu.memory_space<semaphore_mem>>
      tpu.enqueue_dma source(%arg21 : memref<16xi32, #tpu.memory_space<vmem_shared>>) target(%arg14 : memref<16xi32, #tpu.memory_space<vmem>>) target_semaphore(%run_scoped3A_1159 : memref<!tpu.dma_semaphore, #tpu.memory_space<semaphore_mem>>)
      tpu.wait_dma2 semaphore(%run_scoped3A_1159 : memref<!tpu.dma_semaphore, #tpu.memory_space<semaphore_mem>>) src(%arg21 : memref<16xi32, #tpu.memory_space<vmem_shared>>) dst(%arg14 : memref<16xi32, #tpu.memory_space<vmem>>)
      tpu.yield
    }) : () -> ()
    %get3A_1143 = arith.constant 0 : index
    %get3A_1144 = tpu.vector_load %arg14[%get3A_1143] {strides = array<i32>} : memref<16xi32, #tpu.memory_space<vmem>>, vector<16xi32>,
    %scan3A_1145 = arith.constant 0 : i32
    %scan3A_1146 = arith.constant 32 : i32
    %scan3A_1147 = arith.addi %scan3A_1145, %scan3A_1146 : i32
    %scan3A_1148 = arith.constant 1 : i32
    %scan3A_1149 = scf.for %scan3A_1159 = %scan3A_1145 to %scan3A_1147 step %scan3A_1148 iter_args(%scan3A_1160 = %broadcast_in_dim3A_0) -> (vector<16xi32>)  : i32 {
      %mul3A_1161 = arith.constant 16 : i32
      %mul3A_1162 = arith.muli %scan3A_1159, %mul3A_1161 : i32
      %get3A_1163 = arith.index_cast %mul3A_1162 : i32 to index
      %get3A_1164 = tpu.vector_load %arg8[%get3A_1163] {strides = array<i32>} : memref<512xf32, #tpu.memory_space<vmem>>, vector<16xf32>,
      %bitcast3A = vector.bitcast %get3A_1164 : vector<16xf32> to vector<16xi32>
      %shift_right_arithmetic3A = arith.constant 20 : i32
      %shift_right_arithmetic3A_1165 = vector.broadcast %shift_right_arithmetic3A : i32 to vector<16xi32>
      %shift_right_arithmetic3A_1166 = arith.shrsi %bitcast3A, %shift_right_arithmetic3A_1165 : vector<16xi32>
      %le3A = arith.cmpi sle, %shift_right_arithmetic3A_1166, %get3A_1144 : vector<16xi32>
      %convert_element_type3A_1167 = arith.extui %le3A : vector<16xi1> to vector<16xi32>
      %broadcast_in_dim3A_1168 = arith.constant true
      %broadcast_in_dim3A_1169 = vector.broadcast %broadcast_in_dim3A_1168 : i1 to vector<16xi1>
      %masked_cumsum3A = tpu.scan <sum>, %convert_element_type3A_1167 masked %broadcast_in_dim3A_1169 : vector<16xi32>, vector<16xi1> -> vector<16xi32>
      %add3A_1170 = arith.addi %scan3A_1160, %masked_cumsum3A : vector<16xi32>
      %sub3A = arith.constant 1 : i32
      %sub3A_1171 = vector.broadcast %sub3A : i32 to vector<16xi32>
      %sub3A_1172 = arith.subi %add3A_1170, %sub3A_1171 : vector<16xi32>
      %jit3A = arith.constant 0 : i32
      %jit3A_1173 = arith.constant 127 : i32
      %max3A = vector.broadcast %jit3A : i32 to vector<16xi32>
      %max3A_1174 = arith.maxsi %max3A, %sub3A_1172 : vector<16xi32>
      %min3A = vector.broadcast %jit3A_1173 : i32 to vector<16xi32>
      %min3A_1175 = arith.minsi %min3A, %max3A_1174 : vector<16xi32>
      tpu.vector_store_idx %arg12[%min3A_1175], %get3A_1164 masked %le3A : memref<128xf32, #tpu.memory_space<vmem>>[vector<16xi32>], vector<16xf32>, vector<16xi1>
      %mul3A_1176 = arith.constant 512 : i32
      %mul3A_1177 = arith.muli %arg1, %mul3A_1176 : i32
      %mul3A_1178 = arith.constant 16 : i32
      %mul3A_1179 = arith.muli %scan3A_1159, %mul3A_1178 : i32
      %add3A_1180 = arith.addi %mul3A_1177, %mul3A_1179 : i32
      %add3A_1181 = vector.broadcast %add3A_1180 : i32 to vector<16xi32>
      %add3A_1182 = arith.addi %add3A_1181, %iota3A : vector<16xi32>
      tpu.vector_store_idx %arg13[%min3A_1175], %add3A_1182 masked %le3A : memref<256xi32, #tpu.memory_space<vmem>>[vector<16xi32>], vector<16xi32>, vector<16xi1>
      %all_reduce_population_count3A = tpu.all_reduce %le3A {dim = 0 : i64, kind = #tpu.reduction_kind<sum>} : vector<16xi1> -> vector<16xi32>
      %add3A_1183 = arith.addi %scan3A_1160, %all_reduce_population_count3A : vector<16xi32>
      scf.yield %add3A_1183 : vector<16xi32>
    }
    %scan3A_1150 = arith.constant 32 : i32
    %swap3A_1151 = arith.constant 128 : index
    %swap3A_1152 = tpu.vector_load %arg13[%swap3A_1151] {strides = array<i32>} : memref<256xi32, #tpu.memory_space<vmem>>, vector<16xi32>,
    tpu.vector_store %arg13[%swap3A_1151], %scan3A_1149 {strides = array<i32>} : memref<256xi32, #tpu.memory_space<vmem>>, vector<16xi32>,
    "tpu.region"() ({
      %run_scoped3A_1159 = tpu.sem_alloc : memref<!tpu.dma_semaphore, #tpu.memory_space<semaphore_mem>>
      %dma_start3A = arith.constant 0 : i32
      %dma_start3A_1160 = tpu.memref_slice %arg22[%arg1, %dma_start3A] : memref<16x128xf32, #tpu.memory_space<vmem_shared>> -> memref<1x128xf32, #tpu.memory_space<vmem_shared>>
      %dma_start3A_1161 = tpu.memref_squeeze %dma_start3A_1160 : memref<1x128xf32, #tpu.memory_space<vmem_shared>> -> memref<128xf32, #tpu.memory_space<vmem_shared>>
      %dma_start3A_1162 = arith.constant 0 : i32
      %dma_start3A_1163 = tpu.memref_slice %arg22[%arg1, %dma_start3A_1162] : memref<16x128xf32, #tpu.memory_space<vmem_shared>> -> memref<1x128xf32, #tpu.memory_space<vmem_shared>>
      %dma_start3A_1164 = tpu.memref_squeeze %dma_start3A_1163 : memref<1x128xf32, #tpu.memory_space<vmem_shared>> -> memref<128xf32, #tpu.memory_space<vmem_shared>>
      tpu.enqueue_dma source(%arg12 : memref<128xf32, #tpu.memory_space<vmem>>) target(%dma_start3A_1164 : memref<128xf32, #tpu.memory_space<vmem_shared>>) target_semaphore(%run_scoped3A_1159 : memref<!tpu.dma_semaphore, #tpu.memory_space<semaphore_mem>>)
      %dma_wait3A = arith.constant 0 : i32
      %dma_wait3A_1165 = tpu.memref_slice %arg22[%arg1, %dma_wait3A] : memref<16x128xf32, #tpu.memory_space<vmem_shared>> -> memref<1x128xf32, #tpu.memory_space<vmem_shared>>
      %dma_wait3A_1166 = tpu.memref_squeeze %dma_wait3A_1165 : memref<1x128xf32, #tpu.memory_space<vmem_shared>> -> memref<128xf32, #tpu.memory_space<vmem_shared>>
      %dma_wait3A_1167 = arith.constant 0 : i32
      %dma_wait3A_1168 = tpu.memref_slice %arg22[%arg1, %dma_wait3A_1167] : memref<16x128xf32, #tpu.memory_space<vmem_shared>> -> memref<1x128xf32, #tpu.memory_space<vmem_shared>>
      %dma_wait3A_1169 = tpu.memref_squeeze %dma_wait3A_1168 : memref<1x128xf32, #tpu.memory_space<vmem_shared>> -> memref<128xf32, #tpu.memory_space<vmem_shared>>
      tpu.wait_dma2 semaphore(%run_scoped3A_1159 : memref<!tpu.dma_semaphore, #tpu.memory_space<semaphore_mem>>) src(%arg12 : memref<128xf32, #tpu.memory_space<vmem>>) dst(%dma_wait3A_1169 : memref<128xf32, #tpu.memory_space<vmem_shared>>)
      tpu.yield
    }) : () -> ()
    "tpu.region"() ({
      %run_scoped3A_1159 = tpu.sem_alloc : memref<!tpu.dma_semaphore, #tpu.memory_space<semaphore_mem>>
      %dma_start3A = arith.constant 0 : i32
      %dma_start3A_1160 = tpu.memref_slice %arg23[%arg1, %dma_start3A] : memref<16x256xi32, #tpu.memory_space<vmem_shared>> -> memref<1x256xi32, #tpu.memory_space<vmem_shared>>
      %dma_start3A_1161 = tpu.memref_squeeze %dma_start3A_1160 : memref<1x256xi32, #tpu.memory_space<vmem_shared>> -> memref<256xi32, #tpu.memory_space<vmem_shared>>
      %dma_start3A_1162 = arith.constant 0 : i32
      %dma_start3A_1163 = tpu.memref_slice %arg23[%arg1, %dma_start3A_1162] : memref<16x256xi32, #tpu.memory_space<vmem_shared>> -> memref<1x256xi32, #tpu.memory_space<vmem_shared>>
      %dma_start3A_1164 = tpu.memref_squeeze %dma_start3A_1163 : memref<1x256xi32, #tpu.memory_space<vmem_shared>> -> memref<256xi32, #tpu.memory_space<vmem_shared>>
      tpu.enqueue_dma source(%arg13 : memref<256xi32, #tpu.memory_space<vmem>>) target(%dma_start3A_1164 : memref<256xi32, #tpu.memory_space<vmem_shared>>) target_semaphore(%run_scoped3A_1159 : memref<!tpu.dma_semaphore, #tpu.memory_space<semaphore_mem>>)
      %dma_wait3A = arith.constant 0 : i32
      %dma_wait3A_1165 = tpu.memref_slice %arg23[%arg1, %dma_wait3A] : memref<16x256xi32, #tpu.memory_space<vmem_shared>> -> memref<1x256xi32, #tpu.memory_space<vmem_shared>>
      %dma_wait3A_1166 = tpu.memref_squeeze %dma_wait3A_1165 : memref<1x256xi32, #tpu.memory_space<vmem_shared>> -> memref<256xi32, #tpu.memory_space<vmem_shared>>
      %dma_wait3A_1167 = arith.constant 0 : i32
      %dma_wait3A_1168 = tpu.memref_slice %arg23[%arg1, %dma_wait3A_1167] : memref<16x256xi32, #tpu.memory_space<vmem_shared>> -> memref<1x256xi32, #tpu.memory_space<vmem_shared>>
      %dma_wait3A_1169 = tpu.memref_squeeze %dma_wait3A_1168 : memref<1x256xi32, #tpu.memory_space<vmem_shared>> -> memref<256xi32, #tpu.memory_space<vmem_shared>>
      tpu.wait_dma2 semaphore(%run_scoped3A_1159 : memref<!tpu.dma_semaphore, #tpu.memory_space<semaphore_mem>>) src(%arg13 : memref<256xi32, #tpu.memory_space<vmem>>) dst(%dma_wait3A_1169 : memref<256xi32, #tpu.memory_space<vmem_shared>>)
      tpu.yield
    }) : () -> ()
    %barrier3A_1153 = arith.constant 0 : index
    tpu.barrier barrier_id(%barrier3A_1153)
    %eq3A_1154 = arith.constant 0 : i32
    %eq3A_1155 = arith.cmpi eq, %arg1, %eq3A_1154 : i32
    %convert_element_type3A_1156 = arith.extui %eq3A_1155 : i1 to i32
    %cond3A_1157 = arith.constant 0 : i32
    %cond3A_1158 = arith.cmpi ne, %convert_element_type3A_1156, %cond3A_1157 : i32
    scf.if %cond3A_1158 {
      "tpu.region"() ({
        %run_scoped3A_4082 = tpu.sem_alloc : memref<!tpu.dma_semaphore, #tpu.memory_space<semaphore_mem>>
        tpu.enqueue_dma source(%arg22 : memref<16x128xf32, #tpu.memory_space<vmem_shared>>) target(%arg17 : memref<16x128xf32, #tpu.memory_space<vmem>>) target_semaphore(%run_scoped3A_4082 : memref<!tpu.dma_semaphore, #tpu.memory_space<semaphore_mem>>)
        tpu.wait_dma2 semaphore(%run_scoped3A_4082 : memref<!tpu.dma_semaphore, #tpu.memory_space<semaphore_mem>>) src(%arg22 : memref<16x128xf32, #tpu.memory_space<vmem_shared>>) dst(%arg17 : memref<16x128xf32, #tpu.memory_space<vmem>>)
        tpu.yield
      }) : () -> ()
      "tpu.region"() ({
        %run_scoped3A_4082 = tpu.sem_alloc : memref<!tpu.dma_semaphore, #tpu.memory_space<semaphore_mem>>
        tpu.enqueue_dma source(%arg23 : memref<16x256xi32, #tpu.memory_space<vmem_shared>>) target(%arg18 : memref<16x256xi32, #tpu.memory_space<vmem>>) target_semaphore(%run_scoped3A_4082 : memref<!tpu.dma_semaphore, #tpu.memory_space<semaphore_mem>>)
        tpu.wait_dma2 semaphore(%run_scoped3A_4082 : memref<!tpu.dma_semaphore, #tpu.memory_space<semaphore_mem>>) src(%arg23 : memref<16x256xi32, #tpu.memory_space<vmem_shared>>) dst(%arg18 : memref<16x256xi32, #tpu.memory_space<vmem>>)
        tpu.yield
      }) : () -> ()
      %eq3A_1159 = arith.constant 0 : i32
      %eq3A_1160 = vector.broadcast %eq3A_1159 : i32 to vector<16xi32>
      %eq3A_1161 = arith.cmpi eq, %iota3A, %eq3A_1160 : vector<16xi32>
      %get3A_1162 = arith.constant 0 : i32
      %get3A_1163 = arith.index_cast %get3A_1162 : i32 to index
      %get3A_1164 = arith.constant 128 : index
      %get3A_1165 = tpu.vector_load %arg18[%get3A_1163, %get3A_1164] {strides = array<i32>} : memref<16x256xi32, #tpu.memory_space<vmem>>, vector<16xi32>,
      %select_n3A_1166 = arith.select %eq3A_1161, %get3A_1165, %broadcast_in_dim3A_0 : vector<16xi1>, vector<16xi32>
      %eq3A_1167 = arith.constant 1 : i32
      %eq3A_1168 = vector.broadcast %eq3A_1167 : i32 to vector<16xi32>
      %eq3A_1169 = arith.cmpi eq, %iota3A, %eq3A_1168 : vector<16xi32>
      %get3A_1170 = arith.constant 1 : i32
      %get3A_1171 = arith.index_cast %get3A_1170 : i32 to index
      %get3A_1172 = arith.constant 128 : index
      %get3A_1173 = tpu.vector_load %arg18[%get3A_1171, %get3A_1172] {strides = array<i32>} : memref<16x256xi32, #tpu.memory_space<vmem>>, vector<16xi32>,
      %select_n3A_1174 = arith.select %eq3A_1169, %get3A_1173, %select_n3A_1166 : vector<16xi1>, vector<16xi32>
      %eq3A_1175 = arith.constant 2 : i32
      %eq3A_1176 = vector.broadcast %eq3A_1175 : i32 to vector<16xi32>
      %eq3A_1177 = arith.cmpi eq, %iota3A, %eq3A_1176 : vector<16xi32>
      %get3A_1178 = arith.constant 2 : i32
      %get3A_1179 = arith.index_cast %get3A_1178 : i32 to index
      %get3A_1180 = arith.constant 128 : index
      %get3A_1181 = tpu.vector_load %arg18[%get3A_1179, %get3A_1180] {strides = array<i32>} : memref<16x256xi32, #tpu.memory_space<vmem>>, vector<16xi32>,
      %select_n3A_1182 = arith.select %eq3A_1177, %get3A_1181, %select_n3A_1174 : vector<16xi1>, vector<16xi32>
      %eq3A_1183 = arith.constant 3 : i32
      %eq3A_1184 = vector.broadcast %eq3A_1183 : i32 to vector<16xi32>
      %eq3A_1185 = arith.cmpi eq, %iota3A, %eq3A_1184 : vector<16xi32>
      %get3A_1186 = arith.constant 3 : i32
      %get3A_1187 = arith.index_cast %get3A_1186 : i32 to index
      %get3A_1188 = arith.constant 128 : index
      %get3A_1189 = tpu.vector_load %arg18[%get3A_1187, %get3A_1188] {strides = array<i32>} : memref<16x256xi32, #tpu.memory_space<vmem>>, vector<16xi32>,
      %select_n3A_1190 = arith.select %eq3A_1185, %get3A_1189, %select_n3A_1182 : vector<16xi1>, vector<16xi32>
      %eq3A_1191 = arith.constant 4 : i32
      %eq3A_1192 = vector.broadcast %eq3A_1191 : i32 to vector<16xi32>
      %eq3A_1193 = arith.cmpi eq, %iota3A, %eq3A_1192 : vector<16xi32>
      %get3A_1194 = arith.constant 4 : i32
      %get3A_1195 = arith.index_cast %get3A_1194 : i32 to index
      %get3A_1196 = arith.constant 128 : index
      %get3A_1197 = tpu.vector_load %arg18[%get3A_1195, %get3A_1196] {strides = array<i32>} : memref<16x256xi32, #tpu.memory_space<vmem>>, vector<16xi32>,
      %select_n3A_1198 = arith.select %eq3A_1193, %get3A_1197, %select_n3A_1190 : vector<16xi1>, vector<16xi32>
      %eq3A_1199 = arith.constant 5 : i32
      %eq3A_1200 = vector.broadcast %eq3A_1199 : i32 to vector<16xi32>
      %eq3A_1201 = arith.cmpi eq, %iota3A, %eq3A_1200 : vector<16xi32>
      %get3A_1202 = arith.constant 5 : i32
      %get3A_1203 = arith.index_cast %get3A_1202 : i32 to index
      %get3A_1204 = arith.constant 128 : index
      %get3A_1205 = tpu.vector_load %arg18[%get3A_1203, %get3A_1204] {strides = array<i32>} : memref<16x256xi32, #tpu.memory_space<vmem>>, vector<16xi32>,
      %select_n3A_1206 = arith.select %eq3A_1201, %get3A_1205, %select_n3A_1198 : vector<16xi1>, vector<16xi32>
      %eq3A_1207 = arith.constant 6 : i32
      %eq3A_1208 = vector.broadcast %eq3A_1207 : i32 to vector<16xi32>
      %eq3A_1209 = arith.cmpi eq, %iota3A, %eq3A_1208 : vector<16xi32>
      %get3A_1210 = arith.constant 6 : i32
      %get3A_1211 = arith.index_cast %get3A_1210 : i32 to index
      %get3A_1212 = arith.constant 128 : index
      %get3A_1213 = tpu.vector_load %arg18[%get3A_1211, %get3A_1212] {strides = array<i32>} : memref<16x256xi32, #tpu.memory_space<vmem>>, vector<16xi32>,
      %select_n3A_1214 = arith.select %eq3A_1209, %get3A_1213, %select_n3A_1206 : vector<16xi1>, vector<16xi32>
      %eq3A_1215 = arith.constant 7 : i32
      %eq3A_1216 = vector.broadcast %eq3A_1215 : i32 to vector<16xi32>
      %eq3A_1217 = arith.cmpi eq, %iota3A, %eq3A_1216 : vector<16xi32>
      %get3A_1218 = arith.constant 7 : i32
      %get3A_1219 = arith.index_cast %get3A_1218 : i32 to index
      %get3A_1220 = arith.constant 128 : index
      %get3A_1221 = tpu.vector_load %arg18[%get3A_1219, %get3A_1220] {strides = array<i32>} : memref<16x256xi32, #tpu.memory_space<vmem>>, vector<16xi32>,
      %select_n3A_1222 = arith.select %eq3A_1217, %get3A_1221, %select_n3A_1214 : vector<16xi1>, vector<16xi32>
      %eq3A_1223 = arith.constant 8 : i32
      %eq3A_1224 = vector.broadcast %eq3A_1223 : i32 to vector<16xi32>
      %eq3A_1225 = arith.cmpi eq, %iota3A, %eq3A_1224 : vector<16xi32>
      %get3A_1226 = arith.constant 8 : i32
      %get3A_1227 = arith.index_cast %get3A_1226 : i32 to index
      %get3A_1228 = arith.constant 128 : index
      %get3A_1229 = tpu.vector_load %arg18[%get3A_1227, %get3A_1228] {strides = array<i32>} : memref<16x256xi32, #tpu.memory_space<vmem>>, vector<16xi32>,
      %select_n3A_1230 = arith.select %eq3A_1225, %get3A_1229, %select_n3A_1222 : vector<16xi1>, vector<16xi32>
      %eq3A_1231 = arith.constant 9 : i32
      %eq3A_1232 = vector.broadcast %eq3A_1231 : i32 to vector<16xi32>
      %eq3A_1233 = arith.cmpi eq, %iota3A, %eq3A_1232 : vector<16xi32>
      %get3A_1234 = arith.constant 9 : i32
      %get3A_1235 = arith.index_cast %get3A_1234 : i32 to index
      %get3A_1236 = arith.constant 128 : index
      %get3A_1237 = tpu.vector_load %arg18[%get3A_1235, %get3A_1236] {strides = array<i32>} : memref<16x256xi32, #tpu.memory_space<vmem>>, vector<16xi32>,
      %select_n3A_1238 = arith.select %eq3A_1233, %get3A_1237, %select_n3A_1230 : vector<16xi1>, vector<16xi32>
      %eq3A_1239 = arith.constant 10 : i32
      %eq3A_1240 = vector.broadcast %eq3A_1239 : i32 to vector<16xi32>
      %eq3A_1241 = arith.cmpi eq, %iota3A, %eq3A_1240 : vector<16xi32>
      %get3A_1242 = arith.constant 10 : i32
      %get3A_1243 = arith.index_cast %get3A_1242 : i32 to index
      %get3A_1244 = arith.constant 128 : index
      %get3A_1245 = tpu.vector_load %arg18[%get3A_1243, %get3A_1244] {strides = array<i32>} : memref<16x256xi32, #tpu.memory_space<vmem>>, vector<16xi32>,
      %select_n3A_1246 = arith.select %eq3A_1241, %get3A_1245, %select_n3A_1238 : vector<16xi1>, vector<16xi32>
      %eq3A_1247 = arith.constant 11 : i32
      %eq3A_1248 = vector.broadcast %eq3A_1247 : i32 to vector<16xi32>
      %eq3A_1249 = arith.cmpi eq, %iota3A, %eq3A_1248 : vector<16xi32>
      %get3A_1250 = arith.constant 11 : i32
      %get3A_1251 = arith.index_cast %get3A_1250 : i32 to index
      %get3A_1252 = arith.constant 128 : index
      %get3A_1253 = tpu.vector_load %arg18[%get3A_1251, %get3A_1252] {strides = array<i32>} : memref<16x256xi32, #tpu.memory_space<vmem>>, vector<16xi32>,
      %select_n3A_1254 = arith.select %eq3A_1249, %get3A_1253, %select_n3A_1246 : vector<16xi1>, vector<16xi32>
      %eq3A_1255 = arith.constant 12 : i32
      %eq3A_1256 = vector.broadcast %eq3A_1255 : i32 to vector<16xi32>
      %eq3A_1257 = arith.cmpi eq, %iota3A, %eq3A_1256 : vector<16xi32>
      %get3A_1258 = arith.constant 12 : i32
      %get3A_1259 = arith.index_cast %get3A_1258 : i32 to index
      %get3A_1260 = arith.constant 128 : index
      %get3A_1261 = tpu.vector_load %arg18[%get3A_1259, %get3A_1260] {strides = array<i32>} : memref<16x256xi32, #tpu.memory_space<vmem>>, vector<16xi32>,
      %select_n3A_1262 = arith.select %eq3A_1257, %get3A_1261, %select_n3A_1254 : vector<16xi1>, vector<16xi32>
      %eq3A_1263 = arith.constant 13 : i32
      %eq3A_1264 = vector.broadcast %eq3A_1263 : i32 to vector<16xi32>
      %eq3A_1265 = arith.cmpi eq, %iota3A, %eq3A_1264 : vector<16xi32>
      %get3A_1266 = arith.constant 13 : i32
      %get3A_1267 = arith.index_cast %get3A_1266 : i32 to index
      %get3A_1268 = arith.constant 128 : index
      %get3A_1269 = tpu.vector_load %arg18[%get3A_1267, %get3A_1268] {strides = array<i32>} : memref<16x256xi32, #tpu.memory_space<vmem>>, vector<16xi32>,
      %select_n3A_1270 = arith.select %eq3A_1265, %get3A_1269, %select_n3A_1262 : vector<16xi1>, vector<16xi32>
      %eq3A_1271 = arith.constant 14 : i32
      %eq3A_1272 = vector.broadcast %eq3A_1271 : i32 to vector<16xi32>
      %eq3A_1273 = arith.cmpi eq, %iota3A, %eq3A_1272 : vector<16xi32>
      %get3A_1274 = arith.constant 14 : i32
      %get3A_1275 = arith.index_cast %get3A_1274 : i32 to index
      %get3A_1276 = arith.constant 128 : index
      %get3A_1277 = tpu.vector_load %arg18[%get3A_1275, %get3A_1276] {strides = array<i32>} : memref<16x256xi32, #tpu.memory_space<vmem>>, vector<16xi32>,
      %select_n3A_1278 = arith.select %eq3A_1273, %get3A_1277, %select_n3A_1270 : vector<16xi1>, vector<16xi32>
      %eq3A_1279 = arith.constant 15 : i32
      %eq3A_1280 = vector.broadcast %eq3A_1279 : i32 to vector<16xi32>
      %eq3A_1281 = arith.cmpi eq, %iota3A, %eq3A_1280 : vector<16xi32>
      %get3A_1282 = arith.constant 15 : i32
      %get3A_1283 = arith.index_cast %get3A_1282 : i32 to index
      %get3A_1284 = arith.constant 128 : index
      %get3A_1285 = tpu.vector_load %arg18[%get3A_1283, %get3A_1284] {strides = array<i32>} : memref<16x256xi32, #tpu.memory_space<vmem>>, vector<16xi32>,
      %select_n3A_1286 = arith.select %eq3A_1281, %get3A_1285, %select_n3A_1278 : vector<16xi1>, vector<16xi32>
      %broadcast_in_dim3A_1287 = arith.constant true
      %broadcast_in_dim3A_1288 = vector.broadcast %broadcast_in_dim3A_1287 : i1 to vector<16xi1>
      %masked_cumsum3A = tpu.scan <sum>, %select_n3A_1286 masked %broadcast_in_dim3A_1288 : vector<16xi32>, vector<16xi1> -> vector<16xi32>
      %sub3A = arith.subi %masked_cumsum3A, %select_n3A_1286 : vector<16xi32>
      %scan3A_1289 = arith.constant 0 : i32
      %scan3A_1290 = arith.constant 0 : i32
      %scan3A_1291 = arith.constant 17 : i32
      %scan3A_1292 = arith.addi %scan3A_1290, %scan3A_1291 : i32
      %scan3A_1293 = arith.constant 1 : i32
      %scan3A_1294 = scf.for %scan3A_4082 = %scan3A_1290 to %scan3A_1292 step %scan3A_1293 iter_args(%scan3A_4083 = %scan3A_1289) -> (i32)  : i32 {
        %mul3A_4084 = arith.constant 16 : i32
        %mul3A_4085 = arith.muli %scan3A_4082, %mul3A_4084 : i32
        %swap3A_4086 = arith.index_cast %mul3A_4085 : i32 to index
        %swap3A_4087 = tpu.vector_load %arg15[%swap3A_4086] {strides = array<i32>} : memref<272xf32, #tpu.memory_space<vmem>>, vector<16xf32>,
        tpu.vector_store %arg15[%swap3A_4086], %broadcast_in_dim3A_2 {strides = array<i32>} : memref<272xf32, #tpu.memory_space<vmem>>, vector<16xf32>,
        %mul3A_4088 = arith.constant 16 : i32
        %mul3A_4089 = arith.muli %scan3A_4082, %mul3A_4088 : i32
        %swap3A_4090 = arith.index_cast %mul3A_4089 : i32 to index
        %swap3A_4091 = tpu.vector_load %arg16[%swap3A_4090] {strides = array<i32>} : memref<272xi32, #tpu.memory_space<vmem>>, vector<16xi32>,
        tpu.vector_store %arg16[%swap3A_4090], %broadcast_in_dim3A_0 {strides = array<i32>} : memref<272xi32, #tpu.memory_space<vmem>>, vector<16xi32>,
        %scan3A_4092 = arith.constant 0 : i32
        scf.yield %scan3A_4092 : i32
      }
      %scan3A_1295 = arith.constant 17 : i32
      %broadcast_in_dim3A_1296 = arith.constant 0 : i32
      %broadcast_in_dim3A_1297 = vector.broadcast %broadcast_in_dim3A_1296 : i32 to vector<16xi32>
      %lt3A_1298 = arith.constant 0 : i32
      %lt3A_1299 = vector.broadcast %lt3A_1298 : i32 to vector<16xi32>
      %lt3A_1300 = arith.cmpi slt, %broadcast_in_dim3A_1297, %lt3A_1299 : vector<16xi32>
      %add3A_1301 = arith.constant 16 : i32
      %add3A_1302 = vector.broadcast %add3A_1301 : i32 to vector<16xi32>
      %add3A_1303 = arith.addi %broadcast_in_dim3A_1297, %add3A_1302 : vector<16xi32>
      %select_n3A_1304 = arith.select %lt3A_1300, %add3A_1303, %broadcast_in_dim3A_1297 : vector<16xi1>, vector<16xi32>
      %broadcast_in_dim3A_1305 = vector.shape_cast %select_n3A_1304 : vector<16xi32> to vector<16x1xi32>
      %gather3A_1306 = vector.shape_cast %broadcast_in_dim3A_1305 : vector<16x1xi32> to vector<16xi32>
      %gather3A_1307 = tpu.dynamic_gather %sub3A[%gather3A_1306] in [0] : vector<16xi32>, vector<16xi32> -> vector<16xi32>
      %lt3A_1308 = arith.constant 0 : i32
      %lt3A_1309 = vector.broadcast %lt3A_1308 : i32 to vector<16xi32>
      %lt3A_1310 = arith.cmpi slt, %broadcast_in_dim3A_1297, %lt3A_1309 : vector<16xi32>
      %add3A_1311 = arith.constant 16 : i32
      %add3A_1312 = vector.broadcast %add3A_1311 : i32 to vector<16xi32>
      %add3A_1313 = arith.addi %broadcast_in_dim3A_1297, %add3A_1312 : vector<16xi32>
      %select_n3A_1314 = arith.select %lt3A_1310, %add3A_1313, %broadcast_in_dim3A_1297 : vector<16xi1>, vector<16xi32>
      %broadcast_in_dim3A_1315 = vector.shape_cast %select_n3A_1314 : vector<16xi32> to vector<16x1xi32>
      %gather3A_1316 = vector.shape_cast %broadcast_in_dim3A_1315 : vector<16x1xi32> to vector<16xi32>
      %gather3A_1317 = tpu.dynamic_gather %select_n3A_1286[%gather3A_1316] in [0] : vector<16xi32>, vector<16xi32> -> vector<16xi32>
      %add3A_1318 = arith.constant 0 : i32
      %add3A_1319 = vector.broadcast %add3A_1318 : i32 to vector<16xi32>
      %add3A_1320 = arith.addi %add3A_1319, %iota3A : vector<16xi32>
      %lt3A_1321 = arith.cmpi slt, %add3A_1320, %gather3A_1317 : vector<16xi32>
      %get3A_1322 = arith.constant 0 : i32
      %get3A_1323 = arith.index_cast %get3A_1322 : i32 to index
      %get3A_1324 = arith.constant 0 : index
      %get3A_1325 = tpu.vector_load %arg17[%get3A_1323, %get3A_1324] {strides = array<i32>} : memref<16x128xf32, #tpu.memory_space<vmem>>, vector<16xf32>,
      %get3A_1326 = arith.constant 0 : i32
      %get3A_1327 = arith.index_cast %get3A_1326 : i32 to index
      %get3A_1328 = arith.constant 0 : index
      %get3A_1329 = tpu.vector_load %arg18[%get3A_1327, %get3A_1328] {strides = array<i32>} : memref<16x256xi32, #tpu.memory_space<vmem>>, vector<16xi32>,
      %add3A_1330 = arith.addi %gather3A_1307, %add3A_1320 : vector<16xi32>
      %jit3A = arith.constant 0 : i32
      %jit3A_1331 = arith.constant 255 : i32
      %max3A = vector.broadcast %jit3A : i32 to vector<16xi32>
      %max3A_1332 = arith.maxsi %max3A, %add3A_1330 : vector<16xi32>
      %min3A = vector.broadcast %jit3A_1331 : i32 to vector<16xi32>
      %min3A_1333 = arith.minsi %min3A, %max3A_1332 : vector<16xi32>
      tpu.vector_store_idx %arg15[%min3A_1333], %get3A_1325 masked %lt3A_1321 : memref<272xf32, #tpu.memory_space<vmem>>[vector<16xi32>], vector<16xf32>, vector<16xi1>
      tpu.vector_store_idx %arg16[%min3A_1333], %get3A_1329 masked %lt3A_1321 : memref<272xi32, #tpu.memory_space<vmem>>[vector<16xi32>], vector<16xi32>, vector<16xi1>
      %add3A_1334 = arith.constant 16 : i32
      %add3A_1335 = vector.broadcast %add3A_1334 : i32 to vector<16xi32>
      %add3A_1336 = arith.addi %add3A_1335, %iota3A : vector<16xi32>
      %lt3A_1337 = arith.cmpi slt, %add3A_1336, %gather3A_1317 : vector<16xi32>
      %get3A_1338 = arith.constant 0 : i32
      %get3A_1339 = arith.index_cast %get3A_1338 : i32 to index
      %get3A_1340 = arith.constant 16 : index
      %get3A_1341 = tpu.vector_load %arg17[%get3A_1339, %get3A_1340] {strides = array<i32>} : memref<16x128xf32, #tpu.memory_space<vmem>>, vector<16xf32>,
      %get3A_1342 = arith.constant 0 : i32
      %get3A_1343 = arith.index_cast %get3A_1342 : i32 to index
      %get3A_1344 = arith.constant 16 : index
      %get3A_1345 = tpu.vector_load %arg18[%get3A_1343, %get3A_1344] {strides = array<i32>} : memref<16x256xi32, #tpu.memory_space<vmem>>, vector<16xi32>,
      %add3A_1346 = arith.addi %gather3A_1307, %add3A_1336 : vector<16xi32>
      %jit3A_1347 = arith.constant 0 : i32
      %jit3A_1348 = arith.constant 255 : i32
      %max3A_1349 = vector.broadcast %jit3A_1347 : i32 to vector<16xi32>
      %max3A_1350 = arith.maxsi %max3A_1349, %add3A_1346 : vector<16xi32>
      %min3A_1351 = vector.broadcast %jit3A_1348 : i32 to vector<16xi32>
      %min3A_1352 = arith.minsi %min3A_1351, %max3A_1350 : vector<16xi32>
      tpu.vector_store_idx %arg15[%min3A_1352], %get3A_1341 masked %lt3A_1337 : memref<272xf32, #tpu.memory_space<vmem>>[vector<16xi32>], vector<16xf32>, vector<16xi1>
      tpu.vector_store_idx %arg16[%min3A_1352], %get3A_1345 masked %lt3A_1337 : memref<272xi32, #tpu.memory_space<vmem>>[vector<16xi32>], vector<16xi32>, vector<16xi1>
      %add3A_1353 = arith.constant 32 : i32
      %add3A_1354 = vector.broadcast %add3A_1353 : i32 to vector<16xi32>
      %add3A_1355 = arith.addi %add3A_1354, %iota3A : vector<16xi32>
      %lt3A_1356 = arith.cmpi slt, %add3A_1355, %gather3A_1317 : vector<16xi32>
      %get3A_1357 = arith.constant 0 : i32
      %get3A_1358 = arith.index_cast %get3A_1357 : i32 to index
      %get3A_1359 = arith.constant 32 : index
      %get3A_1360 = tpu.vector_load %arg17[%get3A_1358, %get3A_1359] {strides = array<i32>} : memref<16x128xf32, #tpu.memory_space<vmem>>, vector<16xf32>,
      %get3A_1361 = arith.constant 0 : i32
      %get3A_1362 = arith.index_cast %get3A_1361 : i32 to index
      %get3A_1363 = arith.constant 32 : index
      %get3A_1364 = tpu.vector_load %arg18[%get3A_1362, %get3A_1363] {strides = array<i32>} : memref<16x256xi32, #tpu.memory_space<vmem>>, vector<16xi32>,
      %add3A_1365 = arith.addi %gather3A_1307, %add3A_1355 : vector<16xi32>
      %jit3A_1366 = arith.constant 0 : i32
      %jit3A_1367 = arith.constant 255 : i32
      %max3A_1368 = vector.broadcast %jit3A_1366 : i32 to vector<16xi32>
      %max3A_1369 = arith.maxsi %max3A_1368, %add3A_1365 : vector<16xi32>
      %min3A_1370 = vector.broadcast %jit3A_1367 : i32 to vector<16xi32>
      %min3A_1371 = arith.minsi %min3A_1370, %max3A_1369 : vector<16xi32>
      tpu.vector_store_idx %arg15[%min3A_1371], %get3A_1360 masked %lt3A_1356 : memref<272xf32, #tpu.memory_space<vmem>>[vector<16xi32>], vector<16xf32>, vector<16xi1>
      tpu.vector_store_idx %arg16[%min3A_1371], %get3A_1364 masked %lt3A_1356 : memref<272xi32, #tpu.memory_space<vmem>>[vector<16xi32>], vector<16xi32>, vector<16xi1>
      %add3A_1372 = arith.constant 48 : i32
      %add3A_1373 = vector.broadcast %add3A_1372 : i32 to vector<16xi32>
      %add3A_1374 = arith.addi %add3A_1373, %iota3A : vector<16xi32>
      %lt3A_1375 = arith.cmpi slt, %add3A_1374, %gather3A_1317 : vector<16xi32>
      %get3A_1376 = arith.constant 0 : i32
      %get3A_1377 = arith.index_cast %get3A_1376 : i32 to index
      %get3A_1378 = arith.constant 48 : index
      %get3A_1379 = tpu.vector_load %arg17[%get3A_1377, %get3A_1378] {strides = array<i32>} : memref<16x128xf32, #tpu.memory_space<vmem>>, vector<16xf32>,
      %get3A_1380 = arith.constant 0 : i32
      %get3A_1381 = arith.index_cast %get3A_1380 : i32 to index
      %get3A_1382 = arith.constant 48 : index
      %get3A_1383 = tpu.vector_load %arg18[%get3A_1381, %get3A_1382] {strides = array<i32>} : memref<16x256xi32, #tpu.memory_space<vmem>>, vector<16xi32>,
      %add3A_1384 = arith.addi %gather3A_1307, %add3A_1374 : vector<16xi32>
      %jit3A_1385 = arith.constant 0 : i32
      %jit3A_1386 = arith.constant 255 : i32
      %max3A_1387 = vector.broadcast %jit3A_1385 : i32 to vector<16xi32>
      %max3A_1388 = arith.maxsi %max3A_1387, %add3A_1384 : vector<16xi32>
      %min3A_1389 = vector.broadcast %jit3A_1386 : i32 to vector<16xi32>
      %min3A_1390 = arith.minsi %min3A_1389, %max3A_1388 : vector<16xi32>
      tpu.vector_store_idx %arg15[%min3A_1390], %get3A_1379 masked %lt3A_1375 : memref<272xf32, #tpu.memory_space<vmem>>[vector<16xi32>], vector<16xf32>, vector<16xi1>
      tpu.vector_store_idx %arg16[%min3A_1390], %get3A_1383 masked %lt3A_1375 : memref<272xi32, #tpu.memory_space<vmem>>[vector<16xi32>], vector<16xi32>, vector<16xi1>
      %add3A_1391 = arith.constant 64 : i32
      %add3A_1392 = vector.broadcast %add3A_1391 : i32 to vector<16xi32>
      %add3A_1393 = arith.addi %add3A_1392, %iota3A : vector<16xi32>
      %lt3A_1394 = arith.cmpi slt, %add3A_1393, %gather3A_1317 : vector<16xi32>
      %get3A_1395 = arith.constant 0 : i32
      %get3A_1396 = arith.index_cast %get3A_1395 : i32 to index
      %get3A_1397 = arith.constant 64 : index
      %get3A_1398 = tpu.vector_load %arg17[%get3A_1396, %get3A_1397] {strides = array<i32>} : memref<16x128xf32, #tpu.memory_space<vmem>>, vector<16xf32>,
      %get3A_1399 = arith.constant 0 : i32
      %get3A_1400 = arith.index_cast %get3A_1399 : i32 to index
      %get3A_1401 = arith.constant 64 : index
      %get3A_1402 = tpu.vector_load %arg18[%get3A_1400, %get3A_1401] {strides = array<i32>} : memref<16x256xi32, #tpu.memory_space<vmem>>, vector<16xi32>,
      %add3A_1403 = arith.addi %gather3A_1307, %add3A_1393 : vector<16xi32>
      %jit3A_1404 = arith.constant 0 : i32
      %jit3A_1405 = arith.constant 255 : i32
      %max3A_1406 = vector.broadcast %jit3A_1404 : i32 to vector<16xi32>
      %max3A_1407 = arith.maxsi %max3A_1406, %add3A_1403 : vector<16xi32>
      %min3A_1408 = vector.broadcast %jit3A_1405 : i32 to vector<16xi32>
      %min3A_1409 = arith.minsi %min3A_1408, %max3A_1407 : vector<16xi32>
      tpu.vector_store_idx %arg15[%min3A_1409], %get3A_1398 masked %lt3A_1394 : memref<272xf32, #tpu.memory_space<vmem>>[vector<16xi32>], vector<16xf32>, vector<16xi1>
      tpu.vector_store_idx %arg16[%min3A_1409], %get3A_1402 masked %lt3A_1394 : memref<272xi32, #tpu.memory_space<vmem>>[vector<16xi32>], vector<16xi32>, vector<16xi1>
      %add3A_1410 = arith.constant 80 : i32
      %add3A_1411 = vector.broadcast %add3A_1410 : i32 to vector<16xi32>
      %add3A_1412 = arith.addi %add3A_1411, %iota3A : vector<16xi32>
      %lt3A_1413 = arith.cmpi slt, %add3A_1412, %gather3A_1317 : vector<16xi32>
      %get3A_1414 = arith.constant 0 : i32
      %get3A_1415 = arith.index_cast %get3A_1414 : i32 to index
      %get3A_1416 = arith.constant 80 : index
      %get3A_1417 = tpu.vector_load %arg17[%get3A_1415, %get3A_1416] {strides = array<i32>} : memref<16x128xf32, #tpu.memory_space<vmem>>, vector<16xf32>,
      %get3A_1418 = arith.constant 0 : i32
      %get3A_1419 = arith.index_cast %get3A_1418 : i32 to index
      %get3A_1420 = arith.constant 80 : index
      %get3A_1421 = tpu.vector_load %arg18[%get3A_1419, %get3A_1420] {strides = array<i32>} : memref<16x256xi32, #tpu.memory_space<vmem>>, vector<16xi32>,
      %add3A_1422 = arith.addi %gather3A_1307, %add3A_1412 : vector<16xi32>
      %jit3A_1423 = arith.constant 0 : i32
      %jit3A_1424 = arith.constant 255 : i32
      %max3A_1425 = vector.broadcast %jit3A_1423 : i32 to vector<16xi32>
      %max3A_1426 = arith.maxsi %max3A_1425, %add3A_1422 : vector<16xi32>
      %min3A_1427 = vector.broadcast %jit3A_1424 : i32 to vector<16xi32>
      %min3A_1428 = arith.minsi %min3A_1427, %max3A_1426 : vector<16xi32>
      tpu.vector_store_idx %arg15[%min3A_1428], %get3A_1417 masked %lt3A_1413 : memref<272xf32, #tpu.memory_space<vmem>>[vector<16xi32>], vector<16xf32>, vector<16xi1>
      tpu.vector_store_idx %arg16[%min3A_1428], %get3A_1421 masked %lt3A_1413 : memref<272xi32, #tpu.memory_space<vmem>>[vector<16xi32>], vector<16xi32>, vector<16xi1>
      %add3A_1429 = arith.constant 96 : i32
      %add3A_1430 = vector.broadcast %add3A_1429 : i32 to vector<16xi32>
      %add3A_1431 = arith.addi %add3A_1430, %iota3A : vector<16xi32>
      %lt3A_1432 = arith.cmpi slt, %add3A_1431, %gather3A_1317 : vector<16xi32>
      %get3A_1433 = arith.constant 0 : i32
      %get3A_1434 = arith.index_cast %get3A_1433 : i32 to index
      %get3A_1435 = arith.constant 96 : index
      %get3A_1436 = tpu.vector_load %arg17[%get3A_1434, %get3A_1435] {strides = array<i32>} : memref<16x128xf32, #tpu.memory_space<vmem>>, vector<16xf32>,
      %get3A_1437 = arith.constant 0 : i32
      %get3A_1438 = arith.index_cast %get3A_1437 : i32 to index
      %get3A_1439 = arith.constant 96 : index
      %get3A_1440 = tpu.vector_load %arg18[%get3A_1438, %get3A_1439] {strides = array<i32>} : memref<16x256xi32, #tpu.memory_space<vmem>>, vector<16xi32>,
      %add3A_1441 = arith.addi %gather3A_1307, %add3A_1431 : vector<16xi32>
      %jit3A_1442 = arith.constant 0 : i32
      %jit3A_1443 = arith.constant 255 : i32
      %max3A_1444 = vector.broadcast %jit3A_1442 : i32 to vector<16xi32>
      %max3A_1445 = arith.maxsi %max3A_1444, %add3A_1441 : vector<16xi32>
      %min3A_1446 = vector.broadcast %jit3A_1443 : i32 to vector<16xi32>
      %min3A_1447 = arith.minsi %min3A_1446, %max3A_1445 : vector<16xi32>
      tpu.vector_store_idx %arg15[%min3A_1447], %get3A_1436 masked %lt3A_1432 : memref<272xf32, #tpu.memory_space<vmem>>[vector<16xi32>], vector<16xf32>, vector<16xi1>
      tpu.vector_store_idx %arg16[%min3A_1447], %get3A_1440 masked %lt3A_1432 : memref<272xi32, #tpu.memory_space<vmem>>[vector<16xi32>], vector<16xi32>, vector<16xi1>
      %add3A_1448 = arith.constant 112 : i32
      %add3A_1449 = vector.broadcast %add3A_1448 : i32 to vector<16xi32>
      %add3A_1450 = arith.addi %add3A_1449, %iota3A : vector<16xi32>
      %lt3A_1451 = arith.cmpi slt, %add3A_1450, %gather3A_1317 : vector<16xi32>
      %get3A_1452 = arith.constant 0 : i32
      %get3A_1453 = arith.index_cast %get3A_1452 : i32 to index
      %get3A_1454 = arith.constant 112 : index
      %get3A_1455 = tpu.vector_load %arg17[%get3A_1453, %get3A_1454] {strides = array<i32>} : memref<16x128xf32, #tpu.memory_space<vmem>>, vector<16xf32>,
      %get3A_1456 = arith.constant 0 : i32
      %get3A_1457 = arith.index_cast %get3A_1456 : i32 to index
      %get3A_1458 = arith.constant 112 : index
      %get3A_1459 = tpu.vector_load %arg18[%get3A_1457, %get3A_1458] {strides = array<i32>} : memref<16x256xi32, #tpu.memory_space<vmem>>, vector<16xi32>,
      %add3A_1460 = arith.addi %gather3A_1307, %add3A_1450 : vector<16xi32>
      %jit3A_1461 = arith.constant 0 : i32
      %jit3A_1462 = arith.constant 255 : i32
      %max3A_1463 = vector.broadcast %jit3A_1461 : i32 to vector<16xi32>
      %max3A_1464 = arith.maxsi %max3A_1463, %add3A_1460 : vector<16xi32>
      %min3A_1465 = vector.broadcast %jit3A_1462 : i32 to vector<16xi32>
      %min3A_1466 = arith.minsi %min3A_1465, %max3A_1464 : vector<16xi32>
      tpu.vector_store_idx %arg15[%min3A_1466], %get3A_1455 masked %lt3A_1451 : memref<272xf32, #tpu.memory_space<vmem>>[vector<16xi32>], vector<16xf32>, vector<16xi1>
      tpu.vector_store_idx %arg16[%min3A_1466], %get3A_1459 masked %lt3A_1451 : memref<272xi32, #tpu.memory_space<vmem>>[vector<16xi32>], vector<16xi32>, vector<16xi1>
      %broadcast_in_dim3A_1467 = arith.constant 1 : i32
      %broadcast_in_dim3A_1468 = vector.broadcast %broadcast_in_dim3A_1467 : i32 to vector<16xi32>
      %lt3A_1469 = arith.constant 0 : i32
      %lt3A_1470 = vector.broadcast %lt3A_1469 : i32 to vector<16xi32>
      %lt3A_1471 = arith.cmpi slt, %broadcast_in_dim3A_1468, %lt3A_1470 : vector<16xi32>
      %add3A_1472 = arith.constant 16 : i32
      %add3A_1473 = vector.broadcast %add3A_1472 : i32 to vector<16xi32>
      %add3A_1474 = arith.addi %broadcast_in_dim3A_1468, %add3A_1473 : vector<16xi32>
      %select_n3A_1475 = arith.select %lt3A_1471, %add3A_1474, %broadcast_in_dim3A_1468 : vector<16xi1>, vector<16xi32>
      %broadcast_in_dim3A_1476 = vector.shape_cast %select_n3A_1475 : vector<16xi32> to vector<16x1xi32>
      %gather3A_1477 = vector.shape_cast %broadcast_in_dim3A_1476 : vector<16x1xi32> to vector<16xi32>
      %gather3A_1478 = tpu.dynamic_gather %sub3A[%gather3A_1477] in [0] : vector<16xi32>, vector<16xi32> -> vector<16xi32>
      %lt3A_1479 = arith.constant 0 : i32
      %lt3A_1480 = vector.broadcast %lt3A_1479 : i32 to vector<16xi32>
      %lt3A_1481 = arith.cmpi slt, %broadcast_in_dim3A_1468, %lt3A_1480 : vector<16xi32>
      %add3A_1482 = arith.constant 16 : i32
      %add3A_1483 = vector.broadcast %add3A_1482 : i32 to vector<16xi32>
      %add3A_1484 = arith.addi %broadcast_in_dim3A_1468, %add3A_1483 : vector<16xi32>
      %select_n3A_1485 = arith.select %lt3A_1481, %add3A_1484, %broadcast_in_dim3A_1468 : vector<16xi1>, vector<16xi32>
      %broadcast_in_dim3A_1486 = vector.shape_cast %select_n3A_1485 : vector<16xi32> to vector<16x1xi32>
      %gather3A_1487 = vector.shape_cast %broadcast_in_dim3A_1486 : vector<16x1xi32> to vector<16xi32>
      %gather3A_1488 = tpu.dynamic_gather %select_n3A_1286[%gather3A_1487] in [0] : vector<16xi32>, vector<16xi32> -> vector<16xi32>
      %add3A_1489 = arith.constant 0 : i32
      %add3A_1490 = vector.broadcast %add3A_1489 : i32 to vector<16xi32>
      %add3A_1491 = arith.addi %add3A_1490, %iota3A : vector<16xi32>
      %lt3A_1492 = arith.cmpi slt, %add3A_1491, %gather3A_1488 : vector<16xi32>
      %get3A_1493 = arith.constant 1 : i32
      %get3A_1494 = arith.index_cast %get3A_1493 : i32 to index
      %get3A_1495 = arith.constant 0 : index
      %get3A_1496 = tpu.vector_load %arg17[%get3A_1494, %get3A_1495] {strides = array<i32>} : memref<16x128xf32, #tpu.memory_space<vmem>>, vector<16xf32>,
      %get3A_1497 = arith.constant 1 : i32
      %get3A_1498 = arith.index_cast %get3A_1497 : i32 to index
      %get3A_1499 = arith.constant 0 : index
      %get3A_1500 = tpu.vector_load %arg18[%get3A_1498, %get3A_1499] {strides = array<i32>} : memref<16x256xi32, #tpu.memory_space<vmem>>, vector<16xi32>,
      %add3A_1501 = arith.addi %gather3A_1478, %add3A_1491 : vector<16xi32>
      %jit3A_1502 = arith.constant 0 : i32
      %jit3A_1503 = arith.constant 255 : i32
      %max3A_1504 = vector.broadcast %jit3A_1502 : i32 to vector<16xi32>
      %max3A_1505 = arith.maxsi %max3A_1504, %add3A_1501 : vector<16xi32>
      %min3A_1506 = vector.broadcast %jit3A_1503 : i32 to vector<16xi32>
      %min3A_1507 = arith.minsi %min3A_1506, %max3A_1505 : vector<16xi32>
      tpu.vector_store_idx %arg15[%min3A_1507], %get3A_1496 masked %lt3A_1492 : memref<272xf32, #tpu.memory_space<vmem>>[vector<16xi32>], vector<16xf32>, vector<16xi1>
      tpu.vector_store_idx %arg16[%min3A_1507], %get3A_1500 masked %lt3A_1492 : memref<272xi32, #tpu.memory_space<vmem>>[vector<16xi32>], vector<16xi32>, vector<16xi1>
      %add3A_1508 = arith.constant 16 : i32
      %add3A_1509 = vector.broadcast %add3A_1508 : i32 to vector<16xi32>
      %add3A_1510 = arith.addi %add3A_1509, %iota3A : vector<16xi32>
      %lt3A_1511 = arith.cmpi slt, %add3A_1510, %gather3A_1488 : vector<16xi32>
      %get3A_1512 = arith.constant 1 : i32
      %get3A_1513 = arith.index_cast %get3A_1512 : i32 to index
      %get3A_1514 = arith.constant 16 : index
      %get3A_1515 = tpu.vector_load %arg17[%get3A_1513, %get3A_1514] {strides = array<i32>} : memref<16x128xf32, #tpu.memory_space<vmem>>, vector<16xf32>,
      %get3A_1516 = arith.constant 1 : i32
      %get3A_1517 = arith.index_cast %get3A_1516 : i32 to index
      %get3A_1518 = arith.constant 16 : index
      %get3A_1519 = tpu.vector_load %arg18[%get3A_1517, %get3A_1518] {strides = array<i32>} : memref<16x256xi32, #tpu.memory_space<vmem>>, vector<16xi32>,
      %add3A_1520 = arith.addi %gather3A_1478, %add3A_1510 : vector<16xi32>
      %jit3A_1521 = arith.constant 0 : i32
      %jit3A_1522 = arith.constant 255 : i32
      %max3A_1523 = vector.broadcast %jit3A_1521 : i32 to vector<16xi32>
      %max3A_1524 = arith.maxsi %max3A_1523, %add3A_1520 : vector<16xi32>
      %min3A_1525 = vector.broadcast %jit3A_1522 : i32 to vector<16xi32>
      %min3A_1526 = arith.minsi %min3A_1525, %max3A_1524 : vector<16xi32>
      tpu.vector_store_idx %arg15[%min3A_1526], %get3A_1515 masked %lt3A_1511 : memref<272xf32, #tpu.memory_space<vmem>>[vector<16xi32>], vector<16xf32>, vector<16xi1>
      tpu.vector_store_idx %arg16[%min3A_1526], %get3A_1519 masked %lt3A_1511 : memref<272xi32, #tpu.memory_space<vmem>>[vector<16xi32>], vector<16xi32>, vector<16xi1>
      %add3A_1527 = arith.constant 32 : i32
      %add3A_1528 = vector.broadcast %add3A_1527 : i32 to vector<16xi32>
      %add3A_1529 = arith.addi %add3A_1528, %iota3A : vector<16xi32>
      %lt3A_1530 = arith.cmpi slt, %add3A_1529, %gather3A_1488 : vector<16xi32>
      %get3A_1531 = arith.constant 1 : i32
      %get3A_1532 = arith.index_cast %get3A_1531 : i32 to index
      %get3A_1533 = arith.constant 32 : index
      %get3A_1534 = tpu.vector_load %arg17[%get3A_1532, %get3A_1533] {strides = array<i32>} : memref<16x128xf32, #tpu.memory_space<vmem>>, vector<16xf32>,
      %get3A_1535 = arith.constant 1 : i32
      %get3A_1536 = arith.index_cast %get3A_1535 : i32 to index
      %get3A_1537 = arith.constant 32 : index
      %get3A_1538 = tpu.vector_load %arg18[%get3A_1536, %get3A_1537] {strides = array<i32>} : memref<16x256xi32, #tpu.memory_space<vmem>>, vector<16xi32>,
      %add3A_1539 = arith.addi %gather3A_1478, %add3A_1529 : vector<16xi32>
      %jit3A_1540 = arith.constant 0 : i32
      %jit3A_1541 = arith.constant 255 : i32
      %max3A_1542 = vector.broadcast %jit3A_1540 : i32 to vector<16xi32>
      %max3A_1543 = arith.maxsi %max3A_1542, %add3A_1539 : vector<16xi32>
      %min3A_1544 = vector.broadcast %jit3A_1541 : i32 to vector<16xi32>
      %min3A_1545 = arith.minsi %min3A_1544, %max3A_1543 : vector<16xi32>
      tpu.vector_store_idx %arg15[%min3A_1545], %get3A_1534 masked %lt3A_1530 : memref<272xf32, #tpu.memory_space<vmem>>[vector<16xi32>], vector<16xf32>, vector<16xi1>
      tpu.vector_store_idx %arg16[%min3A_1545], %get3A_1538 masked %lt3A_1530 : memref<272xi32, #tpu.memory_space<vmem>>[vector<16xi32>], vector<16xi32>, vector<16xi1>
      %add3A_1546 = arith.constant 48 : i32
      %add3A_1547 = vector.broadcast %add3A_1546 : i32 to vector<16xi32>
      %add3A_1548 = arith.addi %add3A_1547, %iota3A : vector<16xi32>
      %lt3A_1549 = arith.cmpi slt, %add3A_1548, %gather3A_1488 : vector<16xi32>
      %get3A_1550 = arith.constant 1 : i32
      %get3A_1551 = arith.index_cast %get3A_1550 : i32 to index
      %get3A_1552 = arith.constant 48 : index
      %get3A_1553 = tpu.vector_load %arg17[%get3A_1551, %get3A_1552] {strides = array<i32>} : memref<16x128xf32, #tpu.memory_space<vmem>>, vector<16xf32>,
      %get3A_1554 = arith.constant 1 : i32
      %get3A_1555 = arith.index_cast %get3A_1554 : i32 to index
      %get3A_1556 = arith.constant 48 : index
      %get3A_1557 = tpu.vector_load %arg18[%get3A_1555, %get3A_1556] {strides = array<i32>} : memref<16x256xi32, #tpu.memory_space<vmem>>, vector<16xi32>,
      %add3A_1558 = arith.addi %gather3A_1478, %add3A_1548 : vector<16xi32>
      %jit3A_1559 = arith.constant 0 : i32
      %jit3A_1560 = arith.constant 255 : i32
      %max3A_1561 = vector.broadcast %jit3A_1559 : i32 to vector<16xi32>
      %max3A_1562 = arith.maxsi %max3A_1561, %add3A_1558 : vector<16xi32>
      %min3A_1563 = vector.broadcast %jit3A_1560 : i32 to vector<16xi32>
      %min3A_1564 = arith.minsi %min3A_1563, %max3A_1562 : vector<16xi32>
      tpu.vector_store_idx %arg15[%min3A_1564], %get3A_1553 masked %lt3A_1549 : memref<272xf32, #tpu.memory_space<vmem>>[vector<16xi32>], vector<16xf32>, vector<16xi1>
      tpu.vector_store_idx %arg16[%min3A_1564], %get3A_1557 masked %lt3A_1549 : memref<272xi32, #tpu.memory_space<vmem>>[vector<16xi32>], vector<16xi32>, vector<16xi1>
      %add3A_1565 = arith.constant 64 : i32
      %add3A_1566 = vector.broadcast %add3A_1565 : i32 to vector<16xi32>
      %add3A_1567 = arith.addi %add3A_1566, %iota3A : vector<16xi32>
      %lt3A_1568 = arith.cmpi slt, %add3A_1567, %gather3A_1488 : vector<16xi32>
      %get3A_1569 = arith.constant 1 : i32
      %get3A_1570 = arith.index_cast %get3A_1569 : i32 to index
      %get3A_1571 = arith.constant 64 : index
      %get3A_1572 = tpu.vector_load %arg17[%get3A_1570, %get3A_1571] {strides = array<i32>} : memref<16x128xf32, #tpu.memory_space<vmem>>, vector<16xf32>,
      %get3A_1573 = arith.constant 1 : i32
      %get3A_1574 = arith.index_cast %get3A_1573 : i32 to index
      %get3A_1575 = arith.constant 64 : index
      %get3A_1576 = tpu.vector_load %arg18[%get3A_1574, %get3A_1575] {strides = array<i32>} : memref<16x256xi32, #tpu.memory_space<vmem>>, vector<16xi32>,
      %add3A_1577 = arith.addi %gather3A_1478, %add3A_1567 : vector<16xi32>
      %jit3A_1578 = arith.constant 0 : i32
      %jit3A_1579 = arith.constant 255 : i32
      %max3A_1580 = vector.broadcast %jit3A_1578 : i32 to vector<16xi32>
      %max3A_1581 = arith.maxsi %max3A_1580, %add3A_1577 : vector<16xi32>
      %min3A_1582 = vector.broadcast %jit3A_1579 : i32 to vector<16xi32>
      %min3A_1583 = arith.minsi %min3A_1582, %max3A_1581 : vector<16xi32>
      tpu.vector_store_idx %arg15[%min3A_1583], %get3A_1572 masked %lt3A_1568 : memref<272xf32, #tpu.memory_space<vmem>>[vector<16xi32>], vector<16xf32>, vector<16xi1>
      tpu.vector_store_idx %arg16[%min3A_1583], %get3A_1576 masked %lt3A_1568 : memref<272xi32, #tpu.memory_space<vmem>>[vector<16xi32>], vector<16xi32>, vector<16xi1>
      %add3A_1584 = arith.constant 80 : i32
      %add3A_1585 = vector.broadcast %add3A_1584 : i32 to vector<16xi32>
      %add3A_1586 = arith.addi %add3A_1585, %iota3A : vector<16xi32>
      %lt3A_1587 = arith.cmpi slt, %add3A_1586, %gather3A_1488 : vector<16xi32>
      %get3A_1588 = arith.constant 1 : i32
      %get3A_1589 = arith.index_cast %get3A_1588 : i32 to index
      %get3A_1590 = arith.constant 80 : index
      %get3A_1591 = tpu.vector_load %arg17[%get3A_1589, %get3A_1590] {strides = array<i32>} : memref<16x128xf32, #tpu.memory_space<vmem>>, vector<16xf32>,
      %get3A_1592 = arith.constant 1 : i32
      %get3A_1593 = arith.index_cast %get3A_1592 : i32 to index
      %get3A_1594 = arith.constant 80 : index
      %get3A_1595 = tpu.vector_load %arg18[%get3A_1593, %get3A_1594] {strides = array<i32>} : memref<16x256xi32, #tpu.memory_space<vmem>>, vector<16xi32>,
      %add3A_1596 = arith.addi %gather3A_1478, %add3A_1586 : vector<16xi32>
      %jit3A_1597 = arith.constant 0 : i32
      %jit3A_1598 = arith.constant 255 : i32
      %max3A_1599 = vector.broadcast %jit3A_1597 : i32 to vector<16xi32>
      %max3A_1600 = arith.maxsi %max3A_1599, %add3A_1596 : vector<16xi32>
      %min3A_1601 = vector.broadcast %jit3A_1598 : i32 to vector<16xi32>
      %min3A_1602 = arith.minsi %min3A_1601, %max3A_1600 : vector<16xi32>
      tpu.vector_store_idx %arg15[%min3A_1602], %get3A_1591 masked %lt3A_1587 : memref<272xf32, #tpu.memory_space<vmem>>[vector<16xi32>], vector<16xf32>, vector<16xi1>
      tpu.vector_store_idx %arg16[%min3A_1602], %get3A_1595 masked %lt3A_1587 : memref<272xi32, #tpu.memory_space<vmem>>[vector<16xi32>], vector<16xi32>, vector<16xi1>
      %add3A_1603 = arith.constant 96 : i32
      %add3A_1604 = vector.broadcast %add3A_1603 : i32 to vector<16xi32>
      %add3A_1605 = arith.addi %add3A_1604, %iota3A : vector<16xi32>
      %lt3A_1606 = arith.cmpi slt, %add3A_1605, %gather3A_1488 : vector<16xi32>
      %get3A_1607 = arith.constant 1 : i32
      %get3A_1608 = arith.index_cast %get3A_1607 : i32 to index
      %get3A_1609 = arith.constant 96 : index
      %get3A_1610 = tpu.vector_load %arg17[%get3A_1608, %get3A_1609] {strides = array<i32>} : memref<16x128xf32, #tpu.memory_space<vmem>>, vector<16xf32>,
      %get3A_1611 = arith.constant 1 : i32
      %get3A_1612 = arith.index_cast %get3A_1611 : i32 to index
      %get3A_1613 = arith.constant 96 : index
      %get3A_1614 = tpu.vector_load %arg18[%get3A_1612, %get3A_1613] {strides = array<i32>} : memref<16x256xi32, #tpu.memory_space<vmem>>, vector<16xi32>,
      %add3A_1615 = arith.addi %gather3A_1478, %add3A_1605 : vector<16xi32>
      %jit3A_1616 = arith.constant 0 : i32
      %jit3A_1617 = arith.constant 255 : i32
      %max3A_1618 = vector.broadcast %jit3A_1616 : i32 to vector<16xi32>
      %max3A_1619 = arith.maxsi %max3A_1618, %add3A_1615 : vector<16xi32>
      %min3A_1620 = vector.broadcast %jit3A_1617 : i32 to vector<16xi32>
      %min3A_1621 = arith.minsi %min3A_1620, %max3A_1619 : vector<16xi32>
      tpu.vector_store_idx %arg15[%min3A_1621], %get3A_1610 masked %lt3A_1606 : memref<272xf32, #tpu.memory_space<vmem>>[vector<16xi32>], vector<16xf32>, vector<16xi1>
      tpu.vector_store_idx %arg16[%min3A_1621], %get3A_1614 masked %lt3A_1606 : memref<272xi32, #tpu.memory_space<vmem>>[vector<16xi32>], vector<16xi32>, vector<16xi1>
      %add3A_1622 = arith.constant 112 : i32
      %add3A_1623 = vector.broadcast %add3A_1622 : i32 to vector<16xi32>
      %add3A_1624 = arith.addi %add3A_1623, %iota3A : vector<16xi32>
      %lt3A_1625 = arith.cmpi slt, %add3A_1624, %gather3A_1488 : vector<16xi32>
      %get3A_1626 = arith.constant 1 : i32
      %get3A_1627 = arith.index_cast %get3A_1626 : i32 to index
      %get3A_1628 = arith.constant 112 : index
      %get3A_1629 = tpu.vector_load %arg17[%get3A_1627, %get3A_1628] {strides = array<i32>} : memref<16x128xf32, #tpu.memory_space<vmem>>, vector<16xf32>,
      %get3A_1630 = arith.constant 1 : i32
      %get3A_1631 = arith.index_cast %get3A_1630 : i32 to index
      %get3A_1632 = arith.constant 112 : index
      %get3A_1633 = tpu.vector_load %arg18[%get3A_1631, %get3A_1632] {strides = array<i32>} : memref<16x256xi32, #tpu.memory_space<vmem>>, vector<16xi32>,
      %add3A_1634 = arith.addi %gather3A_1478, %add3A_1624 : vector<16xi32>
      %jit3A_1635 = arith.constant 0 : i32
      %jit3A_1636 = arith.constant 255 : i32
      %max3A_1637 = vector.broadcast %jit3A_1635 : i32 to vector<16xi32>
      %max3A_1638 = arith.maxsi %max3A_1637, %add3A_1634 : vector<16xi32>
      %min3A_1639 = vector.broadcast %jit3A_1636 : i32 to vector<16xi32>
      %min3A_1640 = arith.minsi %min3A_1639, %max3A_1638 : vector<16xi32>
      tpu.vector_store_idx %arg15[%min3A_1640], %get3A_1629 masked %lt3A_1625 : memref<272xf32, #tpu.memory_space<vmem>>[vector<16xi32>], vector<16xf32>, vector<16xi1>
      tpu.vector_store_idx %arg16[%min3A_1640], %get3A_1633 masked %lt3A_1625 : memref<272xi32, #tpu.memory_space<vmem>>[vector<16xi32>], vector<16xi32>, vector<16xi1>
      %broadcast_in_dim3A_1641 = arith.constant 2 : i32
      %broadcast_in_dim3A_1642 = vector.broadcast %broadcast_in_dim3A_1641 : i32 to vector<16xi32>
      %lt3A_1643 = arith.constant 0 : i32
      %lt3A_1644 = vector.broadcast %lt3A_1643 : i32 to vector<16xi32>
      %lt3A_1645 = arith.cmpi slt, %broadcast_in_dim3A_1642, %lt3A_1644 : vector<16xi32>
      %add3A_1646 = arith.constant 16 : i32
      %add3A_1647 = vector.broadcast %add3A_1646 : i32 to vector<16xi32>
      %add3A_1648 = arith.addi %broadcast_in_dim3A_1642, %add3A_1647 : vector<16xi32>
      %select_n3A_1649 = arith.select %lt3A_1645, %add3A_1648, %broadcast_in_dim3A_1642 : vector<16xi1>, vector<16xi32>
      %broadcast_in_dim3A_1650 = vector.shape_cast %select_n3A_1649 : vector<16xi32> to vector<16x1xi32>
      %gather3A_1651 = vector.shape_cast %broadcast_in_dim3A_1650 : vector<16x1xi32> to vector<16xi32>
      %gather3A_1652 = tpu.dynamic_gather %sub3A[%gather3A_1651] in [0] : vector<16xi32>, vector<16xi32> -> vector<16xi32>
      %lt3A_1653 = arith.constant 0 : i32
      %lt3A_1654 = vector.broadcast %lt3A_1653 : i32 to vector<16xi32>
      %lt3A_1655 = arith.cmpi slt, %broadcast_in_dim3A_1642, %lt3A_1654 : vector<16xi32>
      %add3A_1656 = arith.constant 16 : i32
      %add3A_1657 = vector.broadcast %add3A_1656 : i32 to vector<16xi32>
      %add3A_1658 = arith.addi %broadcast_in_dim3A_1642, %add3A_1657 : vector<16xi32>
      %select_n3A_1659 = arith.select %lt3A_1655, %add3A_1658, %broadcast_in_dim3A_1642 : vector<16xi1>, vector<16xi32>
      %broadcast_in_dim3A_1660 = vector.shape_cast %select_n3A_1659 : vector<16xi32> to vector<16x1xi32>
      %gather3A_1661 = vector.shape_cast %broadcast_in_dim3A_1660 : vector<16x1xi32> to vector<16xi32>
      %gather3A_1662 = tpu.dynamic_gather %select_n3A_1286[%gather3A_1661] in [0] : vector<16xi32>, vector<16xi32> -> vector<16xi32>
      %add3A_1663 = arith.constant 0 : i32
      %add3A_1664 = vector.broadcast %add3A_1663 : i32 to vector<16xi32>
      %add3A_1665 = arith.addi %add3A_1664, %iota3A : vector<16xi32>
      %lt3A_1666 = arith.cmpi slt, %add3A_1665, %gather3A_1662 : vector<16xi32>
      %get3A_1667 = arith.constant 2 : i32
      %get3A_1668 = arith.index_cast %get3A_1667 : i32 to index
      %get3A_1669 = arith.constant 0 : index
      %get3A_1670 = tpu.vector_load %arg17[%get3A_1668, %get3A_1669] {strides = array<i32>} : memref<16x128xf32, #tpu.memory_space<vmem>>, vector<16xf32>,
      %get3A_1671 = arith.constant 2 : i32
      %get3A_1672 = arith.index_cast %get3A_1671 : i32 to index
      %get3A_1673 = arith.constant 0 : index
      %get3A_1674 = tpu.vector_load %arg18[%get3A_1672, %get3A_1673] {strides = array<i32>} : memref<16x256xi32, #tpu.memory_space<vmem>>, vector<16xi32>,
      %add3A_1675 = arith.addi %gather3A_1652, %add3A_1665 : vector<16xi32>
      %jit3A_1676 = arith.constant 0 : i32
      %jit3A_1677 = arith.constant 255 : i32
      %max3A_1678 = vector.broadcast %jit3A_1676 : i32 to vector<16xi32>
      %max3A_1679 = arith.maxsi %max3A_1678, %add3A_1675 : vector<16xi32>
      %min3A_1680 = vector.broadcast %jit3A_1677 : i32 to vector<16xi32>
      %min3A_1681 = arith.minsi %min3A_1680, %max3A_1679 : vector<16xi32>
      tpu.vector_store_idx %arg15[%min3A_1681], %get3A_1670 masked %lt3A_1666 : memref<272xf32, #tpu.memory_space<vmem>>[vector<16xi32>], vector<16xf32>, vector<16xi1>
      tpu.vector_store_idx %arg16[%min3A_1681], %get3A_1674 masked %lt3A_1666 : memref<272xi32, #tpu.memory_space<vmem>>[vector<16xi32>], vector<16xi32>, vector<16xi1>
      %add3A_1682 = arith.constant 16 : i32
      %add3A_1683 = vector.broadcast %add3A_1682 : i32 to vector<16xi32>
      %add3A_1684 = arith.addi %add3A_1683, %iota3A : vector<16xi32>
      %lt3A_1685 = arith.cmpi slt, %add3A_1684, %gather3A_1662 : vector<16xi32>
      %get3A_1686 = arith.constant 2 : i32
      %get3A_1687 = arith.index_cast %get3A_1686 : i32 to index
      %get3A_1688 = arith.constant 16 : index
      %get3A_1689 = tpu.vector_load %arg17[%get3A_1687, %get3A_1688] {strides = array<i32>} : memref<16x128xf32, #tpu.memory_space<vmem>>, vector<16xf32>,
      %get3A_1690 = arith.constant 2 : i32
      %get3A_1691 = arith.index_cast %get3A_1690 : i32 to index
      %get3A_1692 = arith.constant 16 : index
      %get3A_1693 = tpu.vector_load %arg18[%get3A_1691, %get3A_1692] {strides = array<i32>} : memref<16x256xi32, #tpu.memory_space<vmem>>, vector<16xi32>,
      %add3A_1694 = arith.addi %gather3A_1652, %add3A_1684 : vector<16xi32>
      %jit3A_1695 = arith.constant 0 : i32
      %jit3A_1696 = arith.constant 255 : i32
      %max3A_1697 = vector.broadcast %jit3A_1695 : i32 to vector<16xi32>
      %max3A_1698 = arith.maxsi %max3A_1697, %add3A_1694 : vector<16xi32>
      %min3A_1699 = vector.broadcast %jit3A_1696 : i32 to vector<16xi32>
      %min3A_1700 = arith.minsi %min3A_1699, %max3A_1698 : vector<16xi32>
      tpu.vector_store_idx %arg15[%min3A_1700], %get3A_1689 masked %lt3A_1685 : memref<272xf32, #tpu.memory_space<vmem>>[vector<16xi32>], vector<16xf32>, vector<16xi1>
      tpu.vector_store_idx %arg16[%min3A_1700], %get3A_1693 masked %lt3A_1685 : memref<272xi32, #tpu.memory_space<vmem>>[vector<16xi32>], vector<16xi32>, vector<16xi1>
      %add3A_1701 = arith.constant 32 : i32
      %add3A_1702 = vector.broadcast %add3A_1701 : i32 to vector<16xi32>
      %add3A_1703 = arith.addi %add3A_1702, %iota3A : vector<16xi32>
      %lt3A_1704 = arith.cmpi slt, %add3A_1703, %gather3A_1662 : vector<16xi32>
      %get3A_1705 = arith.constant 2 : i32
      %get3A_1706 = arith.index_cast %get3A_1705 : i32 to index
      %get3A_1707 = arith.constant 32 : index
      %get3A_1708 = tpu.vector_load %arg17[%get3A_1706, %get3A_1707] {strides = array<i32>} : memref<16x128xf32, #tpu.memory_space<vmem>>, vector<16xf32>,
      %get3A_1709 = arith.constant 2 : i32
      %get3A_1710 = arith.index_cast %get3A_1709 : i32 to index
      %get3A_1711 = arith.constant 32 : index
      %get3A_1712 = tpu.vector_load %arg18[%get3A_1710, %get3A_1711] {strides = array<i32>} : memref<16x256xi32, #tpu.memory_space<vmem>>, vector<16xi32>,
      %add3A_1713 = arith.addi %gather3A_1652, %add3A_1703 : vector<16xi32>
      %jit3A_1714 = arith.constant 0 : i32
      %jit3A_1715 = arith.constant 255 : i32
      %max3A_1716 = vector.broadcast %jit3A_1714 : i32 to vector<16xi32>
      %max3A_1717 = arith.maxsi %max3A_1716, %add3A_1713 : vector<16xi32>
      %min3A_1718 = vector.broadcast %jit3A_1715 : i32 to vector<16xi32>
      %min3A_1719 = arith.minsi %min3A_1718, %max3A_1717 : vector<16xi32>
      tpu.vector_store_idx %arg15[%min3A_1719], %get3A_1708 masked %lt3A_1704 : memref<272xf32, #tpu.memory_space<vmem>>[vector<16xi32>], vector<16xf32>, vector<16xi1>
      tpu.vector_store_idx %arg16[%min3A_1719], %get3A_1712 masked %lt3A_1704 : memref<272xi32, #tpu.memory_space<vmem>>[vector<16xi32>], vector<16xi32>, vector<16xi1>
      %add3A_1720 = arith.constant 48 : i32
      %add3A_1721 = vector.broadcast %add3A_1720 : i32 to vector<16xi32>
      %add3A_1722 = arith.addi %add3A_1721, %iota3A : vector<16xi32>
      %lt3A_1723 = arith.cmpi slt, %add3A_1722, %gather3A_1662 : vector<16xi32>
      %get3A_1724 = arith.constant 2 : i32
      %get3A_1725 = arith.index_cast %get3A_1724 : i32 to index
      %get3A_1726 = arith.constant 48 : index
      %get3A_1727 = tpu.vector_load %arg17[%get3A_1725, %get3A_1726] {strides = array<i32>} : memref<16x128xf32, #tpu.memory_space<vmem>>, vector<16xf32>,
      %get3A_1728 = arith.constant 2 : i32
      %get3A_1729 = arith.index_cast %get3A_1728 : i32 to index
      %get3A_1730 = arith.constant 48 : index
      %get3A_1731 = tpu.vector_load %arg18[%get3A_1729, %get3A_1730] {strides = array<i32>} : memref<16x256xi32, #tpu.memory_space<vmem>>, vector<16xi32>,
      %add3A_1732 = arith.addi %gather3A_1652, %add3A_1722 : vector<16xi32>
      %jit3A_1733 = arith.constant 0 : i32
      %jit3A_1734 = arith.constant 255 : i32
      %max3A_1735 = vector.broadcast %jit3A_1733 : i32 to vector<16xi32>
      %max3A_1736 = arith.maxsi %max3A_1735, %add3A_1732 : vector<16xi32>
      %min3A_1737 = vector.broadcast %jit3A_1734 : i32 to vector<16xi32>
      %min3A_1738 = arith.minsi %min3A_1737, %max3A_1736 : vector<16xi32>
      tpu.vector_store_idx %arg15[%min3A_1738], %get3A_1727 masked %lt3A_1723 : memref<272xf32, #tpu.memory_space<vmem>>[vector<16xi32>], vector<16xf32>, vector<16xi1>
      tpu.vector_store_idx %arg16[%min3A_1738], %get3A_1731 masked %lt3A_1723 : memref<272xi32, #tpu.memory_space<vmem>>[vector<16xi32>], vector<16xi32>, vector<16xi1>
      %add3A_1739 = arith.constant 64 : i32
      %add3A_1740 = vector.broadcast %add3A_1739 : i32 to vector<16xi32>
      %add3A_1741 = arith.addi %add3A_1740, %iota3A : vector<16xi32>
      %lt3A_1742 = arith.cmpi slt, %add3A_1741, %gather3A_1662 : vector<16xi32>
      %get3A_1743 = arith.constant 2 : i32
      %get3A_1744 = arith.index_cast %get3A_1743 : i32 to index
      %get3A_1745 = arith.constant 64 : index
      %get3A_1746 = tpu.vector_load %arg17[%get3A_1744, %get3A_1745] {strides = array<i32>} : memref<16x128xf32, #tpu.memory_space<vmem>>, vector<16xf32>,
      %get3A_1747 = arith.constant 2 : i32
      %get3A_1748 = arith.index_cast %get3A_1747 : i32 to index
      %get3A_1749 = arith.constant 64 : index
      %get3A_1750 = tpu.vector_load %arg18[%get3A_1748, %get3A_1749] {strides = array<i32>} : memref<16x256xi32, #tpu.memory_space<vmem>>, vector<16xi32>,
      %add3A_1751 = arith.addi %gather3A_1652, %add3A_1741 : vector<16xi32>
      %jit3A_1752 = arith.constant 0 : i32
      %jit3A_1753 = arith.constant 255 : i32
      %max3A_1754 = vector.broadcast %jit3A_1752 : i32 to vector<16xi32>
      %max3A_1755 = arith.maxsi %max3A_1754, %add3A_1751 : vector<16xi32>
      %min3A_1756 = vector.broadcast %jit3A_1753 : i32 to vector<16xi32>
      %min3A_1757 = arith.minsi %min3A_1756, %max3A_1755 : vector<16xi32>
      tpu.vector_store_idx %arg15[%min3A_1757], %get3A_1746 masked %lt3A_1742 : memref<272xf32, #tpu.memory_space<vmem>>[vector<16xi32>], vector<16xf32>, vector<16xi1>
      tpu.vector_store_idx %arg16[%min3A_1757], %get3A_1750 masked %lt3A_1742 : memref<272xi32, #tpu.memory_space<vmem>>[vector<16xi32>], vector<16xi32>, vector<16xi1>
      %add3A_1758 = arith.constant 80 : i32
      %add3A_1759 = vector.broadcast %add3A_1758 : i32 to vector<16xi32>
      %add3A_1760 = arith.addi %add3A_1759, %iota3A : vector<16xi32>
      %lt3A_1761 = arith.cmpi slt, %add3A_1760, %gather3A_1662 : vector<16xi32>
      %get3A_1762 = arith.constant 2 : i32
      %get3A_1763 = arith.index_cast %get3A_1762 : i32 to index
      %get3A_1764 = arith.constant 80 : index
      %get3A_1765 = tpu.vector_load %arg17[%get3A_1763, %get3A_1764] {strides = array<i32>} : memref<16x128xf32, #tpu.memory_space<vmem>>, vector<16xf32>,
      %get3A_1766 = arith.constant 2 : i32
      %get3A_1767 = arith.index_cast %get3A_1766 : i32 to index
      %get3A_1768 = arith.constant 80 : index
      %get3A_1769 = tpu.vector_load %arg18[%get3A_1767, %get3A_1768] {strides = array<i32>} : memref<16x256xi32, #tpu.memory_space<vmem>>, vector<16xi32>,
      %add3A_1770 = arith.addi %gather3A_1652, %add3A_1760 : vector<16xi32>
      %jit3A_1771 = arith.constant 0 : i32
      %jit3A_1772 = arith.constant 255 : i32
      %max3A_1773 = vector.broadcast %jit3A_1771 : i32 to vector<16xi32>
      %max3A_1774 = arith.maxsi %max3A_1773, %add3A_1770 : vector<16xi32>
      %min3A_1775 = vector.broadcast %jit3A_1772 : i32 to vector<16xi32>
      %min3A_1776 = arith.minsi %min3A_1775, %max3A_1774 : vector<16xi32>
      tpu.vector_store_idx %arg15[%min3A_1776], %get3A_1765 masked %lt3A_1761 : memref<272xf32, #tpu.memory_space<vmem>>[vector<16xi32>], vector<16xf32>, vector<16xi1>
      tpu.vector_store_idx %arg16[%min3A_1776], %get3A_1769 masked %lt3A_1761 : memref<272xi32, #tpu.memory_space<vmem>>[vector<16xi32>], vector<16xi32>, vector<16xi1>
      %add3A_1777 = arith.constant 96 : i32
      %add3A_1778 = vector.broadcast %add3A_1777 : i32 to vector<16xi32>
      %add3A_1779 = arith.addi %add3A_1778, %iota3A : vector<16xi32>
      %lt3A_1780 = arith.cmpi slt, %add3A_1779, %gather3A_1662 : vector<16xi32>
      %get3A_1781 = arith.constant 2 : i32
      %get3A_1782 = arith.index_cast %get3A_1781 : i32 to index
      %get3A_1783 = arith.constant 96 : index
      %get3A_1784 = tpu.vector_load %arg17[%get3A_1782, %get3A_1783] {strides = array<i32>} : memref<16x128xf32, #tpu.memory_space<vmem>>, vector<16xf32>,
      %get3A_1785 = arith.constant 2 : i32
      %get3A_1786 = arith.index_cast %get3A_1785 : i32 to index
      %get3A_1787 = arith.constant 96 : index
      %get3A_1788 = tpu.vector_load %arg18[%get3A_1786, %get3A_1787] {strides = array<i32>} : memref<16x256xi32, #tpu.memory_space<vmem>>, vector<16xi32>,
      %add3A_1789 = arith.addi %gather3A_1652, %add3A_1779 : vector<16xi32>
      %jit3A_1790 = arith.constant 0 : i32
      %jit3A_1791 = arith.constant 255 : i32
      %max3A_1792 = vector.broadcast %jit3A_1790 : i32 to vector<16xi32>
      %max3A_1793 = arith.maxsi %max3A_1792, %add3A_1789 : vector<16xi32>
      %min3A_1794 = vector.broadcast %jit3A_1791 : i32 to vector<16xi32>
      %min3A_1795 = arith.minsi %min3A_1794, %max3A_1793 : vector<16xi32>
      tpu.vector_store_idx %arg15[%min3A_1795], %get3A_1784 masked %lt3A_1780 : memref<272xf32, #tpu.memory_space<vmem>>[vector<16xi32>], vector<16xf32>, vector<16xi1>
      tpu.vector_store_idx %arg16[%min3A_1795], %get3A_1788 masked %lt3A_1780 : memref<272xi32, #tpu.memory_space<vmem>>[vector<16xi32>], vector<16xi32>, vector<16xi1>
      %add3A_1796 = arith.constant 112 : i32
      %add3A_1797 = vector.broadcast %add3A_1796 : i32 to vector<16xi32>
      %add3A_1798 = arith.addi %add3A_1797, %iota3A : vector<16xi32>
      %lt3A_1799 = arith.cmpi slt, %add3A_1798, %gather3A_1662 : vector<16xi32>
      %get3A_1800 = arith.constant 2 : i32
      %get3A_1801 = arith.index_cast %get3A_1800 : i32 to index
      %get3A_1802 = arith.constant 112 : index
      %get3A_1803 = tpu.vector_load %arg17[%get3A_1801, %get3A_1802] {strides = array<i32>} : memref<16x128xf32, #tpu.memory_space<vmem>>, vector<16xf32>,
      %get3A_1804 = arith.constant 2 : i32
      %get3A_1805 = arith.index_cast %get3A_1804 : i32 to index
      %get3A_1806 = arith.constant 112 : index
      %get3A_1807 = tpu.vector_load %arg18[%get3A_1805, %get3A_1806] {strides = array<i32>} : memref<16x256xi32, #tpu.memory_space<vmem>>, vector<16xi32>,
      %add3A_1808 = arith.addi %gather3A_1652, %add3A_1798 : vector<16xi32>
      %jit3A_1809 = arith.constant 0 : i32
      %jit3A_1810 = arith.constant 255 : i32
      %max3A_1811 = vector.broadcast %jit3A_1809 : i32 to vector<16xi32>
      %max3A_1812 = arith.maxsi %max3A_1811, %add3A_1808 : vector<16xi32>
      %min3A_1813 = vector.broadcast %jit3A_1810 : i32 to vector<16xi32>
      %min3A_1814 = arith.minsi %min3A_1813, %max3A_1812 : vector<16xi32>
      tpu.vector_store_idx %arg15[%min3A_1814], %get3A_1803 masked %lt3A_1799 : memref<272xf32, #tpu.memory_space<vmem>>[vector<16xi32>], vector<16xf32>, vector<16xi1>
      tpu.vector_store_idx %arg16[%min3A_1814], %get3A_1807 masked %lt3A_1799 : memref<272xi32, #tpu.memory_space<vmem>>[vector<16xi32>], vector<16xi32>, vector<16xi1>
      %broadcast_in_dim3A_1815 = arith.constant 3 : i32
      %broadcast_in_dim3A_1816 = vector.broadcast %broadcast_in_dim3A_1815 : i32 to vector<16xi32>
      %lt3A_1817 = arith.constant 0 : i32
      %lt3A_1818 = vector.broadcast %lt3A_1817 : i32 to vector<16xi32>
      %lt3A_1819 = arith.cmpi slt, %broadcast_in_dim3A_1816, %lt3A_1818 : vector<16xi32>
      %add3A_1820 = arith.constant 16 : i32
      %add3A_1821 = vector.broadcast %add3A_1820 : i32 to vector<16xi32>
      %add3A_1822 = arith.addi %broadcast_in_dim3A_1816, %add3A_1821 : vector<16xi32>
      %select_n3A_1823 = arith.select %lt3A_1819, %add3A_1822, %broadcast_in_dim3A_1816 : vector<16xi1>, vector<16xi32>
      %broadcast_in_dim3A_1824 = vector.shape_cast %select_n3A_1823 : vector<16xi32> to vector<16x1xi32>
      %gather3A_1825 = vector.shape_cast %broadcast_in_dim3A_1824 : vector<16x1xi32> to vector<16xi32>
      %gather3A_1826 = tpu.dynamic_gather %sub3A[%gather3A_1825] in [0] : vector<16xi32>, vector<16xi32> -> vector<16xi32>
      %lt3A_1827 = arith.constant 0 : i32
      %lt3A_1828 = vector.broadcast %lt3A_1827 : i32 to vector<16xi32>
      %lt3A_1829 = arith.cmpi slt, %broadcast_in_dim3A_1816, %lt3A_1828 : vector<16xi32>
      %add3A_1830 = arith.constant 16 : i32
      %add3A_1831 = vector.broadcast %add3A_1830 : i32 to vector<16xi32>
      %add3A_1832 = arith.addi %broadcast_in_dim3A_1816, %add3A_1831 : vector<16xi32>
      %select_n3A_1833 = arith.select %lt3A_1829, %add3A_1832, %broadcast_in_dim3A_1816 : vector<16xi1>, vector<16xi32>
      %broadcast_in_dim3A_1834 = vector.shape_cast %select_n3A_1833 : vector<16xi32> to vector<16x1xi32>
      %gather3A_1835 = vector.shape_cast %broadcast_in_dim3A_1834 : vector<16x1xi32> to vector<16xi32>
      %gather3A_1836 = tpu.dynamic_gather %select_n3A_1286[%gather3A_1835] in [0] : vector<16xi32>, vector<16xi32> -> vector<16xi32>
      %add3A_1837 = arith.constant 0 : i32
      %add3A_1838 = vector.broadcast %add3A_1837 : i32 to vector<16xi32>
      %add3A_1839 = arith.addi %add3A_1838, %iota3A : vector<16xi32>
      %lt3A_1840 = arith.cmpi slt, %add3A_1839, %gather3A_1836 : vector<16xi32>
      %get3A_1841 = arith.constant 3 : i32
      %get3A_1842 = arith.index_cast %get3A_1841 : i32 to index
      %get3A_1843 = arith.constant 0 : index
      %get3A_1844 = tpu.vector_load %arg17[%get3A_1842, %get3A_1843] {strides = array<i32>} : memref<16x128xf32, #tpu.memory_space<vmem>>, vector<16xf32>,
      %get3A_1845 = arith.constant 3 : i32
      %get3A_1846 = arith.index_cast %get3A_1845 : i32 to index
      %get3A_1847 = arith.constant 0 : index
      %get3A_1848 = tpu.vector_load %arg18[%get3A_1846, %get3A_1847] {strides = array<i32>} : memref<16x256xi32, #tpu.memory_space<vmem>>, vector<16xi32>,
      %add3A_1849 = arith.addi %gather3A_1826, %add3A_1839 : vector<16xi32>
      %jit3A_1850 = arith.constant 0 : i32
      %jit3A_1851 = arith.constant 255 : i32
      %max3A_1852 = vector.broadcast %jit3A_1850 : i32 to vector<16xi32>
      %max3A_1853 = arith.maxsi %max3A_1852, %add3A_1849 : vector<16xi32>
      %min3A_1854 = vector.broadcast %jit3A_1851 : i32 to vector<16xi32>
      %min3A_1855 = arith.minsi %min3A_1854, %max3A_1853 : vector<16xi32>
      tpu.vector_store_idx %arg15[%min3A_1855], %get3A_1844 masked %lt3A_1840 : memref<272xf32, #tpu.memory_space<vmem>>[vector<16xi32>], vector<16xf32>, vector<16xi1>
      tpu.vector_store_idx %arg16[%min3A_1855], %get3A_1848 masked %lt3A_1840 : memref<272xi32, #tpu.memory_space<vmem>>[vector<16xi32>], vector<16xi32>, vector<16xi1>
      %add3A_1856 = arith.constant 16 : i32
      %add3A_1857 = vector.broadcast %add3A_1856 : i32 to vector<16xi32>
      %add3A_1858 = arith.addi %add3A_1857, %iota3A : vector<16xi32>
      %lt3A_1859 = arith.cmpi slt, %add3A_1858, %gather3A_1836 : vector<16xi32>
      %get3A_1860 = arith.constant 3 : i32
      %get3A_1861 = arith.index_cast %get3A_1860 : i32 to index
      %get3A_1862 = arith.constant 16 : index
      %get3A_1863 = tpu.vector_load %arg17[%get3A_1861, %get3A_1862] {strides = array<i32>} : memref<16x128xf32, #tpu.memory_space<vmem>>, vector<16xf32>,
      %get3A_1864 = arith.constant 3 : i32
      %get3A_1865 = arith.index_cast %get3A_1864 : i32 to index
      %get3A_1866 = arith.constant 16 : index
      %get3A_1867 = tpu.vector_load %arg18[%get3A_1865, %get3A_1866] {strides = array<i32>} : memref<16x256xi32, #tpu.memory_space<vmem>>, vector<16xi32>,
      %add3A_1868 = arith.addi %gather3A_1826, %add3A_1858 : vector<16xi32>
      %jit3A_1869 = arith.constant 0 : i32
      %jit3A_1870 = arith.constant 255 : i32
      %max3A_1871 = vector.broadcast %jit3A_1869 : i32 to vector<16xi32>
      %max3A_1872 = arith.maxsi %max3A_1871, %add3A_1868 : vector<16xi32>
      %min3A_1873 = vector.broadcast %jit3A_1870 : i32 to vector<16xi32>
      %min3A_1874 = arith.minsi %min3A_1873, %max3A_1872 : vector<16xi32>
      tpu.vector_store_idx %arg15[%min3A_1874], %get3A_1863 masked %lt3A_1859 : memref<272xf32, #tpu.memory_space<vmem>>[vector<16xi32>], vector<16xf32>, vector<16xi1>
      tpu.vector_store_idx %arg16[%min3A_1874], %get3A_1867 masked %lt3A_1859 : memref<272xi32, #tpu.memory_space<vmem>>[vector<16xi32>], vector<16xi32>, vector<16xi1>
      %add3A_1875 = arith.constant 32 : i32
      %add3A_1876 = vector.broadcast %add3A_1875 : i32 to vector<16xi32>
      %add3A_1877 = arith.addi %add3A_1876, %iota3A : vector<16xi32>
      %lt3A_1878 = arith.cmpi slt, %add3A_1877, %gather3A_1836 : vector<16xi32>
      %get3A_1879 = arith.constant 3 : i32
      %get3A_1880 = arith.index_cast %get3A_1879 : i32 to index
      %get3A_1881 = arith.constant 32 : index
      %get3A_1882 = tpu.vector_load %arg17[%get3A_1880, %get3A_1881] {strides = array<i32>} : memref<16x128xf32, #tpu.memory_space<vmem>>, vector<16xf32>,
      %get3A_1883 = arith.constant 3 : i32
      %get3A_1884 = arith.index_cast %get3A_1883 : i32 to index
      %get3A_1885 = arith.constant 32 : index
      %get3A_1886 = tpu.vector_load %arg18[%get3A_1884, %get3A_1885] {strides = array<i32>} : memref<16x256xi32, #tpu.memory_space<vmem>>, vector<16xi32>,
      %add3A_1887 = arith.addi %gather3A_1826, %add3A_1877 : vector<16xi32>
      %jit3A_1888 = arith.constant 0 : i32
      %jit3A_1889 = arith.constant 255 : i32
      %max3A_1890 = vector.broadcast %jit3A_1888 : i32 to vector<16xi32>
      %max3A_1891 = arith.maxsi %max3A_1890, %add3A_1887 : vector<16xi32>
      %min3A_1892 = vector.broadcast %jit3A_1889 : i32 to vector<16xi32>
      %min3A_1893 = arith.minsi %min3A_1892, %max3A_1891 : vector<16xi32>
      tpu.vector_store_idx %arg15[%min3A_1893], %get3A_1882 masked %lt3A_1878 : memref<272xf32, #tpu.memory_space<vmem>>[vector<16xi32>], vector<16xf32>, vector<16xi1>
      tpu.vector_store_idx %arg16[%min3A_1893], %get3A_1886 masked %lt3A_1878 : memref<272xi32, #tpu.memory_space<vmem>>[vector<16xi32>], vector<16xi32>, vector<16xi1>
      %add3A_1894 = arith.constant 48 : i32
      %add3A_1895 = vector.broadcast %add3A_1894 : i32 to vector<16xi32>
      %add3A_1896 = arith.addi %add3A_1895, %iota3A : vector<16xi32>
      %lt3A_1897 = arith.cmpi slt, %add3A_1896, %gather3A_1836 : vector<16xi32>
      %get3A_1898 = arith.constant 3 : i32
      %get3A_1899 = arith.index_cast %get3A_1898 : i32 to index
      %get3A_1900 = arith.constant 48 : index
      %get3A_1901 = tpu.vector_load %arg17[%get3A_1899, %get3A_1900] {strides = array<i32>} : memref<16x128xf32, #tpu.memory_space<vmem>>, vector<16xf32>,
      %get3A_1902 = arith.constant 3 : i32
      %get3A_1903 = arith.index_cast %get3A_1902 : i32 to index
      %get3A_1904 = arith.constant 48 : index
      %get3A_1905 = tpu.vector_load %arg18[%get3A_1903, %get3A_1904] {strides = array<i32>} : memref<16x256xi32, #tpu.memory_space<vmem>>, vector<16xi32>,
      %add3A_1906 = arith.addi %gather3A_1826, %add3A_1896 : vector<16xi32>
      %jit3A_1907 = arith.constant 0 : i32
      %jit3A_1908 = arith.constant 255 : i32
      %max3A_1909 = vector.broadcast %jit3A_1907 : i32 to vector<16xi32>
      %max3A_1910 = arith.maxsi %max3A_1909, %add3A_1906 : vector<16xi32>
      %min3A_1911 = vector.broadcast %jit3A_1908 : i32 to vector<16xi32>
      %min3A_1912 = arith.minsi %min3A_1911, %max3A_1910 : vector<16xi32>
      tpu.vector_store_idx %arg15[%min3A_1912], %get3A_1901 masked %lt3A_1897 : memref<272xf32, #tpu.memory_space<vmem>>[vector<16xi32>], vector<16xf32>, vector<16xi1>
      tpu.vector_store_idx %arg16[%min3A_1912], %get3A_1905 masked %lt3A_1897 : memref<272xi32, #tpu.memory_space<vmem>>[vector<16xi32>], vector<16xi32>, vector<16xi1>
      %add3A_1913 = arith.constant 64 : i32
      %add3A_1914 = vector.broadcast %add3A_1913 : i32 to vector<16xi32>
      %add3A_1915 = arith.addi %add3A_1914, %iota3A : vector<16xi32>
      %lt3A_1916 = arith.cmpi slt, %add3A_1915, %gather3A_1836 : vector<16xi32>
      %get3A_1917 = arith.constant 3 : i32
      %get3A_1918 = arith.index_cast %get3A_1917 : i32 to index
      %get3A_1919 = arith.constant 64 : index
      %get3A_1920 = tpu.vector_load %arg17[%get3A_1918, %get3A_1919] {strides = array<i32>} : memref<16x128xf32, #tpu.memory_space<vmem>>, vector<16xf32>,
      %get3A_1921 = arith.constant 3 : i32
      %get3A_1922 = arith.index_cast %get3A_1921 : i32 to index
      %get3A_1923 = arith.constant 64 : index
      %get3A_1924 = tpu.vector_load %arg18[%get3A_1922, %get3A_1923] {strides = array<i32>} : memref<16x256xi32, #tpu.memory_space<vmem>>, vector<16xi32>,
      %add3A_1925 = arith.addi %gather3A_1826, %add3A_1915 : vector<16xi32>
      %jit3A_1926 = arith.constant 0 : i32
      %jit3A_1927 = arith.constant 255 : i32
      %max3A_1928 = vector.broadcast %jit3A_1926 : i32 to vector<16xi32>
      %max3A_1929 = arith.maxsi %max3A_1928, %add3A_1925 : vector<16xi32>
      %min3A_1930 = vector.broadcast %jit3A_1927 : i32 to vector<16xi32>
      %min3A_1931 = arith.minsi %min3A_1930, %max3A_1929 : vector<16xi32>
      tpu.vector_store_idx %arg15[%min3A_1931], %get3A_1920 masked %lt3A_1916 : memref<272xf32, #tpu.memory_space<vmem>>[vector<16xi32>], vector<16xf32>, vector<16xi1>
      tpu.vector_store_idx %arg16[%min3A_1931], %get3A_1924 masked %lt3A_1916 : memref<272xi32, #tpu.memory_space<vmem>>[vector<16xi32>], vector<16xi32>, vector<16xi1>
      %add3A_1932 = arith.constant 80 : i32
      %add3A_1933 = vector.broadcast %add3A_1932 : i32 to vector<16xi32>
      %add3A_1934 = arith.addi %add3A_1933, %iota3A : vector<16xi32>
      %lt3A_1935 = arith.cmpi slt, %add3A_1934, %gather3A_1836 : vector<16xi32>
      %get3A_1936 = arith.constant 3 : i32
      %get3A_1937 = arith.index_cast %get3A_1936 : i32 to index
      %get3A_1938 = arith.constant 80 : index
      %get3A_1939 = tpu.vector_load %arg17[%get3A_1937, %get3A_1938] {strides = array<i32>} : memref<16x128xf32, #tpu.memory_space<vmem>>, vector<16xf32>,
      %get3A_1940 = arith.constant 3 : i32
      %get3A_1941 = arith.index_cast %get3A_1940 : i32 to index
      %get3A_1942 = arith.constant 80 : index
      %get3A_1943 = tpu.vector_load %arg18[%get3A_1941, %get3A_1942] {strides = array<i32>} : memref<16x256xi32, #tpu.memory_space<vmem>>, vector<16xi32>,
      %add3A_1944 = arith.addi %gather3A_1826, %add3A_1934 : vector<16xi32>
      %jit3A_1945 = arith.constant 0 : i32
      %jit3A_1946 = arith.constant 255 : i32
      %max3A_1947 = vector.broadcast %jit3A_1945 : i32 to vector<16xi32>
      %max3A_1948 = arith.maxsi %max3A_1947, %add3A_1944 : vector<16xi32>
      %min3A_1949 = vector.broadcast %jit3A_1946 : i32 to vector<16xi32>
      %min3A_1950 = arith.minsi %min3A_1949, %max3A_1948 : vector<16xi32>
      tpu.vector_store_idx %arg15[%min3A_1950], %get3A_1939 masked %lt3A_1935 : memref<272xf32, #tpu.memory_space<vmem>>[vector<16xi32>], vector<16xf32>, vector<16xi1>
      tpu.vector_store_idx %arg16[%min3A_1950], %get3A_1943 masked %lt3A_1935 : memref<272xi32, #tpu.memory_space<vmem>>[vector<16xi32>], vector<16xi32>, vector<16xi1>
      %add3A_1951 = arith.constant 96 : i32
      %add3A_1952 = vector.broadcast %add3A_1951 : i32 to vector<16xi32>
      %add3A_1953 = arith.addi %add3A_1952, %iota3A : vector<16xi32>
      %lt3A_1954 = arith.cmpi slt, %add3A_1953, %gather3A_1836 : vector<16xi32>
      %get3A_1955 = arith.constant 3 : i32
      %get3A_1956 = arith.index_cast %get3A_1955 : i32 to index
      %get3A_1957 = arith.constant 96 : index
      %get3A_1958 = tpu.vector_load %arg17[%get3A_1956, %get3A_1957] {strides = array<i32>} : memref<16x128xf32, #tpu.memory_space<vmem>>, vector<16xf32>,
      %get3A_1959 = arith.constant 3 : i32
      %get3A_1960 = arith.index_cast %get3A_1959 : i32 to index
      %get3A_1961 = arith.constant 96 : index
      %get3A_1962 = tpu.vector_load %arg18[%get3A_1960, %get3A_1961] {strides = array<i32>} : memref<16x256xi32, #tpu.memory_space<vmem>>, vector<16xi32>,
      %add3A_1963 = arith.addi %gather3A_1826, %add3A_1953 : vector<16xi32>
      %jit3A_1964 = arith.constant 0 : i32
      %jit3A_1965 = arith.constant 255 : i32
      %max3A_1966 = vector.broadcast %jit3A_1964 : i32 to vector<16xi32>
      %max3A_1967 = arith.maxsi %max3A_1966, %add3A_1963 : vector<16xi32>
      %min3A_1968 = vector.broadcast %jit3A_1965 : i32 to vector<16xi32>
      %min3A_1969 = arith.minsi %min3A_1968, %max3A_1967 : vector<16xi32>
      tpu.vector_store_idx %arg15[%min3A_1969], %get3A_1958 masked %lt3A_1954 : memref<272xf32, #tpu.memory_space<vmem>>[vector<16xi32>], vector<16xf32>, vector<16xi1>
      tpu.vector_store_idx %arg16[%min3A_1969], %get3A_1962 masked %lt3A_1954 : memref<272xi32, #tpu.memory_space<vmem>>[vector<16xi32>], vector<16xi32>, vector<16xi1>
      %add3A_1970 = arith.constant 112 : i32
      %add3A_1971 = vector.broadcast %add3A_1970 : i32 to vector<16xi32>
      %add3A_1972 = arith.addi %add3A_1971, %iota3A : vector<16xi32>
      %lt3A_1973 = arith.cmpi slt, %add3A_1972, %gather3A_1836 : vector<16xi32>
      %get3A_1974 = arith.constant 3 : i32
      %get3A_1975 = arith.index_cast %get3A_1974 : i32 to index
      %get3A_1976 = arith.constant 112 : index
      %get3A_1977 = tpu.vector_load %arg17[%get3A_1975, %get3A_1976] {strides = array<i32>} : memref<16x128xf32, #tpu.memory_space<vmem>>, vector<16xf32>,
      %get3A_1978 = arith.constant 3 : i32
      %get3A_1979 = arith.index_cast %get3A_1978 : i32 to index
      %get3A_1980 = arith.constant 112 : index
      %get3A_1981 = tpu.vector_load %arg18[%get3A_1979, %get3A_1980] {strides = array<i32>} : memref<16x256xi32, #tpu.memory_space<vmem>>, vector<16xi32>,
      %add3A_1982 = arith.addi %gather3A_1826, %add3A_1972 : vector<16xi32>
      %jit3A_1983 = arith.constant 0 : i32
      %jit3A_1984 = arith.constant 255 : i32
      %max3A_1985 = vector.broadcast %jit3A_1983 : i32 to vector<16xi32>
      %max3A_1986 = arith.maxsi %max3A_1985, %add3A_1982 : vector<16xi32>
      %min3A_1987 = vector.broadcast %jit3A_1984 : i32 to vector<16xi32>
      %min3A_1988 = arith.minsi %min3A_1987, %max3A_1986 : vector<16xi32>
      tpu.vector_store_idx %arg15[%min3A_1988], %get3A_1977 masked %lt3A_1973 : memref<272xf32, #tpu.memory_space<vmem>>[vector<16xi32>], vector<16xf32>, vector<16xi1>
      tpu.vector_store_idx %arg16[%min3A_1988], %get3A_1981 masked %lt3A_1973 : memref<272xi32, #tpu.memory_space<vmem>>[vector<16xi32>], vector<16xi32>, vector<16xi1>
      %broadcast_in_dim3A_1989 = arith.constant 4 : i32
      %broadcast_in_dim3A_1990 = vector.broadcast %broadcast_in_dim3A_1989 : i32 to vector<16xi32>
      %lt3A_1991 = arith.constant 0 : i32
      %lt3A_1992 = vector.broadcast %lt3A_1991 : i32 to vector<16xi32>
      %lt3A_1993 = arith.cmpi slt, %broadcast_in_dim3A_1990, %lt3A_1992 : vector<16xi32>
      %add3A_1994 = arith.constant 16 : i32
      %add3A_1995 = vector.broadcast %add3A_1994 : i32 to vector<16xi32>
      %add3A_1996 = arith.addi %broadcast_in_dim3A_1990, %add3A_1995 : vector<16xi32>
      %select_n3A_1997 = arith.select %lt3A_1993, %add3A_1996, %broadcast_in_dim3A_1990 : vector<16xi1>, vector<16xi32>
      %broadcast_in_dim3A_1998 = vector.shape_cast %select_n3A_1997 : vector<16xi32> to vector<16x1xi32>
      %gather3A_1999 = vector.shape_cast %broadcast_in_dim3A_1998 : vector<16x1xi32> to vector<16xi32>
      %gather3A_2000 = tpu.dynamic_gather %sub3A[%gather3A_1999] in [0] : vector<16xi32>, vector<16xi32> -> vector<16xi32>
      %lt3A_2001 = arith.constant 0 : i32
      %lt3A_2002 = vector.broadcast %lt3A_2001 : i32 to vector<16xi32>
      %lt3A_2003 = arith.cmpi slt, %broadcast_in_dim3A_1990, %lt3A_2002 : vector<16xi32>
      %add3A_2004 = arith.constant 16 : i32
      %add3A_2005 = vector.broadcast %add3A_2004 : i32 to vector<16xi32>
      %add3A_2006 = arith.addi %broadcast_in_dim3A_1990, %add3A_2005 : vector<16xi32>
      %select_n3A_2007 = arith.select %lt3A_2003, %add3A_2006, %broadcast_in_dim3A_1990 : vector<16xi1>, vector<16xi32>
      %broadcast_in_dim3A_2008 = vector.shape_cast %select_n3A_2007 : vector<16xi32> to vector<16x1xi32>
      %gather3A_2009 = vector.shape_cast %broadcast_in_dim3A_2008 : vector<16x1xi32> to vector<16xi32>
      %gather3A_2010 = tpu.dynamic_gather %select_n3A_1286[%gather3A_2009] in [0] : vector<16xi32>, vector<16xi32> -> vector<16xi32>
      %add3A_2011 = arith.constant 0 : i32
      %add3A_2012 = vector.broadcast %add3A_2011 : i32 to vector<16xi32>
      %add3A_2013 = arith.addi %add3A_2012, %iota3A : vector<16xi32>
      %lt3A_2014 = arith.cmpi slt, %add3A_2013, %gather3A_2010 : vector<16xi32>
      %get3A_2015 = arith.constant 4 : i32
      %get3A_2016 = arith.index_cast %get3A_2015 : i32 to index
      %get3A_2017 = arith.constant 0 : index
      %get3A_2018 = tpu.vector_load %arg17[%get3A_2016, %get3A_2017] {strides = array<i32>} : memref<16x128xf32, #tpu.memory_space<vmem>>, vector<16xf32>,
      %get3A_2019 = arith.constant 4 : i32
      %get3A_2020 = arith.index_cast %get3A_2019 : i32 to index
      %get3A_2021 = arith.constant 0 : index
      %get3A_2022 = tpu.vector_load %arg18[%get3A_2020, %get3A_2021] {strides = array<i32>} : memref<16x256xi32, #tpu.memory_space<vmem>>, vector<16xi32>,
      %add3A_2023 = arith.addi %gather3A_2000, %add3A_2013 : vector<16xi32>
      %jit3A_2024 = arith.constant 0 : i32
      %jit3A_2025 = arith.constant 255 : i32
      %max3A_2026 = vector.broadcast %jit3A_2024 : i32 to vector<16xi32>
      %max3A_2027 = arith.maxsi %max3A_2026, %add3A_2023 : vector<16xi32>
      %min3A_2028 = vector.broadcast %jit3A_2025 : i32 to vector<16xi32>
      %min3A_2029 = arith.minsi %min3A_2028, %max3A_2027 : vector<16xi32>
      tpu.vector_store_idx %arg15[%min3A_2029], %get3A_2018 masked %lt3A_2014 : memref<272xf32, #tpu.memory_space<vmem>>[vector<16xi32>], vector<16xf32>, vector<16xi1>
      tpu.vector_store_idx %arg16[%min3A_2029], %get3A_2022 masked %lt3A_2014 : memref<272xi32, #tpu.memory_space<vmem>>[vector<16xi32>], vector<16xi32>, vector<16xi1>
      %add3A_2030 = arith.constant 16 : i32
      %add3A_2031 = vector.broadcast %add3A_2030 : i32 to vector<16xi32>
      %add3A_2032 = arith.addi %add3A_2031, %iota3A : vector<16xi32>
      %lt3A_2033 = arith.cmpi slt, %add3A_2032, %gather3A_2010 : vector<16xi32>
      %get3A_2034 = arith.constant 4 : i32
      %get3A_2035 = arith.index_cast %get3A_2034 : i32 to index
      %get3A_2036 = arith.constant 16 : index
      %get3A_2037 = tpu.vector_load %arg17[%get3A_2035, %get3A_2036] {strides = array<i32>} : memref<16x128xf32, #tpu.memory_space<vmem>>, vector<16xf32>,
      %get3A_2038 = arith.constant 4 : i32
      %get3A_2039 = arith.index_cast %get3A_2038 : i32 to index
      %get3A_2040 = arith.constant 16 : index
      %get3A_2041 = tpu.vector_load %arg18[%get3A_2039, %get3A_2040] {strides = array<i32>} : memref<16x256xi32, #tpu.memory_space<vmem>>, vector<16xi32>,
      %add3A_2042 = arith.addi %gather3A_2000, %add3A_2032 : vector<16xi32>
      %jit3A_2043 = arith.constant 0 : i32
      %jit3A_2044 = arith.constant 255 : i32
      %max3A_2045 = vector.broadcast %jit3A_2043 : i32 to vector<16xi32>
      %max3A_2046 = arith.maxsi %max3A_2045, %add3A_2042 : vector<16xi32>
      %min3A_2047 = vector.broadcast %jit3A_2044 : i32 to vector<16xi32>
      %min3A_2048 = arith.minsi %min3A_2047, %max3A_2046 : vector<16xi32>
      tpu.vector_store_idx %arg15[%min3A_2048], %get3A_2037 masked %lt3A_2033 : memref<272xf32, #tpu.memory_space<vmem>>[vector<16xi32>], vector<16xf32>, vector<16xi1>
      tpu.vector_store_idx %arg16[%min3A_2048], %get3A_2041 masked %lt3A_2033 : memref<272xi32, #tpu.memory_space<vmem>>[vector<16xi32>], vector<16xi32>, vector<16xi1>
      %add3A_2049 = arith.constant 32 : i32
      %add3A_2050 = vector.broadcast %add3A_2049 : i32 to vector<16xi32>
      %add3A_2051 = arith.addi %add3A_2050, %iota3A : vector<16xi32>
      %lt3A_2052 = arith.cmpi slt, %add3A_2051, %gather3A_2010 : vector<16xi32>
      %get3A_2053 = arith.constant 4 : i32
      %get3A_2054 = arith.index_cast %get3A_2053 : i32 to index
      %get3A_2055 = arith.constant 32 : index
      %get3A_2056 = tpu.vector_load %arg17[%get3A_2054, %get3A_2055] {strides = array<i32>} : memref<16x128xf32, #tpu.memory_space<vmem>>, vector<16xf32>,
      %get3A_2057 = arith.constant 4 : i32
      %get3A_2058 = arith.index_cast %get3A_2057 : i32 to index
      %get3A_2059 = arith.constant 32 : index
      %get3A_2060 = tpu.vector_load %arg18[%get3A_2058, %get3A_2059] {strides = array<i32>} : memref<16x256xi32, #tpu.memory_space<vmem>>, vector<16xi32>,
      %add3A_2061 = arith.addi %gather3A_2000, %add3A_2051 : vector<16xi32>
      %jit3A_2062 = arith.constant 0 : i32
      %jit3A_2063 = arith.constant 255 : i32
      %max3A_2064 = vector.broadcast %jit3A_2062 : i32 to vector<16xi32>
      %max3A_2065 = arith.maxsi %max3A_2064, %add3A_2061 : vector<16xi32>
      %min3A_2066 = vector.broadcast %jit3A_2063 : i32 to vector<16xi32>
      %min3A_2067 = arith.minsi %min3A_2066, %max3A_2065 : vector<16xi32>
      tpu.vector_store_idx %arg15[%min3A_2067], %get3A_2056 masked %lt3A_2052 : memref<272xf32, #tpu.memory_space<vmem>>[vector<16xi32>], vector<16xf32>, vector<16xi1>
      tpu.vector_store_idx %arg16[%min3A_2067], %get3A_2060 masked %lt3A_2052 : memref<272xi32, #tpu.memory_space<vmem>>[vector<16xi32>], vector<16xi32>, vector<16xi1>
      %add3A_2068 = arith.constant 48 : i32
      %add3A_2069 = vector.broadcast %add3A_2068 : i32 to vector<16xi32>
      %add3A_2070 = arith.addi %add3A_2069, %iota3A : vector<16xi32>
      %lt3A_2071 = arith.cmpi slt, %add3A_2070, %gather3A_2010 : vector<16xi32>
      %get3A_2072 = arith.constant 4 : i32
      %get3A_2073 = arith.index_cast %get3A_2072 : i32 to index
      %get3A_2074 = arith.constant 48 : index
      %get3A_2075 = tpu.vector_load %arg17[%get3A_2073, %get3A_2074] {strides = array<i32>} : memref<16x128xf32, #tpu.memory_space<vmem>>, vector<16xf32>,
      %get3A_2076 = arith.constant 4 : i32
      %get3A_2077 = arith.index_cast %get3A_2076 : i32 to index
      %get3A_2078 = arith.constant 48 : index
      %get3A_2079 = tpu.vector_load %arg18[%get3A_2077, %get3A_2078] {strides = array<i32>} : memref<16x256xi32, #tpu.memory_space<vmem>>, vector<16xi32>,
      %add3A_2080 = arith.addi %gather3A_2000, %add3A_2070 : vector<16xi32>
      %jit3A_2081 = arith.constant 0 : i32
      %jit3A_2082 = arith.constant 255 : i32
      %max3A_2083 = vector.broadcast %jit3A_2081 : i32 to vector<16xi32>
      %max3A_2084 = arith.maxsi %max3A_2083, %add3A_2080 : vector<16xi32>
      %min3A_2085 = vector.broadcast %jit3A_2082 : i32 to vector<16xi32>
      %min3A_2086 = arith.minsi %min3A_2085, %max3A_2084 : vector<16xi32>
      tpu.vector_store_idx %arg15[%min3A_2086], %get3A_2075 masked %lt3A_2071 : memref<272xf32, #tpu.memory_space<vmem>>[vector<16xi32>], vector<16xf32>, vector<16xi1>
      tpu.vector_store_idx %arg16[%min3A_2086], %get3A_2079 masked %lt3A_2071 : memref<272xi32, #tpu.memory_space<vmem>>[vector<16xi32>], vector<16xi32>, vector<16xi1>
      %add3A_2087 = arith.constant 64 : i32
      %add3A_2088 = vector.broadcast %add3A_2087 : i32 to vector<16xi32>
      %add3A_2089 = arith.addi %add3A_2088, %iota3A : vector<16xi32>
      %lt3A_2090 = arith.cmpi slt, %add3A_2089, %gather3A_2010 : vector<16xi32>
      %get3A_2091 = arith.constant 4 : i32
      %get3A_2092 = arith.index_cast %get3A_2091 : i32 to index
      %get3A_2093 = arith.constant 64 : index
      %get3A_2094 = tpu.vector_load %arg17[%get3A_2092, %get3A_2093] {strides = array<i32>} : memref<16x128xf32, #tpu.memory_space<vmem>>, vector<16xf32>,
      %get3A_2095 = arith.constant 4 : i32
      %get3A_2096 = arith.index_cast %get3A_2095 : i32 to index
      %get3A_2097 = arith.constant 64 : index
      %get3A_2098 = tpu.vector_load %arg18[%get3A_2096, %get3A_2097] {strides = array<i32>} : memref<16x256xi32, #tpu.memory_space<vmem>>, vector<16xi32>,
      %add3A_2099 = arith.addi %gather3A_2000, %add3A_2089 : vector<16xi32>
      %jit3A_2100 = arith.constant 0 : i32
      %jit3A_2101 = arith.constant 255 : i32
      %max3A_2102 = vector.broadcast %jit3A_2100 : i32 to vector<16xi32>
      %max3A_2103 = arith.maxsi %max3A_2102, %add3A_2099 : vector<16xi32>
      %min3A_2104 = vector.broadcast %jit3A_2101 : i32 to vector<16xi32>
      %min3A_2105 = arith.minsi %min3A_2104, %max3A_2103 : vector<16xi32>
      tpu.vector_store_idx %arg15[%min3A_2105], %get3A_2094 masked %lt3A_2090 : memref<272xf32, #tpu.memory_space<vmem>>[vector<16xi32>], vector<16xf32>, vector<16xi1>
      tpu.vector_store_idx %arg16[%min3A_2105], %get3A_2098 masked %lt3A_2090 : memref<272xi32, #tpu.memory_space<vmem>>[vector<16xi32>], vector<16xi32>, vector<16xi1>
      %add3A_2106 = arith.constant 80 : i32
      %add3A_2107 = vector.broadcast %add3A_2106 : i32 to vector<16xi32>
      %add3A_2108 = arith.addi %add3A_2107, %iota3A : vector<16xi32>
      %lt3A_2109 = arith.cmpi slt, %add3A_2108, %gather3A_2010 : vector<16xi32>
      %get3A_2110 = arith.constant 4 : i32
      %get3A_2111 = arith.index_cast %get3A_2110 : i32 to index
      %get3A_2112 = arith.constant 80 : index
      %get3A_2113 = tpu.vector_load %arg17[%get3A_2111, %get3A_2112] {strides = array<i32>} : memref<16x128xf32, #tpu.memory_space<vmem>>, vector<16xf32>,
      %get3A_2114 = arith.constant 4 : i32
      %get3A_2115 = arith.index_cast %get3A_2114 : i32 to index
      %get3A_2116 = arith.constant 80 : index
      %get3A_2117 = tpu.vector_load %arg18[%get3A_2115, %get3A_2116] {strides = array<i32>} : memref<16x256xi32, #tpu.memory_space<vmem>>, vector<16xi32>,
      %add3A_2118 = arith.addi %gather3A_2000, %add3A_2108 : vector<16xi32>
      %jit3A_2119 = arith.constant 0 : i32
      %jit3A_2120 = arith.constant 255 : i32
      %max3A_2121 = vector.broadcast %jit3A_2119 : i32 to vector<16xi32>
      %max3A_2122 = arith.maxsi %max3A_2121, %add3A_2118 : vector<16xi32>
      %min3A_2123 = vector.broadcast %jit3A_2120 : i32 to vector<16xi32>
      %min3A_2124 = arith.minsi %min3A_2123, %max3A_2122 : vector<16xi32>
      tpu.vector_store_idx %arg15[%min3A_2124], %get3A_2113 masked %lt3A_2109 : memref<272xf32, #tpu.memory_space<vmem>>[vector<16xi32>], vector<16xf32>, vector<16xi1>
      tpu.vector_store_idx %arg16[%min3A_2124], %get3A_2117 masked %lt3A_2109 : memref<272xi32, #tpu.memory_space<vmem>>[vector<16xi32>], vector<16xi32>, vector<16xi1>
      %add3A_2125 = arith.constant 96 : i32
      %add3A_2126 = vector.broadcast %add3A_2125 : i32 to vector<16xi32>
      %add3A_2127 = arith.addi %add3A_2126, %iota3A : vector<16xi32>
      %lt3A_2128 = arith.cmpi slt, %add3A_2127, %gather3A_2010 : vector<16xi32>
      %get3A_2129 = arith.constant 4 : i32
      %get3A_2130 = arith.index_cast %get3A_2129 : i32 to index
      %get3A_2131 = arith.constant 96 : index
      %get3A_2132 = tpu.vector_load %arg17[%get3A_2130, %get3A_2131] {strides = array<i32>} : memref<16x128xf32, #tpu.memory_space<vmem>>, vector<16xf32>,
      %get3A_2133 = arith.constant 4 : i32
      %get3A_2134 = arith.index_cast %get3A_2133 : i32 to index
      %get3A_2135 = arith.constant 96 : index
      %get3A_2136 = tpu.vector_load %arg18[%get3A_2134, %get3A_2135] {strides = array<i32>} : memref<16x256xi32, #tpu.memory_space<vmem>>, vector<16xi32>,
      %add3A_2137 = arith.addi %gather3A_2000, %add3A_2127 : vector<16xi32>
      %jit3A_2138 = arith.constant 0 : i32
      %jit3A_2139 = arith.constant 255 : i32
      %max3A_2140 = vector.broadcast %jit3A_2138 : i32 to vector<16xi32>
      %max3A_2141 = arith.maxsi %max3A_2140, %add3A_2137 : vector<16xi32>
      %min3A_2142 = vector.broadcast %jit3A_2139 : i32 to vector<16xi32>
      %min3A_2143 = arith.minsi %min3A_2142, %max3A_2141 : vector<16xi32>
      tpu.vector_store_idx %arg15[%min3A_2143], %get3A_2132 masked %lt3A_2128 : memref<272xf32, #tpu.memory_space<vmem>>[vector<16xi32>], vector<16xf32>, vector<16xi1>
      tpu.vector_store_idx %arg16[%min3A_2143], %get3A_2136 masked %lt3A_2128 : memref<272xi32, #tpu.memory_space<vmem>>[vector<16xi32>], vector<16xi32>, vector<16xi1>
      %add3A_2144 = arith.constant 112 : i32
      %add3A_2145 = vector.broadcast %add3A_2144 : i32 to vector<16xi32>
      %add3A_2146 = arith.addi %add3A_2145, %iota3A : vector<16xi32>
      %lt3A_2147 = arith.cmpi slt, %add3A_2146, %gather3A_2010 : vector<16xi32>
      %get3A_2148 = arith.constant 4 : i32
      %get3A_2149 = arith.index_cast %get3A_2148 : i32 to index
      %get3A_2150 = arith.constant 112 : index
      %get3A_2151 = tpu.vector_load %arg17[%get3A_2149, %get3A_2150] {strides = array<i32>} : memref<16x128xf32, #tpu.memory_space<vmem>>, vector<16xf32>,
      %get3A_2152 = arith.constant 4 : i32
      %get3A_2153 = arith.index_cast %get3A_2152 : i32 to index
      %get3A_2154 = arith.constant 112 : index
      %get3A_2155 = tpu.vector_load %arg18[%get3A_2153, %get3A_2154] {strides = array<i32>} : memref<16x256xi32, #tpu.memory_space<vmem>>, vector<16xi32>,
      %add3A_2156 = arith.addi %gather3A_2000, %add3A_2146 : vector<16xi32>
      %jit3A_2157 = arith.constant 0 : i32
      %jit3A_2158 = arith.constant 255 : i32
      %max3A_2159 = vector.broadcast %jit3A_2157 : i32 to vector<16xi32>
      %max3A_2160 = arith.maxsi %max3A_2159, %add3A_2156 : vector<16xi32>
      %min3A_2161 = vector.broadcast %jit3A_2158 : i32 to vector<16xi32>
      %min3A_2162 = arith.minsi %min3A_2161, %max3A_2160 : vector<16xi32>
      tpu.vector_store_idx %arg15[%min3A_2162], %get3A_2151 masked %lt3A_2147 : memref<272xf32, #tpu.memory_space<vmem>>[vector<16xi32>], vector<16xf32>, vector<16xi1>
      tpu.vector_store_idx %arg16[%min3A_2162], %get3A_2155 masked %lt3A_2147 : memref<272xi32, #tpu.memory_space<vmem>>[vector<16xi32>], vector<16xi32>, vector<16xi1>
      %broadcast_in_dim3A_2163 = arith.constant 5 : i32
      %broadcast_in_dim3A_2164 = vector.broadcast %broadcast_in_dim3A_2163 : i32 to vector<16xi32>
      %lt3A_2165 = arith.constant 0 : i32
      %lt3A_2166 = vector.broadcast %lt3A_2165 : i32 to vector<16xi32>
      %lt3A_2167 = arith.cmpi slt, %broadcast_in_dim3A_2164, %lt3A_2166 : vector<16xi32>
      %add3A_2168 = arith.constant 16 : i32
      %add3A_2169 = vector.broadcast %add3A_2168 : i32 to vector<16xi32>
      %add3A_2170 = arith.addi %broadcast_in_dim3A_2164, %add3A_2169 : vector<16xi32>
      %select_n3A_2171 = arith.select %lt3A_2167, %add3A_2170, %broadcast_in_dim3A_2164 : vector<16xi1>, vector<16xi32>
      %broadcast_in_dim3A_2172 = vector.shape_cast %select_n3A_2171 : vector<16xi32> to vector<16x1xi32>
      %gather3A_2173 = vector.shape_cast %broadcast_in_dim3A_2172 : vector<16x1xi32> to vector<16xi32>
      %gather3A_2174 = tpu.dynamic_gather %sub3A[%gather3A_2173] in [0] : vector<16xi32>, vector<16xi32> -> vector<16xi32>
      %lt3A_2175 = arith.constant 0 : i32
      %lt3A_2176 = vector.broadcast %lt3A_2175 : i32 to vector<16xi32>
      %lt3A_2177 = arith.cmpi slt, %broadcast_in_dim3A_2164, %lt3A_2176 : vector<16xi32>
      %add3A_2178 = arith.constant 16 : i32
      %add3A_2179 = vector.broadcast %add3A_2178 : i32 to vector<16xi32>
      %add3A_2180 = arith.addi %broadcast_in_dim3A_2164, %add3A_2179 : vector<16xi32>
      %select_n3A_2181 = arith.select %lt3A_2177, %add3A_2180, %broadcast_in_dim3A_2164 : vector<16xi1>, vector<16xi32>
      %broadcast_in_dim3A_2182 = vector.shape_cast %select_n3A_2181 : vector<16xi32> to vector<16x1xi32>
      %gather3A_2183 = vector.shape_cast %broadcast_in_dim3A_2182 : vector<16x1xi32> to vector<16xi32>
      %gather3A_2184 = tpu.dynamic_gather %select_n3A_1286[%gather3A_2183] in [0] : vector<16xi32>, vector<16xi32> -> vector<16xi32>
      %add3A_2185 = arith.constant 0 : i32
      %add3A_2186 = vector.broadcast %add3A_2185 : i32 to vector<16xi32>
      %add3A_2187 = arith.addi %add3A_2186, %iota3A : vector<16xi32>
      %lt3A_2188 = arith.cmpi slt, %add3A_2187, %gather3A_2184 : vector<16xi32>
      %get3A_2189 = arith.constant 5 : i32
      %get3A_2190 = arith.index_cast %get3A_2189 : i32 to index
      %get3A_2191 = arith.constant 0 : index
      %get3A_2192 = tpu.vector_load %arg17[%get3A_2190, %get3A_2191] {strides = array<i32>} : memref<16x128xf32, #tpu.memory_space<vmem>>, vector<16xf32>,
      %get3A_2193 = arith.constant 5 : i32
      %get3A_2194 = arith.index_cast %get3A_2193 : i32 to index
      %get3A_2195 = arith.constant 0 : index
      %get3A_2196 = tpu.vector_load %arg18[%get3A_2194, %get3A_2195] {strides = array<i32>} : memref<16x256xi32, #tpu.memory_space<vmem>>, vector<16xi32>,
      %add3A_2197 = arith.addi %gather3A_2174, %add3A_2187 : vector<16xi32>
      %jit3A_2198 = arith.constant 0 : i32
      %jit3A_2199 = arith.constant 255 : i32
      %max3A_2200 = vector.broadcast %jit3A_2198 : i32 to vector<16xi32>
      %max3A_2201 = arith.maxsi %max3A_2200, %add3A_2197 : vector<16xi32>
      %min3A_2202 = vector.broadcast %jit3A_2199 : i32 to vector<16xi32>
      %min3A_2203 = arith.minsi %min3A_2202, %max3A_2201 : vector<16xi32>
      tpu.vector_store_idx %arg15[%min3A_2203], %get3A_2192 masked %lt3A_2188 : memref<272xf32, #tpu.memory_space<vmem>>[vector<16xi32>], vector<16xf32>, vector<16xi1>
      tpu.vector_store_idx %arg16[%min3A_2203], %get3A_2196 masked %lt3A_2188 : memref<272xi32, #tpu.memory_space<vmem>>[vector<16xi32>], vector<16xi32>, vector<16xi1>
      %add3A_2204 = arith.constant 16 : i32
      %add3A_2205 = vector.broadcast %add3A_2204 : i32 to vector<16xi32>
      %add3A_2206 = arith.addi %add3A_2205, %iota3A : vector<16xi32>
      %lt3A_2207 = arith.cmpi slt, %add3A_2206, %gather3A_2184 : vector<16xi32>
      %get3A_2208 = arith.constant 5 : i32
      %get3A_2209 = arith.index_cast %get3A_2208 : i32 to index
      %get3A_2210 = arith.constant 16 : index
      %get3A_2211 = tpu.vector_load %arg17[%get3A_2209, %get3A_2210] {strides = array<i32>} : memref<16x128xf32, #tpu.memory_space<vmem>>, vector<16xf32>,
      %get3A_2212 = arith.constant 5 : i32
      %get3A_2213 = arith.index_cast %get3A_2212 : i32 to index
      %get3A_2214 = arith.constant 16 : index
      %get3A_2215 = tpu.vector_load %arg18[%get3A_2213, %get3A_2214] {strides = array<i32>} : memref<16x256xi32, #tpu.memory_space<vmem>>, vector<16xi32>,
      %add3A_2216 = arith.addi %gather3A_2174, %add3A_2206 : vector<16xi32>
      %jit3A_2217 = arith.constant 0 : i32
      %jit3A_2218 = arith.constant 255 : i32
      %max3A_2219 = vector.broadcast %jit3A_2217 : i32 to vector<16xi32>
      %max3A_2220 = arith.maxsi %max3A_2219, %add3A_2216 : vector<16xi32>
      %min3A_2221 = vector.broadcast %jit3A_2218 : i32 to vector<16xi32>
      %min3A_2222 = arith.minsi %min3A_2221, %max3A_2220 : vector<16xi32>
      tpu.vector_store_idx %arg15[%min3A_2222], %get3A_2211 masked %lt3A_2207 : memref<272xf32, #tpu.memory_space<vmem>>[vector<16xi32>], vector<16xf32>, vector<16xi1>
      tpu.vector_store_idx %arg16[%min3A_2222], %get3A_2215 masked %lt3A_2207 : memref<272xi32, #tpu.memory_space<vmem>>[vector<16xi32>], vector<16xi32>, vector<16xi1>
      %add3A_2223 = arith.constant 32 : i32
      %add3A_2224 = vector.broadcast %add3A_2223 : i32 to vector<16xi32>
      %add3A_2225 = arith.addi %add3A_2224, %iota3A : vector<16xi32>
      %lt3A_2226 = arith.cmpi slt, %add3A_2225, %gather3A_2184 : vector<16xi32>
      %get3A_2227 = arith.constant 5 : i32
      %get3A_2228 = arith.index_cast %get3A_2227 : i32 to index
      %get3A_2229 = arith.constant 32 : index
      %get3A_2230 = tpu.vector_load %arg17[%get3A_2228, %get3A_2229] {strides = array<i32>} : memref<16x128xf32, #tpu.memory_space<vmem>>, vector<16xf32>,
      %get3A_2231 = arith.constant 5 : i32
      %get3A_2232 = arith.index_cast %get3A_2231 : i32 to index
      %get3A_2233 = arith.constant 32 : index
      %get3A_2234 = tpu.vector_load %arg18[%get3A_2232, %get3A_2233] {strides = array<i32>} : memref<16x256xi32, #tpu.memory_space<vmem>>, vector<16xi32>,
      %add3A_2235 = arith.addi %gather3A_2174, %add3A_2225 : vector<16xi32>
      %jit3A_2236 = arith.constant 0 : i32
      %jit3A_2237 = arith.constant 255 : i32
      %max3A_2238 = vector.broadcast %jit3A_2236 : i32 to vector<16xi32>
      %max3A_2239 = arith.maxsi %max3A_2238, %add3A_2235 : vector<16xi32>
      %min3A_2240 = vector.broadcast %jit3A_2237 : i32 to vector<16xi32>
      %min3A_2241 = arith.minsi %min3A_2240, %max3A_2239 : vector<16xi32>
      tpu.vector_store_idx %arg15[%min3A_2241], %get3A_2230 masked %lt3A_2226 : memref<272xf32, #tpu.memory_space<vmem>>[vector<16xi32>], vector<16xf32>, vector<16xi1>
      tpu.vector_store_idx %arg16[%min3A_2241], %get3A_2234 masked %lt3A_2226 : memref<272xi32, #tpu.memory_space<vmem>>[vector<16xi32>], vector<16xi32>, vector<16xi1>
      %add3A_2242 = arith.constant 48 : i32
      %add3A_2243 = vector.broadcast %add3A_2242 : i32 to vector<16xi32>
      %add3A_2244 = arith.addi %add3A_2243, %iota3A : vector<16xi32>
      %lt3A_2245 = arith.cmpi slt, %add3A_2244, %gather3A_2184 : vector<16xi32>
      %get3A_2246 = arith.constant 5 : i32
      %get3A_2247 = arith.index_cast %get3A_2246 : i32 to index
      %get3A_2248 = arith.constant 48 : index
      %get3A_2249 = tpu.vector_load %arg17[%get3A_2247, %get3A_2248] {strides = array<i32>} : memref<16x128xf32, #tpu.memory_space<vmem>>, vector<16xf32>,
      %get3A_2250 = arith.constant 5 : i32
      %get3A_2251 = arith.index_cast %get3A_2250 : i32 to index
      %get3A_2252 = arith.constant 48 : index
      %get3A_2253 = tpu.vector_load %arg18[%get3A_2251, %get3A_2252] {strides = array<i32>} : memref<16x256xi32, #tpu.memory_space<vmem>>, vector<16xi32>,
      %add3A_2254 = arith.addi %gather3A_2174, %add3A_2244 : vector<16xi32>
      %jit3A_2255 = arith.constant 0 : i32
      %jit3A_2256 = arith.constant 255 : i32
      %max3A_2257 = vector.broadcast %jit3A_2255 : i32 to vector<16xi32>
      %max3A_2258 = arith.maxsi %max3A_2257, %add3A_2254 : vector<16xi32>
      %min3A_2259 = vector.broadcast %jit3A_2256 : i32 to vector<16xi32>
      %min3A_2260 = arith.minsi %min3A_2259, %max3A_2258 : vector<16xi32>
      tpu.vector_store_idx %arg15[%min3A_2260], %get3A_2249 masked %lt3A_2245 : memref<272xf32, #tpu.memory_space<vmem>>[vector<16xi32>], vector<16xf32>, vector<16xi1>
      tpu.vector_store_idx %arg16[%min3A_2260], %get3A_2253 masked %lt3A_2245 : memref<272xi32, #tpu.memory_space<vmem>>[vector<16xi32>], vector<16xi32>, vector<16xi1>
      %add3A_2261 = arith.constant 64 : i32
      %add3A_2262 = vector.broadcast %add3A_2261 : i32 to vector<16xi32>
      %add3A_2263 = arith.addi %add3A_2262, %iota3A : vector<16xi32>
      %lt3A_2264 = arith.cmpi slt, %add3A_2263, %gather3A_2184 : vector<16xi32>
      %get3A_2265 = arith.constant 5 : i32
      %get3A_2266 = arith.index_cast %get3A_2265 : i32 to index
      %get3A_2267 = arith.constant 64 : index
      %get3A_2268 = tpu.vector_load %arg17[%get3A_2266, %get3A_2267] {strides = array<i32>} : memref<16x128xf32, #tpu.memory_space<vmem>>, vector<16xf32>,
      %get3A_2269 = arith.constant 5 : i32
      %get3A_2270 = arith.index_cast %get3A_2269 : i32 to index
      %get3A_2271 = arith.constant 64 : index
      %get3A_2272 = tpu.vector_load %arg18[%get3A_2270, %get3A_2271] {strides = array<i32>} : memref<16x256xi32, #tpu.memory_space<vmem>>, vector<16xi32>,
      %add3A_2273 = arith.addi %gather3A_2174, %add3A_2263 : vector<16xi32>
      %jit3A_2274 = arith.constant 0 : i32
      %jit3A_2275 = arith.constant 255 : i32
      %max3A_2276 = vector.broadcast %jit3A_2274 : i32 to vector<16xi32>
      %max3A_2277 = arith.maxsi %max3A_2276, %add3A_2273 : vector<16xi32>
      %min3A_2278 = vector.broadcast %jit3A_2275 : i32 to vector<16xi32>
      %min3A_2279 = arith.minsi %min3A_2278, %max3A_2277 : vector<16xi32>
      tpu.vector_store_idx %arg15[%min3A_2279], %get3A_2268 masked %lt3A_2264 : memref<272xf32, #tpu.memory_space<vmem>>[vector<16xi32>], vector<16xf32>, vector<16xi1>
      tpu.vector_store_idx %arg16[%min3A_2279], %get3A_2272 masked %lt3A_2264 : memref<272xi32, #tpu.memory_space<vmem>>[vector<16xi32>], vector<16xi32>, vector<16xi1>
      %add3A_2280 = arith.constant 80 : i32
      %add3A_2281 = vector.broadcast %add3A_2280 : i32 to vector<16xi32>
      %add3A_2282 = arith.addi %add3A_2281, %iota3A : vector<16xi32>
      %lt3A_2283 = arith.cmpi slt, %add3A_2282, %gather3A_2184 : vector<16xi32>
      %get3A_2284 = arith.constant 5 : i32
      %get3A_2285 = arith.index_cast %get3A_2284 : i32 to index
      %get3A_2286 = arith.constant 80 : index
      %get3A_2287 = tpu.vector_load %arg17[%get3A_2285, %get3A_2286] {strides = array<i32>} : memref<16x128xf32, #tpu.memory_space<vmem>>, vector<16xf32>,
      %get3A_2288 = arith.constant 5 : i32
      %get3A_2289 = arith.index_cast %get3A_2288 : i32 to index
      %get3A_2290 = arith.constant 80 : index
      %get3A_2291 = tpu.vector_load %arg18[%get3A_2289, %get3A_2290] {strides = array<i32>} : memref<16x256xi32, #tpu.memory_space<vmem>>, vector<16xi32>,
      %add3A_2292 = arith.addi %gather3A_2174, %add3A_2282 : vector<16xi32>
      %jit3A_2293 = arith.constant 0 : i32
      %jit3A_2294 = arith.constant 255 : i32
      %max3A_2295 = vector.broadcast %jit3A_2293 : i32 to vector<16xi32>
      %max3A_2296 = arith.maxsi %max3A_2295, %add3A_2292 : vector<16xi32>
      %min3A_2297 = vector.broadcast %jit3A_2294 : i32 to vector<16xi32>
      %min3A_2298 = arith.minsi %min3A_2297, %max3A_2296 : vector<16xi32>
      tpu.vector_store_idx %arg15[%min3A_2298], %get3A_2287 masked %lt3A_2283 : memref<272xf32, #tpu.memory_space<vmem>>[vector<16xi32>], vector<16xf32>, vector<16xi1>
      tpu.vector_store_idx %arg16[%min3A_2298], %get3A_2291 masked %lt3A_2283 : memref<272xi32, #tpu.memory_space<vmem>>[vector<16xi32>], vector<16xi32>, vector<16xi1>
      %add3A_2299 = arith.constant 96 : i32
      %add3A_2300 = vector.broadcast %add3A_2299 : i32 to vector<16xi32>
      %add3A_2301 = arith.addi %add3A_2300, %iota3A : vector<16xi32>
      %lt3A_2302 = arith.cmpi slt, %add3A_2301, %gather3A_2184 : vector<16xi32>
      %get3A_2303 = arith.constant 5 : i32
      %get3A_2304 = arith.index_cast %get3A_2303 : i32 to index
      %get3A_2305 = arith.constant 96 : index
      %get3A_2306 = tpu.vector_load %arg17[%get3A_2304, %get3A_2305] {strides = array<i32>} : memref<16x128xf32, #tpu.memory_space<vmem>>, vector<16xf32>,
      %get3A_2307 = arith.constant 5 : i32
      %get3A_2308 = arith.index_cast %get3A_2307 : i32 to index
      %get3A_2309 = arith.constant 96 : index
      %get3A_2310 = tpu.vector_load %arg18[%get3A_2308, %get3A_2309] {strides = array<i32>} : memref<16x256xi32, #tpu.memory_space<vmem>>, vector<16xi32>,
      %add3A_2311 = arith.addi %gather3A_2174, %add3A_2301 : vector<16xi32>
      %jit3A_2312 = arith.constant 0 : i32
      %jit3A_2313 = arith.constant 255 : i32
      %max3A_2314 = vector.broadcast %jit3A_2312 : i32 to vector<16xi32>
      %max3A_2315 = arith.maxsi %max3A_2314, %add3A_2311 : vector<16xi32>
      %min3A_2316 = vector.broadcast %jit3A_2313 : i32 to vector<16xi32>
      %min3A_2317 = arith.minsi %min3A_2316, %max3A_2315 : vector<16xi32>
      tpu.vector_store_idx %arg15[%min3A_2317], %get3A_2306 masked %lt3A_2302 : memref<272xf32, #tpu.memory_space<vmem>>[vector<16xi32>], vector<16xf32>, vector<16xi1>
      tpu.vector_store_idx %arg16[%min3A_2317], %get3A_2310 masked %lt3A_2302 : memref<272xi32, #tpu.memory_space<vmem>>[vector<16xi32>], vector<16xi32>, vector<16xi1>
      %add3A_2318 = arith.constant 112 : i32
      %add3A_2319 = vector.broadcast %add3A_2318 : i32 to vector<16xi32>
      %add3A_2320 = arith.addi %add3A_2319, %iota3A : vector<16xi32>
      %lt3A_2321 = arith.cmpi slt, %add3A_2320, %gather3A_2184 : vector<16xi32>
      %get3A_2322 = arith.constant 5 : i32
      %get3A_2323 = arith.index_cast %get3A_2322 : i32 to index
      %get3A_2324 = arith.constant 112 : index
      %get3A_2325 = tpu.vector_load %arg17[%get3A_2323, %get3A_2324] {strides = array<i32>} : memref<16x128xf32, #tpu.memory_space<vmem>>, vector<16xf32>,
      %get3A_2326 = arith.constant 5 : i32
      %get3A_2327 = arith.index_cast %get3A_2326 : i32 to index
      %get3A_2328 = arith.constant 112 : index
      %get3A_2329 = tpu.vector_load %arg18[%get3A_2327, %get3A_2328] {strides = array<i32>} : memref<16x256xi32, #tpu.memory_space<vmem>>, vector<16xi32>,
      %add3A_2330 = arith.addi %gather3A_2174, %add3A_2320 : vector<16xi32>
      %jit3A_2331 = arith.constant 0 : i32
      %jit3A_2332 = arith.constant 255 : i32
      %max3A_2333 = vector.broadcast %jit3A_2331 : i32 to vector<16xi32>
      %max3A_2334 = arith.maxsi %max3A_2333, %add3A_2330 : vector<16xi32>
      %min3A_2335 = vector.broadcast %jit3A_2332 : i32 to vector<16xi32>
      %min3A_2336 = arith.minsi %min3A_2335, %max3A_2334 : vector<16xi32>
      tpu.vector_store_idx %arg15[%min3A_2336], %get3A_2325 masked %lt3A_2321 : memref<272xf32, #tpu.memory_space<vmem>>[vector<16xi32>], vector<16xf32>, vector<16xi1>
      tpu.vector_store_idx %arg16[%min3A_2336], %get3A_2329 masked %lt3A_2321 : memref<272xi32, #tpu.memory_space<vmem>>[vector<16xi32>], vector<16xi32>, vector<16xi1>
      %broadcast_in_dim3A_2337 = arith.constant 6 : i32
      %broadcast_in_dim3A_2338 = vector.broadcast %broadcast_in_dim3A_2337 : i32 to vector<16xi32>
      %lt3A_2339 = arith.constant 0 : i32
      %lt3A_2340 = vector.broadcast %lt3A_2339 : i32 to vector<16xi32>
      %lt3A_2341 = arith.cmpi slt, %broadcast_in_dim3A_2338, %lt3A_2340 : vector<16xi32>
      %add3A_2342 = arith.constant 16 : i32
      %add3A_2343 = vector.broadcast %add3A_2342 : i32 to vector<16xi32>
      %add3A_2344 = arith.addi %broadcast_in_dim3A_2338, %add3A_2343 : vector<16xi32>
      %select_n3A_2345 = arith.select %lt3A_2341, %add3A_2344, %broadcast_in_dim3A_2338 : vector<16xi1>, vector<16xi32>
      %broadcast_in_dim3A_2346 = vector.shape_cast %select_n3A_2345 : vector<16xi32> to vector<16x1xi32>
      %gather3A_2347 = vector.shape_cast %broadcast_in_dim3A_2346 : vector<16x1xi32> to vector<16xi32>
      %gather3A_2348 = tpu.dynamic_gather %sub3A[%gather3A_2347] in [0] : vector<16xi32>, vector<16xi32> -> vector<16xi32>
      %lt3A_2349 = arith.constant 0 : i32
      %lt3A_2350 = vector.broadcast %lt3A_2349 : i32 to vector<16xi32>
      %lt3A_2351 = arith.cmpi slt, %broadcast_in_dim3A_2338, %lt3A_2350 : vector<16xi32>
      %add3A_2352 = arith.constant 16 : i32
      %add3A_2353 = vector.broadcast %add3A_2352 : i32 to vector<16xi32>
      %add3A_2354 = arith.addi %broadcast_in_dim3A_2338, %add3A_2353 : vector<16xi32>
      %select_n3A_2355 = arith.select %lt3A_2351, %add3A_2354, %broadcast_in_dim3A_2338 : vector<16xi1>, vector<16xi32>
      %broadcast_in_dim3A_2356 = vector.shape_cast %select_n3A_2355 : vector<16xi32> to vector<16x1xi32>
      %gather3A_2357 = vector.shape_cast %broadcast_in_dim3A_2356 : vector<16x1xi32> to vector<16xi32>
      %gather3A_2358 = tpu.dynamic_gather %select_n3A_1286[%gather3A_2357] in [0] : vector<16xi32>, vector<16xi32> -> vector<16xi32>
      %add3A_2359 = arith.constant 0 : i32
      %add3A_2360 = vector.broadcast %add3A_2359 : i32 to vector<16xi32>
      %add3A_2361 = arith.addi %add3A_2360, %iota3A : vector<16xi32>
      %lt3A_2362 = arith.cmpi slt, %add3A_2361, %gather3A_2358 : vector<16xi32>
      %get3A_2363 = arith.constant 6 : i32
      %get3A_2364 = arith.index_cast %get3A_2363 : i32 to index
      %get3A_2365 = arith.constant 0 : index
      %get3A_2366 = tpu.vector_load %arg17[%get3A_2364, %get3A_2365] {strides = array<i32>} : memref<16x128xf32, #tpu.memory_space<vmem>>, vector<16xf32>,
      %get3A_2367 = arith.constant 6 : i32
      %get3A_2368 = arith.index_cast %get3A_2367 : i32 to index
      %get3A_2369 = arith.constant 0 : index
      %get3A_2370 = tpu.vector_load %arg18[%get3A_2368, %get3A_2369] {strides = array<i32>} : memref<16x256xi32, #tpu.memory_space<vmem>>, vector<16xi32>,
      %add3A_2371 = arith.addi %gather3A_2348, %add3A_2361 : vector<16xi32>
      %jit3A_2372 = arith.constant 0 : i32
      %jit3A_2373 = arith.constant 255 : i32
      %max3A_2374 = vector.broadcast %jit3A_2372 : i32 to vector<16xi32>
      %max3A_2375 = arith.maxsi %max3A_2374, %add3A_2371 : vector<16xi32>
      %min3A_2376 = vector.broadcast %jit3A_2373 : i32 to vector<16xi32>
      %min3A_2377 = arith.minsi %min3A_2376, %max3A_2375 : vector<16xi32>
      tpu.vector_store_idx %arg15[%min3A_2377], %get3A_2366 masked %lt3A_2362 : memref<272xf32, #tpu.memory_space<vmem>>[vector<16xi32>], vector<16xf32>, vector<16xi1>
      tpu.vector_store_idx %arg16[%min3A_2377], %get3A_2370 masked %lt3A_2362 : memref<272xi32, #tpu.memory_space<vmem>>[vector<16xi32>], vector<16xi32>, vector<16xi1>
      %add3A_2378 = arith.constant 16 : i32
      %add3A_2379 = vector.broadcast %add3A_2378 : i32 to vector<16xi32>
      %add3A_2380 = arith.addi %add3A_2379, %iota3A : vector<16xi32>
      %lt3A_2381 = arith.cmpi slt, %add3A_2380, %gather3A_2358 : vector<16xi32>
      %get3A_2382 = arith.constant 6 : i32
      %get3A_2383 = arith.index_cast %get3A_2382 : i32 to index
      %get3A_2384 = arith.constant 16 : index
      %get3A_2385 = tpu.vector_load %arg17[%get3A_2383, %get3A_2384] {strides = array<i32>} : memref<16x128xf32, #tpu.memory_space<vmem>>, vector<16xf32>,
      %get3A_2386 = arith.constant 6 : i32
      %get3A_2387 = arith.index_cast %get3A_2386 : i32 to index
      %get3A_2388 = arith.constant 16 : index
      %get3A_2389 = tpu.vector_load %arg18[%get3A_2387, %get3A_2388] {strides = array<i32>} : memref<16x256xi32, #tpu.memory_space<vmem>>, vector<16xi32>,
      %add3A_2390 = arith.addi %gather3A_2348, %add3A_2380 : vector<16xi32>
      %jit3A_2391 = arith.constant 0 : i32
      %jit3A_2392 = arith.constant 255 : i32
      %max3A_2393 = vector.broadcast %jit3A_2391 : i32 to vector<16xi32>
      %max3A_2394 = arith.maxsi %max3A_2393, %add3A_2390 : vector<16xi32>
      %min3A_2395 = vector.broadcast %jit3A_2392 : i32 to vector<16xi32>
      %min3A_2396 = arith.minsi %min3A_2395, %max3A_2394 : vector<16xi32>
      tpu.vector_store_idx %arg15[%min3A_2396], %get3A_2385 masked %lt3A_2381 : memref<272xf32, #tpu.memory_space<vmem>>[vector<16xi32>], vector<16xf32>, vector<16xi1>
      tpu.vector_store_idx %arg16[%min3A_2396], %get3A_2389 masked %lt3A_2381 : memref<272xi32, #tpu.memory_space<vmem>>[vector<16xi32>], vector<16xi32>, vector<16xi1>
      %add3A_2397 = arith.constant 32 : i32
      %add3A_2398 = vector.broadcast %add3A_2397 : i32 to vector<16xi32>
      %add3A_2399 = arith.addi %add3A_2398, %iota3A : vector<16xi32>
      %lt3A_2400 = arith.cmpi slt, %add3A_2399, %gather3A_2358 : vector<16xi32>
      %get3A_2401 = arith.constant 6 : i32
      %get3A_2402 = arith.index_cast %get3A_2401 : i32 to index
      %get3A_2403 = arith.constant 32 : index
      %get3A_2404 = tpu.vector_load %arg17[%get3A_2402, %get3A_2403] {strides = array<i32>} : memref<16x128xf32, #tpu.memory_space<vmem>>, vector<16xf32>,
      %get3A_2405 = arith.constant 6 : i32
      %get3A_2406 = arith.index_cast %get3A_2405 : i32 to index
      %get3A_2407 = arith.constant 32 : index
      %get3A_2408 = tpu.vector_load %arg18[%get3A_2406, %get3A_2407] {strides = array<i32>} : memref<16x256xi32, #tpu.memory_space<vmem>>, vector<16xi32>,
      %add3A_2409 = arith.addi %gather3A_2348, %add3A_2399 : vector<16xi32>
      %jit3A_2410 = arith.constant 0 : i32
      %jit3A_2411 = arith.constant 255 : i32
      %max3A_2412 = vector.broadcast %jit3A_2410 : i32 to vector<16xi32>
      %max3A_2413 = arith.maxsi %max3A_2412, %add3A_2409 : vector<16xi32>
      %min3A_2414 = vector.broadcast %jit3A_2411 : i32 to vector<16xi32>
      %min3A_2415 = arith.minsi %min3A_2414, %max3A_2413 : vector<16xi32>
      tpu.vector_store_idx %arg15[%min3A_2415], %get3A_2404 masked %lt3A_2400 : memref<272xf32, #tpu.memory_space<vmem>>[vector<16xi32>], vector<16xf32>, vector<16xi1>
      tpu.vector_store_idx %arg16[%min3A_2415], %get3A_2408 masked %lt3A_2400 : memref<272xi32, #tpu.memory_space<vmem>>[vector<16xi32>], vector<16xi32>, vector<16xi1>
      %add3A_2416 = arith.constant 48 : i32
      %add3A_2417 = vector.broadcast %add3A_2416 : i32 to vector<16xi32>
      %add3A_2418 = arith.addi %add3A_2417, %iota3A : vector<16xi32>
      %lt3A_2419 = arith.cmpi slt, %add3A_2418, %gather3A_2358 : vector<16xi32>
      %get3A_2420 = arith.constant 6 : i32
      %get3A_2421 = arith.index_cast %get3A_2420 : i32 to index
      %get3A_2422 = arith.constant 48 : index
      %get3A_2423 = tpu.vector_load %arg17[%get3A_2421, %get3A_2422] {strides = array<i32>} : memref<16x128xf32, #tpu.memory_space<vmem>>, vector<16xf32>,
      %get3A_2424 = arith.constant 6 : i32
      %get3A_2425 = arith.index_cast %get3A_2424 : i32 to index
      %get3A_2426 = arith.constant 48 : index
      %get3A_2427 = tpu.vector_load %arg18[%get3A_2425, %get3A_2426] {strides = array<i32>} : memref<16x256xi32, #tpu.memory_space<vmem>>, vector<16xi32>,
      %add3A_2428 = arith.addi %gather3A_2348, %add3A_2418 : vector<16xi32>
      %jit3A_2429 = arith.constant 0 : i32
      %jit3A_2430 = arith.constant 255 : i32
      %max3A_2431 = vector.broadcast %jit3A_2429 : i32 to vector<16xi32>
      %max3A_2432 = arith.maxsi %max3A_2431, %add3A_2428 : vector<16xi32>
      %min3A_2433 = vector.broadcast %jit3A_2430 : i32 to vector<16xi32>
      %min3A_2434 = arith.minsi %min3A_2433, %max3A_2432 : vector<16xi32>
      tpu.vector_store_idx %arg15[%min3A_2434], %get3A_2423 masked %lt3A_2419 : memref<272xf32, #tpu.memory_space<vmem>>[vector<16xi32>], vector<16xf32>, vector<16xi1>
      tpu.vector_store_idx %arg16[%min3A_2434], %get3A_2427 masked %lt3A_2419 : memref<272xi32, #tpu.memory_space<vmem>>[vector<16xi32>], vector<16xi32>, vector<16xi1>
      %add3A_2435 = arith.constant 64 : i32
      %add3A_2436 = vector.broadcast %add3A_2435 : i32 to vector<16xi32>
      %add3A_2437 = arith.addi %add3A_2436, %iota3A : vector<16xi32>
      %lt3A_2438 = arith.cmpi slt, %add3A_2437, %gather3A_2358 : vector<16xi32>
      %get3A_2439 = arith.constant 6 : i32
      %get3A_2440 = arith.index_cast %get3A_2439 : i32 to index
      %get3A_2441 = arith.constant 64 : index
      %get3A_2442 = tpu.vector_load %arg17[%get3A_2440, %get3A_2441] {strides = array<i32>} : memref<16x128xf32, #tpu.memory_space<vmem>>, vector<16xf32>,
      %get3A_2443 = arith.constant 6 : i32
      %get3A_2444 = arith.index_cast %get3A_2443 : i32 to index
      %get3A_2445 = arith.constant 64 : index
      %get3A_2446 = tpu.vector_load %arg18[%get3A_2444, %get3A_2445] {strides = array<i32>} : memref<16x256xi32, #tpu.memory_space<vmem>>, vector<16xi32>,
      %add3A_2447 = arith.addi %gather3A_2348, %add3A_2437 : vector<16xi32>
      %jit3A_2448 = arith.constant 0 : i32
      %jit3A_2449 = arith.constant 255 : i32
      %max3A_2450 = vector.broadcast %jit3A_2448 : i32 to vector<16xi32>
      %max3A_2451 = arith.maxsi %max3A_2450, %add3A_2447 : vector<16xi32>
      %min3A_2452 = vector.broadcast %jit3A_2449 : i32 to vector<16xi32>
      %min3A_2453 = arith.minsi %min3A_2452, %max3A_2451 : vector<16xi32>
      tpu.vector_store_idx %arg15[%min3A_2453], %get3A_2442 masked %lt3A_2438 : memref<272xf32, #tpu.memory_space<vmem>>[vector<16xi32>], vector<16xf32>, vector<16xi1>
      tpu.vector_store_idx %arg16[%min3A_2453], %get3A_2446 masked %lt3A_2438 : memref<272xi32, #tpu.memory_space<vmem>>[vector<16xi32>], vector<16xi32>, vector<16xi1>
      %add3A_2454 = arith.constant 80 : i32
      %add3A_2455 = vector.broadcast %add3A_2454 : i32 to vector<16xi32>
      %add3A_2456 = arith.addi %add3A_2455, %iota3A : vector<16xi32>
      %lt3A_2457 = arith.cmpi slt, %add3A_2456, %gather3A_2358 : vector<16xi32>
      %get3A_2458 = arith.constant 6 : i32
      %get3A_2459 = arith.index_cast %get3A_2458 : i32 to index
      %get3A_2460 = arith.constant 80 : index
      %get3A_2461 = tpu.vector_load %arg17[%get3A_2459, %get3A_2460] {strides = array<i32>} : memref<16x128xf32, #tpu.memory_space<vmem>>, vector<16xf32>,
      %get3A_2462 = arith.constant 6 : i32
      %get3A_2463 = arith.index_cast %get3A_2462 : i32 to index
      %get3A_2464 = arith.constant 80 : index
      %get3A_2465 = tpu.vector_load %arg18[%get3A_2463, %get3A_2464] {strides = array<i32>} : memref<16x256xi32, #tpu.memory_space<vmem>>, vector<16xi32>,
      %add3A_2466 = arith.addi %gather3A_2348, %add3A_2456 : vector<16xi32>
      %jit3A_2467 = arith.constant 0 : i32
      %jit3A_2468 = arith.constant 255 : i32
      %max3A_2469 = vector.broadcast %jit3A_2467 : i32 to vector<16xi32>
      %max3A_2470 = arith.maxsi %max3A_2469, %add3A_2466 : vector<16xi32>
      %min3A_2471 = vector.broadcast %jit3A_2468 : i32 to vector<16xi32>
      %min3A_2472 = arith.minsi %min3A_2471, %max3A_2470 : vector<16xi32>
      tpu.vector_store_idx %arg15[%min3A_2472], %get3A_2461 masked %lt3A_2457 : memref<272xf32, #tpu.memory_space<vmem>>[vector<16xi32>], vector<16xf32>, vector<16xi1>
      tpu.vector_store_idx %arg16[%min3A_2472], %get3A_2465 masked %lt3A_2457 : memref<272xi32, #tpu.memory_space<vmem>>[vector<16xi32>], vector<16xi32>, vector<16xi1>
      %add3A_2473 = arith.constant 96 : i32
      %add3A_2474 = vector.broadcast %add3A_2473 : i32 to vector<16xi32>
      %add3A_2475 = arith.addi %add3A_2474, %iota3A : vector<16xi32>
      %lt3A_2476 = arith.cmpi slt, %add3A_2475, %gather3A_2358 : vector<16xi32>
      %get3A_2477 = arith.constant 6 : i32
      %get3A_2478 = arith.index_cast %get3A_2477 : i32 to index
      %get3A_2479 = arith.constant 96 : index
      %get3A_2480 = tpu.vector_load %arg17[%get3A_2478, %get3A_2479] {strides = array<i32>} : memref<16x128xf32, #tpu.memory_space<vmem>>, vector<16xf32>,
      %get3A_2481 = arith.constant 6 : i32
      %get3A_2482 = arith.index_cast %get3A_2481 : i32 to index
      %get3A_2483 = arith.constant 96 : index
      %get3A_2484 = tpu.vector_load %arg18[%get3A_2482, %get3A_2483] {strides = array<i32>} : memref<16x256xi32, #tpu.memory_space<vmem>>, vector<16xi32>,
      %add3A_2485 = arith.addi %gather3A_2348, %add3A_2475 : vector<16xi32>
      %jit3A_2486 = arith.constant 0 : i32
      %jit3A_2487 = arith.constant 255 : i32
      %max3A_2488 = vector.broadcast %jit3A_2486 : i32 to vector<16xi32>
      %max3A_2489 = arith.maxsi %max3A_2488, %add3A_2485 : vector<16xi32>
      %min3A_2490 = vector.broadcast %jit3A_2487 : i32 to vector<16xi32>
      %min3A_2491 = arith.minsi %min3A_2490, %max3A_2489 : vector<16xi32>
      tpu.vector_store_idx %arg15[%min3A_2491], %get3A_2480 masked %lt3A_2476 : memref<272xf32, #tpu.memory_space<vmem>>[vector<16xi32>], vector<16xf32>, vector<16xi1>
      tpu.vector_store_idx %arg16[%min3A_2491], %get3A_2484 masked %lt3A_2476 : memref<272xi32, #tpu.memory_space<vmem>>[vector<16xi32>], vector<16xi32>, vector<16xi1>
      %add3A_2492 = arith.constant 112 : i32
      %add3A_2493 = vector.broadcast %add3A_2492 : i32 to vector<16xi32>
      %add3A_2494 = arith.addi %add3A_2493, %iota3A : vector<16xi32>
      %lt3A_2495 = arith.cmpi slt, %add3A_2494, %gather3A_2358 : vector<16xi32>
      %get3A_2496 = arith.constant 6 : i32
      %get3A_2497 = arith.index_cast %get3A_2496 : i32 to index
      %get3A_2498 = arith.constant 112 : index
      %get3A_2499 = tpu.vector_load %arg17[%get3A_2497, %get3A_2498] {strides = array<i32>} : memref<16x128xf32, #tpu.memory_space<vmem>>, vector<16xf32>,
      %get3A_2500 = arith.constant 6 : i32
      %get3A_2501 = arith.index_cast %get3A_2500 : i32 to index
      %get3A_2502 = arith.constant 112 : index
      %get3A_2503 = tpu.vector_load %arg18[%get3A_2501, %get3A_2502] {strides = array<i32>} : memref<16x256xi32, #tpu.memory_space<vmem>>, vector<16xi32>,
      %add3A_2504 = arith.addi %gather3A_2348, %add3A_2494 : vector<16xi32>
      %jit3A_2505 = arith.constant 0 : i32
      %jit3A_2506 = arith.constant 255 : i32
      %max3A_2507 = vector.broadcast %jit3A_2505 : i32 to vector<16xi32>
      %max3A_2508 = arith.maxsi %max3A_2507, %add3A_2504 : vector<16xi32>
      %min3A_2509 = vector.broadcast %jit3A_2506 : i32 to vector<16xi32>
      %min3A_2510 = arith.minsi %min3A_2509, %max3A_2508 : vector<16xi32>
      tpu.vector_store_idx %arg15[%min3A_2510], %get3A_2499 masked %lt3A_2495 : memref<272xf32, #tpu.memory_space<vmem>>[vector<16xi32>], vector<16xf32>, vector<16xi1>
      tpu.vector_store_idx %arg16[%min3A_2510], %get3A_2503 masked %lt3A_2495 : memref<272xi32, #tpu.memory_space<vmem>>[vector<16xi32>], vector<16xi32>, vector<16xi1>
      %broadcast_in_dim3A_2511 = arith.constant 7 : i32
      %broadcast_in_dim3A_2512 = vector.broadcast %broadcast_in_dim3A_2511 : i32 to vector<16xi32>
      %lt3A_2513 = arith.constant 0 : i32
      %lt3A_2514 = vector.broadcast %lt3A_2513 : i32 to vector<16xi32>
      %lt3A_2515 = arith.cmpi slt, %broadcast_in_dim3A_2512, %lt3A_2514 : vector<16xi32>
      %add3A_2516 = arith.constant 16 : i32
      %add3A_2517 = vector.broadcast %add3A_2516 : i32 to vector<16xi32>
      %add3A_2518 = arith.addi %broadcast_in_dim3A_2512, %add3A_2517 : vector<16xi32>
      %select_n3A_2519 = arith.select %lt3A_2515, %add3A_2518, %broadcast_in_dim3A_2512 : vector<16xi1>, vector<16xi32>
      %broadcast_in_dim3A_2520 = vector.shape_cast %select_n3A_2519 : vector<16xi32> to vector<16x1xi32>
      %gather3A_2521 = vector.shape_cast %broadcast_in_dim3A_2520 : vector<16x1xi32> to vector<16xi32>
      %gather3A_2522 = tpu.dynamic_gather %sub3A[%gather3A_2521] in [0] : vector<16xi32>, vector<16xi32> -> vector<16xi32>
      %lt3A_2523 = arith.constant 0 : i32
      %lt3A_2524 = vector.broadcast %lt3A_2523 : i32 to vector<16xi32>
      %lt3A_2525 = arith.cmpi slt, %broadcast_in_dim3A_2512, %lt3A_2524 : vector<16xi32>
      %add3A_2526 = arith.constant 16 : i32
      %add3A_2527 = vector.broadcast %add3A_2526 : i32 to vector<16xi32>
      %add3A_2528 = arith.addi %broadcast_in_dim3A_2512, %add3A_2527 : vector<16xi32>
      %select_n3A_2529 = arith.select %lt3A_2525, %add3A_2528, %broadcast_in_dim3A_2512 : vector<16xi1>, vector<16xi32>
      %broadcast_in_dim3A_2530 = vector.shape_cast %select_n3A_2529 : vector<16xi32> to vector<16x1xi32>
      %gather3A_2531 = vector.shape_cast %broadcast_in_dim3A_2530 : vector<16x1xi32> to vector<16xi32>
      %gather3A_2532 = tpu.dynamic_gather %select_n3A_1286[%gather3A_2531] in [0] : vector<16xi32>, vector<16xi32> -> vector<16xi32>
      %add3A_2533 = arith.constant 0 : i32
      %add3A_2534 = vector.broadcast %add3A_2533 : i32 to vector<16xi32>
      %add3A_2535 = arith.addi %add3A_2534, %iota3A : vector<16xi32>
      %lt3A_2536 = arith.cmpi slt, %add3A_2535, %gather3A_2532 : vector<16xi32>
      %get3A_2537 = arith.constant 7 : i32
      %get3A_2538 = arith.index_cast %get3A_2537 : i32 to index
      %get3A_2539 = arith.constant 0 : index
      %get3A_2540 = tpu.vector_load %arg17[%get3A_2538, %get3A_2539] {strides = array<i32>} : memref<16x128xf32, #tpu.memory_space<vmem>>, vector<16xf32>,
      %get3A_2541 = arith.constant 7 : i32
      %get3A_2542 = arith.index_cast %get3A_2541 : i32 to index
      %get3A_2543 = arith.constant 0 : index
      %get3A_2544 = tpu.vector_load %arg18[%get3A_2542, %get3A_2543] {strides = array<i32>} : memref<16x256xi32, #tpu.memory_space<vmem>>, vector<16xi32>,
      %add3A_2545 = arith.addi %gather3A_2522, %add3A_2535 : vector<16xi32>
      %jit3A_2546 = arith.constant 0 : i32
      %jit3A_2547 = arith.constant 255 : i32
      %max3A_2548 = vector.broadcast %jit3A_2546 : i32 to vector<16xi32>
      %max3A_2549 = arith.maxsi %max3A_2548, %add3A_2545 : vector<16xi32>
      %min3A_2550 = vector.broadcast %jit3A_2547 : i32 to vector<16xi32>
      %min3A_2551 = arith.minsi %min3A_2550, %max3A_2549 : vector<16xi32>
      tpu.vector_store_idx %arg15[%min3A_2551], %get3A_2540 masked %lt3A_2536 : memref<272xf32, #tpu.memory_space<vmem>>[vector<16xi32>], vector<16xf32>, vector<16xi1>
      tpu.vector_store_idx %arg16[%min3A_2551], %get3A_2544 masked %lt3A_2536 : memref<272xi32, #tpu.memory_space<vmem>>[vector<16xi32>], vector<16xi32>, vector<16xi1>
      %add3A_2552 = arith.constant 16 : i32
      %add3A_2553 = vector.broadcast %add3A_2552 : i32 to vector<16xi32>
      %add3A_2554 = arith.addi %add3A_2553, %iota3A : vector<16xi32>
      %lt3A_2555 = arith.cmpi slt, %add3A_2554, %gather3A_2532 : vector<16xi32>
      %get3A_2556 = arith.constant 7 : i32
      %get3A_2557 = arith.index_cast %get3A_2556 : i32 to index
      %get3A_2558 = arith.constant 16 : index
      %get3A_2559 = tpu.vector_load %arg17[%get3A_2557, %get3A_2558] {strides = array<i32>} : memref<16x128xf32, #tpu.memory_space<vmem>>, vector<16xf32>,
      %get3A_2560 = arith.constant 7 : i32
      %get3A_2561 = arith.index_cast %get3A_2560 : i32 to index
      %get3A_2562 = arith.constant 16 : index
      %get3A_2563 = tpu.vector_load %arg18[%get3A_2561, %get3A_2562] {strides = array<i32>} : memref<16x256xi32, #tpu.memory_space<vmem>>, vector<16xi32>,
      %add3A_2564 = arith.addi %gather3A_2522, %add3A_2554 : vector<16xi32>
      %jit3A_2565 = arith.constant 0 : i32
      %jit3A_2566 = arith.constant 255 : i32
      %max3A_2567 = vector.broadcast %jit3A_2565 : i32 to vector<16xi32>
      %max3A_2568 = arith.maxsi %max3A_2567, %add3A_2564 : vector<16xi32>
      %min3A_2569 = vector.broadcast %jit3A_2566 : i32 to vector<16xi32>
      %min3A_2570 = arith.minsi %min3A_2569, %max3A_2568 : vector<16xi32>
      tpu.vector_store_idx %arg15[%min3A_2570], %get3A_2559 masked %lt3A_2555 : memref<272xf32, #tpu.memory_space<vmem>>[vector<16xi32>], vector<16xf32>, vector<16xi1>
      tpu.vector_store_idx %arg16[%min3A_2570], %get3A_2563 masked %lt3A_2555 : memref<272xi32, #tpu.memory_space<vmem>>[vector<16xi32>], vector<16xi32>, vector<16xi1>
      %add3A_2571 = arith.constant 32 : i32
      %add3A_2572 = vector.broadcast %add3A_2571 : i32 to vector<16xi32>
      %add3A_2573 = arith.addi %add3A_2572, %iota3A : vector<16xi32>
      %lt3A_2574 = arith.cmpi slt, %add3A_2573, %gather3A_2532 : vector<16xi32>
      %get3A_2575 = arith.constant 7 : i32
      %get3A_2576 = arith.index_cast %get3A_2575 : i32 to index
      %get3A_2577 = arith.constant 32 : index
      %get3A_2578 = tpu.vector_load %arg17[%get3A_2576, %get3A_2577] {strides = array<i32>} : memref<16x128xf32, #tpu.memory_space<vmem>>, vector<16xf32>,
      %get3A_2579 = arith.constant 7 : i32
      %get3A_2580 = arith.index_cast %get3A_2579 : i32 to index
      %get3A_2581 = arith.constant 32 : index
      %get3A_2582 = tpu.vector_load %arg18[%get3A_2580, %get3A_2581] {strides = array<i32>} : memref<16x256xi32, #tpu.memory_space<vmem>>, vector<16xi32>,
      %add3A_2583 = arith.addi %gather3A_2522, %add3A_2573 : vector<16xi32>
      %jit3A_2584 = arith.constant 0 : i32
      %jit3A_2585 = arith.constant 255 : i32
      %max3A_2586 = vector.broadcast %jit3A_2584 : i32 to vector<16xi32>
      %max3A_2587 = arith.maxsi %max3A_2586, %add3A_2583 : vector<16xi32>
      %min3A_2588 = vector.broadcast %jit3A_2585 : i32 to vector<16xi32>
      %min3A_2589 = arith.minsi %min3A_2588, %max3A_2587 : vector<16xi32>
      tpu.vector_store_idx %arg15[%min3A_2589], %get3A_2578 masked %lt3A_2574 : memref<272xf32, #tpu.memory_space<vmem>>[vector<16xi32>], vector<16xf32>, vector<16xi1>
      tpu.vector_store_idx %arg16[%min3A_2589], %get3A_2582 masked %lt3A_2574 : memref<272xi32, #tpu.memory_space<vmem>>[vector<16xi32>], vector<16xi32>, vector<16xi1>
      %add3A_2590 = arith.constant 48 : i32
      %add3A_2591 = vector.broadcast %add3A_2590 : i32 to vector<16xi32>
      %add3A_2592 = arith.addi %add3A_2591, %iota3A : vector<16xi32>
      %lt3A_2593 = arith.cmpi slt, %add3A_2592, %gather3A_2532 : vector<16xi32>
      %get3A_2594 = arith.constant 7 : i32
      %get3A_2595 = arith.index_cast %get3A_2594 : i32 to index
      %get3A_2596 = arith.constant 48 : index
      %get3A_2597 = tpu.vector_load %arg17[%get3A_2595, %get3A_2596] {strides = array<i32>} : memref<16x128xf32, #tpu.memory_space<vmem>>, vector<16xf32>,
      %get3A_2598 = arith.constant 7 : i32
      %get3A_2599 = arith.index_cast %get3A_2598 : i32 to index
      %get3A_2600 = arith.constant 48 : index
      %get3A_2601 = tpu.vector_load %arg18[%get3A_2599, %get3A_2600] {strides = array<i32>} : memref<16x256xi32, #tpu.memory_space<vmem>>, vector<16xi32>,
      %add3A_2602 = arith.addi %gather3A_2522, %add3A_2592 : vector<16xi32>
      %jit3A_2603 = arith.constant 0 : i32
      %jit3A_2604 = arith.constant 255 : i32
      %max3A_2605 = vector.broadcast %jit3A_2603 : i32 to vector<16xi32>
      %max3A_2606 = arith.maxsi %max3A_2605, %add3A_2602 : vector<16xi32>
      %min3A_2607 = vector.broadcast %jit3A_2604 : i32 to vector<16xi32>
      %min3A_2608 = arith.minsi %min3A_2607, %max3A_2606 : vector<16xi32>
      tpu.vector_store_idx %arg15[%min3A_2608], %get3A_2597 masked %lt3A_2593 : memref<272xf32, #tpu.memory_space<vmem>>[vector<16xi32>], vector<16xf32>, vector<16xi1>
      tpu.vector_store_idx %arg16[%min3A_2608], %get3A_2601 masked %lt3A_2593 : memref<272xi32, #tpu.memory_space<vmem>>[vector<16xi32>], vector<16xi32>, vector<16xi1>
      %add3A_2609 = arith.constant 64 : i32
      %add3A_2610 = vector.broadcast %add3A_2609 : i32 to vector<16xi32>
      %add3A_2611 = arith.addi %add3A_2610, %iota3A : vector<16xi32>
      %lt3A_2612 = arith.cmpi slt, %add3A_2611, %gather3A_2532 : vector<16xi32>
      %get3A_2613 = arith.constant 7 : i32
      %get3A_2614 = arith.index_cast %get3A_2613 : i32 to index
      %get3A_2615 = arith.constant 64 : index
      %get3A_2616 = tpu.vector_load %arg17[%get3A_2614, %get3A_2615] {strides = array<i32>} : memref<16x128xf32, #tpu.memory_space<vmem>>, vector<16xf32>,
      %get3A_2617 = arith.constant 7 : i32
      %get3A_2618 = arith.index_cast %get3A_2617 : i32 to index
      %get3A_2619 = arith.constant 64 : index
      %get3A_2620 = tpu.vector_load %arg18[%get3A_2618, %get3A_2619] {strides = array<i32>} : memref<16x256xi32, #tpu.memory_space<vmem>>, vector<16xi32>,
      %add3A_2621 = arith.addi %gather3A_2522, %add3A_2611 : vector<16xi32>
      %jit3A_2622 = arith.constant 0 : i32
      %jit3A_2623 = arith.constant 255 : i32
      %max3A_2624 = vector.broadcast %jit3A_2622 : i32 to vector<16xi32>
      %max3A_2625 = arith.maxsi %max3A_2624, %add3A_2621 : vector<16xi32>
      %min3A_2626 = vector.broadcast %jit3A_2623 : i32 to vector<16xi32>
      %min3A_2627 = arith.minsi %min3A_2626, %max3A_2625 : vector<16xi32>
      tpu.vector_store_idx %arg15[%min3A_2627], %get3A_2616 masked %lt3A_2612 : memref<272xf32, #tpu.memory_space<vmem>>[vector<16xi32>], vector<16xf32>, vector<16xi1>
      tpu.vector_store_idx %arg16[%min3A_2627], %get3A_2620 masked %lt3A_2612 : memref<272xi32, #tpu.memory_space<vmem>>[vector<16xi32>], vector<16xi32>, vector<16xi1>
      %add3A_2628 = arith.constant 80 : i32
      %add3A_2629 = vector.broadcast %add3A_2628 : i32 to vector<16xi32>
      %add3A_2630 = arith.addi %add3A_2629, %iota3A : vector<16xi32>
      %lt3A_2631 = arith.cmpi slt, %add3A_2630, %gather3A_2532 : vector<16xi32>
      %get3A_2632 = arith.constant 7 : i32
      %get3A_2633 = arith.index_cast %get3A_2632 : i32 to index
      %get3A_2634 = arith.constant 80 : index
      %get3A_2635 = tpu.vector_load %arg17[%get3A_2633, %get3A_2634] {strides = array<i32>} : memref<16x128xf32, #tpu.memory_space<vmem>>, vector<16xf32>,
      %get3A_2636 = arith.constant 7 : i32
      %get3A_2637 = arith.index_cast %get3A_2636 : i32 to index
      %get3A_2638 = arith.constant 80 : index
      %get3A_2639 = tpu.vector_load %arg18[%get3A_2637, %get3A_2638] {strides = array<i32>} : memref<16x256xi32, #tpu.memory_space<vmem>>, vector<16xi32>,
      %add3A_2640 = arith.addi %gather3A_2522, %add3A_2630 : vector<16xi32>
      %jit3A_2641 = arith.constant 0 : i32
      %jit3A_2642 = arith.constant 255 : i32
      %max3A_2643 = vector.broadcast %jit3A_2641 : i32 to vector<16xi32>
      %max3A_2644 = arith.maxsi %max3A_2643, %add3A_2640 : vector<16xi32>
      %min3A_2645 = vector.broadcast %jit3A_2642 : i32 to vector<16xi32>
      %min3A_2646 = arith.minsi %min3A_2645, %max3A_2644 : vector<16xi32>
      tpu.vector_store_idx %arg15[%min3A_2646], %get3A_2635 masked %lt3A_2631 : memref<272xf32, #tpu.memory_space<vmem>>[vector<16xi32>], vector<16xf32>, vector<16xi1>
      tpu.vector_store_idx %arg16[%min3A_2646], %get3A_2639 masked %lt3A_2631 : memref<272xi32, #tpu.memory_space<vmem>>[vector<16xi32>], vector<16xi32>, vector<16xi1>
      %add3A_2647 = arith.constant 96 : i32
      %add3A_2648 = vector.broadcast %add3A_2647 : i32 to vector<16xi32>
      %add3A_2649 = arith.addi %add3A_2648, %iota3A : vector<16xi32>
      %lt3A_2650 = arith.cmpi slt, %add3A_2649, %gather3A_2532 : vector<16xi32>
      %get3A_2651 = arith.constant 7 : i32
      %get3A_2652 = arith.index_cast %get3A_2651 : i32 to index
      %get3A_2653 = arith.constant 96 : index
      %get3A_2654 = tpu.vector_load %arg17[%get3A_2652, %get3A_2653] {strides = array<i32>} : memref<16x128xf32, #tpu.memory_space<vmem>>, vector<16xf32>,
      %get3A_2655 = arith.constant 7 : i32
      %get3A_2656 = arith.index_cast %get3A_2655 : i32 to index
      %get3A_2657 = arith.constant 96 : index
      %get3A_2658 = tpu.vector_load %arg18[%get3A_2656, %get3A_2657] {strides = array<i32>} : memref<16x256xi32, #tpu.memory_space<vmem>>, vector<16xi32>,
      %add3A_2659 = arith.addi %gather3A_2522, %add3A_2649 : vector<16xi32>
      %jit3A_2660 = arith.constant 0 : i32
      %jit3A_2661 = arith.constant 255 : i32
      %max3A_2662 = vector.broadcast %jit3A_2660 : i32 to vector<16xi32>
      %max3A_2663 = arith.maxsi %max3A_2662, %add3A_2659 : vector<16xi32>
      %min3A_2664 = vector.broadcast %jit3A_2661 : i32 to vector<16xi32>
      %min3A_2665 = arith.minsi %min3A_2664, %max3A_2663 : vector<16xi32>
      tpu.vector_store_idx %arg15[%min3A_2665], %get3A_2654 masked %lt3A_2650 : memref<272xf32, #tpu.memory_space<vmem>>[vector<16xi32>], vector<16xf32>, vector<16xi1>
      tpu.vector_store_idx %arg16[%min3A_2665], %get3A_2658 masked %lt3A_2650 : memref<272xi32, #tpu.memory_space<vmem>>[vector<16xi32>], vector<16xi32>, vector<16xi1>
      %add3A_2666 = arith.constant 112 : i32
      %add3A_2667 = vector.broadcast %add3A_2666 : i32 to vector<16xi32>
      %add3A_2668 = arith.addi %add3A_2667, %iota3A : vector<16xi32>
      %lt3A_2669 = arith.cmpi slt, %add3A_2668, %gather3A_2532 : vector<16xi32>
      %get3A_2670 = arith.constant 7 : i32
      %get3A_2671 = arith.index_cast %get3A_2670 : i32 to index
      %get3A_2672 = arith.constant 112 : index
      %get3A_2673 = tpu.vector_load %arg17[%get3A_2671, %get3A_2672] {strides = array<i32>} : memref<16x128xf32, #tpu.memory_space<vmem>>, vector<16xf32>,
      %get3A_2674 = arith.constant 7 : i32
      %get3A_2675 = arith.index_cast %get3A_2674 : i32 to index
      %get3A_2676 = arith.constant 112 : index
      %get3A_2677 = tpu.vector_load %arg18[%get3A_2675, %get3A_2676] {strides = array<i32>} : memref<16x256xi32, #tpu.memory_space<vmem>>, vector<16xi32>,
      %add3A_2678 = arith.addi %gather3A_2522, %add3A_2668 : vector<16xi32>
      %jit3A_2679 = arith.constant 0 : i32
      %jit3A_2680 = arith.constant 255 : i32
      %max3A_2681 = vector.broadcast %jit3A_2679 : i32 to vector<16xi32>
      %max3A_2682 = arith.maxsi %max3A_2681, %add3A_2678 : vector<16xi32>
      %min3A_2683 = vector.broadcast %jit3A_2680 : i32 to vector<16xi32>
      %min3A_2684 = arith.minsi %min3A_2683, %max3A_2682 : vector<16xi32>
      tpu.vector_store_idx %arg15[%min3A_2684], %get3A_2673 masked %lt3A_2669 : memref<272xf32, #tpu.memory_space<vmem>>[vector<16xi32>], vector<16xf32>, vector<16xi1>
      tpu.vector_store_idx %arg16[%min3A_2684], %get3A_2677 masked %lt3A_2669 : memref<272xi32, #tpu.memory_space<vmem>>[vector<16xi32>], vector<16xi32>, vector<16xi1>
      %broadcast_in_dim3A_2685 = arith.constant 8 : i32
      %broadcast_in_dim3A_2686 = vector.broadcast %broadcast_in_dim3A_2685 : i32 to vector<16xi32>
      %lt3A_2687 = arith.constant 0 : i32
      %lt3A_2688 = vector.broadcast %lt3A_2687 : i32 to vector<16xi32>
      %lt3A_2689 = arith.cmpi slt, %broadcast_in_dim3A_2686, %lt3A_2688 : vector<16xi32>
      %add3A_2690 = arith.constant 16 : i32
      %add3A_2691 = vector.broadcast %add3A_2690 : i32 to vector<16xi32>
      %add3A_2692 = arith.addi %broadcast_in_dim3A_2686, %add3A_2691 : vector<16xi32>
      %select_n3A_2693 = arith.select %lt3A_2689, %add3A_2692, %broadcast_in_dim3A_2686 : vector<16xi1>, vector<16xi32>
      %broadcast_in_dim3A_2694 = vector.shape_cast %select_n3A_2693 : vector<16xi32> to vector<16x1xi32>
      %gather3A_2695 = vector.shape_cast %broadcast_in_dim3A_2694 : vector<16x1xi32> to vector<16xi32>
      %gather3A_2696 = tpu.dynamic_gather %sub3A[%gather3A_2695] in [0] : vector<16xi32>, vector<16xi32> -> vector<16xi32>
      %lt3A_2697 = arith.constant 0 : i32
      %lt3A_2698 = vector.broadcast %lt3A_2697 : i32 to vector<16xi32>
      %lt3A_2699 = arith.cmpi slt, %broadcast_in_dim3A_2686, %lt3A_2698 : vector<16xi32>
      %add3A_2700 = arith.constant 16 : i32
      %add3A_2701 = vector.broadcast %add3A_2700 : i32 to vector<16xi32>
      %add3A_2702 = arith.addi %broadcast_in_dim3A_2686, %add3A_2701 : vector<16xi32>
      %select_n3A_2703 = arith.select %lt3A_2699, %add3A_2702, %broadcast_in_dim3A_2686 : vector<16xi1>, vector<16xi32>
      %broadcast_in_dim3A_2704 = vector.shape_cast %select_n3A_2703 : vector<16xi32> to vector<16x1xi32>
      %gather3A_2705 = vector.shape_cast %broadcast_in_dim3A_2704 : vector<16x1xi32> to vector<16xi32>
      %gather3A_2706 = tpu.dynamic_gather %select_n3A_1286[%gather3A_2705] in [0] : vector<16xi32>, vector<16xi32> -> vector<16xi32>
      %add3A_2707 = arith.constant 0 : i32
      %add3A_2708 = vector.broadcast %add3A_2707 : i32 to vector<16xi32>
      %add3A_2709 = arith.addi %add3A_2708, %iota3A : vector<16xi32>
      %lt3A_2710 = arith.cmpi slt, %add3A_2709, %gather3A_2706 : vector<16xi32>
      %get3A_2711 = arith.constant 8 : i32
      %get3A_2712 = arith.index_cast %get3A_2711 : i32 to index
      %get3A_2713 = arith.constant 0 : index
      %get3A_2714 = tpu.vector_load %arg17[%get3A_2712, %get3A_2713] {strides = array<i32>} : memref<16x128xf32, #tpu.memory_space<vmem>>, vector<16xf32>,
      %get3A_2715 = arith.constant 8 : i32
      %get3A_2716 = arith.index_cast %get3A_2715 : i32 to index
      %get3A_2717 = arith.constant 0 : index
      %get3A_2718 = tpu.vector_load %arg18[%get3A_2716, %get3A_2717] {strides = array<i32>} : memref<16x256xi32, #tpu.memory_space<vmem>>, vector<16xi32>,
      %add3A_2719 = arith.addi %gather3A_2696, %add3A_2709 : vector<16xi32>
      %jit3A_2720 = arith.constant 0 : i32
      %jit3A_2721 = arith.constant 255 : i32
      %max3A_2722 = vector.broadcast %jit3A_2720 : i32 to vector<16xi32>
      %max3A_2723 = arith.maxsi %max3A_2722, %add3A_2719 : vector<16xi32>
      %min3A_2724 = vector.broadcast %jit3A_2721 : i32 to vector<16xi32>
      %min3A_2725 = arith.minsi %min3A_2724, %max3A_2723 : vector<16xi32>
      tpu.vector_store_idx %arg15[%min3A_2725], %get3A_2714 masked %lt3A_2710 : memref<272xf32, #tpu.memory_space<vmem>>[vector<16xi32>], vector<16xf32>, vector<16xi1>
      tpu.vector_store_idx %arg16[%min3A_2725], %get3A_2718 masked %lt3A_2710 : memref<272xi32, #tpu.memory_space<vmem>>[vector<16xi32>], vector<16xi32>, vector<16xi1>
      %add3A_2726 = arith.constant 16 : i32
      %add3A_2727 = vector.broadcast %add3A_2726 : i32 to vector<16xi32>
      %add3A_2728 = arith.addi %add3A_2727, %iota3A : vector<16xi32>
      %lt3A_2729 = arith.cmpi slt, %add3A_2728, %gather3A_2706 : vector<16xi32>
      %get3A_2730 = arith.constant 8 : i32
      %get3A_2731 = arith.index_cast %get3A_2730 : i32 to index
      %get3A_2732 = arith.constant 16 : index
      %get3A_2733 = tpu.vector_load %arg17[%get3A_2731, %get3A_2732] {strides = array<i32>} : memref<16x128xf32, #tpu.memory_space<vmem>>, vector<16xf32>,
      %get3A_2734 = arith.constant 8 : i32
      %get3A_2735 = arith.index_cast %get3A_2734 : i32 to index
      %get3A_2736 = arith.constant 16 : index
      %get3A_2737 = tpu.vector_load %arg18[%get3A_2735, %get3A_2736] {strides = array<i32>} : memref<16x256xi32, #tpu.memory_space<vmem>>, vector<16xi32>,
      %add3A_2738 = arith.addi %gather3A_2696, %add3A_2728 : vector<16xi32>
      %jit3A_2739 = arith.constant 0 : i32
      %jit3A_2740 = arith.constant 255 : i32
      %max3A_2741 = vector.broadcast %jit3A_2739 : i32 to vector<16xi32>
      %max3A_2742 = arith.maxsi %max3A_2741, %add3A_2738 : vector<16xi32>
      %min3A_2743 = vector.broadcast %jit3A_2740 : i32 to vector<16xi32>
      %min3A_2744 = arith.minsi %min3A_2743, %max3A_2742 : vector<16xi32>
      tpu.vector_store_idx %arg15[%min3A_2744], %get3A_2733 masked %lt3A_2729 : memref<272xf32, #tpu.memory_space<vmem>>[vector<16xi32>], vector<16xf32>, vector<16xi1>
      tpu.vector_store_idx %arg16[%min3A_2744], %get3A_2737 masked %lt3A_2729 : memref<272xi32, #tpu.memory_space<vmem>>[vector<16xi32>], vector<16xi32>, vector<16xi1>
      %add3A_2745 = arith.constant 32 : i32
      %add3A_2746 = vector.broadcast %add3A_2745 : i32 to vector<16xi32>
      %add3A_2747 = arith.addi %add3A_2746, %iota3A : vector<16xi32>
      %lt3A_2748 = arith.cmpi slt, %add3A_2747, %gather3A_2706 : vector<16xi32>
      %get3A_2749 = arith.constant 8 : i32
      %get3A_2750 = arith.index_cast %get3A_2749 : i32 to index
      %get3A_2751 = arith.constant 32 : index
      %get3A_2752 = tpu.vector_load %arg17[%get3A_2750, %get3A_2751] {strides = array<i32>} : memref<16x128xf32, #tpu.memory_space<vmem>>, vector<16xf32>,
      %get3A_2753 = arith.constant 8 : i32
      %get3A_2754 = arith.index_cast %get3A_2753 : i32 to index
      %get3A_2755 = arith.constant 32 : index
      %get3A_2756 = tpu.vector_load %arg18[%get3A_2754, %get3A_2755] {strides = array<i32>} : memref<16x256xi32, #tpu.memory_space<vmem>>, vector<16xi32>,
      %add3A_2757 = arith.addi %gather3A_2696, %add3A_2747 : vector<16xi32>
      %jit3A_2758 = arith.constant 0 : i32
      %jit3A_2759 = arith.constant 255 : i32
      %max3A_2760 = vector.broadcast %jit3A_2758 : i32 to vector<16xi32>
      %max3A_2761 = arith.maxsi %max3A_2760, %add3A_2757 : vector<16xi32>
      %min3A_2762 = vector.broadcast %jit3A_2759 : i32 to vector<16xi32>
      %min3A_2763 = arith.minsi %min3A_2762, %max3A_2761 : vector<16xi32>
      tpu.vector_store_idx %arg15[%min3A_2763], %get3A_2752 masked %lt3A_2748 : memref<272xf32, #tpu.memory_space<vmem>>[vector<16xi32>], vector<16xf32>, vector<16xi1>
      tpu.vector_store_idx %arg16[%min3A_2763], %get3A_2756 masked %lt3A_2748 : memref<272xi32, #tpu.memory_space<vmem>>[vector<16xi32>], vector<16xi32>, vector<16xi1>
      %add3A_2764 = arith.constant 48 : i32
      %add3A_2765 = vector.broadcast %add3A_2764 : i32 to vector<16xi32>
      %add3A_2766 = arith.addi %add3A_2765, %iota3A : vector<16xi32>
      %lt3A_2767 = arith.cmpi slt, %add3A_2766, %gather3A_2706 : vector<16xi32>
      %get3A_2768 = arith.constant 8 : i32
      %get3A_2769 = arith.index_cast %get3A_2768 : i32 to index
      %get3A_2770 = arith.constant 48 : index
      %get3A_2771 = tpu.vector_load %arg17[%get3A_2769, %get3A_2770] {strides = array<i32>} : memref<16x128xf32, #tpu.memory_space<vmem>>, vector<16xf32>,
      %get3A_2772 = arith.constant 8 : i32
      %get3A_2773 = arith.index_cast %get3A_2772 : i32 to index
      %get3A_2774 = arith.constant 48 : index
      %get3A_2775 = tpu.vector_load %arg18[%get3A_2773, %get3A_2774] {strides = array<i32>} : memref<16x256xi32, #tpu.memory_space<vmem>>, vector<16xi32>,
      %add3A_2776 = arith.addi %gather3A_2696, %add3A_2766 : vector<16xi32>
      %jit3A_2777 = arith.constant 0 : i32
      %jit3A_2778 = arith.constant 255 : i32
      %max3A_2779 = vector.broadcast %jit3A_2777 : i32 to vector<16xi32>
      %max3A_2780 = arith.maxsi %max3A_2779, %add3A_2776 : vector<16xi32>
      %min3A_2781 = vector.broadcast %jit3A_2778 : i32 to vector<16xi32>
      %min3A_2782 = arith.minsi %min3A_2781, %max3A_2780 : vector<16xi32>
      tpu.vector_store_idx %arg15[%min3A_2782], %get3A_2771 masked %lt3A_2767 : memref<272xf32, #tpu.memory_space<vmem>>[vector<16xi32>], vector<16xf32>, vector<16xi1>
      tpu.vector_store_idx %arg16[%min3A_2782], %get3A_2775 masked %lt3A_2767 : memref<272xi32, #tpu.memory_space<vmem>>[vector<16xi32>], vector<16xi32>, vector<16xi1>
      %add3A_2783 = arith.constant 64 : i32
      %add3A_2784 = vector.broadcast %add3A_2783 : i32 to vector<16xi32>
      %add3A_2785 = arith.addi %add3A_2784, %iota3A : vector<16xi32>
      %lt3A_2786 = arith.cmpi slt, %add3A_2785, %gather3A_2706 : vector<16xi32>
      %get3A_2787 = arith.constant 8 : i32
      %get3A_2788 = arith.index_cast %get3A_2787 : i32 to index
      %get3A_2789 = arith.constant 64 : index
      %get3A_2790 = tpu.vector_load %arg17[%get3A_2788, %get3A_2789] {strides = array<i32>} : memref<16x128xf32, #tpu.memory_space<vmem>>, vector<16xf32>,
      %get3A_2791 = arith.constant 8 : i32
      %get3A_2792 = arith.index_cast %get3A_2791 : i32 to index
      %get3A_2793 = arith.constant 64 : index
      %get3A_2794 = tpu.vector_load %arg18[%get3A_2792, %get3A_2793] {strides = array<i32>} : memref<16x256xi32, #tpu.memory_space<vmem>>, vector<16xi32>,
      %add3A_2795 = arith.addi %gather3A_2696, %add3A_2785 : vector<16xi32>
      %jit3A_2796 = arith.constant 0 : i32
      %jit3A_2797 = arith.constant 255 : i32
      %max3A_2798 = vector.broadcast %jit3A_2796 : i32 to vector<16xi32>
      %max3A_2799 = arith.maxsi %max3A_2798, %add3A_2795 : vector<16xi32>
      %min3A_2800 = vector.broadcast %jit3A_2797 : i32 to vector<16xi32>
      %min3A_2801 = arith.minsi %min3A_2800, %max3A_2799 : vector<16xi32>
      tpu.vector_store_idx %arg15[%min3A_2801], %get3A_2790 masked %lt3A_2786 : memref<272xf32, #tpu.memory_space<vmem>>[vector<16xi32>], vector<16xf32>, vector<16xi1>
      tpu.vector_store_idx %arg16[%min3A_2801], %get3A_2794 masked %lt3A_2786 : memref<272xi32, #tpu.memory_space<vmem>>[vector<16xi32>], vector<16xi32>, vector<16xi1>
      %add3A_2802 = arith.constant 80 : i32
      %add3A_2803 = vector.broadcast %add3A_2802 : i32 to vector<16xi32>
      %add3A_2804 = arith.addi %add3A_2803, %iota3A : vector<16xi32>
      %lt3A_2805 = arith.cmpi slt, %add3A_2804, %gather3A_2706 : vector<16xi32>
      %get3A_2806 = arith.constant 8 : i32
      %get3A_2807 = arith.index_cast %get3A_2806 : i32 to index
      %get3A_2808 = arith.constant 80 : index
      %get3A_2809 = tpu.vector_load %arg17[%get3A_2807, %get3A_2808] {strides = array<i32>} : memref<16x128xf32, #tpu.memory_space<vmem>>, vector<16xf32>,
      %get3A_2810 = arith.constant 8 : i32
      %get3A_2811 = arith.index_cast %get3A_2810 : i32 to index
      %get3A_2812 = arith.constant 80 : index
      %get3A_2813 = tpu.vector_load %arg18[%get3A_2811, %get3A_2812] {strides = array<i32>} : memref<16x256xi32, #tpu.memory_space<vmem>>, vector<16xi32>,
      %add3A_2814 = arith.addi %gather3A_2696, %add3A_2804 : vector<16xi32>
      %jit3A_2815 = arith.constant 0 : i32
      %jit3A_2816 = arith.constant 255 : i32
      %max3A_2817 = vector.broadcast %jit3A_2815 : i32 to vector<16xi32>
      %max3A_2818 = arith.maxsi %max3A_2817, %add3A_2814 : vector<16xi32>
      %min3A_2819 = vector.broadcast %jit3A_2816 : i32 to vector<16xi32>
      %min3A_2820 = arith.minsi %min3A_2819, %max3A_2818 : vector<16xi32>
      tpu.vector_store_idx %arg15[%min3A_2820], %get3A_2809 masked %lt3A_2805 : memref<272xf32, #tpu.memory_space<vmem>>[vector<16xi32>], vector<16xf32>, vector<16xi1>
      tpu.vector_store_idx %arg16[%min3A_2820], %get3A_2813 masked %lt3A_2805 : memref<272xi32, #tpu.memory_space<vmem>>[vector<16xi32>], vector<16xi32>, vector<16xi1>
      %add3A_2821 = arith.constant 96 : i32
      %add3A_2822 = vector.broadcast %add3A_2821 : i32 to vector<16xi32>
      %add3A_2823 = arith.addi %add3A_2822, %iota3A : vector<16xi32>
      %lt3A_2824 = arith.cmpi slt, %add3A_2823, %gather3A_2706 : vector<16xi32>
      %get3A_2825 = arith.constant 8 : i32
      %get3A_2826 = arith.index_cast %get3A_2825 : i32 to index
      %get3A_2827 = arith.constant 96 : index
      %get3A_2828 = tpu.vector_load %arg17[%get3A_2826, %get3A_2827] {strides = array<i32>} : memref<16x128xf32, #tpu.memory_space<vmem>>, vector<16xf32>,
      %get3A_2829 = arith.constant 8 : i32
      %get3A_2830 = arith.index_cast %get3A_2829 : i32 to index
      %get3A_2831 = arith.constant 96 : index
      %get3A_2832 = tpu.vector_load %arg18[%get3A_2830, %get3A_2831] {strides = array<i32>} : memref<16x256xi32, #tpu.memory_space<vmem>>, vector<16xi32>,
      %add3A_2833 = arith.addi %gather3A_2696, %add3A_2823 : vector<16xi32>
      %jit3A_2834 = arith.constant 0 : i32
      %jit3A_2835 = arith.constant 255 : i32
      %max3A_2836 = vector.broadcast %jit3A_2834 : i32 to vector<16xi32>
      %max3A_2837 = arith.maxsi %max3A_2836, %add3A_2833 : vector<16xi32>
      %min3A_2838 = vector.broadcast %jit3A_2835 : i32 to vector<16xi32>
      %min3A_2839 = arith.minsi %min3A_2838, %max3A_2837 : vector<16xi32>
      tpu.vector_store_idx %arg15[%min3A_2839], %get3A_2828 masked %lt3A_2824 : memref<272xf32, #tpu.memory_space<vmem>>[vector<16xi32>], vector<16xf32>, vector<16xi1>
      tpu.vector_store_idx %arg16[%min3A_2839], %get3A_2832 masked %lt3A_2824 : memref<272xi32, #tpu.memory_space<vmem>>[vector<16xi32>], vector<16xi32>, vector<16xi1>
      %add3A_2840 = arith.constant 112 : i32
      %add3A_2841 = vector.broadcast %add3A_2840 : i32 to vector<16xi32>
      %add3A_2842 = arith.addi %add3A_2841, %iota3A : vector<16xi32>
      %lt3A_2843 = arith.cmpi slt, %add3A_2842, %gather3A_2706 : vector<16xi32>
      %get3A_2844 = arith.constant 8 : i32
      %get3A_2845 = arith.index_cast %get3A_2844 : i32 to index
      %get3A_2846 = arith.constant 112 : index
      %get3A_2847 = tpu.vector_load %arg17[%get3A_2845, %get3A_2846] {strides = array<i32>} : memref<16x128xf32, #tpu.memory_space<vmem>>, vector<16xf32>,
      %get3A_2848 = arith.constant 8 : i32
      %get3A_2849 = arith.index_cast %get3A_2848 : i32 to index
      %get3A_2850 = arith.constant 112 : index
      %get3A_2851 = tpu.vector_load %arg18[%get3A_2849, %get3A_2850] {strides = array<i32>} : memref<16x256xi32, #tpu.memory_space<vmem>>, vector<16xi32>,
      %add3A_2852 = arith.addi %gather3A_2696, %add3A_2842 : vector<16xi32>
      %jit3A_2853 = arith.constant 0 : i32
      %jit3A_2854 = arith.constant 255 : i32
      %max3A_2855 = vector.broadcast %jit3A_2853 : i32 to vector<16xi32>
      %max3A_2856 = arith.maxsi %max3A_2855, %add3A_2852 : vector<16xi32>
      %min3A_2857 = vector.broadcast %jit3A_2854 : i32 to vector<16xi32>
      %min3A_2858 = arith.minsi %min3A_2857, %max3A_2856 : vector<16xi32>
      tpu.vector_store_idx %arg15[%min3A_2858], %get3A_2847 masked %lt3A_2843 : memref<272xf32, #tpu.memory_space<vmem>>[vector<16xi32>], vector<16xf32>, vector<16xi1>
      tpu.vector_store_idx %arg16[%min3A_2858], %get3A_2851 masked %lt3A_2843 : memref<272xi32, #tpu.memory_space<vmem>>[vector<16xi32>], vector<16xi32>, vector<16xi1>
      %broadcast_in_dim3A_2859 = arith.constant 9 : i32
      %broadcast_in_dim3A_2860 = vector.broadcast %broadcast_in_dim3A_2859 : i32 to vector<16xi32>
      %lt3A_2861 = arith.constant 0 : i32
      %lt3A_2862 = vector.broadcast %lt3A_2861 : i32 to vector<16xi32>
      %lt3A_2863 = arith.cmpi slt, %broadcast_in_dim3A_2860, %lt3A_2862 : vector<16xi32>
      %add3A_2864 = arith.constant 16 : i32
      %add3A_2865 = vector.broadcast %add3A_2864 : i32 to vector<16xi32>
      %add3A_2866 = arith.addi %broadcast_in_dim3A_2860, %add3A_2865 : vector<16xi32>
      %select_n3A_2867 = arith.select %lt3A_2863, %add3A_2866, %broadcast_in_dim3A_2860 : vector<16xi1>, vector<16xi32>
      %broadcast_in_dim3A_2868 = vector.shape_cast %select_n3A_2867 : vector<16xi32> to vector<16x1xi32>
      %gather3A_2869 = vector.shape_cast %broadcast_in_dim3A_2868 : vector<16x1xi32> to vector<16xi32>
      %gather3A_2870 = tpu.dynamic_gather %sub3A[%gather3A_2869] in [0] : vector<16xi32>, vector<16xi32> -> vector<16xi32>
      %lt3A_2871 = arith.constant 0 : i32
      %lt3A_2872 = vector.broadcast %lt3A_2871 : i32 to vector<16xi32>
      %lt3A_2873 = arith.cmpi slt, %broadcast_in_dim3A_2860, %lt3A_2872 : vector<16xi32>
      %add3A_2874 = arith.constant 16 : i32
      %add3A_2875 = vector.broadcast %add3A_2874 : i32 to vector<16xi32>
      %add3A_2876 = arith.addi %broadcast_in_dim3A_2860, %add3A_2875 : vector<16xi32>
      %select_n3A_2877 = arith.select %lt3A_2873, %add3A_2876, %broadcast_in_dim3A_2860 : vector<16xi1>, vector<16xi32>
      %broadcast_in_dim3A_2878 = vector.shape_cast %select_n3A_2877 : vector<16xi32> to vector<16x1xi32>
      %gather3A_2879 = vector.shape_cast %broadcast_in_dim3A_2878 : vector<16x1xi32> to vector<16xi32>
      %gather3A_2880 = tpu.dynamic_gather %select_n3A_1286[%gather3A_2879] in [0] : vector<16xi32>, vector<16xi32> -> vector<16xi32>
      %add3A_2881 = arith.constant 0 : i32
      %add3A_2882 = vector.broadcast %add3A_2881 : i32 to vector<16xi32>
      %add3A_2883 = arith.addi %add3A_2882, %iota3A : vector<16xi32>
      %lt3A_2884 = arith.cmpi slt, %add3A_2883, %gather3A_2880 : vector<16xi32>
      %get3A_2885 = arith.constant 9 : i32
      %get3A_2886 = arith.index_cast %get3A_2885 : i32 to index
      %get3A_2887 = arith.constant 0 : index
      %get3A_2888 = tpu.vector_load %arg17[%get3A_2886, %get3A_2887] {strides = array<i32>} : memref<16x128xf32, #tpu.memory_space<vmem>>, vector<16xf32>,
      %get3A_2889 = arith.constant 9 : i32
      %get3A_2890 = arith.index_cast %get3A_2889 : i32 to index
      %get3A_2891 = arith.constant 0 : index
      %get3A_2892 = tpu.vector_load %arg18[%get3A_2890, %get3A_2891] {strides = array<i32>} : memref<16x256xi32, #tpu.memory_space<vmem>>, vector<16xi32>,
      %add3A_2893 = arith.addi %gather3A_2870, %add3A_2883 : vector<16xi32>
      %jit3A_2894 = arith.constant 0 : i32
      %jit3A_2895 = arith.constant 255 : i32
      %max3A_2896 = vector.broadcast %jit3A_2894 : i32 to vector<16xi32>
      %max3A_2897 = arith.maxsi %max3A_2896, %add3A_2893 : vector<16xi32>
      %min3A_2898 = vector.broadcast %jit3A_2895 : i32 to vector<16xi32>
      %min3A_2899 = arith.minsi %min3A_2898, %max3A_2897 : vector<16xi32>
      tpu.vector_store_idx %arg15[%min3A_2899], %get3A_2888 masked %lt3A_2884 : memref<272xf32, #tpu.memory_space<vmem>>[vector<16xi32>], vector<16xf32>, vector<16xi1>
      tpu.vector_store_idx %arg16[%min3A_2899], %get3A_2892 masked %lt3A_2884 : memref<272xi32, #tpu.memory_space<vmem>>[vector<16xi32>], vector<16xi32>, vector<16xi1>
      %add3A_2900 = arith.constant 16 : i32
      %add3A_2901 = vector.broadcast %add3A_2900 : i32 to vector<16xi32>
      %add3A_2902 = arith.addi %add3A_2901, %iota3A : vector<16xi32>
      %lt3A_2903 = arith.cmpi slt, %add3A_2902, %gather3A_2880 : vector<16xi32>
      %get3A_2904 = arith.constant 9 : i32
      %get3A_2905 = arith.index_cast %get3A_2904 : i32 to index
      %get3A_2906 = arith.constant 16 : index
      %get3A_2907 = tpu.vector_load %arg17[%get3A_2905, %get3A_2906] {strides = array<i32>} : memref<16x128xf32, #tpu.memory_space<vmem>>, vector<16xf32>,
      %get3A_2908 = arith.constant 9 : i32
      %get3A_2909 = arith.index_cast %get3A_2908 : i32 to index
      %get3A_2910 = arith.constant 16 : index
      %get3A_2911 = tpu.vector_load %arg18[%get3A_2909, %get3A_2910] {strides = array<i32>} : memref<16x256xi32, #tpu.memory_space<vmem>>, vector<16xi32>,
      %add3A_2912 = arith.addi %gather3A_2870, %add3A_2902 : vector<16xi32>
      %jit3A_2913 = arith.constant 0 : i32
      %jit3A_2914 = arith.constant 255 : i32
      %max3A_2915 = vector.broadcast %jit3A_2913 : i32 to vector<16xi32>
      %max3A_2916 = arith.maxsi %max3A_2915, %add3A_2912 : vector<16xi32>
      %min3A_2917 = vector.broadcast %jit3A_2914 : i32 to vector<16xi32>
      %min3A_2918 = arith.minsi %min3A_2917, %max3A_2916 : vector<16xi32>
      tpu.vector_store_idx %arg15[%min3A_2918], %get3A_2907 masked %lt3A_2903 : memref<272xf32, #tpu.memory_space<vmem>>[vector<16xi32>], vector<16xf32>, vector<16xi1>
      tpu.vector_store_idx %arg16[%min3A_2918], %get3A_2911 masked %lt3A_2903 : memref<272xi32, #tpu.memory_space<vmem>>[vector<16xi32>], vector<16xi32>, vector<16xi1>
      %add3A_2919 = arith.constant 32 : i32
      %add3A_2920 = vector.broadcast %add3A_2919 : i32 to vector<16xi32>
      %add3A_2921 = arith.addi %add3A_2920, %iota3A : vector<16xi32>
      %lt3A_2922 = arith.cmpi slt, %add3A_2921, %gather3A_2880 : vector<16xi32>
      %get3A_2923 = arith.constant 9 : i32
      %get3A_2924 = arith.index_cast %get3A_2923 : i32 to index
      %get3A_2925 = arith.constant 32 : index
      %get3A_2926 = tpu.vector_load %arg17[%get3A_2924, %get3A_2925] {strides = array<i32>} : memref<16x128xf32, #tpu.memory_space<vmem>>, vector<16xf32>,
      %get3A_2927 = arith.constant 9 : i32
      %get3A_2928 = arith.index_cast %get3A_2927 : i32 to index
      %get3A_2929 = arith.constant 32 : index
      %get3A_2930 = tpu.vector_load %arg18[%get3A_2928, %get3A_2929] {strides = array<i32>} : memref<16x256xi32, #tpu.memory_space<vmem>>, vector<16xi32>,
      %add3A_2931 = arith.addi %gather3A_2870, %add3A_2921 : vector<16xi32>
      %jit3A_2932 = arith.constant 0 : i32
      %jit3A_2933 = arith.constant 255 : i32
      %max3A_2934 = vector.broadcast %jit3A_2932 : i32 to vector<16xi32>
      %max3A_2935 = arith.maxsi %max3A_2934, %add3A_2931 : vector<16xi32>
      %min3A_2936 = vector.broadcast %jit3A_2933 : i32 to vector<16xi32>
      %min3A_2937 = arith.minsi %min3A_2936, %max3A_2935 : vector<16xi32>
      tpu.vector_store_idx %arg15[%min3A_2937], %get3A_2926 masked %lt3A_2922 : memref<272xf32, #tpu.memory_space<vmem>>[vector<16xi32>], vector<16xf32>, vector<16xi1>
      tpu.vector_store_idx %arg16[%min3A_2937], %get3A_2930 masked %lt3A_2922 : memref<272xi32, #tpu.memory_space<vmem>>[vector<16xi32>], vector<16xi32>, vector<16xi1>
      %add3A_2938 = arith.constant 48 : i32
      %add3A_2939 = vector.broadcast %add3A_2938 : i32 to vector<16xi32>
      %add3A_2940 = arith.addi %add3A_2939, %iota3A : vector<16xi32>
      %lt3A_2941 = arith.cmpi slt, %add3A_2940, %gather3A_2880 : vector<16xi32>
      %get3A_2942 = arith.constant 9 : i32
      %get3A_2943 = arith.index_cast %get3A_2942 : i32 to index
      %get3A_2944 = arith.constant 48 : index
      %get3A_2945 = tpu.vector_load %arg17[%get3A_2943, %get3A_2944] {strides = array<i32>} : memref<16x128xf32, #tpu.memory_space<vmem>>, vector<16xf32>,
      %get3A_2946 = arith.constant 9 : i32
      %get3A_2947 = arith.index_cast %get3A_2946 : i32 to index
      %get3A_2948 = arith.constant 48 : index
      %get3A_2949 = tpu.vector_load %arg18[%get3A_2947, %get3A_2948] {strides = array<i32>} : memref<16x256xi32, #tpu.memory_space<vmem>>, vector<16xi32>,
      %add3A_2950 = arith.addi %gather3A_2870, %add3A_2940 : vector<16xi32>
      %jit3A_2951 = arith.constant 0 : i32
      %jit3A_2952 = arith.constant 255 : i32
      %max3A_2953 = vector.broadcast %jit3A_2951 : i32 to vector<16xi32>
      %max3A_2954 = arith.maxsi %max3A_2953, %add3A_2950 : vector<16xi32>
      %min3A_2955 = vector.broadcast %jit3A_2952 : i32 to vector<16xi32>
      %min3A_2956 = arith.minsi %min3A_2955, %max3A_2954 : vector<16xi32>
      tpu.vector_store_idx %arg15[%min3A_2956], %get3A_2945 masked %lt3A_2941 : memref<272xf32, #tpu.memory_space<vmem>>[vector<16xi32>], vector<16xf32>, vector<16xi1>
      tpu.vector_store_idx %arg16[%min3A_2956], %get3A_2949 masked %lt3A_2941 : memref<272xi32, #tpu.memory_space<vmem>>[vector<16xi32>], vector<16xi32>, vector<16xi1>
      %add3A_2957 = arith.constant 64 : i32
      %add3A_2958 = vector.broadcast %add3A_2957 : i32 to vector<16xi32>
      %add3A_2959 = arith.addi %add3A_2958, %iota3A : vector<16xi32>
      %lt3A_2960 = arith.cmpi slt, %add3A_2959, %gather3A_2880 : vector<16xi32>
      %get3A_2961 = arith.constant 9 : i32
      %get3A_2962 = arith.index_cast %get3A_2961 : i32 to index
      %get3A_2963 = arith.constant 64 : index
      %get3A_2964 = tpu.vector_load %arg17[%get3A_2962, %get3A_2963] {strides = array<i32>} : memref<16x128xf32, #tpu.memory_space<vmem>>, vector<16xf32>,
      %get3A_2965 = arith.constant 9 : i32
      %get3A_2966 = arith.index_cast %get3A_2965 : i32 to index
      %get3A_2967 = arith.constant 64 : index
      %get3A_2968 = tpu.vector_load %arg18[%get3A_2966, %get3A_2967] {strides = array<i32>} : memref<16x256xi32, #tpu.memory_space<vmem>>, vector<16xi32>,
      %add3A_2969 = arith.addi %gather3A_2870, %add3A_2959 : vector<16xi32>
      %jit3A_2970 = arith.constant 0 : i32
      %jit3A_2971 = arith.constant 255 : i32
      %max3A_2972 = vector.broadcast %jit3A_2970 : i32 to vector<16xi32>
      %max3A_2973 = arith.maxsi %max3A_2972, %add3A_2969 : vector<16xi32>
      %min3A_2974 = vector.broadcast %jit3A_2971 : i32 to vector<16xi32>
      %min3A_2975 = arith.minsi %min3A_2974, %max3A_2973 : vector<16xi32>
      tpu.vector_store_idx %arg15[%min3A_2975], %get3A_2964 masked %lt3A_2960 : memref<272xf32, #tpu.memory_space<vmem>>[vector<16xi32>], vector<16xf32>, vector<16xi1>
      tpu.vector_store_idx %arg16[%min3A_2975], %get3A_2968 masked %lt3A_2960 : memref<272xi32, #tpu.memory_space<vmem>>[vector<16xi32>], vector<16xi32>, vector<16xi1>
      %add3A_2976 = arith.constant 80 : i32
      %add3A_2977 = vector.broadcast %add3A_2976 : i32 to vector<16xi32>
      %add3A_2978 = arith.addi %add3A_2977, %iota3A : vector<16xi32>
      %lt3A_2979 = arith.cmpi slt, %add3A_2978, %gather3A_2880 : vector<16xi32>
      %get3A_2980 = arith.constant 9 : i32
      %get3A_2981 = arith.index_cast %get3A_2980 : i32 to index
      %get3A_2982 = arith.constant 80 : index
      %get3A_2983 = tpu.vector_load %arg17[%get3A_2981, %get3A_2982] {strides = array<i32>} : memref<16x128xf32, #tpu.memory_space<vmem>>, vector<16xf32>,
      %get3A_2984 = arith.constant 9 : i32
      %get3A_2985 = arith.index_cast %get3A_2984 : i32 to index
      %get3A_2986 = arith.constant 80 : index
      %get3A_2987 = tpu.vector_load %arg18[%get3A_2985, %get3A_2986] {strides = array<i32>} : memref<16x256xi32, #tpu.memory_space<vmem>>, vector<16xi32>,
      %add3A_2988 = arith.addi %gather3A_2870, %add3A_2978 : vector<16xi32>
      %jit3A_2989 = arith.constant 0 : i32
      %jit3A_2990 = arith.constant 255 : i32
      %max3A_2991 = vector.broadcast %jit3A_2989 : i32 to vector<16xi32>
      %max3A_2992 = arith.maxsi %max3A_2991, %add3A_2988 : vector<16xi32>
      %min3A_2993 = vector.broadcast %jit3A_2990 : i32 to vector<16xi32>
      %min3A_2994 = arith.minsi %min3A_2993, %max3A_2992 : vector<16xi32>
      tpu.vector_store_idx %arg15[%min3A_2994], %get3A_2983 masked %lt3A_2979 : memref<272xf32, #tpu.memory_space<vmem>>[vector<16xi32>], vector<16xf32>, vector<16xi1>
      tpu.vector_store_idx %arg16[%min3A_2994], %get3A_2987 masked %lt3A_2979 : memref<272xi32, #tpu.memory_space<vmem>>[vector<16xi32>], vector<16xi32>, vector<16xi1>
      %add3A_2995 = arith.constant 96 : i32
      %add3A_2996 = vector.broadcast %add3A_2995 : i32 to vector<16xi32>
      %add3A_2997 = arith.addi %add3A_2996, %iota3A : vector<16xi32>
      %lt3A_2998 = arith.cmpi slt, %add3A_2997, %gather3A_2880 : vector<16xi32>
      %get3A_2999 = arith.constant 9 : i32
      %get3A_3000 = arith.index_cast %get3A_2999 : i32 to index
      %get3A_3001 = arith.constant 96 : index
      %get3A_3002 = tpu.vector_load %arg17[%get3A_3000, %get3A_3001] {strides = array<i32>} : memref<16x128xf32, #tpu.memory_space<vmem>>, vector<16xf32>,
      %get3A_3003 = arith.constant 9 : i32
      %get3A_3004 = arith.index_cast %get3A_3003 : i32 to index
      %get3A_3005 = arith.constant 96 : index
      %get3A_3006 = tpu.vector_load %arg18[%get3A_3004, %get3A_3005] {strides = array<i32>} : memref<16x256xi32, #tpu.memory_space<vmem>>, vector<16xi32>,
      %add3A_3007 = arith.addi %gather3A_2870, %add3A_2997 : vector<16xi32>
      %jit3A_3008 = arith.constant 0 : i32
      %jit3A_3009 = arith.constant 255 : i32
      %max3A_3010 = vector.broadcast %jit3A_3008 : i32 to vector<16xi32>
      %max3A_3011 = arith.maxsi %max3A_3010, %add3A_3007 : vector<16xi32>
      %min3A_3012 = vector.broadcast %jit3A_3009 : i32 to vector<16xi32>
      %min3A_3013 = arith.minsi %min3A_3012, %max3A_3011 : vector<16xi32>
      tpu.vector_store_idx %arg15[%min3A_3013], %get3A_3002 masked %lt3A_2998 : memref<272xf32, #tpu.memory_space<vmem>>[vector<16xi32>], vector<16xf32>, vector<16xi1>
      tpu.vector_store_idx %arg16[%min3A_3013], %get3A_3006 masked %lt3A_2998 : memref<272xi32, #tpu.memory_space<vmem>>[vector<16xi32>], vector<16xi32>, vector<16xi1>
      %add3A_3014 = arith.constant 112 : i32
      %add3A_3015 = vector.broadcast %add3A_3014 : i32 to vector<16xi32>
      %add3A_3016 = arith.addi %add3A_3015, %iota3A : vector<16xi32>
      %lt3A_3017 = arith.cmpi slt, %add3A_3016, %gather3A_2880 : vector<16xi32>
      %get3A_3018 = arith.constant 9 : i32
      %get3A_3019 = arith.index_cast %get3A_3018 : i32 to index
      %get3A_3020 = arith.constant 112 : index
      %get3A_3021 = tpu.vector_load %arg17[%get3A_3019, %get3A_3020] {strides = array<i32>} : memref<16x128xf32, #tpu.memory_space<vmem>>, vector<16xf32>,
      %get3A_3022 = arith.constant 9 : i32
      %get3A_3023 = arith.index_cast %get3A_3022 : i32 to index
      %get3A_3024 = arith.constant 112 : index
      %get3A_3025 = tpu.vector_load %arg18[%get3A_3023, %get3A_3024] {strides = array<i32>} : memref<16x256xi32, #tpu.memory_space<vmem>>, vector<16xi32>,
      %add3A_3026 = arith.addi %gather3A_2870, %add3A_3016 : vector<16xi32>
      %jit3A_3027 = arith.constant 0 : i32
      %jit3A_3028 = arith.constant 255 : i32
      %max3A_3029 = vector.broadcast %jit3A_3027 : i32 to vector<16xi32>
      %max3A_3030 = arith.maxsi %max3A_3029, %add3A_3026 : vector<16xi32>
      %min3A_3031 = vector.broadcast %jit3A_3028 : i32 to vector<16xi32>
      %min3A_3032 = arith.minsi %min3A_3031, %max3A_3030 : vector<16xi32>
      tpu.vector_store_idx %arg15[%min3A_3032], %get3A_3021 masked %lt3A_3017 : memref<272xf32, #tpu.memory_space<vmem>>[vector<16xi32>], vector<16xf32>, vector<16xi1>
      tpu.vector_store_idx %arg16[%min3A_3032], %get3A_3025 masked %lt3A_3017 : memref<272xi32, #tpu.memory_space<vmem>>[vector<16xi32>], vector<16xi32>, vector<16xi1>
      %broadcast_in_dim3A_3033 = arith.constant 10 : i32
      %broadcast_in_dim3A_3034 = vector.broadcast %broadcast_in_dim3A_3033 : i32 to vector<16xi32>
      %lt3A_3035 = arith.constant 0 : i32
      %lt3A_3036 = vector.broadcast %lt3A_3035 : i32 to vector<16xi32>
      %lt3A_3037 = arith.cmpi slt, %broadcast_in_dim3A_3034, %lt3A_3036 : vector<16xi32>
      %add3A_3038 = arith.constant 16 : i32
      %add3A_3039 = vector.broadcast %add3A_3038 : i32 to vector<16xi32>
      %add3A_3040 = arith.addi %broadcast_in_dim3A_3034, %add3A_3039 : vector<16xi32>
      %select_n3A_3041 = arith.select %lt3A_3037, %add3A_3040, %broadcast_in_dim3A_3034 : vector<16xi1>, vector<16xi32>
      %broadcast_in_dim3A_3042 = vector.shape_cast %select_n3A_3041 : vector<16xi32> to vector<16x1xi32>
      %gather3A_3043 = vector.shape_cast %broadcast_in_dim3A_3042 : vector<16x1xi32> to vector<16xi32>
      %gather3A_3044 = tpu.dynamic_gather %sub3A[%gather3A_3043] in [0] : vector<16xi32>, vector<16xi32> -> vector<16xi32>
      %lt3A_3045 = arith.constant 0 : i32
      %lt3A_3046 = vector.broadcast %lt3A_3045 : i32 to vector<16xi32>
      %lt3A_3047 = arith.cmpi slt, %broadcast_in_dim3A_3034, %lt3A_3046 : vector<16xi32>
      %add3A_3048 = arith.constant 16 : i32
      %add3A_3049 = vector.broadcast %add3A_3048 : i32 to vector<16xi32>
      %add3A_3050 = arith.addi %broadcast_in_dim3A_3034, %add3A_3049 : vector<16xi32>
      %select_n3A_3051 = arith.select %lt3A_3047, %add3A_3050, %broadcast_in_dim3A_3034 : vector<16xi1>, vector<16xi32>
      %broadcast_in_dim3A_3052 = vector.shape_cast %select_n3A_3051 : vector<16xi32> to vector<16x1xi32>
      %gather3A_3053 = vector.shape_cast %broadcast_in_dim3A_3052 : vector<16x1xi32> to vector<16xi32>
      %gather3A_3054 = tpu.dynamic_gather %select_n3A_1286[%gather3A_3053] in [0] : vector<16xi32>, vector<16xi32> -> vector<16xi32>
      %add3A_3055 = arith.constant 0 : i32
      %add3A_3056 = vector.broadcast %add3A_3055 : i32 to vector<16xi32>
      %add3A_3057 = arith.addi %add3A_3056, %iota3A : vector<16xi32>
      %lt3A_3058 = arith.cmpi slt, %add3A_3057, %gather3A_3054 : vector<16xi32>
      %get3A_3059 = arith.constant 10 : i32
      %get3A_3060 = arith.index_cast %get3A_3059 : i32 to index
      %get3A_3061 = arith.constant 0 : index
      %get3A_3062 = tpu.vector_load %arg17[%get3A_3060, %get3A_3061] {strides = array<i32>} : memref<16x128xf32, #tpu.memory_space<vmem>>, vector<16xf32>,
      %get3A_3063 = arith.constant 10 : i32
      %get3A_3064 = arith.index_cast %get3A_3063 : i32 to index
      %get3A_3065 = arith.constant 0 : index
      %get3A_3066 = tpu.vector_load %arg18[%get3A_3064, %get3A_3065] {strides = array<i32>} : memref<16x256xi32, #tpu.memory_space<vmem>>, vector<16xi32>,
      %add3A_3067 = arith.addi %gather3A_3044, %add3A_3057 : vector<16xi32>
      %jit3A_3068 = arith.constant 0 : i32
      %jit3A_3069 = arith.constant 255 : i32
      %max3A_3070 = vector.broadcast %jit3A_3068 : i32 to vector<16xi32>
      %max3A_3071 = arith.maxsi %max3A_3070, %add3A_3067 : vector<16xi32>
      %min3A_3072 = vector.broadcast %jit3A_3069 : i32 to vector<16xi32>
      %min3A_3073 = arith.minsi %min3A_3072, %max3A_3071 : vector<16xi32>
      tpu.vector_store_idx %arg15[%min3A_3073], %get3A_3062 masked %lt3A_3058 : memref<272xf32, #tpu.memory_space<vmem>>[vector<16xi32>], vector<16xf32>, vector<16xi1>
      tpu.vector_store_idx %arg16[%min3A_3073], %get3A_3066 masked %lt3A_3058 : memref<272xi32, #tpu.memory_space<vmem>>[vector<16xi32>], vector<16xi32>, vector<16xi1>
      %add3A_3074 = arith.constant 16 : i32
      %add3A_3075 = vector.broadcast %add3A_3074 : i32 to vector<16xi32>
      %add3A_3076 = arith.addi %add3A_3075, %iota3A : vector<16xi32>
      %lt3A_3077 = arith.cmpi slt, %add3A_3076, %gather3A_3054 : vector<16xi32>
      %get3A_3078 = arith.constant 10 : i32
      %get3A_3079 = arith.index_cast %get3A_3078 : i32 to index
      %get3A_3080 = arith.constant 16 : index
      %get3A_3081 = tpu.vector_load %arg17[%get3A_3079, %get3A_3080] {strides = array<i32>} : memref<16x128xf32, #tpu.memory_space<vmem>>, vector<16xf32>,
      %get3A_3082 = arith.constant 10 : i32
      %get3A_3083 = arith.index_cast %get3A_3082 : i32 to index
      %get3A_3084 = arith.constant 16 : index
      %get3A_3085 = tpu.vector_load %arg18[%get3A_3083, %get3A_3084] {strides = array<i32>} : memref<16x256xi32, #tpu.memory_space<vmem>>, vector<16xi32>,
      %add3A_3086 = arith.addi %gather3A_3044, %add3A_3076 : vector<16xi32>
      %jit3A_3087 = arith.constant 0 : i32
      %jit3A_3088 = arith.constant 255 : i32
      %max3A_3089 = vector.broadcast %jit3A_3087 : i32 to vector<16xi32>
      %max3A_3090 = arith.maxsi %max3A_3089, %add3A_3086 : vector<16xi32>
      %min3A_3091 = vector.broadcast %jit3A_3088 : i32 to vector<16xi32>
      %min3A_3092 = arith.minsi %min3A_3091, %max3A_3090 : vector<16xi32>
      tpu.vector_store_idx %arg15[%min3A_3092], %get3A_3081 masked %lt3A_3077 : memref<272xf32, #tpu.memory_space<vmem>>[vector<16xi32>], vector<16xf32>, vector<16xi1>
      tpu.vector_store_idx %arg16[%min3A_3092], %get3A_3085 masked %lt3A_3077 : memref<272xi32, #tpu.memory_space<vmem>>[vector<16xi32>], vector<16xi32>, vector<16xi1>
      %add3A_3093 = arith.constant 32 : i32
      %add3A_3094 = vector.broadcast %add3A_3093 : i32 to vector<16xi32>
      %add3A_3095 = arith.addi %add3A_3094, %iota3A : vector<16xi32>
      %lt3A_3096 = arith.cmpi slt, %add3A_3095, %gather3A_3054 : vector<16xi32>
      %get3A_3097 = arith.constant 10 : i32
      %get3A_3098 = arith.index_cast %get3A_3097 : i32 to index
      %get3A_3099 = arith.constant 32 : index
      %get3A_3100 = tpu.vector_load %arg17[%get3A_3098, %get3A_3099] {strides = array<i32>} : memref<16x128xf32, #tpu.memory_space<vmem>>, vector<16xf32>,
      %get3A_3101 = arith.constant 10 : i32
      %get3A_3102 = arith.index_cast %get3A_3101 : i32 to index
      %get3A_3103 = arith.constant 32 : index
      %get3A_3104 = tpu.vector_load %arg18[%get3A_3102, %get3A_3103] {strides = array<i32>} : memref<16x256xi32, #tpu.memory_space<vmem>>, vector<16xi32>,
      %add3A_3105 = arith.addi %gather3A_3044, %add3A_3095 : vector<16xi32>
      %jit3A_3106 = arith.constant 0 : i32
      %jit3A_3107 = arith.constant 255 : i32
      %max3A_3108 = vector.broadcast %jit3A_3106 : i32 to vector<16xi32>
      %max3A_3109 = arith.maxsi %max3A_3108, %add3A_3105 : vector<16xi32>
      %min3A_3110 = vector.broadcast %jit3A_3107 : i32 to vector<16xi32>
      %min3A_3111 = arith.minsi %min3A_3110, %max3A_3109 : vector<16xi32>
      tpu.vector_store_idx %arg15[%min3A_3111], %get3A_3100 masked %lt3A_3096 : memref<272xf32, #tpu.memory_space<vmem>>[vector<16xi32>], vector<16xf32>, vector<16xi1>
      tpu.vector_store_idx %arg16[%min3A_3111], %get3A_3104 masked %lt3A_3096 : memref<272xi32, #tpu.memory_space<vmem>>[vector<16xi32>], vector<16xi32>, vector<16xi1>
      %add3A_3112 = arith.constant 48 : i32
      %add3A_3113 = vector.broadcast %add3A_3112 : i32 to vector<16xi32>
      %add3A_3114 = arith.addi %add3A_3113, %iota3A : vector<16xi32>
      %lt3A_3115 = arith.cmpi slt, %add3A_3114, %gather3A_3054 : vector<16xi32>
      %get3A_3116 = arith.constant 10 : i32
      %get3A_3117 = arith.index_cast %get3A_3116 : i32 to index
      %get3A_3118 = arith.constant 48 : index
      %get3A_3119 = tpu.vector_load %arg17[%get3A_3117, %get3A_3118] {strides = array<i32>} : memref<16x128xf32, #tpu.memory_space<vmem>>, vector<16xf32>,
      %get3A_3120 = arith.constant 10 : i32
      %get3A_3121 = arith.index_cast %get3A_3120 : i32 to index
      %get3A_3122 = arith.constant 48 : index
      %get3A_3123 = tpu.vector_load %arg18[%get3A_3121, %get3A_3122] {strides = array<i32>} : memref<16x256xi32, #tpu.memory_space<vmem>>, vector<16xi32>,
      %add3A_3124 = arith.addi %gather3A_3044, %add3A_3114 : vector<16xi32>
      %jit3A_3125 = arith.constant 0 : i32
      %jit3A_3126 = arith.constant 255 : i32
      %max3A_3127 = vector.broadcast %jit3A_3125 : i32 to vector<16xi32>
      %max3A_3128 = arith.maxsi %max3A_3127, %add3A_3124 : vector<16xi32>
      %min3A_3129 = vector.broadcast %jit3A_3126 : i32 to vector<16xi32>
      %min3A_3130 = arith.minsi %min3A_3129, %max3A_3128 : vector<16xi32>
      tpu.vector_store_idx %arg15[%min3A_3130], %get3A_3119 masked %lt3A_3115 : memref<272xf32, #tpu.memory_space<vmem>>[vector<16xi32>], vector<16xf32>, vector<16xi1>
      tpu.vector_store_idx %arg16[%min3A_3130], %get3A_3123 masked %lt3A_3115 : memref<272xi32, #tpu.memory_space<vmem>>[vector<16xi32>], vector<16xi32>, vector<16xi1>
      %add3A_3131 = arith.constant 64 : i32
      %add3A_3132 = vector.broadcast %add3A_3131 : i32 to vector<16xi32>
      %add3A_3133 = arith.addi %add3A_3132, %iota3A : vector<16xi32>
      %lt3A_3134 = arith.cmpi slt, %add3A_3133, %gather3A_3054 : vector<16xi32>
      %get3A_3135 = arith.constant 10 : i32
      %get3A_3136 = arith.index_cast %get3A_3135 : i32 to index
      %get3A_3137 = arith.constant 64 : index
      %get3A_3138 = tpu.vector_load %arg17[%get3A_3136, %get3A_3137] {strides = array<i32>} : memref<16x128xf32, #tpu.memory_space<vmem>>, vector<16xf32>,
      %get3A_3139 = arith.constant 10 : i32
      %get3A_3140 = arith.index_cast %get3A_3139 : i32 to index
      %get3A_3141 = arith.constant 64 : index
      %get3A_3142 = tpu.vector_load %arg18[%get3A_3140, %get3A_3141] {strides = array<i32>} : memref<16x256xi32, #tpu.memory_space<vmem>>, vector<16xi32>,
      %add3A_3143 = arith.addi %gather3A_3044, %add3A_3133 : vector<16xi32>
      %jit3A_3144 = arith.constant 0 : i32
      %jit3A_3145 = arith.constant 255 : i32
      %max3A_3146 = vector.broadcast %jit3A_3144 : i32 to vector<16xi32>
      %max3A_3147 = arith.maxsi %max3A_3146, %add3A_3143 : vector<16xi32>
      %min3A_3148 = vector.broadcast %jit3A_3145 : i32 to vector<16xi32>
      %min3A_3149 = arith.minsi %min3A_3148, %max3A_3147 : vector<16xi32>
      tpu.vector_store_idx %arg15[%min3A_3149], %get3A_3138 masked %lt3A_3134 : memref<272xf32, #tpu.memory_space<vmem>>[vector<16xi32>], vector<16xf32>, vector<16xi1>
      tpu.vector_store_idx %arg16[%min3A_3149], %get3A_3142 masked %lt3A_3134 : memref<272xi32, #tpu.memory_space<vmem>>[vector<16xi32>], vector<16xi32>, vector<16xi1>
      %add3A_3150 = arith.constant 80 : i32
      %add3A_3151 = vector.broadcast %add3A_3150 : i32 to vector<16xi32>
      %add3A_3152 = arith.addi %add3A_3151, %iota3A : vector<16xi32>
      %lt3A_3153 = arith.cmpi slt, %add3A_3152, %gather3A_3054 : vector<16xi32>
      %get3A_3154 = arith.constant 10 : i32
      %get3A_3155 = arith.index_cast %get3A_3154 : i32 to index
      %get3A_3156 = arith.constant 80 : index
      %get3A_3157 = tpu.vector_load %arg17[%get3A_3155, %get3A_3156] {strides = array<i32>} : memref<16x128xf32, #tpu.memory_space<vmem>>, vector<16xf32>,
      %get3A_3158 = arith.constant 10 : i32
      %get3A_3159 = arith.index_cast %get3A_3158 : i32 to index
      %get3A_3160 = arith.constant 80 : index
      %get3A_3161 = tpu.vector_load %arg18[%get3A_3159, %get3A_3160] {strides = array<i32>} : memref<16x256xi32, #tpu.memory_space<vmem>>, vector<16xi32>,
      %add3A_3162 = arith.addi %gather3A_3044, %add3A_3152 : vector<16xi32>
      %jit3A_3163 = arith.constant 0 : i32
      %jit3A_3164 = arith.constant 255 : i32
      %max3A_3165 = vector.broadcast %jit3A_3163 : i32 to vector<16xi32>
      %max3A_3166 = arith.maxsi %max3A_3165, %add3A_3162 : vector<16xi32>
      %min3A_3167 = vector.broadcast %jit3A_3164 : i32 to vector<16xi32>
      %min3A_3168 = arith.minsi %min3A_3167, %max3A_3166 : vector<16xi32>
      tpu.vector_store_idx %arg15[%min3A_3168], %get3A_3157 masked %lt3A_3153 : memref<272xf32, #tpu.memory_space<vmem>>[vector<16xi32>], vector<16xf32>, vector<16xi1>
      tpu.vector_store_idx %arg16[%min3A_3168], %get3A_3161 masked %lt3A_3153 : memref<272xi32, #tpu.memory_space<vmem>>[vector<16xi32>], vector<16xi32>, vector<16xi1>
      %add3A_3169 = arith.constant 96 : i32
      %add3A_3170 = vector.broadcast %add3A_3169 : i32 to vector<16xi32>
      %add3A_3171 = arith.addi %add3A_3170, %iota3A : vector<16xi32>
      %lt3A_3172 = arith.cmpi slt, %add3A_3171, %gather3A_3054 : vector<16xi32>
      %get3A_3173 = arith.constant 10 : i32
      %get3A_3174 = arith.index_cast %get3A_3173 : i32 to index
      %get3A_3175 = arith.constant 96 : index
      %get3A_3176 = tpu.vector_load %arg17[%get3A_3174, %get3A_3175] {strides = array<i32>} : memref<16x128xf32, #tpu.memory_space<vmem>>, vector<16xf32>,
      %get3A_3177 = arith.constant 10 : i32
      %get3A_3178 = arith.index_cast %get3A_3177 : i32 to index
      %get3A_3179 = arith.constant 96 : index
      %get3A_3180 = tpu.vector_load %arg18[%get3A_3178, %get3A_3179] {strides = array<i32>} : memref<16x256xi32, #tpu.memory_space<vmem>>, vector<16xi32>,
      %add3A_3181 = arith.addi %gather3A_3044, %add3A_3171 : vector<16xi32>
      %jit3A_3182 = arith.constant 0 : i32
      %jit3A_3183 = arith.constant 255 : i32
      %max3A_3184 = vector.broadcast %jit3A_3182 : i32 to vector<16xi32>
      %max3A_3185 = arith.maxsi %max3A_3184, %add3A_3181 : vector<16xi32>
      %min3A_3186 = vector.broadcast %jit3A_3183 : i32 to vector<16xi32>
      %min3A_3187 = arith.minsi %min3A_3186, %max3A_3185 : vector<16xi32>
      tpu.vector_store_idx %arg15[%min3A_3187], %get3A_3176 masked %lt3A_3172 : memref<272xf32, #tpu.memory_space<vmem>>[vector<16xi32>], vector<16xf32>, vector<16xi1>
      tpu.vector_store_idx %arg16[%min3A_3187], %get3A_3180 masked %lt3A_3172 : memref<272xi32, #tpu.memory_space<vmem>>[vector<16xi32>], vector<16xi32>, vector<16xi1>
      %add3A_3188 = arith.constant 112 : i32
      %add3A_3189 = vector.broadcast %add3A_3188 : i32 to vector<16xi32>
      %add3A_3190 = arith.addi %add3A_3189, %iota3A : vector<16xi32>
      %lt3A_3191 = arith.cmpi slt, %add3A_3190, %gather3A_3054 : vector<16xi32>
      %get3A_3192 = arith.constant 10 : i32
      %get3A_3193 = arith.index_cast %get3A_3192 : i32 to index
      %get3A_3194 = arith.constant 112 : index
      %get3A_3195 = tpu.vector_load %arg17[%get3A_3193, %get3A_3194] {strides = array<i32>} : memref<16x128xf32, #tpu.memory_space<vmem>>, vector<16xf32>,
      %get3A_3196 = arith.constant 10 : i32
      %get3A_3197 = arith.index_cast %get3A_3196 : i32 to index
      %get3A_3198 = arith.constant 112 : index
      %get3A_3199 = tpu.vector_load %arg18[%get3A_3197, %get3A_3198] {strides = array<i32>} : memref<16x256xi32, #tpu.memory_space<vmem>>, vector<16xi32>,
      %add3A_3200 = arith.addi %gather3A_3044, %add3A_3190 : vector<16xi32>
      %jit3A_3201 = arith.constant 0 : i32
      %jit3A_3202 = arith.constant 255 : i32
      %max3A_3203 = vector.broadcast %jit3A_3201 : i32 to vector<16xi32>
      %max3A_3204 = arith.maxsi %max3A_3203, %add3A_3200 : vector<16xi32>
      %min3A_3205 = vector.broadcast %jit3A_3202 : i32 to vector<16xi32>
      %min3A_3206 = arith.minsi %min3A_3205, %max3A_3204 : vector<16xi32>
      tpu.vector_store_idx %arg15[%min3A_3206], %get3A_3195 masked %lt3A_3191 : memref<272xf32, #tpu.memory_space<vmem>>[vector<16xi32>], vector<16xf32>, vector<16xi1>
      tpu.vector_store_idx %arg16[%min3A_3206], %get3A_3199 masked %lt3A_3191 : memref<272xi32, #tpu.memory_space<vmem>>[vector<16xi32>], vector<16xi32>, vector<16xi1>
      %broadcast_in_dim3A_3207 = arith.constant 11 : i32
      %broadcast_in_dim3A_3208 = vector.broadcast %broadcast_in_dim3A_3207 : i32 to vector<16xi32>
      %lt3A_3209 = arith.constant 0 : i32
      %lt3A_3210 = vector.broadcast %lt3A_3209 : i32 to vector<16xi32>
      %lt3A_3211 = arith.cmpi slt, %broadcast_in_dim3A_3208, %lt3A_3210 : vector<16xi32>
      %add3A_3212 = arith.constant 16 : i32
      %add3A_3213 = vector.broadcast %add3A_3212 : i32 to vector<16xi32>
      %add3A_3214 = arith.addi %broadcast_in_dim3A_3208, %add3A_3213 : vector<16xi32>
      %select_n3A_3215 = arith.select %lt3A_3211, %add3A_3214, %broadcast_in_dim3A_3208 : vector<16xi1>, vector<16xi32>
      %broadcast_in_dim3A_3216 = vector.shape_cast %select_n3A_3215 : vector<16xi32> to vector<16x1xi32>
      %gather3A_3217 = vector.shape_cast %broadcast_in_dim3A_3216 : vector<16x1xi32> to vector<16xi32>
      %gather3A_3218 = tpu.dynamic_gather %sub3A[%gather3A_3217] in [0] : vector<16xi32>, vector<16xi32> -> vector<16xi32>
      %lt3A_3219 = arith.constant 0 : i32
      %lt3A_3220 = vector.broadcast %lt3A_3219 : i32 to vector<16xi32>
      %lt3A_3221 = arith.cmpi slt, %broadcast_in_dim3A_3208, %lt3A_3220 : vector<16xi32>
      %add3A_3222 = arith.constant 16 : i32
      %add3A_3223 = vector.broadcast %add3A_3222 : i32 to vector<16xi32>
      %add3A_3224 = arith.addi %broadcast_in_dim3A_3208, %add3A_3223 : vector<16xi32>
      %select_n3A_3225 = arith.select %lt3A_3221, %add3A_3224, %broadcast_in_dim3A_3208 : vector<16xi1>, vector<16xi32>
      %broadcast_in_dim3A_3226 = vector.shape_cast %select_n3A_3225 : vector<16xi32> to vector<16x1xi32>
      %gather3A_3227 = vector.shape_cast %broadcast_in_dim3A_3226 : vector<16x1xi32> to vector<16xi32>
      %gather3A_3228 = tpu.dynamic_gather %select_n3A_1286[%gather3A_3227] in [0] : vector<16xi32>, vector<16xi32> -> vector<16xi32>
      %add3A_3229 = arith.constant 0 : i32
      %add3A_3230 = vector.broadcast %add3A_3229 : i32 to vector<16xi32>
      %add3A_3231 = arith.addi %add3A_3230, %iota3A : vector<16xi32>
      %lt3A_3232 = arith.cmpi slt, %add3A_3231, %gather3A_3228 : vector<16xi32>
      %get3A_3233 = arith.constant 11 : i32
      %get3A_3234 = arith.index_cast %get3A_3233 : i32 to index
      %get3A_3235 = arith.constant 0 : index
      %get3A_3236 = tpu.vector_load %arg17[%get3A_3234, %get3A_3235] {strides = array<i32>} : memref<16x128xf32, #tpu.memory_space<vmem>>, vector<16xf32>,
      %get3A_3237 = arith.constant 11 : i32
      %get3A_3238 = arith.index_cast %get3A_3237 : i32 to index
      %get3A_3239 = arith.constant 0 : index
      %get3A_3240 = tpu.vector_load %arg18[%get3A_3238, %get3A_3239] {strides = array<i32>} : memref<16x256xi32, #tpu.memory_space<vmem>>, vector<16xi32>,
      %add3A_3241 = arith.addi %gather3A_3218, %add3A_3231 : vector<16xi32>
      %jit3A_3242 = arith.constant 0 : i32
      %jit3A_3243 = arith.constant 255 : i32
      %max3A_3244 = vector.broadcast %jit3A_3242 : i32 to vector<16xi32>
      %max3A_3245 = arith.maxsi %max3A_3244, %add3A_3241 : vector<16xi32>
      %min3A_3246 = vector.broadcast %jit3A_3243 : i32 to vector<16xi32>
      %min3A_3247 = arith.minsi %min3A_3246, %max3A_3245 : vector<16xi32>
      tpu.vector_store_idx %arg15[%min3A_3247], %get3A_3236 masked %lt3A_3232 : memref<272xf32, #tpu.memory_space<vmem>>[vector<16xi32>], vector<16xf32>, vector<16xi1>
      tpu.vector_store_idx %arg16[%min3A_3247], %get3A_3240 masked %lt3A_3232 : memref<272xi32, #tpu.memory_space<vmem>>[vector<16xi32>], vector<16xi32>, vector<16xi1>
      %add3A_3248 = arith.constant 16 : i32
      %add3A_3249 = vector.broadcast %add3A_3248 : i32 to vector<16xi32>
      %add3A_3250 = arith.addi %add3A_3249, %iota3A : vector<16xi32>
      %lt3A_3251 = arith.cmpi slt, %add3A_3250, %gather3A_3228 : vector<16xi32>
      %get3A_3252 = arith.constant 11 : i32
      %get3A_3253 = arith.index_cast %get3A_3252 : i32 to index
      %get3A_3254 = arith.constant 16 : index
      %get3A_3255 = tpu.vector_load %arg17[%get3A_3253, %get3A_3254] {strides = array<i32>} : memref<16x128xf32, #tpu.memory_space<vmem>>, vector<16xf32>,
      %get3A_3256 = arith.constant 11 : i32
      %get3A_3257 = arith.index_cast %get3A_3256 : i32 to index
      %get3A_3258 = arith.constant 16 : index
      %get3A_3259 = tpu.vector_load %arg18[%get3A_3257, %get3A_3258] {strides = array<i32>} : memref<16x256xi32, #tpu.memory_space<vmem>>, vector<16xi32>,
      %add3A_3260 = arith.addi %gather3A_3218, %add3A_3250 : vector<16xi32>
      %jit3A_3261 = arith.constant 0 : i32
      %jit3A_3262 = arith.constant 255 : i32
      %max3A_3263 = vector.broadcast %jit3A_3261 : i32 to vector<16xi32>
      %max3A_3264 = arith.maxsi %max3A_3263, %add3A_3260 : vector<16xi32>
      %min3A_3265 = vector.broadcast %jit3A_3262 : i32 to vector<16xi32>
      %min3A_3266 = arith.minsi %min3A_3265, %max3A_3264 : vector<16xi32>
      tpu.vector_store_idx %arg15[%min3A_3266], %get3A_3255 masked %lt3A_3251 : memref<272xf32, #tpu.memory_space<vmem>>[vector<16xi32>], vector<16xf32>, vector<16xi1>
      tpu.vector_store_idx %arg16[%min3A_3266], %get3A_3259 masked %lt3A_3251 : memref<272xi32, #tpu.memory_space<vmem>>[vector<16xi32>], vector<16xi32>, vector<16xi1>
      %add3A_3267 = arith.constant 32 : i32
      %add3A_3268 = vector.broadcast %add3A_3267 : i32 to vector<16xi32>
      %add3A_3269 = arith.addi %add3A_3268, %iota3A : vector<16xi32>
      %lt3A_3270 = arith.cmpi slt, %add3A_3269, %gather3A_3228 : vector<16xi32>
      %get3A_3271 = arith.constant 11 : i32
      %get3A_3272 = arith.index_cast %get3A_3271 : i32 to index
      %get3A_3273 = arith.constant 32 : index
      %get3A_3274 = tpu.vector_load %arg17[%get3A_3272, %get3A_3273] {strides = array<i32>} : memref<16x128xf32, #tpu.memory_space<vmem>>, vector<16xf32>,
      %get3A_3275 = arith.constant 11 : i32
      %get3A_3276 = arith.index_cast %get3A_3275 : i32 to index
      %get3A_3277 = arith.constant 32 : index
      %get3A_3278 = tpu.vector_load %arg18[%get3A_3276, %get3A_3277] {strides = array<i32>} : memref<16x256xi32, #tpu.memory_space<vmem>>, vector<16xi32>,
      %add3A_3279 = arith.addi %gather3A_3218, %add3A_3269 : vector<16xi32>
      %jit3A_3280 = arith.constant 0 : i32
      %jit3A_3281 = arith.constant 255 : i32
      %max3A_3282 = vector.broadcast %jit3A_3280 : i32 to vector<16xi32>
      %max3A_3283 = arith.maxsi %max3A_3282, %add3A_3279 : vector<16xi32>
      %min3A_3284 = vector.broadcast %jit3A_3281 : i32 to vector<16xi32>
      %min3A_3285 = arith.minsi %min3A_3284, %max3A_3283 : vector<16xi32>
      tpu.vector_store_idx %arg15[%min3A_3285], %get3A_3274 masked %lt3A_3270 : memref<272xf32, #tpu.memory_space<vmem>>[vector<16xi32>], vector<16xf32>, vector<16xi1>
      tpu.vector_store_idx %arg16[%min3A_3285], %get3A_3278 masked %lt3A_3270 : memref<272xi32, #tpu.memory_space<vmem>>[vector<16xi32>], vector<16xi32>, vector<16xi1>
      %add3A_3286 = arith.constant 48 : i32
      %add3A_3287 = vector.broadcast %add3A_3286 : i32 to vector<16xi32>
      %add3A_3288 = arith.addi %add3A_3287, %iota3A : vector<16xi32>
      %lt3A_3289 = arith.cmpi slt, %add3A_3288, %gather3A_3228 : vector<16xi32>
      %get3A_3290 = arith.constant 11 : i32
      %get3A_3291 = arith.index_cast %get3A_3290 : i32 to index
      %get3A_3292 = arith.constant 48 : index
      %get3A_3293 = tpu.vector_load %arg17[%get3A_3291, %get3A_3292] {strides = array<i32>} : memref<16x128xf32, #tpu.memory_space<vmem>>, vector<16xf32>,
      %get3A_3294 = arith.constant 11 : i32
      %get3A_3295 = arith.index_cast %get3A_3294 : i32 to index
      %get3A_3296 = arith.constant 48 : index
      %get3A_3297 = tpu.vector_load %arg18[%get3A_3295, %get3A_3296] {strides = array<i32>} : memref<16x256xi32, #tpu.memory_space<vmem>>, vector<16xi32>,
      %add3A_3298 = arith.addi %gather3A_3218, %add3A_3288 : vector<16xi32>
      %jit3A_3299 = arith.constant 0 : i32
      %jit3A_3300 = arith.constant 255 : i32
      %max3A_3301 = vector.broadcast %jit3A_3299 : i32 to vector<16xi32>
      %max3A_3302 = arith.maxsi %max3A_3301, %add3A_3298 : vector<16xi32>
      %min3A_3303 = vector.broadcast %jit3A_3300 : i32 to vector<16xi32>
      %min3A_3304 = arith.minsi %min3A_3303, %max3A_3302 : vector<16xi32>
      tpu.vector_store_idx %arg15[%min3A_3304], %get3A_3293 masked %lt3A_3289 : memref<272xf32, #tpu.memory_space<vmem>>[vector<16xi32>], vector<16xf32>, vector<16xi1>
      tpu.vector_store_idx %arg16[%min3A_3304], %get3A_3297 masked %lt3A_3289 : memref<272xi32, #tpu.memory_space<vmem>>[vector<16xi32>], vector<16xi32>, vector<16xi1>
      %add3A_3305 = arith.constant 64 : i32
      %add3A_3306 = vector.broadcast %add3A_3305 : i32 to vector<16xi32>
      %add3A_3307 = arith.addi %add3A_3306, %iota3A : vector<16xi32>
      %lt3A_3308 = arith.cmpi slt, %add3A_3307, %gather3A_3228 : vector<16xi32>
      %get3A_3309 = arith.constant 11 : i32
      %get3A_3310 = arith.index_cast %get3A_3309 : i32 to index
      %get3A_3311 = arith.constant 64 : index
      %get3A_3312 = tpu.vector_load %arg17[%get3A_3310, %get3A_3311] {strides = array<i32>} : memref<16x128xf32, #tpu.memory_space<vmem>>, vector<16xf32>,
      %get3A_3313 = arith.constant 11 : i32
      %get3A_3314 = arith.index_cast %get3A_3313 : i32 to index
      %get3A_3315 = arith.constant 64 : index
      %get3A_3316 = tpu.vector_load %arg18[%get3A_3314, %get3A_3315] {strides = array<i32>} : memref<16x256xi32, #tpu.memory_space<vmem>>, vector<16xi32>,
      %add3A_3317 = arith.addi %gather3A_3218, %add3A_3307 : vector<16xi32>
      %jit3A_3318 = arith.constant 0 : i32
      %jit3A_3319 = arith.constant 255 : i32
      %max3A_3320 = vector.broadcast %jit3A_3318 : i32 to vector<16xi32>
      %max3A_3321 = arith.maxsi %max3A_3320, %add3A_3317 : vector<16xi32>
      %min3A_3322 = vector.broadcast %jit3A_3319 : i32 to vector<16xi32>
      %min3A_3323 = arith.minsi %min3A_3322, %max3A_3321 : vector<16xi32>
      tpu.vector_store_idx %arg15[%min3A_3323], %get3A_3312 masked %lt3A_3308 : memref<272xf32, #tpu.memory_space<vmem>>[vector<16xi32>], vector<16xf32>, vector<16xi1>
      tpu.vector_store_idx %arg16[%min3A_3323], %get3A_3316 masked %lt3A_3308 : memref<272xi32, #tpu.memory_space<vmem>>[vector<16xi32>], vector<16xi32>, vector<16xi1>
      %add3A_3324 = arith.constant 80 : i32
      %add3A_3325 = vector.broadcast %add3A_3324 : i32 to vector<16xi32>
      %add3A_3326 = arith.addi %add3A_3325, %iota3A : vector<16xi32>
      %lt3A_3327 = arith.cmpi slt, %add3A_3326, %gather3A_3228 : vector<16xi32>
      %get3A_3328 = arith.constant 11 : i32
      %get3A_3329 = arith.index_cast %get3A_3328 : i32 to index
      %get3A_3330 = arith.constant 80 : index
      %get3A_3331 = tpu.vector_load %arg17[%get3A_3329, %get3A_3330] {strides = array<i32>} : memref<16x128xf32, #tpu.memory_space<vmem>>, vector<16xf32>,
      %get3A_3332 = arith.constant 11 : i32
      %get3A_3333 = arith.index_cast %get3A_3332 : i32 to index
      %get3A_3334 = arith.constant 80 : index
      %get3A_3335 = tpu.vector_load %arg18[%get3A_3333, %get3A_3334] {strides = array<i32>} : memref<16x256xi32, #tpu.memory_space<vmem>>, vector<16xi32>,
      %add3A_3336 = arith.addi %gather3A_3218, %add3A_3326 : vector<16xi32>
      %jit3A_3337 = arith.constant 0 : i32
      %jit3A_3338 = arith.constant 255 : i32
      %max3A_3339 = vector.broadcast %jit3A_3337 : i32 to vector<16xi32>
      %max3A_3340 = arith.maxsi %max3A_3339, %add3A_3336 : vector<16xi32>
      %min3A_3341 = vector.broadcast %jit3A_3338 : i32 to vector<16xi32>
      %min3A_3342 = arith.minsi %min3A_3341, %max3A_3340 : vector<16xi32>
      tpu.vector_store_idx %arg15[%min3A_3342], %get3A_3331 masked %lt3A_3327 : memref<272xf32, #tpu.memory_space<vmem>>[vector<16xi32>], vector<16xf32>, vector<16xi1>
      tpu.vector_store_idx %arg16[%min3A_3342], %get3A_3335 masked %lt3A_3327 : memref<272xi32, #tpu.memory_space<vmem>>[vector<16xi32>], vector<16xi32>, vector<16xi1>
      %add3A_3343 = arith.constant 96 : i32
      %add3A_3344 = vector.broadcast %add3A_3343 : i32 to vector<16xi32>
      %add3A_3345 = arith.addi %add3A_3344, %iota3A : vector<16xi32>
      %lt3A_3346 = arith.cmpi slt, %add3A_3345, %gather3A_3228 : vector<16xi32>
      %get3A_3347 = arith.constant 11 : i32
      %get3A_3348 = arith.index_cast %get3A_3347 : i32 to index
      %get3A_3349 = arith.constant 96 : index
      %get3A_3350 = tpu.vector_load %arg17[%get3A_3348, %get3A_3349] {strides = array<i32>} : memref<16x128xf32, #tpu.memory_space<vmem>>, vector<16xf32>,
      %get3A_3351 = arith.constant 11 : i32
      %get3A_3352 = arith.index_cast %get3A_3351 : i32 to index
      %get3A_3353 = arith.constant 96 : index
      %get3A_3354 = tpu.vector_load %arg18[%get3A_3352, %get3A_3353] {strides = array<i32>} : memref<16x256xi32, #tpu.memory_space<vmem>>, vector<16xi32>,
      %add3A_3355 = arith.addi %gather3A_3218, %add3A_3345 : vector<16xi32>
      %jit3A_3356 = arith.constant 0 : i32
      %jit3A_3357 = arith.constant 255 : i32
      %max3A_3358 = vector.broadcast %jit3A_3356 : i32 to vector<16xi32>
      %max3A_3359 = arith.maxsi %max3A_3358, %add3A_3355 : vector<16xi32>
      %min3A_3360 = vector.broadcast %jit3A_3357 : i32 to vector<16xi32>
      %min3A_3361 = arith.minsi %min3A_3360, %max3A_3359 : vector<16xi32>
      tpu.vector_store_idx %arg15[%min3A_3361], %get3A_3350 masked %lt3A_3346 : memref<272xf32, #tpu.memory_space<vmem>>[vector<16xi32>], vector<16xf32>, vector<16xi1>
      tpu.vector_store_idx %arg16[%min3A_3361], %get3A_3354 masked %lt3A_3346 : memref<272xi32, #tpu.memory_space<vmem>>[vector<16xi32>], vector<16xi32>, vector<16xi1>
      %add3A_3362 = arith.constant 112 : i32
      %add3A_3363 = vector.broadcast %add3A_3362 : i32 to vector<16xi32>
      %add3A_3364 = arith.addi %add3A_3363, %iota3A : vector<16xi32>
      %lt3A_3365 = arith.cmpi slt, %add3A_3364, %gather3A_3228 : vector<16xi32>
      %get3A_3366 = arith.constant 11 : i32
      %get3A_3367 = arith.index_cast %get3A_3366 : i32 to index
      %get3A_3368 = arith.constant 112 : index
      %get3A_3369 = tpu.vector_load %arg17[%get3A_3367, %get3A_3368] {strides = array<i32>} : memref<16x128xf32, #tpu.memory_space<vmem>>, vector<16xf32>,
      %get3A_3370 = arith.constant 11 : i32
      %get3A_3371 = arith.index_cast %get3A_3370 : i32 to index
      %get3A_3372 = arith.constant 112 : index
      %get3A_3373 = tpu.vector_load %arg18[%get3A_3371, %get3A_3372] {strides = array<i32>} : memref<16x256xi32, #tpu.memory_space<vmem>>, vector<16xi32>,
      %add3A_3374 = arith.addi %gather3A_3218, %add3A_3364 : vector<16xi32>
      %jit3A_3375 = arith.constant 0 : i32
      %jit3A_3376 = arith.constant 255 : i32
      %max3A_3377 = vector.broadcast %jit3A_3375 : i32 to vector<16xi32>
      %max3A_3378 = arith.maxsi %max3A_3377, %add3A_3374 : vector<16xi32>
      %min3A_3379 = vector.broadcast %jit3A_3376 : i32 to vector<16xi32>
      %min3A_3380 = arith.minsi %min3A_3379, %max3A_3378 : vector<16xi32>
      tpu.vector_store_idx %arg15[%min3A_3380], %get3A_3369 masked %lt3A_3365 : memref<272xf32, #tpu.memory_space<vmem>>[vector<16xi32>], vector<16xf32>, vector<16xi1>
      tpu.vector_store_idx %arg16[%min3A_3380], %get3A_3373 masked %lt3A_3365 : memref<272xi32, #tpu.memory_space<vmem>>[vector<16xi32>], vector<16xi32>, vector<16xi1>
      %broadcast_in_dim3A_3381 = arith.constant 12 : i32
      %broadcast_in_dim3A_3382 = vector.broadcast %broadcast_in_dim3A_3381 : i32 to vector<16xi32>
      %lt3A_3383 = arith.constant 0 : i32
      %lt3A_3384 = vector.broadcast %lt3A_3383 : i32 to vector<16xi32>
      %lt3A_3385 = arith.cmpi slt, %broadcast_in_dim3A_3382, %lt3A_3384 : vector<16xi32>
      %add3A_3386 = arith.constant 16 : i32
      %add3A_3387 = vector.broadcast %add3A_3386 : i32 to vector<16xi32>
      %add3A_3388 = arith.addi %broadcast_in_dim3A_3382, %add3A_3387 : vector<16xi32>
      %select_n3A_3389 = arith.select %lt3A_3385, %add3A_3388, %broadcast_in_dim3A_3382 : vector<16xi1>, vector<16xi32>
      %broadcast_in_dim3A_3390 = vector.shape_cast %select_n3A_3389 : vector<16xi32> to vector<16x1xi32>
      %gather3A_3391 = vector.shape_cast %broadcast_in_dim3A_3390 : vector<16x1xi32> to vector<16xi32>
      %gather3A_3392 = tpu.dynamic_gather %sub3A[%gather3A_3391] in [0] : vector<16xi32>, vector<16xi32> -> vector<16xi32>
      %lt3A_3393 = arith.constant 0 : i32
      %lt3A_3394 = vector.broadcast %lt3A_3393 : i32 to vector<16xi32>
      %lt3A_3395 = arith.cmpi slt, %broadcast_in_dim3A_3382, %lt3A_3394 : vector<16xi32>
      %add3A_3396 = arith.constant 16 : i32
      %add3A_3397 = vector.broadcast %add3A_3396 : i32 to vector<16xi32>
      %add3A_3398 = arith.addi %broadcast_in_dim3A_3382, %add3A_3397 : vector<16xi32>
      %select_n3A_3399 = arith.select %lt3A_3395, %add3A_3398, %broadcast_in_dim3A_3382 : vector<16xi1>, vector<16xi32>
      %broadcast_in_dim3A_3400 = vector.shape_cast %select_n3A_3399 : vector<16xi32> to vector<16x1xi32>
      %gather3A_3401 = vector.shape_cast %broadcast_in_dim3A_3400 : vector<16x1xi32> to vector<16xi32>
      %gather3A_3402 = tpu.dynamic_gather %select_n3A_1286[%gather3A_3401] in [0] : vector<16xi32>, vector<16xi32> -> vector<16xi32>
      %add3A_3403 = arith.constant 0 : i32
      %add3A_3404 = vector.broadcast %add3A_3403 : i32 to vector<16xi32>
      %add3A_3405 = arith.addi %add3A_3404, %iota3A : vector<16xi32>
      %lt3A_3406 = arith.cmpi slt, %add3A_3405, %gather3A_3402 : vector<16xi32>
      %get3A_3407 = arith.constant 12 : i32
      %get3A_3408 = arith.index_cast %get3A_3407 : i32 to index
      %get3A_3409 = arith.constant 0 : index
      %get3A_3410 = tpu.vector_load %arg17[%get3A_3408, %get3A_3409] {strides = array<i32>} : memref<16x128xf32, #tpu.memory_space<vmem>>, vector<16xf32>,
      %get3A_3411 = arith.constant 12 : i32
      %get3A_3412 = arith.index_cast %get3A_3411 : i32 to index
      %get3A_3413 = arith.constant 0 : index
      %get3A_3414 = tpu.vector_load %arg18[%get3A_3412, %get3A_3413] {strides = array<i32>} : memref<16x256xi32, #tpu.memory_space<vmem>>, vector<16xi32>,
      %add3A_3415 = arith.addi %gather3A_3392, %add3A_3405 : vector<16xi32>
      %jit3A_3416 = arith.constant 0 : i32
      %jit3A_3417 = arith.constant 255 : i32
      %max3A_3418 = vector.broadcast %jit3A_3416 : i32 to vector<16xi32>
      %max3A_3419 = arith.maxsi %max3A_3418, %add3A_3415 : vector<16xi32>
      %min3A_3420 = vector.broadcast %jit3A_3417 : i32 to vector<16xi32>
      %min3A_3421 = arith.minsi %min3A_3420, %max3A_3419 : vector<16xi32>
      tpu.vector_store_idx %arg15[%min3A_3421], %get3A_3410 masked %lt3A_3406 : memref<272xf32, #tpu.memory_space<vmem>>[vector<16xi32>], vector<16xf32>, vector<16xi1>
      tpu.vector_store_idx %arg16[%min3A_3421], %get3A_3414 masked %lt3A_3406 : memref<272xi32, #tpu.memory_space<vmem>>[vector<16xi32>], vector<16xi32>, vector<16xi1>
      %add3A_3422 = arith.constant 16 : i32
      %add3A_3423 = vector.broadcast %add3A_3422 : i32 to vector<16xi32>
      %add3A_3424 = arith.addi %add3A_3423, %iota3A : vector<16xi32>
      %lt3A_3425 = arith.cmpi slt, %add3A_3424, %gather3A_3402 : vector<16xi32>
      %get3A_3426 = arith.constant 12 : i32
      %get3A_3427 = arith.index_cast %get3A_3426 : i32 to index
      %get3A_3428 = arith.constant 16 : index
      %get3A_3429 = tpu.vector_load %arg17[%get3A_3427, %get3A_3428] {strides = array<i32>} : memref<16x128xf32, #tpu.memory_space<vmem>>, vector<16xf32>,
      %get3A_3430 = arith.constant 12 : i32
      %get3A_3431 = arith.index_cast %get3A_3430 : i32 to index
      %get3A_3432 = arith.constant 16 : index
      %get3A_3433 = tpu.vector_load %arg18[%get3A_3431, %get3A_3432] {strides = array<i32>} : memref<16x256xi32, #tpu.memory_space<vmem>>, vector<16xi32>,
      %add3A_3434 = arith.addi %gather3A_3392, %add3A_3424 : vector<16xi32>
      %jit3A_3435 = arith.constant 0 : i32
      %jit3A_3436 = arith.constant 255 : i32
      %max3A_3437 = vector.broadcast %jit3A_3435 : i32 to vector<16xi32>
      %max3A_3438 = arith.maxsi %max3A_3437, %add3A_3434 : vector<16xi32>
      %min3A_3439 = vector.broadcast %jit3A_3436 : i32 to vector<16xi32>
      %min3A_3440 = arith.minsi %min3A_3439, %max3A_3438 : vector<16xi32>
      tpu.vector_store_idx %arg15[%min3A_3440], %get3A_3429 masked %lt3A_3425 : memref<272xf32, #tpu.memory_space<vmem>>[vector<16xi32>], vector<16xf32>, vector<16xi1>
      tpu.vector_store_idx %arg16[%min3A_3440], %get3A_3433 masked %lt3A_3425 : memref<272xi32, #tpu.memory_space<vmem>>[vector<16xi32>], vector<16xi32>, vector<16xi1>
      %add3A_3441 = arith.constant 32 : i32
      %add3A_3442 = vector.broadcast %add3A_3441 : i32 to vector<16xi32>
      %add3A_3443 = arith.addi %add3A_3442, %iota3A : vector<16xi32>
      %lt3A_3444 = arith.cmpi slt, %add3A_3443, %gather3A_3402 : vector<16xi32>
      %get3A_3445 = arith.constant 12 : i32
      %get3A_3446 = arith.index_cast %get3A_3445 : i32 to index
      %get3A_3447 = arith.constant 32 : index
      %get3A_3448 = tpu.vector_load %arg17[%get3A_3446, %get3A_3447] {strides = array<i32>} : memref<16x128xf32, #tpu.memory_space<vmem>>, vector<16xf32>,
      %get3A_3449 = arith.constant 12 : i32
      %get3A_3450 = arith.index_cast %get3A_3449 : i32 to index
      %get3A_3451 = arith.constant 32 : index
      %get3A_3452 = tpu.vector_load %arg18[%get3A_3450, %get3A_3451] {strides = array<i32>} : memref<16x256xi32, #tpu.memory_space<vmem>>, vector<16xi32>,
      %add3A_3453 = arith.addi %gather3A_3392, %add3A_3443 : vector<16xi32>
      %jit3A_3454 = arith.constant 0 : i32
      %jit3A_3455 = arith.constant 255 : i32
      %max3A_3456 = vector.broadcast %jit3A_3454 : i32 to vector<16xi32>
      %max3A_3457 = arith.maxsi %max3A_3456, %add3A_3453 : vector<16xi32>
      %min3A_3458 = vector.broadcast %jit3A_3455 : i32 to vector<16xi32>
      %min3A_3459 = arith.minsi %min3A_3458, %max3A_3457 : vector<16xi32>
      tpu.vector_store_idx %arg15[%min3A_3459], %get3A_3448 masked %lt3A_3444 : memref<272xf32, #tpu.memory_space<vmem>>[vector<16xi32>], vector<16xf32>, vector<16xi1>
      tpu.vector_store_idx %arg16[%min3A_3459], %get3A_3452 masked %lt3A_3444 : memref<272xi32, #tpu.memory_space<vmem>>[vector<16xi32>], vector<16xi32>, vector<16xi1>
      %add3A_3460 = arith.constant 48 : i32
      %add3A_3461 = vector.broadcast %add3A_3460 : i32 to vector<16xi32>
      %add3A_3462 = arith.addi %add3A_3461, %iota3A : vector<16xi32>
      %lt3A_3463 = arith.cmpi slt, %add3A_3462, %gather3A_3402 : vector<16xi32>
      %get3A_3464 = arith.constant 12 : i32
      %get3A_3465 = arith.index_cast %get3A_3464 : i32 to index
      %get3A_3466 = arith.constant 48 : index
      %get3A_3467 = tpu.vector_load %arg17[%get3A_3465, %get3A_3466] {strides = array<i32>} : memref<16x128xf32, #tpu.memory_space<vmem>>, vector<16xf32>,
      %get3A_3468 = arith.constant 12 : i32
      %get3A_3469 = arith.index_cast %get3A_3468 : i32 to index
      %get3A_3470 = arith.constant 48 : index
      %get3A_3471 = tpu.vector_load %arg18[%get3A_3469, %get3A_3470] {strides = array<i32>} : memref<16x256xi32, #tpu.memory_space<vmem>>, vector<16xi32>,
      %add3A_3472 = arith.addi %gather3A_3392, %add3A_3462 : vector<16xi32>
      %jit3A_3473 = arith.constant 0 : i32
      %jit3A_3474 = arith.constant 255 : i32
      %max3A_3475 = vector.broadcast %jit3A_3473 : i32 to vector<16xi32>
      %max3A_3476 = arith.maxsi %max3A_3475, %add3A_3472 : vector<16xi32>
      %min3A_3477 = vector.broadcast %jit3A_3474 : i32 to vector<16xi32>
      %min3A_3478 = arith.minsi %min3A_3477, %max3A_3476 : vector<16xi32>
      tpu.vector_store_idx %arg15[%min3A_3478], %get3A_3467 masked %lt3A_3463 : memref<272xf32, #tpu.memory_space<vmem>>[vector<16xi32>], vector<16xf32>, vector<16xi1>
      tpu.vector_store_idx %arg16[%min3A_3478], %get3A_3471 masked %lt3A_3463 : memref<272xi32, #tpu.memory_space<vmem>>[vector<16xi32>], vector<16xi32>, vector<16xi1>
      %add3A_3479 = arith.constant 64 : i32
      %add3A_3480 = vector.broadcast %add3A_3479 : i32 to vector<16xi32>
      %add3A_3481 = arith.addi %add3A_3480, %iota3A : vector<16xi32>
      %lt3A_3482 = arith.cmpi slt, %add3A_3481, %gather3A_3402 : vector<16xi32>
      %get3A_3483 = arith.constant 12 : i32
      %get3A_3484 = arith.index_cast %get3A_3483 : i32 to index
      %get3A_3485 = arith.constant 64 : index
      %get3A_3486 = tpu.vector_load %arg17[%get3A_3484, %get3A_3485] {strides = array<i32>} : memref<16x128xf32, #tpu.memory_space<vmem>>, vector<16xf32>,
      %get3A_3487 = arith.constant 12 : i32
      %get3A_3488 = arith.index_cast %get3A_3487 : i32 to index
      %get3A_3489 = arith.constant 64 : index
      %get3A_3490 = tpu.vector_load %arg18[%get3A_3488, %get3A_3489] {strides = array<i32>} : memref<16x256xi32, #tpu.memory_space<vmem>>, vector<16xi32>,
      %add3A_3491 = arith.addi %gather3A_3392, %add3A_3481 : vector<16xi32>
      %jit3A_3492 = arith.constant 0 : i32
      %jit3A_3493 = arith.constant 255 : i32
      %max3A_3494 = vector.broadcast %jit3A_3492 : i32 to vector<16xi32>
      %max3A_3495 = arith.maxsi %max3A_3494, %add3A_3491 : vector<16xi32>
      %min3A_3496 = vector.broadcast %jit3A_3493 : i32 to vector<16xi32>
      %min3A_3497 = arith.minsi %min3A_3496, %max3A_3495 : vector<16xi32>
      tpu.vector_store_idx %arg15[%min3A_3497], %get3A_3486 masked %lt3A_3482 : memref<272xf32, #tpu.memory_space<vmem>>[vector<16xi32>], vector<16xf32>, vector<16xi1>
      tpu.vector_store_idx %arg16[%min3A_3497], %get3A_3490 masked %lt3A_3482 : memref<272xi32, #tpu.memory_space<vmem>>[vector<16xi32>], vector<16xi32>, vector<16xi1>
      %add3A_3498 = arith.constant 80 : i32
      %add3A_3499 = vector.broadcast %add3A_3498 : i32 to vector<16xi32>
      %add3A_3500 = arith.addi %add3A_3499, %iota3A : vector<16xi32>
      %lt3A_3501 = arith.cmpi slt, %add3A_3500, %gather3A_3402 : vector<16xi32>
      %get3A_3502 = arith.constant 12 : i32
      %get3A_3503 = arith.index_cast %get3A_3502 : i32 to index
      %get3A_3504 = arith.constant 80 : index
      %get3A_3505 = tpu.vector_load %arg17[%get3A_3503, %get3A_3504] {strides = array<i32>} : memref<16x128xf32, #tpu.memory_space<vmem>>, vector<16xf32>,
      %get3A_3506 = arith.constant 12 : i32
      %get3A_3507 = arith.index_cast %get3A_3506 : i32 to index
      %get3A_3508 = arith.constant 80 : index
      %get3A_3509 = tpu.vector_load %arg18[%get3A_3507, %get3A_3508] {strides = array<i32>} : memref<16x256xi32, #tpu.memory_space<vmem>>, vector<16xi32>,
      %add3A_3510 = arith.addi %gather3A_3392, %add3A_3500 : vector<16xi32>
      %jit3A_3511 = arith.constant 0 : i32
      %jit3A_3512 = arith.constant 255 : i32
      %max3A_3513 = vector.broadcast %jit3A_3511 : i32 to vector<16xi32>
      %max3A_3514 = arith.maxsi %max3A_3513, %add3A_3510 : vector<16xi32>
      %min3A_3515 = vector.broadcast %jit3A_3512 : i32 to vector<16xi32>
      %min3A_3516 = arith.minsi %min3A_3515, %max3A_3514 : vector<16xi32>
      tpu.vector_store_idx %arg15[%min3A_3516], %get3A_3505 masked %lt3A_3501 : memref<272xf32, #tpu.memory_space<vmem>>[vector<16xi32>], vector<16xf32>, vector<16xi1>
      tpu.vector_store_idx %arg16[%min3A_3516], %get3A_3509 masked %lt3A_3501 : memref<272xi32, #tpu.memory_space<vmem>>[vector<16xi32>], vector<16xi32>, vector<16xi1>
      %add3A_3517 = arith.constant 96 : i32
      %add3A_3518 = vector.broadcast %add3A_3517 : i32 to vector<16xi32>
      %add3A_3519 = arith.addi %add3A_3518, %iota3A : vector<16xi32>
      %lt3A_3520 = arith.cmpi slt, %add3A_3519, %gather3A_3402 : vector<16xi32>
      %get3A_3521 = arith.constant 12 : i32
      %get3A_3522 = arith.index_cast %get3A_3521 : i32 to index
      %get3A_3523 = arith.constant 96 : index
      %get3A_3524 = tpu.vector_load %arg17[%get3A_3522, %get3A_3523] {strides = array<i32>} : memref<16x128xf32, #tpu.memory_space<vmem>>, vector<16xf32>,
      %get3A_3525 = arith.constant 12 : i32
      %get3A_3526 = arith.index_cast %get3A_3525 : i32 to index
      %get3A_3527 = arith.constant 96 : index
      %get3A_3528 = tpu.vector_load %arg18[%get3A_3526, %get3A_3527] {strides = array<i32>} : memref<16x256xi32, #tpu.memory_space<vmem>>, vector<16xi32>,
      %add3A_3529 = arith.addi %gather3A_3392, %add3A_3519 : vector<16xi32>
      %jit3A_3530 = arith.constant 0 : i32
      %jit3A_3531 = arith.constant 255 : i32
      %max3A_3532 = vector.broadcast %jit3A_3530 : i32 to vector<16xi32>
      %max3A_3533 = arith.maxsi %max3A_3532, %add3A_3529 : vector<16xi32>
      %min3A_3534 = vector.broadcast %jit3A_3531 : i32 to vector<16xi32>
      %min3A_3535 = arith.minsi %min3A_3534, %max3A_3533 : vector<16xi32>
      tpu.vector_store_idx %arg15[%min3A_3535], %get3A_3524 masked %lt3A_3520 : memref<272xf32, #tpu.memory_space<vmem>>[vector<16xi32>], vector<16xf32>, vector<16xi1>
      tpu.vector_store_idx %arg16[%min3A_3535], %get3A_3528 masked %lt3A_3520 : memref<272xi32, #tpu.memory_space<vmem>>[vector<16xi32>], vector<16xi32>, vector<16xi1>
      %add3A_3536 = arith.constant 112 : i32
      %add3A_3537 = vector.broadcast %add3A_3536 : i32 to vector<16xi32>
      %add3A_3538 = arith.addi %add3A_3537, %iota3A : vector<16xi32>
      %lt3A_3539 = arith.cmpi slt, %add3A_3538, %gather3A_3402 : vector<16xi32>
      %get3A_3540 = arith.constant 12 : i32
      %get3A_3541 = arith.index_cast %get3A_3540 : i32 to index
      %get3A_3542 = arith.constant 112 : index
      %get3A_3543 = tpu.vector_load %arg17[%get3A_3541, %get3A_3542] {strides = array<i32>} : memref<16x128xf32, #tpu.memory_space<vmem>>, vector<16xf32>,
      %get3A_3544 = arith.constant 12 : i32
      %get3A_3545 = arith.index_cast %get3A_3544 : i32 to index
      %get3A_3546 = arith.constant 112 : index
      %get3A_3547 = tpu.vector_load %arg18[%get3A_3545, %get3A_3546] {strides = array<i32>} : memref<16x256xi32, #tpu.memory_space<vmem>>, vector<16xi32>,
      %add3A_3548 = arith.addi %gather3A_3392, %add3A_3538 : vector<16xi32>
      %jit3A_3549 = arith.constant 0 : i32
      %jit3A_3550 = arith.constant 255 : i32
      %max3A_3551 = vector.broadcast %jit3A_3549 : i32 to vector<16xi32>
      %max3A_3552 = arith.maxsi %max3A_3551, %add3A_3548 : vector<16xi32>
      %min3A_3553 = vector.broadcast %jit3A_3550 : i32 to vector<16xi32>
      %min3A_3554 = arith.minsi %min3A_3553, %max3A_3552 : vector<16xi32>
      tpu.vector_store_idx %arg15[%min3A_3554], %get3A_3543 masked %lt3A_3539 : memref<272xf32, #tpu.memory_space<vmem>>[vector<16xi32>], vector<16xf32>, vector<16xi1>
      tpu.vector_store_idx %arg16[%min3A_3554], %get3A_3547 masked %lt3A_3539 : memref<272xi32, #tpu.memory_space<vmem>>[vector<16xi32>], vector<16xi32>, vector<16xi1>
      %broadcast_in_dim3A_3555 = arith.constant 13 : i32
      %broadcast_in_dim3A_3556 = vector.broadcast %broadcast_in_dim3A_3555 : i32 to vector<16xi32>
      %lt3A_3557 = arith.constant 0 : i32
      %lt3A_3558 = vector.broadcast %lt3A_3557 : i32 to vector<16xi32>
      %lt3A_3559 = arith.cmpi slt, %broadcast_in_dim3A_3556, %lt3A_3558 : vector<16xi32>
      %add3A_3560 = arith.constant 16 : i32
      %add3A_3561 = vector.broadcast %add3A_3560 : i32 to vector<16xi32>
      %add3A_3562 = arith.addi %broadcast_in_dim3A_3556, %add3A_3561 : vector<16xi32>
      %select_n3A_3563 = arith.select %lt3A_3559, %add3A_3562, %broadcast_in_dim3A_3556 : vector<16xi1>, vector<16xi32>
      %broadcast_in_dim3A_3564 = vector.shape_cast %select_n3A_3563 : vector<16xi32> to vector<16x1xi32>
      %gather3A_3565 = vector.shape_cast %broadcast_in_dim3A_3564 : vector<16x1xi32> to vector<16xi32>
      %gather3A_3566 = tpu.dynamic_gather %sub3A[%gather3A_3565] in [0] : vector<16xi32>, vector<16xi32> -> vector<16xi32>
      %lt3A_3567 = arith.constant 0 : i32
      %lt3A_3568 = vector.broadcast %lt3A_3567 : i32 to vector<16xi32>
      %lt3A_3569 = arith.cmpi slt, %broadcast_in_dim3A_3556, %lt3A_3568 : vector<16xi32>
      %add3A_3570 = arith.constant 16 : i32
      %add3A_3571 = vector.broadcast %add3A_3570 : i32 to vector<16xi32>
      %add3A_3572 = arith.addi %broadcast_in_dim3A_3556, %add3A_3571 : vector<16xi32>
      %select_n3A_3573 = arith.select %lt3A_3569, %add3A_3572, %broadcast_in_dim3A_3556 : vector<16xi1>, vector<16xi32>
      %broadcast_in_dim3A_3574 = vector.shape_cast %select_n3A_3573 : vector<16xi32> to vector<16x1xi32>
      %gather3A_3575 = vector.shape_cast %broadcast_in_dim3A_3574 : vector<16x1xi32> to vector<16xi32>
      %gather3A_3576 = tpu.dynamic_gather %select_n3A_1286[%gather3A_3575] in [0] : vector<16xi32>, vector<16xi32> -> vector<16xi32>
      %add3A_3577 = arith.constant 0 : i32
      %add3A_3578 = vector.broadcast %add3A_3577 : i32 to vector<16xi32>
      %add3A_3579 = arith.addi %add3A_3578, %iota3A : vector<16xi32>
      %lt3A_3580 = arith.cmpi slt, %add3A_3579, %gather3A_3576 : vector<16xi32>
      %get3A_3581 = arith.constant 13 : i32
      %get3A_3582 = arith.index_cast %get3A_3581 : i32 to index
      %get3A_3583 = arith.constant 0 : index
      %get3A_3584 = tpu.vector_load %arg17[%get3A_3582, %get3A_3583] {strides = array<i32>} : memref<16x128xf32, #tpu.memory_space<vmem>>, vector<16xf32>,
      %get3A_3585 = arith.constant 13 : i32
      %get3A_3586 = arith.index_cast %get3A_3585 : i32 to index
      %get3A_3587 = arith.constant 0 : index
      %get3A_3588 = tpu.vector_load %arg18[%get3A_3586, %get3A_3587] {strides = array<i32>} : memref<16x256xi32, #tpu.memory_space<vmem>>, vector<16xi32>,
      %add3A_3589 = arith.addi %gather3A_3566, %add3A_3579 : vector<16xi32>
      %jit3A_3590 = arith.constant 0 : i32
      %jit3A_3591 = arith.constant 255 : i32
      %max3A_3592 = vector.broadcast %jit3A_3590 : i32 to vector<16xi32>
      %max3A_3593 = arith.maxsi %max3A_3592, %add3A_3589 : vector<16xi32>
      %min3A_3594 = vector.broadcast %jit3A_3591 : i32 to vector<16xi32>
      %min3A_3595 = arith.minsi %min3A_3594, %max3A_3593 : vector<16xi32>
      tpu.vector_store_idx %arg15[%min3A_3595], %get3A_3584 masked %lt3A_3580 : memref<272xf32, #tpu.memory_space<vmem>>[vector<16xi32>], vector<16xf32>, vector<16xi1>
      tpu.vector_store_idx %arg16[%min3A_3595], %get3A_3588 masked %lt3A_3580 : memref<272xi32, #tpu.memory_space<vmem>>[vector<16xi32>], vector<16xi32>, vector<16xi1>
      %add3A_3596 = arith.constant 16 : i32
      %add3A_3597 = vector.broadcast %add3A_3596 : i32 to vector<16xi32>
      %add3A_3598 = arith.addi %add3A_3597, %iota3A : vector<16xi32>
      %lt3A_3599 = arith.cmpi slt, %add3A_3598, %gather3A_3576 : vector<16xi32>
      %get3A_3600 = arith.constant 13 : i32
      %get3A_3601 = arith.index_cast %get3A_3600 : i32 to index
      %get3A_3602 = arith.constant 16 : index
      %get3A_3603 = tpu.vector_load %arg17[%get3A_3601, %get3A_3602] {strides = array<i32>} : memref<16x128xf32, #tpu.memory_space<vmem>>, vector<16xf32>,
      %get3A_3604 = arith.constant 13 : i32
      %get3A_3605 = arith.index_cast %get3A_3604 : i32 to index
      %get3A_3606 = arith.constant 16 : index
      %get3A_3607 = tpu.vector_load %arg18[%get3A_3605, %get3A_3606] {strides = array<i32>} : memref<16x256xi32, #tpu.memory_space<vmem>>, vector<16xi32>,
      %add3A_3608 = arith.addi %gather3A_3566, %add3A_3598 : vector<16xi32>
      %jit3A_3609 = arith.constant 0 : i32
      %jit3A_3610 = arith.constant 255 : i32
      %max3A_3611 = vector.broadcast %jit3A_3609 : i32 to vector<16xi32>
      %max3A_3612 = arith.maxsi %max3A_3611, %add3A_3608 : vector<16xi32>
      %min3A_3613 = vector.broadcast %jit3A_3610 : i32 to vector<16xi32>
      %min3A_3614 = arith.minsi %min3A_3613, %max3A_3612 : vector<16xi32>
      tpu.vector_store_idx %arg15[%min3A_3614], %get3A_3603 masked %lt3A_3599 : memref<272xf32, #tpu.memory_space<vmem>>[vector<16xi32>], vector<16xf32>, vector<16xi1>
      tpu.vector_store_idx %arg16[%min3A_3614], %get3A_3607 masked %lt3A_3599 : memref<272xi32, #tpu.memory_space<vmem>>[vector<16xi32>], vector<16xi32>, vector<16xi1>
      %add3A_3615 = arith.constant 32 : i32
      %add3A_3616 = vector.broadcast %add3A_3615 : i32 to vector<16xi32>
      %add3A_3617 = arith.addi %add3A_3616, %iota3A : vector<16xi32>
      %lt3A_3618 = arith.cmpi slt, %add3A_3617, %gather3A_3576 : vector<16xi32>
      %get3A_3619 = arith.constant 13 : i32
      %get3A_3620 = arith.index_cast %get3A_3619 : i32 to index
      %get3A_3621 = arith.constant 32 : index
      %get3A_3622 = tpu.vector_load %arg17[%get3A_3620, %get3A_3621] {strides = array<i32>} : memref<16x128xf32, #tpu.memory_space<vmem>>, vector<16xf32>,
      %get3A_3623 = arith.constant 13 : i32
      %get3A_3624 = arith.index_cast %get3A_3623 : i32 to index
      %get3A_3625 = arith.constant 32 : index
      %get3A_3626 = tpu.vector_load %arg18[%get3A_3624, %get3A_3625] {strides = array<i32>} : memref<16x256xi32, #tpu.memory_space<vmem>>, vector<16xi32>,
      %add3A_3627 = arith.addi %gather3A_3566, %add3A_3617 : vector<16xi32>
      %jit3A_3628 = arith.constant 0 : i32
      %jit3A_3629 = arith.constant 255 : i32
      %max3A_3630 = vector.broadcast %jit3A_3628 : i32 to vector<16xi32>
      %max3A_3631 = arith.maxsi %max3A_3630, %add3A_3627 : vector<16xi32>
      %min3A_3632 = vector.broadcast %jit3A_3629 : i32 to vector<16xi32>
      %min3A_3633 = arith.minsi %min3A_3632, %max3A_3631 : vector<16xi32>
      tpu.vector_store_idx %arg15[%min3A_3633], %get3A_3622 masked %lt3A_3618 : memref<272xf32, #tpu.memory_space<vmem>>[vector<16xi32>], vector<16xf32>, vector<16xi1>
      tpu.vector_store_idx %arg16[%min3A_3633], %get3A_3626 masked %lt3A_3618 : memref<272xi32, #tpu.memory_space<vmem>>[vector<16xi32>], vector<16xi32>, vector<16xi1>
      %add3A_3634 = arith.constant 48 : i32
      %add3A_3635 = vector.broadcast %add3A_3634 : i32 to vector<16xi32>
      %add3A_3636 = arith.addi %add3A_3635, %iota3A : vector<16xi32>
      %lt3A_3637 = arith.cmpi slt, %add3A_3636, %gather3A_3576 : vector<16xi32>
      %get3A_3638 = arith.constant 13 : i32
      %get3A_3639 = arith.index_cast %get3A_3638 : i32 to index
      %get3A_3640 = arith.constant 48 : index
      %get3A_3641 = tpu.vector_load %arg17[%get3A_3639, %get3A_3640] {strides = array<i32>} : memref<16x128xf32, #tpu.memory_space<vmem>>, vector<16xf32>,
      %get3A_3642 = arith.constant 13 : i32
      %get3A_3643 = arith.index_cast %get3A_3642 : i32 to index
      %get3A_3644 = arith.constant 48 : index
      %get3A_3645 = tpu.vector_load %arg18[%get3A_3643, %get3A_3644] {strides = array<i32>} : memref<16x256xi32, #tpu.memory_space<vmem>>, vector<16xi32>,
      %add3A_3646 = arith.addi %gather3A_3566, %add3A_3636 : vector<16xi32>
      %jit3A_3647 = arith.constant 0 : i32
      %jit3A_3648 = arith.constant 255 : i32
      %max3A_3649 = vector.broadcast %jit3A_3647 : i32 to vector<16xi32>
      %max3A_3650 = arith.maxsi %max3A_3649, %add3A_3646 : vector<16xi32>
      %min3A_3651 = vector.broadcast %jit3A_3648 : i32 to vector<16xi32>
      %min3A_3652 = arith.minsi %min3A_3651, %max3A_3650 : vector<16xi32>
      tpu.vector_store_idx %arg15[%min3A_3652], %get3A_3641 masked %lt3A_3637 : memref<272xf32, #tpu.memory_space<vmem>>[vector<16xi32>], vector<16xf32>, vector<16xi1>
      tpu.vector_store_idx %arg16[%min3A_3652], %get3A_3645 masked %lt3A_3637 : memref<272xi32, #tpu.memory_space<vmem>>[vector<16xi32>], vector<16xi32>, vector<16xi1>
      %add3A_3653 = arith.constant 64 : i32
      %add3A_3654 = vector.broadcast %add3A_3653 : i32 to vector<16xi32>
      %add3A_3655 = arith.addi %add3A_3654, %iota3A : vector<16xi32>
      %lt3A_3656 = arith.cmpi slt, %add3A_3655, %gather3A_3576 : vector<16xi32>
      %get3A_3657 = arith.constant 13 : i32
      %get3A_3658 = arith.index_cast %get3A_3657 : i32 to index
      %get3A_3659 = arith.constant 64 : index
      %get3A_3660 = tpu.vector_load %arg17[%get3A_3658, %get3A_3659] {strides = array<i32>} : memref<16x128xf32, #tpu.memory_space<vmem>>, vector<16xf32>,
      %get3A_3661 = arith.constant 13 : i32
      %get3A_3662 = arith.index_cast %get3A_3661 : i32 to index
      %get3A_3663 = arith.constant 64 : index
      %get3A_3664 = tpu.vector_load %arg18[%get3A_3662, %get3A_3663] {strides = array<i32>} : memref<16x256xi32, #tpu.memory_space<vmem>>, vector<16xi32>,
      %add3A_3665 = arith.addi %gather3A_3566, %add3A_3655 : vector<16xi32>
      %jit3A_3666 = arith.constant 0 : i32
      %jit3A_3667 = arith.constant 255 : i32
      %max3A_3668 = vector.broadcast %jit3A_3666 : i32 to vector<16xi32>
      %max3A_3669 = arith.maxsi %max3A_3668, %add3A_3665 : vector<16xi32>
      %min3A_3670 = vector.broadcast %jit3A_3667 : i32 to vector<16xi32>
      %min3A_3671 = arith.minsi %min3A_3670, %max3A_3669 : vector<16xi32>
      tpu.vector_store_idx %arg15[%min3A_3671], %get3A_3660 masked %lt3A_3656 : memref<272xf32, #tpu.memory_space<vmem>>[vector<16xi32>], vector<16xf32>, vector<16xi1>
      tpu.vector_store_idx %arg16[%min3A_3671], %get3A_3664 masked %lt3A_3656 : memref<272xi32, #tpu.memory_space<vmem>>[vector<16xi32>], vector<16xi32>, vector<16xi1>
      %add3A_3672 = arith.constant 80 : i32
      %add3A_3673 = vector.broadcast %add3A_3672 : i32 to vector<16xi32>
      %add3A_3674 = arith.addi %add3A_3673, %iota3A : vector<16xi32>
      %lt3A_3675 = arith.cmpi slt, %add3A_3674, %gather3A_3576 : vector<16xi32>
      %get3A_3676 = arith.constant 13 : i32
      %get3A_3677 = arith.index_cast %get3A_3676 : i32 to index
      %get3A_3678 = arith.constant 80 : index
      %get3A_3679 = tpu.vector_load %arg17[%get3A_3677, %get3A_3678] {strides = array<i32>} : memref<16x128xf32, #tpu.memory_space<vmem>>, vector<16xf32>,
      %get3A_3680 = arith.constant 13 : i32
      %get3A_3681 = arith.index_cast %get3A_3680 : i32 to index
      %get3A_3682 = arith.constant 80 : index
      %get3A_3683 = tpu.vector_load %arg18[%get3A_3681, %get3A_3682] {strides = array<i32>} : memref<16x256xi32, #tpu.memory_space<vmem>>, vector<16xi32>,
      %add3A_3684 = arith.addi %gather3A_3566, %add3A_3674 : vector<16xi32>
      %jit3A_3685 = arith.constant 0 : i32
      %jit3A_3686 = arith.constant 255 : i32
      %max3A_3687 = vector.broadcast %jit3A_3685 : i32 to vector<16xi32>
      %max3A_3688 = arith.maxsi %max3A_3687, %add3A_3684 : vector<16xi32>
      %min3A_3689 = vector.broadcast %jit3A_3686 : i32 to vector<16xi32>
      %min3A_3690 = arith.minsi %min3A_3689, %max3A_3688 : vector<16xi32>
      tpu.vector_store_idx %arg15[%min3A_3690], %get3A_3679 masked %lt3A_3675 : memref<272xf32, #tpu.memory_space<vmem>>[vector<16xi32>], vector<16xf32>, vector<16xi1>
      tpu.vector_store_idx %arg16[%min3A_3690], %get3A_3683 masked %lt3A_3675 : memref<272xi32, #tpu.memory_space<vmem>>[vector<16xi32>], vector<16xi32>, vector<16xi1>
      %add3A_3691 = arith.constant 96 : i32
      %add3A_3692 = vector.broadcast %add3A_3691 : i32 to vector<16xi32>
      %add3A_3693 = arith.addi %add3A_3692, %iota3A : vector<16xi32>
      %lt3A_3694 = arith.cmpi slt, %add3A_3693, %gather3A_3576 : vector<16xi32>
      %get3A_3695 = arith.constant 13 : i32
      %get3A_3696 = arith.index_cast %get3A_3695 : i32 to index
      %get3A_3697 = arith.constant 96 : index
      %get3A_3698 = tpu.vector_load %arg17[%get3A_3696, %get3A_3697] {strides = array<i32>} : memref<16x128xf32, #tpu.memory_space<vmem>>, vector<16xf32>,
      %get3A_3699 = arith.constant 13 : i32
      %get3A_3700 = arith.index_cast %get3A_3699 : i32 to index
      %get3A_3701 = arith.constant 96 : index
      %get3A_3702 = tpu.vector_load %arg18[%get3A_3700, %get3A_3701] {strides = array<i32>} : memref<16x256xi32, #tpu.memory_space<vmem>>, vector<16xi32>,
      %add3A_3703 = arith.addi %gather3A_3566, %add3A_3693 : vector<16xi32>
      %jit3A_3704 = arith.constant 0 : i32
      %jit3A_3705 = arith.constant 255 : i32
      %max3A_3706 = vector.broadcast %jit3A_3704 : i32 to vector<16xi32>
      %max3A_3707 = arith.maxsi %max3A_3706, %add3A_3703 : vector<16xi32>
      %min3A_3708 = vector.broadcast %jit3A_3705 : i32 to vector<16xi32>
      %min3A_3709 = arith.minsi %min3A_3708, %max3A_3707 : vector<16xi32>
      tpu.vector_store_idx %arg15[%min3A_3709], %get3A_3698 masked %lt3A_3694 : memref<272xf32, #tpu.memory_space<vmem>>[vector<16xi32>], vector<16xf32>, vector<16xi1>
      tpu.vector_store_idx %arg16[%min3A_3709], %get3A_3702 masked %lt3A_3694 : memref<272xi32, #tpu.memory_space<vmem>>[vector<16xi32>], vector<16xi32>, vector<16xi1>
      %add3A_3710 = arith.constant 112 : i32
      %add3A_3711 = vector.broadcast %add3A_3710 : i32 to vector<16xi32>
      %add3A_3712 = arith.addi %add3A_3711, %iota3A : vector<16xi32>
      %lt3A_3713 = arith.cmpi slt, %add3A_3712, %gather3A_3576 : vector<16xi32>
      %get3A_3714 = arith.constant 13 : i32
      %get3A_3715 = arith.index_cast %get3A_3714 : i32 to index
      %get3A_3716 = arith.constant 112 : index
      %get3A_3717 = tpu.vector_load %arg17[%get3A_3715, %get3A_3716] {strides = array<i32>} : memref<16x128xf32, #tpu.memory_space<vmem>>, vector<16xf32>,
      %get3A_3718 = arith.constant 13 : i32
      %get3A_3719 = arith.index_cast %get3A_3718 : i32 to index
      %get3A_3720 = arith.constant 112 : index
      %get3A_3721 = tpu.vector_load %arg18[%get3A_3719, %get3A_3720] {strides = array<i32>} : memref<16x256xi32, #tpu.memory_space<vmem>>, vector<16xi32>,
      %add3A_3722 = arith.addi %gather3A_3566, %add3A_3712 : vector<16xi32>
      %jit3A_3723 = arith.constant 0 : i32
      %jit3A_3724 = arith.constant 255 : i32
      %max3A_3725 = vector.broadcast %jit3A_3723 : i32 to vector<16xi32>
      %max3A_3726 = arith.maxsi %max3A_3725, %add3A_3722 : vector<16xi32>
      %min3A_3727 = vector.broadcast %jit3A_3724 : i32 to vector<16xi32>
      %min3A_3728 = arith.minsi %min3A_3727, %max3A_3726 : vector<16xi32>
      tpu.vector_store_idx %arg15[%min3A_3728], %get3A_3717 masked %lt3A_3713 : memref<272xf32, #tpu.memory_space<vmem>>[vector<16xi32>], vector<16xf32>, vector<16xi1>
      tpu.vector_store_idx %arg16[%min3A_3728], %get3A_3721 masked %lt3A_3713 : memref<272xi32, #tpu.memory_space<vmem>>[vector<16xi32>], vector<16xi32>, vector<16xi1>
      %broadcast_in_dim3A_3729 = arith.constant 14 : i32
      %broadcast_in_dim3A_3730 = vector.broadcast %broadcast_in_dim3A_3729 : i32 to vector<16xi32>
      %lt3A_3731 = arith.constant 0 : i32
      %lt3A_3732 = vector.broadcast %lt3A_3731 : i32 to vector<16xi32>
      %lt3A_3733 = arith.cmpi slt, %broadcast_in_dim3A_3730, %lt3A_3732 : vector<16xi32>
      %add3A_3734 = arith.constant 16 : i32
      %add3A_3735 = vector.broadcast %add3A_3734 : i32 to vector<16xi32>
      %add3A_3736 = arith.addi %broadcast_in_dim3A_3730, %add3A_3735 : vector<16xi32>
      %select_n3A_3737 = arith.select %lt3A_3733, %add3A_3736, %broadcast_in_dim3A_3730 : vector<16xi1>, vector<16xi32>
      %broadcast_in_dim3A_3738 = vector.shape_cast %select_n3A_3737 : vector<16xi32> to vector<16x1xi32>
      %gather3A_3739 = vector.shape_cast %broadcast_in_dim3A_3738 : vector<16x1xi32> to vector<16xi32>
      %gather3A_3740 = tpu.dynamic_gather %sub3A[%gather3A_3739] in [0] : vector<16xi32>, vector<16xi32> -> vector<16xi32>
      %lt3A_3741 = arith.constant 0 : i32
      %lt3A_3742 = vector.broadcast %lt3A_3741 : i32 to vector<16xi32>
      %lt3A_3743 = arith.cmpi slt, %broadcast_in_dim3A_3730, %lt3A_3742 : vector<16xi32>
      %add3A_3744 = arith.constant 16 : i32
      %add3A_3745 = vector.broadcast %add3A_3744 : i32 to vector<16xi32>
      %add3A_3746 = arith.addi %broadcast_in_dim3A_3730, %add3A_3745 : vector<16xi32>
      %select_n3A_3747 = arith.select %lt3A_3743, %add3A_3746, %broadcast_in_dim3A_3730 : vector<16xi1>, vector<16xi32>
      %broadcast_in_dim3A_3748 = vector.shape_cast %select_n3A_3747 : vector<16xi32> to vector<16x1xi32>
      %gather3A_3749 = vector.shape_cast %broadcast_in_dim3A_3748 : vector<16x1xi32> to vector<16xi32>
      %gather3A_3750 = tpu.dynamic_gather %select_n3A_1286[%gather3A_3749] in [0] : vector<16xi32>, vector<16xi32> -> vector<16xi32>
      %add3A_3751 = arith.constant 0 : i32
      %add3A_3752 = vector.broadcast %add3A_3751 : i32 to vector<16xi32>
      %add3A_3753 = arith.addi %add3A_3752, %iota3A : vector<16xi32>
      %lt3A_3754 = arith.cmpi slt, %add3A_3753, %gather3A_3750 : vector<16xi32>
      %get3A_3755 = arith.constant 14 : i32
      %get3A_3756 = arith.index_cast %get3A_3755 : i32 to index
      %get3A_3757 = arith.constant 0 : index
      %get3A_3758 = tpu.vector_load %arg17[%get3A_3756, %get3A_3757] {strides = array<i32>} : memref<16x128xf32, #tpu.memory_space<vmem>>, vector<16xf32>,
      %get3A_3759 = arith.constant 14 : i32
      %get3A_3760 = arith.index_cast %get3A_3759 : i32 to index
      %get3A_3761 = arith.constant 0 : index
      %get3A_3762 = tpu.vector_load %arg18[%get3A_3760, %get3A_3761] {strides = array<i32>} : memref<16x256xi32, #tpu.memory_space<vmem>>, vector<16xi32>,
      %add3A_3763 = arith.addi %gather3A_3740, %add3A_3753 : vector<16xi32>
      %jit3A_3764 = arith.constant 0 : i32
      %jit3A_3765 = arith.constant 255 : i32
      %max3A_3766 = vector.broadcast %jit3A_3764 : i32 to vector<16xi32>
      %max3A_3767 = arith.maxsi %max3A_3766, %add3A_3763 : vector<16xi32>
      %min3A_3768 = vector.broadcast %jit3A_3765 : i32 to vector<16xi32>
      %min3A_3769 = arith.minsi %min3A_3768, %max3A_3767 : vector<16xi32>
      tpu.vector_store_idx %arg15[%min3A_3769], %get3A_3758 masked %lt3A_3754 : memref<272xf32, #tpu.memory_space<vmem>>[vector<16xi32>], vector<16xf32>, vector<16xi1>
      tpu.vector_store_idx %arg16[%min3A_3769], %get3A_3762 masked %lt3A_3754 : memref<272xi32, #tpu.memory_space<vmem>>[vector<16xi32>], vector<16xi32>, vector<16xi1>
      %add3A_3770 = arith.constant 16 : i32
      %add3A_3771 = vector.broadcast %add3A_3770 : i32 to vector<16xi32>
      %add3A_3772 = arith.addi %add3A_3771, %iota3A : vector<16xi32>
      %lt3A_3773 = arith.cmpi slt, %add3A_3772, %gather3A_3750 : vector<16xi32>
      %get3A_3774 = arith.constant 14 : i32
      %get3A_3775 = arith.index_cast %get3A_3774 : i32 to index
      %get3A_3776 = arith.constant 16 : index
      %get3A_3777 = tpu.vector_load %arg17[%get3A_3775, %get3A_3776] {strides = array<i32>} : memref<16x128xf32, #tpu.memory_space<vmem>>, vector<16xf32>,
      %get3A_3778 = arith.constant 14 : i32
      %get3A_3779 = arith.index_cast %get3A_3778 : i32 to index
      %get3A_3780 = arith.constant 16 : index
      %get3A_3781 = tpu.vector_load %arg18[%get3A_3779, %get3A_3780] {strides = array<i32>} : memref<16x256xi32, #tpu.memory_space<vmem>>, vector<16xi32>,
      %add3A_3782 = arith.addi %gather3A_3740, %add3A_3772 : vector<16xi32>
      %jit3A_3783 = arith.constant 0 : i32
      %jit3A_3784 = arith.constant 255 : i32
      %max3A_3785 = vector.broadcast %jit3A_3783 : i32 to vector<16xi32>
      %max3A_3786 = arith.maxsi %max3A_3785, %add3A_3782 : vector<16xi32>
      %min3A_3787 = vector.broadcast %jit3A_3784 : i32 to vector<16xi32>
      %min3A_3788 = arith.minsi %min3A_3787, %max3A_3786 : vector<16xi32>
      tpu.vector_store_idx %arg15[%min3A_3788], %get3A_3777 masked %lt3A_3773 : memref<272xf32, #tpu.memory_space<vmem>>[vector<16xi32>], vector<16xf32>, vector<16xi1>
      tpu.vector_store_idx %arg16[%min3A_3788], %get3A_3781 masked %lt3A_3773 : memref<272xi32, #tpu.memory_space<vmem>>[vector<16xi32>], vector<16xi32>, vector<16xi1>
      %add3A_3789 = arith.constant 32 : i32
      %add3A_3790 = vector.broadcast %add3A_3789 : i32 to vector<16xi32>
      %add3A_3791 = arith.addi %add3A_3790, %iota3A : vector<16xi32>
      %lt3A_3792 = arith.cmpi slt, %add3A_3791, %gather3A_3750 : vector<16xi32>
      %get3A_3793 = arith.constant 14 : i32
      %get3A_3794 = arith.index_cast %get3A_3793 : i32 to index
      %get3A_3795 = arith.constant 32 : index
      %get3A_3796 = tpu.vector_load %arg17[%get3A_3794, %get3A_3795] {strides = array<i32>} : memref<16x128xf32, #tpu.memory_space<vmem>>, vector<16xf32>,
      %get3A_3797 = arith.constant 14 : i32
      %get3A_3798 = arith.index_cast %get3A_3797 : i32 to index
      %get3A_3799 = arith.constant 32 : index
      %get3A_3800 = tpu.vector_load %arg18[%get3A_3798, %get3A_3799] {strides = array<i32>} : memref<16x256xi32, #tpu.memory_space<vmem>>, vector<16xi32>,
      %add3A_3801 = arith.addi %gather3A_3740, %add3A_3791 : vector<16xi32>
      %jit3A_3802 = arith.constant 0 : i32
      %jit3A_3803 = arith.constant 255 : i32
      %max3A_3804 = vector.broadcast %jit3A_3802 : i32 to vector<16xi32>
      %max3A_3805 = arith.maxsi %max3A_3804, %add3A_3801 : vector<16xi32>
      %min3A_3806 = vector.broadcast %jit3A_3803 : i32 to vector<16xi32>
      %min3A_3807 = arith.minsi %min3A_3806, %max3A_3805 : vector<16xi32>
      tpu.vector_store_idx %arg15[%min3A_3807], %get3A_3796 masked %lt3A_3792 : memref<272xf32, #tpu.memory_space<vmem>>[vector<16xi32>], vector<16xf32>, vector<16xi1>
      tpu.vector_store_idx %arg16[%min3A_3807], %get3A_3800 masked %lt3A_3792 : memref<272xi32, #tpu.memory_space<vmem>>[vector<16xi32>], vector<16xi32>, vector<16xi1>
      %add3A_3808 = arith.constant 48 : i32
      %add3A_3809 = vector.broadcast %add3A_3808 : i32 to vector<16xi32>
      %add3A_3810 = arith.addi %add3A_3809, %iota3A : vector<16xi32>
      %lt3A_3811 = arith.cmpi slt, %add3A_3810, %gather3A_3750 : vector<16xi32>
      %get3A_3812 = arith.constant 14 : i32
      %get3A_3813 = arith.index_cast %get3A_3812 : i32 to index
      %get3A_3814 = arith.constant 48 : index
      %get3A_3815 = tpu.vector_load %arg17[%get3A_3813, %get3A_3814] {strides = array<i32>} : memref<16x128xf32, #tpu.memory_space<vmem>>, vector<16xf32>,
      %get3A_3816 = arith.constant 14 : i32
      %get3A_3817 = arith.index_cast %get3A_3816 : i32 to index
      %get3A_3818 = arith.constant 48 : index
      %get3A_3819 = tpu.vector_load %arg18[%get3A_3817, %get3A_3818] {strides = array<i32>} : memref<16x256xi32, #tpu.memory_space<vmem>>, vector<16xi32>,
      %add3A_3820 = arith.addi %gather3A_3740, %add3A_3810 : vector<16xi32>
      %jit3A_3821 = arith.constant 0 : i32
      %jit3A_3822 = arith.constant 255 : i32
      %max3A_3823 = vector.broadcast %jit3A_3821 : i32 to vector<16xi32>
      %max3A_3824 = arith.maxsi %max3A_3823, %add3A_3820 : vector<16xi32>
      %min3A_3825 = vector.broadcast %jit3A_3822 : i32 to vector<16xi32>
      %min3A_3826 = arith.minsi %min3A_3825, %max3A_3824 : vector<16xi32>
      tpu.vector_store_idx %arg15[%min3A_3826], %get3A_3815 masked %lt3A_3811 : memref<272xf32, #tpu.memory_space<vmem>>[vector<16xi32>], vector<16xf32>, vector<16xi1>
      tpu.vector_store_idx %arg16[%min3A_3826], %get3A_3819 masked %lt3A_3811 : memref<272xi32, #tpu.memory_space<vmem>>[vector<16xi32>], vector<16xi32>, vector<16xi1>
      %add3A_3827 = arith.constant 64 : i32
      %add3A_3828 = vector.broadcast %add3A_3827 : i32 to vector<16xi32>
      %add3A_3829 = arith.addi %add3A_3828, %iota3A : vector<16xi32>
      %lt3A_3830 = arith.cmpi slt, %add3A_3829, %gather3A_3750 : vector<16xi32>
      %get3A_3831 = arith.constant 14 : i32
      %get3A_3832 = arith.index_cast %get3A_3831 : i32 to index
      %get3A_3833 = arith.constant 64 : index
      %get3A_3834 = tpu.vector_load %arg17[%get3A_3832, %get3A_3833] {strides = array<i32>} : memref<16x128xf32, #tpu.memory_space<vmem>>, vector<16xf32>,
      %get3A_3835 = arith.constant 14 : i32
      %get3A_3836 = arith.index_cast %get3A_3835 : i32 to index
      %get3A_3837 = arith.constant 64 : index
      %get3A_3838 = tpu.vector_load %arg18[%get3A_3836, %get3A_3837] {strides = array<i32>} : memref<16x256xi32, #tpu.memory_space<vmem>>, vector<16xi32>,
      %add3A_3839 = arith.addi %gather3A_3740, %add3A_3829 : vector<16xi32>
      %jit3A_3840 = arith.constant 0 : i32
      %jit3A_3841 = arith.constant 255 : i32
      %max3A_3842 = vector.broadcast %jit3A_3840 : i32 to vector<16xi32>
      %max3A_3843 = arith.maxsi %max3A_3842, %add3A_3839 : vector<16xi32>
      %min3A_3844 = vector.broadcast %jit3A_3841 : i32 to vector<16xi32>
      %min3A_3845 = arith.minsi %min3A_3844, %max3A_3843 : vector<16xi32>
      tpu.vector_store_idx %arg15[%min3A_3845], %get3A_3834 masked %lt3A_3830 : memref<272xf32, #tpu.memory_space<vmem>>[vector<16xi32>], vector<16xf32>, vector<16xi1>
      tpu.vector_store_idx %arg16[%min3A_3845], %get3A_3838 masked %lt3A_3830 : memref<272xi32, #tpu.memory_space<vmem>>[vector<16xi32>], vector<16xi32>, vector<16xi1>
      %add3A_3846 = arith.constant 80 : i32
      %add3A_3847 = vector.broadcast %add3A_3846 : i32 to vector<16xi32>
      %add3A_3848 = arith.addi %add3A_3847, %iota3A : vector<16xi32>
      %lt3A_3849 = arith.cmpi slt, %add3A_3848, %gather3A_3750 : vector<16xi32>
      %get3A_3850 = arith.constant 14 : i32
      %get3A_3851 = arith.index_cast %get3A_3850 : i32 to index
      %get3A_3852 = arith.constant 80 : index
      %get3A_3853 = tpu.vector_load %arg17[%get3A_3851, %get3A_3852] {strides = array<i32>} : memref<16x128xf32, #tpu.memory_space<vmem>>, vector<16xf32>,
      %get3A_3854 = arith.constant 14 : i32
      %get3A_3855 = arith.index_cast %get3A_3854 : i32 to index
      %get3A_3856 = arith.constant 80 : index
      %get3A_3857 = tpu.vector_load %arg18[%get3A_3855, %get3A_3856] {strides = array<i32>} : memref<16x256xi32, #tpu.memory_space<vmem>>, vector<16xi32>,
      %add3A_3858 = arith.addi %gather3A_3740, %add3A_3848 : vector<16xi32>
      %jit3A_3859 = arith.constant 0 : i32
      %jit3A_3860 = arith.constant 255 : i32
      %max3A_3861 = vector.broadcast %jit3A_3859 : i32 to vector<16xi32>
      %max3A_3862 = arith.maxsi %max3A_3861, %add3A_3858 : vector<16xi32>
      %min3A_3863 = vector.broadcast %jit3A_3860 : i32 to vector<16xi32>
      %min3A_3864 = arith.minsi %min3A_3863, %max3A_3862 : vector<16xi32>
      tpu.vector_store_idx %arg15[%min3A_3864], %get3A_3853 masked %lt3A_3849 : memref<272xf32, #tpu.memory_space<vmem>>[vector<16xi32>], vector<16xf32>, vector<16xi1>
      tpu.vector_store_idx %arg16[%min3A_3864], %get3A_3857 masked %lt3A_3849 : memref<272xi32, #tpu.memory_space<vmem>>[vector<16xi32>], vector<16xi32>, vector<16xi1>
      %add3A_3865 = arith.constant 96 : i32
      %add3A_3866 = vector.broadcast %add3A_3865 : i32 to vector<16xi32>
      %add3A_3867 = arith.addi %add3A_3866, %iota3A : vector<16xi32>
      %lt3A_3868 = arith.cmpi slt, %add3A_3867, %gather3A_3750 : vector<16xi32>
      %get3A_3869 = arith.constant 14 : i32
      %get3A_3870 = arith.index_cast %get3A_3869 : i32 to index
      %get3A_3871 = arith.constant 96 : index
      %get3A_3872 = tpu.vector_load %arg17[%get3A_3870, %get3A_3871] {strides = array<i32>} : memref<16x128xf32, #tpu.memory_space<vmem>>, vector<16xf32>,
      %get3A_3873 = arith.constant 14 : i32
      %get3A_3874 = arith.index_cast %get3A_3873 : i32 to index
      %get3A_3875 = arith.constant 96 : index
      %get3A_3876 = tpu.vector_load %arg18[%get3A_3874, %get3A_3875] {strides = array<i32>} : memref<16x256xi32, #tpu.memory_space<vmem>>, vector<16xi32>,
      %add3A_3877 = arith.addi %gather3A_3740, %add3A_3867 : vector<16xi32>
      %jit3A_3878 = arith.constant 0 : i32
      %jit3A_3879 = arith.constant 255 : i32
      %max3A_3880 = vector.broadcast %jit3A_3878 : i32 to vector<16xi32>
      %max3A_3881 = arith.maxsi %max3A_3880, %add3A_3877 : vector<16xi32>
      %min3A_3882 = vector.broadcast %jit3A_3879 : i32 to vector<16xi32>
      %min3A_3883 = arith.minsi %min3A_3882, %max3A_3881 : vector<16xi32>
      tpu.vector_store_idx %arg15[%min3A_3883], %get3A_3872 masked %lt3A_3868 : memref<272xf32, #tpu.memory_space<vmem>>[vector<16xi32>], vector<16xf32>, vector<16xi1>
      tpu.vector_store_idx %arg16[%min3A_3883], %get3A_3876 masked %lt3A_3868 : memref<272xi32, #tpu.memory_space<vmem>>[vector<16xi32>], vector<16xi32>, vector<16xi1>
      %add3A_3884 = arith.constant 112 : i32
      %add3A_3885 = vector.broadcast %add3A_3884 : i32 to vector<16xi32>
      %add3A_3886 = arith.addi %add3A_3885, %iota3A : vector<16xi32>
      %lt3A_3887 = arith.cmpi slt, %add3A_3886, %gather3A_3750 : vector<16xi32>
      %get3A_3888 = arith.constant 14 : i32
      %get3A_3889 = arith.index_cast %get3A_3888 : i32 to index
      %get3A_3890 = arith.constant 112 : index
      %get3A_3891 = tpu.vector_load %arg17[%get3A_3889, %get3A_3890] {strides = array<i32>} : memref<16x128xf32, #tpu.memory_space<vmem>>, vector<16xf32>,
      %get3A_3892 = arith.constant 14 : i32
      %get3A_3893 = arith.index_cast %get3A_3892 : i32 to index
      %get3A_3894 = arith.constant 112 : index
      %get3A_3895 = tpu.vector_load %arg18[%get3A_3893, %get3A_3894] {strides = array<i32>} : memref<16x256xi32, #tpu.memory_space<vmem>>, vector<16xi32>,
      %add3A_3896 = arith.addi %gather3A_3740, %add3A_3886 : vector<16xi32>
      %jit3A_3897 = arith.constant 0 : i32
      %jit3A_3898 = arith.constant 255 : i32
      %max3A_3899 = vector.broadcast %jit3A_3897 : i32 to vector<16xi32>
      %max3A_3900 = arith.maxsi %max3A_3899, %add3A_3896 : vector<16xi32>
      %min3A_3901 = vector.broadcast %jit3A_3898 : i32 to vector<16xi32>
      %min3A_3902 = arith.minsi %min3A_3901, %max3A_3900 : vector<16xi32>
      tpu.vector_store_idx %arg15[%min3A_3902], %get3A_3891 masked %lt3A_3887 : memref<272xf32, #tpu.memory_space<vmem>>[vector<16xi32>], vector<16xf32>, vector<16xi1>
      tpu.vector_store_idx %arg16[%min3A_3902], %get3A_3895 masked %lt3A_3887 : memref<272xi32, #tpu.memory_space<vmem>>[vector<16xi32>], vector<16xi32>, vector<16xi1>
      %broadcast_in_dim3A_3903 = arith.constant 15 : i32
      %broadcast_in_dim3A_3904 = vector.broadcast %broadcast_in_dim3A_3903 : i32 to vector<16xi32>
      %lt3A_3905 = arith.constant 0 : i32
      %lt3A_3906 = vector.broadcast %lt3A_3905 : i32 to vector<16xi32>
      %lt3A_3907 = arith.cmpi slt, %broadcast_in_dim3A_3904, %lt3A_3906 : vector<16xi32>
      %add3A_3908 = arith.constant 16 : i32
      %add3A_3909 = vector.broadcast %add3A_3908 : i32 to vector<16xi32>
      %add3A_3910 = arith.addi %broadcast_in_dim3A_3904, %add3A_3909 : vector<16xi32>
      %select_n3A_3911 = arith.select %lt3A_3907, %add3A_3910, %broadcast_in_dim3A_3904 : vector<16xi1>, vector<16xi32>
      %broadcast_in_dim3A_3912 = vector.shape_cast %select_n3A_3911 : vector<16xi32> to vector<16x1xi32>
      %gather3A_3913 = vector.shape_cast %broadcast_in_dim3A_3912 : vector<16x1xi32> to vector<16xi32>
      %gather3A_3914 = tpu.dynamic_gather %sub3A[%gather3A_3913] in [0] : vector<16xi32>, vector<16xi32> -> vector<16xi32>
      %lt3A_3915 = arith.constant 0 : i32
      %lt3A_3916 = vector.broadcast %lt3A_3915 : i32 to vector<16xi32>
      %lt3A_3917 = arith.cmpi slt, %broadcast_in_dim3A_3904, %lt3A_3916 : vector<16xi32>
      %add3A_3918 = arith.constant 16 : i32
      %add3A_3919 = vector.broadcast %add3A_3918 : i32 to vector<16xi32>
      %add3A_3920 = arith.addi %broadcast_in_dim3A_3904, %add3A_3919 : vector<16xi32>
      %select_n3A_3921 = arith.select %lt3A_3917, %add3A_3920, %broadcast_in_dim3A_3904 : vector<16xi1>, vector<16xi32>
      %broadcast_in_dim3A_3922 = vector.shape_cast %select_n3A_3921 : vector<16xi32> to vector<16x1xi32>
      %gather3A_3923 = vector.shape_cast %broadcast_in_dim3A_3922 : vector<16x1xi32> to vector<16xi32>
      %gather3A_3924 = tpu.dynamic_gather %select_n3A_1286[%gather3A_3923] in [0] : vector<16xi32>, vector<16xi32> -> vector<16xi32>
      %add3A_3925 = arith.constant 0 : i32
      %add3A_3926 = vector.broadcast %add3A_3925 : i32 to vector<16xi32>
      %add3A_3927 = arith.addi %add3A_3926, %iota3A : vector<16xi32>
      %lt3A_3928 = arith.cmpi slt, %add3A_3927, %gather3A_3924 : vector<16xi32>
      %get3A_3929 = arith.constant 15 : i32
      %get3A_3930 = arith.index_cast %get3A_3929 : i32 to index
      %get3A_3931 = arith.constant 0 : index
      %get3A_3932 = tpu.vector_load %arg17[%get3A_3930, %get3A_3931] {strides = array<i32>} : memref<16x128xf32, #tpu.memory_space<vmem>>, vector<16xf32>,
      %get3A_3933 = arith.constant 15 : i32
      %get3A_3934 = arith.index_cast %get3A_3933 : i32 to index
      %get3A_3935 = arith.constant 0 : index
      %get3A_3936 = tpu.vector_load %arg18[%get3A_3934, %get3A_3935] {strides = array<i32>} : memref<16x256xi32, #tpu.memory_space<vmem>>, vector<16xi32>,
      %add3A_3937 = arith.addi %gather3A_3914, %add3A_3927 : vector<16xi32>
      %jit3A_3938 = arith.constant 0 : i32
      %jit3A_3939 = arith.constant 255 : i32
      %max3A_3940 = vector.broadcast %jit3A_3938 : i32 to vector<16xi32>
      %max3A_3941 = arith.maxsi %max3A_3940, %add3A_3937 : vector<16xi32>
      %min3A_3942 = vector.broadcast %jit3A_3939 : i32 to vector<16xi32>
      %min3A_3943 = arith.minsi %min3A_3942, %max3A_3941 : vector<16xi32>
      tpu.vector_store_idx %arg15[%min3A_3943], %get3A_3932 masked %lt3A_3928 : memref<272xf32, #tpu.memory_space<vmem>>[vector<16xi32>], vector<16xf32>, vector<16xi1>
      tpu.vector_store_idx %arg16[%min3A_3943], %get3A_3936 masked %lt3A_3928 : memref<272xi32, #tpu.memory_space<vmem>>[vector<16xi32>], vector<16xi32>, vector<16xi1>
      %add3A_3944 = arith.constant 16 : i32
      %add3A_3945 = vector.broadcast %add3A_3944 : i32 to vector<16xi32>
      %add3A_3946 = arith.addi %add3A_3945, %iota3A : vector<16xi32>
      %lt3A_3947 = arith.cmpi slt, %add3A_3946, %gather3A_3924 : vector<16xi32>
      %get3A_3948 = arith.constant 15 : i32
      %get3A_3949 = arith.index_cast %get3A_3948 : i32 to index
      %get3A_3950 = arith.constant 16 : index
      %get3A_3951 = tpu.vector_load %arg17[%get3A_3949, %get3A_3950] {strides = array<i32>} : memref<16x128xf32, #tpu.memory_space<vmem>>, vector<16xf32>,
      %get3A_3952 = arith.constant 15 : i32
      %get3A_3953 = arith.index_cast %get3A_3952 : i32 to index
      %get3A_3954 = arith.constant 16 : index
      %get3A_3955 = tpu.vector_load %arg18[%get3A_3953, %get3A_3954] {strides = array<i32>} : memref<16x256xi32, #tpu.memory_space<vmem>>, vector<16xi32>,
      %add3A_3956 = arith.addi %gather3A_3914, %add3A_3946 : vector<16xi32>
      %jit3A_3957 = arith.constant 0 : i32
      %jit3A_3958 = arith.constant 255 : i32
      %max3A_3959 = vector.broadcast %jit3A_3957 : i32 to vector<16xi32>
      %max3A_3960 = arith.maxsi %max3A_3959, %add3A_3956 : vector<16xi32>
      %min3A_3961 = vector.broadcast %jit3A_3958 : i32 to vector<16xi32>
      %min3A_3962 = arith.minsi %min3A_3961, %max3A_3960 : vector<16xi32>
      tpu.vector_store_idx %arg15[%min3A_3962], %get3A_3951 masked %lt3A_3947 : memref<272xf32, #tpu.memory_space<vmem>>[vector<16xi32>], vector<16xf32>, vector<16xi1>
      tpu.vector_store_idx %arg16[%min3A_3962], %get3A_3955 masked %lt3A_3947 : memref<272xi32, #tpu.memory_space<vmem>>[vector<16xi32>], vector<16xi32>, vector<16xi1>
      %add3A_3963 = arith.constant 32 : i32
      %add3A_3964 = vector.broadcast %add3A_3963 : i32 to vector<16xi32>
      %add3A_3965 = arith.addi %add3A_3964, %iota3A : vector<16xi32>
      %lt3A_3966 = arith.cmpi slt, %add3A_3965, %gather3A_3924 : vector<16xi32>
      %get3A_3967 = arith.constant 15 : i32
      %get3A_3968 = arith.index_cast %get3A_3967 : i32 to index
      %get3A_3969 = arith.constant 32 : index
      %get3A_3970 = tpu.vector_load %arg17[%get3A_3968, %get3A_3969] {strides = array<i32>} : memref<16x128xf32, #tpu.memory_space<vmem>>, vector<16xf32>,
      %get3A_3971 = arith.constant 15 : i32
      %get3A_3972 = arith.index_cast %get3A_3971 : i32 to index
      %get3A_3973 = arith.constant 32 : index
      %get3A_3974 = tpu.vector_load %arg18[%get3A_3972, %get3A_3973] {strides = array<i32>} : memref<16x256xi32, #tpu.memory_space<vmem>>, vector<16xi32>,
      %add3A_3975 = arith.addi %gather3A_3914, %add3A_3965 : vector<16xi32>
      %jit3A_3976 = arith.constant 0 : i32
      %jit3A_3977 = arith.constant 255 : i32
      %max3A_3978 = vector.broadcast %jit3A_3976 : i32 to vector<16xi32>
      %max3A_3979 = arith.maxsi %max3A_3978, %add3A_3975 : vector<16xi32>
      %min3A_3980 = vector.broadcast %jit3A_3977 : i32 to vector<16xi32>
      %min3A_3981 = arith.minsi %min3A_3980, %max3A_3979 : vector<16xi32>
      tpu.vector_store_idx %arg15[%min3A_3981], %get3A_3970 masked %lt3A_3966 : memref<272xf32, #tpu.memory_space<vmem>>[vector<16xi32>], vector<16xf32>, vector<16xi1>
      tpu.vector_store_idx %arg16[%min3A_3981], %get3A_3974 masked %lt3A_3966 : memref<272xi32, #tpu.memory_space<vmem>>[vector<16xi32>], vector<16xi32>, vector<16xi1>
      %add3A_3982 = arith.constant 48 : i32
      %add3A_3983 = vector.broadcast %add3A_3982 : i32 to vector<16xi32>
      %add3A_3984 = arith.addi %add3A_3983, %iota3A : vector<16xi32>
      %lt3A_3985 = arith.cmpi slt, %add3A_3984, %gather3A_3924 : vector<16xi32>
      %get3A_3986 = arith.constant 15 : i32
      %get3A_3987 = arith.index_cast %get3A_3986 : i32 to index
      %get3A_3988 = arith.constant 48 : index
      %get3A_3989 = tpu.vector_load %arg17[%get3A_3987, %get3A_3988] {strides = array<i32>} : memref<16x128xf32, #tpu.memory_space<vmem>>, vector<16xf32>,
      %get3A_3990 = arith.constant 15 : i32
      %get3A_3991 = arith.index_cast %get3A_3990 : i32 to index
      %get3A_3992 = arith.constant 48 : index
      %get3A_3993 = tpu.vector_load %arg18[%get3A_3991, %get3A_3992] {strides = array<i32>} : memref<16x256xi32, #tpu.memory_space<vmem>>, vector<16xi32>,
      %add3A_3994 = arith.addi %gather3A_3914, %add3A_3984 : vector<16xi32>
      %jit3A_3995 = arith.constant 0 : i32
      %jit3A_3996 = arith.constant 255 : i32
      %max3A_3997 = vector.broadcast %jit3A_3995 : i32 to vector<16xi32>
      %max3A_3998 = arith.maxsi %max3A_3997, %add3A_3994 : vector<16xi32>
      %min3A_3999 = vector.broadcast %jit3A_3996 : i32 to vector<16xi32>
      %min3A_4000 = arith.minsi %min3A_3999, %max3A_3998 : vector<16xi32>
      tpu.vector_store_idx %arg15[%min3A_4000], %get3A_3989 masked %lt3A_3985 : memref<272xf32, #tpu.memory_space<vmem>>[vector<16xi32>], vector<16xf32>, vector<16xi1>
      tpu.vector_store_idx %arg16[%min3A_4000], %get3A_3993 masked %lt3A_3985 : memref<272xi32, #tpu.memory_space<vmem>>[vector<16xi32>], vector<16xi32>, vector<16xi1>
      %add3A_4001 = arith.constant 64 : i32
      %add3A_4002 = vector.broadcast %add3A_4001 : i32 to vector<16xi32>
      %add3A_4003 = arith.addi %add3A_4002, %iota3A : vector<16xi32>
      %lt3A_4004 = arith.cmpi slt, %add3A_4003, %gather3A_3924 : vector<16xi32>
      %get3A_4005 = arith.constant 15 : i32
      %get3A_4006 = arith.index_cast %get3A_4005 : i32 to index
      %get3A_4007 = arith.constant 64 : index
      %get3A_4008 = tpu.vector_load %arg17[%get3A_4006, %get3A_4007] {strides = array<i32>} : memref<16x128xf32, #tpu.memory_space<vmem>>, vector<16xf32>,
      %get3A_4009 = arith.constant 15 : i32
      %get3A_4010 = arith.index_cast %get3A_4009 : i32 to index
      %get3A_4011 = arith.constant 64 : index
      %get3A_4012 = tpu.vector_load %arg18[%get3A_4010, %get3A_4011] {strides = array<i32>} : memref<16x256xi32, #tpu.memory_space<vmem>>, vector<16xi32>,
      %add3A_4013 = arith.addi %gather3A_3914, %add3A_4003 : vector<16xi32>
      %jit3A_4014 = arith.constant 0 : i32
      %jit3A_4015 = arith.constant 255 : i32
      %max3A_4016 = vector.broadcast %jit3A_4014 : i32 to vector<16xi32>
      %max3A_4017 = arith.maxsi %max3A_4016, %add3A_4013 : vector<16xi32>
      %min3A_4018 = vector.broadcast %jit3A_4015 : i32 to vector<16xi32>
      %min3A_4019 = arith.minsi %min3A_4018, %max3A_4017 : vector<16xi32>
      tpu.vector_store_idx %arg15[%min3A_4019], %get3A_4008 masked %lt3A_4004 : memref<272xf32, #tpu.memory_space<vmem>>[vector<16xi32>], vector<16xf32>, vector<16xi1>
      tpu.vector_store_idx %arg16[%min3A_4019], %get3A_4012 masked %lt3A_4004 : memref<272xi32, #tpu.memory_space<vmem>>[vector<16xi32>], vector<16xi32>, vector<16xi1>
      %add3A_4020 = arith.constant 80 : i32
      %add3A_4021 = vector.broadcast %add3A_4020 : i32 to vector<16xi32>
      %add3A_4022 = arith.addi %add3A_4021, %iota3A : vector<16xi32>
      %lt3A_4023 = arith.cmpi slt, %add3A_4022, %gather3A_3924 : vector<16xi32>
      %get3A_4024 = arith.constant 15 : i32
      %get3A_4025 = arith.index_cast %get3A_4024 : i32 to index
      %get3A_4026 = arith.constant 80 : index
      %get3A_4027 = tpu.vector_load %arg17[%get3A_4025, %get3A_4026] {strides = array<i32>} : memref<16x128xf32, #tpu.memory_space<vmem>>, vector<16xf32>,
      %get3A_4028 = arith.constant 15 : i32
      %get3A_4029 = arith.index_cast %get3A_4028 : i32 to index
      %get3A_4030 = arith.constant 80 : index
      %get3A_4031 = tpu.vector_load %arg18[%get3A_4029, %get3A_4030] {strides = array<i32>} : memref<16x256xi32, #tpu.memory_space<vmem>>, vector<16xi32>,
      %add3A_4032 = arith.addi %gather3A_3914, %add3A_4022 : vector<16xi32>
      %jit3A_4033 = arith.constant 0 : i32
      %jit3A_4034 = arith.constant 255 : i32
      %max3A_4035 = vector.broadcast %jit3A_4033 : i32 to vector<16xi32>
      %max3A_4036 = arith.maxsi %max3A_4035, %add3A_4032 : vector<16xi32>
      %min3A_4037 = vector.broadcast %jit3A_4034 : i32 to vector<16xi32>
      %min3A_4038 = arith.minsi %min3A_4037, %max3A_4036 : vector<16xi32>
      tpu.vector_store_idx %arg15[%min3A_4038], %get3A_4027 masked %lt3A_4023 : memref<272xf32, #tpu.memory_space<vmem>>[vector<16xi32>], vector<16xf32>, vector<16xi1>
      tpu.vector_store_idx %arg16[%min3A_4038], %get3A_4031 masked %lt3A_4023 : memref<272xi32, #tpu.memory_space<vmem>>[vector<16xi32>], vector<16xi32>, vector<16xi1>
      %add3A_4039 = arith.constant 96 : i32
      %add3A_4040 = vector.broadcast %add3A_4039 : i32 to vector<16xi32>
      %add3A_4041 = arith.addi %add3A_4040, %iota3A : vector<16xi32>
      %lt3A_4042 = arith.cmpi slt, %add3A_4041, %gather3A_3924 : vector<16xi32>
      %get3A_4043 = arith.constant 15 : i32
      %get3A_4044 = arith.index_cast %get3A_4043 : i32 to index
      %get3A_4045 = arith.constant 96 : index
      %get3A_4046 = tpu.vector_load %arg17[%get3A_4044, %get3A_4045] {strides = array<i32>} : memref<16x128xf32, #tpu.memory_space<vmem>>, vector<16xf32>,
      %get3A_4047 = arith.constant 15 : i32
      %get3A_4048 = arith.index_cast %get3A_4047 : i32 to index
      %get3A_4049 = arith.constant 96 : index
      %get3A_4050 = tpu.vector_load %arg18[%get3A_4048, %get3A_4049] {strides = array<i32>} : memref<16x256xi32, #tpu.memory_space<vmem>>, vector<16xi32>,
      %add3A_4051 = arith.addi %gather3A_3914, %add3A_4041 : vector<16xi32>
      %jit3A_4052 = arith.constant 0 : i32
      %jit3A_4053 = arith.constant 255 : i32
      %max3A_4054 = vector.broadcast %jit3A_4052 : i32 to vector<16xi32>
      %max3A_4055 = arith.maxsi %max3A_4054, %add3A_4051 : vector<16xi32>
      %min3A_4056 = vector.broadcast %jit3A_4053 : i32 to vector<16xi32>
      %min3A_4057 = arith.minsi %min3A_4056, %max3A_4055 : vector<16xi32>
      tpu.vector_store_idx %arg15[%min3A_4057], %get3A_4046 masked %lt3A_4042 : memref<272xf32, #tpu.memory_space<vmem>>[vector<16xi32>], vector<16xf32>, vector<16xi1>
      tpu.vector_store_idx %arg16[%min3A_4057], %get3A_4050 masked %lt3A_4042 : memref<272xi32, #tpu.memory_space<vmem>>[vector<16xi32>], vector<16xi32>, vector<16xi1>
      %add3A_4058 = arith.constant 112 : i32
      %add3A_4059 = vector.broadcast %add3A_4058 : i32 to vector<16xi32>
      %add3A_4060 = arith.addi %add3A_4059, %iota3A : vector<16xi32>
      %lt3A_4061 = arith.cmpi slt, %add3A_4060, %gather3A_3924 : vector<16xi32>
      %get3A_4062 = arith.constant 15 : i32
      %get3A_4063 = arith.index_cast %get3A_4062 : i32 to index
      %get3A_4064 = arith.constant 112 : index
      %get3A_4065 = tpu.vector_load %arg17[%get3A_4063, %get3A_4064] {strides = array<i32>} : memref<16x128xf32, #tpu.memory_space<vmem>>, vector<16xf32>,
      %get3A_4066 = arith.constant 15 : i32
      %get3A_4067 = arith.index_cast %get3A_4066 : i32 to index
      %get3A_4068 = arith.constant 112 : index
      %get3A_4069 = tpu.vector_load %arg18[%get3A_4067, %get3A_4068] {strides = array<i32>} : memref<16x256xi32, #tpu.memory_space<vmem>>, vector<16xi32>,
      %add3A_4070 = arith.addi %gather3A_3914, %add3A_4060 : vector<16xi32>
      %jit3A_4071 = arith.constant 0 : i32
      %jit3A_4072 = arith.constant 255 : i32
      %max3A_4073 = vector.broadcast %jit3A_4071 : i32 to vector<16xi32>
      %max3A_4074 = arith.maxsi %max3A_4073, %add3A_4070 : vector<16xi32>
      %min3A_4075 = vector.broadcast %jit3A_4072 : i32 to vector<16xi32>
      %min3A_4076 = arith.minsi %min3A_4075, %max3A_4074 : vector<16xi32>
      tpu.vector_store_idx %arg15[%min3A_4076], %get3A_4065 masked %lt3A_4061 : memref<272xf32, #tpu.memory_space<vmem>>[vector<16xi32>], vector<16xf32>, vector<16xi1>
      tpu.vector_store_idx %arg16[%min3A_4076], %get3A_4069 masked %lt3A_4061 : memref<272xi32, #tpu.memory_space<vmem>>[vector<16xi32>], vector<16xi32>, vector<16xi1>
      %eq3A_4077 = arith.constant 0 : i32
      %eq3A_4078 = arith.cmpi eq, %arg0, %eq3A_4077 : i32
      %convert_element_type3A_4079 = arith.extui %eq3A_4078 : i1 to i32
      %cond3A_4080 = arith.constant 0 : i32
      %cond3A_4081 = arith.cmpi ne, %convert_element_type3A_4079, %cond3A_4080 : i32
      scf.if %cond3A_4081 {
        "tpu.region"() ({
          %run_scoped3A_4082 = tpu.sem_alloc : memref<!tpu.dma_semaphore, #tpu.memory_space<semaphore_mem>>
          tpu.enqueue_dma source(%arg15 : memref<272xf32, #tpu.memory_space<vmem>>) target(%arg3 : memref<272xf32, #tpu.memory_space<hbm>>) target_semaphore(%run_scoped3A_4082 : memref<!tpu.dma_semaphore, #tpu.memory_space<semaphore_mem>>)
          tpu.wait_dma2 semaphore(%run_scoped3A_4082 : memref<!tpu.dma_semaphore, #tpu.memory_space<semaphore_mem>>) src(%arg15 : memref<272xf32, #tpu.memory_space<vmem>>) dst(%arg3 : memref<272xf32, #tpu.memory_space<hbm>>)
          tpu.yield
        }) : () -> ()
        "tpu.region"() ({
          %run_scoped3A_4082 = tpu.sem_alloc : memref<!tpu.dma_semaphore, #tpu.memory_space<semaphore_mem>>
          tpu.enqueue_dma source(%arg16 : memref<272xi32, #tpu.memory_space<vmem>>) target(%arg4 : memref<272xi32, #tpu.memory_space<hbm>>) target_semaphore(%run_scoped3A_4082 : memref<!tpu.dma_semaphore, #tpu.memory_space<semaphore_mem>>)
          tpu.wait_dma2 semaphore(%run_scoped3A_4082 : memref<!tpu.dma_semaphore, #tpu.memory_space<semaphore_mem>>) src(%arg16 : memref<272xi32, #tpu.memory_space<vmem>>) dst(%arg4 : memref<272xi32, #tpu.memory_space<hbm>>)
          tpu.yield
        }) : () -> ()
      } else {
      }
    } else {
    }
    return
  }
}

module attributes {stable_mosaic.version = 14 : i64} {
  func.func @_tc_body(%arg0: memref<512x128xf32, #tpu.memory_space<vmem>>, %arg1: memref<1x272xf32, #tpu.memory_space<vmem>>, %arg2: memref<1x272xi32, #tpu.memory_space<vmem>>, %arg3: memref<8192x32xf32, #tpu.memory_space<vmem>>, %arg4: memref<512x32xf32, #tpu.memory_space<vmem>>) attributes {dimension_semantics = [], scalar_prefetch = 0 : i64, scratch_operands = 0 : i64, tpu.core_type = #tpu.core_type<tc>} {
    %get3A = arith.constant 0 : index
    %get3A_0 = arith.constant 0 : index
    %get3A_1 = vector.load %arg1[%get3A, %get3A_0] : memref<1x272xf32, #tpu.memory_space<vmem>>, vector<1x272xf32>
    %sqrt3A = math.sqrt %get3A_1 : vector<1x272xf32>
    %reshape3A = vector.shape_cast %sqrt3A : vector<1x272xf32> to vector<272x1xf32>
    %get3A_2 = arith.constant 0 : index
    %get3A_3 = arith.constant 0 : index
    %get3A_4 = vector.load %arg2[%get3A_2, %get3A_3] : memref<1x272xi32, #tpu.memory_space<vmem>>, vector<1x272xi32>
    %reshape3A_5 = vector.shape_cast %get3A_4 : vector<1x272xi32> to vector<272x1xi32>
    %lt3A = vector.broadcast %reshape3A : vector<272x1xf32> to vector<272x272xf32>
    %lt3A_6 = vector.broadcast %sqrt3A : vector<1x272xf32> to vector<272x272xf32>
    %lt3A_7 = arith.cmpf olt, %lt3A, %lt3A_6 : vector<272x272xf32>
    %eq3A = vector.broadcast %reshape3A : vector<272x1xf32> to vector<272x272xf32>
    %eq3A_8 = vector.broadcast %sqrt3A : vector<1x272xf32> to vector<272x272xf32>
    %eq3A_9 = arith.cmpf oeq, %eq3A, %eq3A_8 : vector<272x272xf32>
    %lt3A_10 = vector.broadcast %reshape3A_5 : vector<272x1xi32> to vector<272x272xi32>
    %lt3A_11 = vector.broadcast %get3A_4 : vector<1x272xi32> to vector<272x272xi32>
    %lt3A_12 = arith.cmpi slt, %lt3A_10, %lt3A_11 : vector<272x272xi32>
    %and3A = arith.andi %eq3A_9, %lt3A_12 : vector<272x272xi1>
    %or3A = arith.ori %lt3A_7, %and3A : vector<272x272xi1>
    %convert_element_type3A = arith.extui %or3A : vector<272x272xi1> to vector<272x272xi32>
    %reduce_sum3A = arith.constant dense<0> : vector<272xi32>
    %reduce_sum3A_13 = vector.multi_reduction <add>, %convert_element_type3A, %reduce_sum3A [0] : vector<272x272xi32> to vector<272xi32>
    %broadcast_in_dim3A = vector.shape_cast %reduce_sum3A_13 : vector<272xi32> to vector<1x272xi32>
    %iota3A = tpu.iota {dimensions = array<i32: 0>} : vector<128x272xi32>
    %eq3A_14 = vector.broadcast %broadcast_in_dim3A : vector<1x272xi32> to vector<128x272xi32>
    %eq3A_15 = arith.cmpi eq, %iota3A, %eq3A_14 : vector<128x272xi32>
    %jit3A = arith.constant 0 : i32
    %broadcast_in_dim3A_16 = vector.shape_cast %get3A_4 : vector<1x272xi32> to vector<1x272xi32>
    %broadcast_in_dim3A_17 = vector.broadcast %broadcast_in_dim3A_16 : vector<1x272xi32> to vector<128x272xi32>
    %broadcast_in_dim3A_18 = vector.broadcast %jit3A : i32 to vector<128x272xi32>
    %select_n3A = arith.select %eq3A_15, %broadcast_in_dim3A_17, %broadcast_in_dim3A_18 : vector<128x272xi1>, vector<128x272xi32>
    %reduce_sum3A_19 = arith.constant dense<0> : vector<128xi32>
    %reduce_sum3A_20 = vector.multi_reduction <add>, %select_n3A, %reduce_sum3A_19 [1] : vector<128x272xi32> to vector<128xi32>
    %broadcast_in_dim3A_21 = vector.shape_cast %reduce_sum3A_20 : vector<128xi32> to vector<128x1xi32>
    %iota3A_22 = tpu.iota {dimensions = array<i32: 1>} : vector<128x8192xi32>
    %eq3A_23 = vector.broadcast %broadcast_in_dim3A_21 : vector<128x1xi32> to vector<128x8192xi32>
    %eq3A_24 = arith.cmpi eq, %iota3A_22, %eq3A_23 : vector<128x8192xi32>
    %convert_element_type3A_25 = arith.extui %eq3A_24 : vector<128x8192xi1> to vector<128x8192xi32>
    %convert_element_type3A_26 = arith.sitofp %convert_element_type3A_25 : vector<128x8192xi32> to vector<128x8192xf32>
    %get3A_27 = arith.constant 0 : index
    %get3A_28 = arith.constant 0 : index
    %get3A_29 = vector.load %arg3[%get3A_27, %get3A_28] : memref<8192x32xf32, #tpu.memory_space<vmem>>, vector<8192x32xf32>
    %dot_general3A = arith.constant dense<0.000000e+00> : vector<128x32xf32>
    %dot_general3A_30 = tpu.matmul %convert_element_type3A_26, %get3A_29, %dot_general3A {dimension_numbers = #tpu.dot_dimension_numbers<[1], [0], [0], [1], [0, 0, 1, 1], [], []>, transpose_lhs_hint = false} : vector<128x8192xf32>, vector<8192x32xf32>, vector<128x32xf32> -> vector<128x32xf32>
    %get3A_31 = arith.constant 0 : index
    %get3A_32 = arith.constant 0 : index
    %get3A_33 = vector.load %arg0[%get3A_31, %get3A_32] : memref<512x128xf32, #tpu.memory_space<vmem>>, vector<512x128xf32>
    %dot_general3A_34 = arith.constant dense<0.000000e+00> : vector<512x32xf32>
    %dot_general3A_35 = tpu.matmul %get3A_33, %dot_general3A_30, %dot_general3A_34 {dimension_numbers = #tpu.dot_dimension_numbers<[1], [0], [0], [1], [0, 0, 1, 1], [], []>, transpose_lhs_hint = false} : vector<512x128xf32>, vector<128x32xf32>, vector<512x32xf32> -> vector<512x32xf32>
    %swap3A = arith.constant 0 : index
    %swap3A_36 = arith.constant 0 : index
    %swap3A_37 = vector.load %arg4[%swap3A, %swap3A_36] : memref<512x32xf32, #tpu.memory_space<vmem>>, vector<512x32xf32>
    tpu.vector_store %arg4[%swap3A, %swap3A_36], %dot_general3A_35 {strides = array<i32>} : memref<512x32xf32, #tpu.memory_space<vmem>>, vector<512x32xf32>,
    return
  }
}

</mosaic_0001>

<sc_bundles>
// kernel: kernel.4.cloned.1.call-start
scs
__scs_entry_jumppad:
0x0: {  	(pc) =	sbr.rel $0x88, $3  }
0x1: {  	(tag) =	ssettag $0x0;
	lr =	simm.s32 $0x1  }
0x2: {  	[smem:$0x3F9F] =	sst lr;
	_ =	strace $0xD0000000  }
0x3: {  	_ = 	snop  }
0x4: {  	_ = 	snop  }
0x5: {  	_ = 	snop  }
0x6: {  	_ = 	snop  }
0x7: {  	_ = 	snop  }
__scs_overlays_trampoline_lowered:
0x8: {  	[smem:$0x3FAE] =	sst s0  }
0x9: {  	[smem:$0x3FAF] =	sst s1  }
0xa: {  	[smem:$0x3FB0] =	sst s2  }
0xb: {  	[smem:$0x3FB1] =	sst s3  }
0xc: {  	[smem:$0x3FB2] =	sst s4  }
0xd: {  	[smem:$0x3FB3] =	sst s5  }
0xe: {  	[smem:$0x3FB4] =	sst s6  }
0xf: {  	[smem:$0x3FB5] =	sst s7  }
0x10: {  	[smem:$0x3FB6] =	sst s8  }
0x11: {  	[smem:$0x3FB7] =	sst s9;
	s0 =	simm.s32 @!p0 $0x0  }
0x12: {  	s1 =	sld [smem:$0x3F9D];
	s0 =	simm.s32 @p0 $0x1  }
0x13: {  	[smem:$0x3FB8] =	sst s0;
	s0 =	simm.s32 @!p1 $0x0  }
0x14: {  	s2 =	sld [smem:$0x3F9C];
	s0 =	simm.s32 @p1 $0x1  }
0x15: {  	[smem:$0x3FB9] =	sst s0;
	s0 =	simm.s32 @!p2 $0x0  }
0x16: {  	s3 =	sld [smem:$0x3FDB];
	s0 =	simm.s32 @p2 $0x1  }
0x17: {  	s4 =	simm.s32 $0x1BF5;
	[smem:$0x3FBB] =	sst s0  }
0x18: {  	s0 =	sld [smem:$0x3F9E];
	_ =	swait.ge [sflag:s4], $0x0  }
0x19: {  	s7 =	sld [smem:$0x3F9F]  }
0x1a: {  	s8 =	sadd.s32 $0xFFFFE003, lr  }
0x1b: {  	s9 =	sadd.s32 $0xFFFFFEF7, lr;
	s5 =	simm.s32 $0xFFFFFFFF;
	p2 =	slt.u32 s8, $0xFFFFF086  }
0x1c: {  	p1 =	slt.u32 s9, $0xF7A;
	s5 =	simm.s32 @!p2 $0x0  }
0x1d: {  	s5 =	simm.s32 @p1 $0x1;
	p0 =	seq.s32 s7, s2  }
0x1e: {  	s7 =	smul.u32 @!p0 $0xF7A, s2;
	p2 =	seq.s32 @!p0 s5, $0x0  }
0x1f: {  	s9 =	smul.u32 $0xF7A, s1;
	s8 =	simm.s32 @!p0 $0x1BF5;
	p2 =	por !p2, p0  }
0x20: {  	[sflag:s8] =	ssyncset.s32 @!p0 $0xFFFFF086;
	s6 =	sadd.s32 @!p0 s3, s7;
	s7 =	simm.s32 @!p0 $0x108  }
0x21: {  	s3 =	sadd.s32 s3, s9;
	s6 =	sadd.s32 @!p0 $0x88, s6;
	s7 =	simm.s32 @p2 $0x1082  }
0x22: {  	[simem:s7], [sflag:s8] =	dma.local @!p0 [hbm:s6], $0xF7A  }
0x23: {  	s9 =	sor.u32 $0xD0000000, s2;
	s6 =	simm.s32 $0x108;
	_ =	swait.ge @!p0 [sflag:s8], $0x0  }
0x24: {  	s3 =	sadd.s32 $0x88, s3;
	s6 =	simm.s32 @!p1 $0x1082;
	[sflag:s4] =	ssyncset.s32 $0xFFFFF086  }
0x25: {  	[simem:s6], [sflag:s4] =	dma.local [hbm:s3], $0xF7A  }
0x26: {  	[smem:$0x3F9F] =	sst s1;
	(tag) =	ssettag s2;
	_ =	strace s9  }
0x27: {  	s1 =	sld [smem:$0x3FAF]  }
0x28: {  	s2 =	sld [smem:$0x3FB0]  }
0x29: {  	s4 =	sld [smem:$0x3FB2]  }
0x2a: {  	p0 =	seq.s32 s5, $0x0;
	s5 =	sld [smem:$0x3FB3]  }
0x2b: {  	s6 =	sld [smem:$0x3FB4]  }
0x2c: {  	s7 =	sld [smem:$0x3FB5]  }
0x2d: {  	s3 =	simm.s32 $0x108;
	s8 =	sld [smem:$0x3FB6]  }
0x2e: {  	s3 =	simm.s32 @!p0 $0x1082;
	s9 =	sld [smem:$0x3FB7]  }
0x2f: {  	lr =	sadd.s32 s0, s3;
	s0 =	sld [smem:$0x3FAE]  }
0x30: {  	s3 =	sld [smem:$0x3FB1]  }
0x31: {  	[smem:$0x3FBA] =	sst s10  }
0x32: {  	s10 =	sld [smem:$0x3FB8];
	_ =	sdelay $0x3  }
0x33: {  	p0 =	seq.s32 s10, $0x1;
	s10 =	sld [smem:$0x3FBA];
	_ =	sdelay $0x3  }
0x34: {  	[smem:$0x3FBA] =	sst s10  }
0x35: {  	s10 =	sld [smem:$0x3FB9];
	_ =	sdelay $0x3  }
0x36: {  	p1 =	seq.s32 s10, $0x1;
	s10 =	sld [smem:$0x3FBA];
	_ =	sdelay $0x3  }
0x37: {  	[smem:$0x3FBA] =	sst s10  }
0x38: {  	s10 =	sld [smem:$0x3FBB]  }
0x39: {  	_ = 	snop;
	(pc) =	sbr.ind lr, $3  }
0x3a: {  	_ = 	snop  }
0x3b: {  	_ = 	snop  }
0x3c: {  	p2 =	seq.s32 s10, $0x1;
	s10 =	sld [smem:$0x3FBA]  }
0x3d: {  	_ =	shalt  }
0x3e: {  	_ =	shalt  }
0x3f: {  	_ =	shalt  }
0x40: {  	_ =	shalt  }
0x41: {  	_ =	shalt  }
0x42: {  	_ =	shalt  }
0x43: {  	_ =	shalt  }
0x44: {  	_ =	shalt  }
0x45: {  	_ =	shalt  }
0x46: {  	_ =	shalt  }
0x47: {  	_ =	shalt  }
0x48: {  	_ =	shalt  }
0x49: {  	_ =	shalt  }
0x4a: {  	_ =	shalt  }
0x4b: {  	_ =	shalt  }
0x4c: {  	_ =	shalt  }
0x4d: {  	_ =	shalt  }
0x4e: {  	_ =	shalt  }
0x4f: {  	_ =	shalt  }
0x50: {  	_ =	shalt  }
0x51: {  	_ =	shalt  }
0x52: {  	_ =	shalt  }
0x53: {  	_ =	shalt  }
0x54: {  	_ =	shalt  }
0x55: {  	_ =	shalt  }
0x56: {  	_ =	shalt  }
0x57: {  	_ =	shalt  }
0x58: {  	_ =	shalt  }
0x59: {  	_ =	shalt  }
0x5a: {  	_ =	shalt  }
0x5b: {  	_ =	shalt  }
0x5c: {  	_ =	shalt  }
0x5d: {  	_ =	shalt  }
0x5e: {  	_ =	shalt  }
0x5f: {  	_ =	shalt  }
0x60: {  	_ =	shalt  }
0x61: {  	_ =	shalt  }
0x62: {  	_ =	shalt  }
0x63: {  	_ =	shalt  }
0x64: {  	_ =	shalt  }
0x65: {  	_ =	shalt  }
0x66: {  	_ =	shalt  }
0x67: {  	_ =	shalt  }
0x68: {  	_ =	shalt  }
0x69: {  	_ =	shalt  }
0x6a: {  	_ =	shalt  }
0x6b: {  	_ =	shalt  }
0x6c: {  	_ =	shalt  }
0x6d: {  	_ =	shalt  }
0x6e: {  	_ =	shalt  }
0x6f: {  	_ =	shalt  }
0x70: {  	_ =	shalt  }
0x71: {  	_ =	shalt  }
0x72: {  	_ =	shalt  }
0x73: {  	_ =	shalt  }
0x74: {  	_ =	shalt  }
0x75: {  	_ =	shalt  }
0x76: {  	_ =	shalt  }
0x77: {  	_ =	shalt  }
0x78: {  	_ =	shalt  }
0x79: {  	_ =	shalt  }
0x7a: {  	_ =	shalt  }
0x7b: {  	_ =	shalt  }
0x7c: {  	_ =	shalt  }
0x7d: {  	_ =	shalt  }
0x7e: {  	_ =	shalt  }
0x7f: {  	_ =	shalt  }
0x80: {  	_ =	shalt  }
0x81: {  	_ =	shalt  }
0x82: {  	_ =	shalt  }
0x83: {  	_ =	shalt  }
0x84: {  	_ =	shalt  }
0x85: {  	_ =	shalt  }
0x86: {  	_ =	shalt  }
0x87: {  	_ =	shalt  }
.Lfunc_end0:
.L_simem_size_0:
called_computation_lowered:
.L_overlay_start_0:
0x88: {  	s0 =	sld [smem:$0x3FD9]  }
0x89: {  	s1 =	sld [smem:$0x3FFE];
	_ =	sdelay $0x3  }
0x8a: {  	s0 =	sadd.s32 s1, s0  }
0x8b: {  	[smem:$0x3FC6] =	sst s0  }
0x8c: {  	_ = 	snop  }
0x8d: {  	s0 =	sld [smem:$0x3FD0];
	(tm) =	ssettm $0x1  }
0x8e: {  	s16 =	sld [smem:$0x3FFB];
	_ =	sdelay $0x3  }
0x8f: {  	_ =	strace s16  }
0x90: {  	s1 =	sld [smem:$0x3FFC];
	_ =	sdelay $0x3  }
0x91: {  	_ =	strace s1  }
0x92: {  	s1 =	sld [smem:$0x3FFD];
	_ =	sdelay $0x3  }
0x93: {  	_ =	strace s1  }
0x94: {  	_ =	strace $0x8FFFFFFF  }
0x95: {  	s17 =	sld [smem:$0x3FDB];
	_ =	sdelay $0x1  }
0x96: {  	s2 =	simm.s32 $_scs_section_size  }
0x97: {  	s3 =	simm.s32 $_size__tile_overlayer_lowered;
	s4 =	simm.s32 $_tile_overlayer_lowered  }
0x98: {  	s20 =	simm.s32 $0x1BFF;
	s19 =	sshll.u32 s4, $0x1;
	s1 =	sadd.s32 s2, s17  }
0x99: {  	s5 =	simm.s32 $0x0;
	s18 =	sshll.u32 s3, $0x1;
	s3 =	sadd.s32 s19, s1  }
0x9a: {  	[timem:s5], [sflag:s20] =	dma.local [hbm:s3], s18  }
0x9b: {  	_ =	swait.ge [sflag:s20], s18  }
0x9c: {  	s2 =	ssub.s32 $0x0, s18;
	[sflag:s20] =	ssyncset.done $0x0  }
0x9d: {  	[sflag:s20] =	ssyncadd.s32 s2;
	_ =	sdelay $0x1  }
0x9e: {  	s21 =	simm.s32 $0x1B8B  }
0x9f: {  	_ =	swait.ge [sflag:s21], $0x1  }
0xa0: {  	[sflag:s21] =	ssyncset.done $0x0  }
0xa1: {  	s23 =	simm.s32 $0x1B8E;
	s22 =	sld [smem:$0x3FFE];
	[sflag:s21] =	ssyncadd.s32 $0xFFFFFFFF  }
0xa2: {  	s24 =	simm.s32 $execute0_lowered;
	[smem:$0x3FD2] =	sst s23  }
0xa3: {  	s3 =	sshll.u32 s24, $0x1;
	_ =	strace $0x80000046;
	[dreg:$0x1] =	wrdreg $0xFFFFFFFF  }
0xa4: {  	s25 =	simm.s32 $_size_execute0_lowered;
	s1 =	sadd.s32 s1, s3;
	[dreg:$0x0] =	wrdreg $0x0  }
0xa5: {  	s3 =	sshll.u32 s25, $0x1;
	[dreg:$0x2] =	wrdreg s1  }
0xa6: {  	[dreg:$0x3] =	wrdreg s3  }
0xa7: {  	[dreg:$0x4] =	wrdreg $0xC0  }
0xa8: {  	_ =	task [dreg:s5], $0x5FFFF  }
0xa9: {  	[dreg:$0x1] =	wrdreg $0xFFFFFFFF  }
0xaa: {  	[dreg:$0x0] =	wrdreg $0x60  }
0xab: {  	[dreg:$0x2] =	wrdreg s22  }
0xac: {  	[dreg:$0x3] =	wrdreg s0  }
0xad: {  	[dreg:$0x4] =	wrdreg $0x13A880  }
0xae: {  	[dreg:$0x5] =	wrdreg $0x132000  }
0xaf: {  	[dreg:$0x6] =	wrdreg $0x13A000  }
0xb0: {  	[dreg:$0x7] =	wrdreg $0x13A800  }
0xb1: {  	[dreg:$0x8] =	wrdreg $0x13B080  }
0xb2: {  	[dreg:$0x9] =	wrdreg $0x9  }
0xb3: {  	_ =	task.clear_ibuf [dreg:s5], $0xAFFFF;
	_ =	strace $0x90000046  }
0xb4: {  	s26 =	simm.s32 $0x9;
	_ =	strace $0x80000048  }
0xb5: {  	_ =	swait.ge [sflag:s26], $0x1  }
0xb6: {  	[sflag:s26] =	ssyncadd.s32 $0xFFFFFFFF  }
0xb7: {  	_ =	strace $0x90000048  }
0xb8: {  	_ =	sfence  }
0xb9: {  	s28 =	sld [smem:$0x0];
	_ =	sdelay $0x1  }
0xba: {  	s29 =	srdreg.scid  }
0xbb: {  	s30 =	sshll.u32 s29, $0xD;
	s31 =	sshrl.u32 s29, $0x2  }
0xbc: {  	s2 =	sand.u32 $0x4000, s30;
	s1 =	sand.u32 $0x1, s29;
	s0 =	sadd.s32 s31, s28  }
0xbd: {  	s1 =	sor.u32 s2, s1;
	s0 =	sshll.u32 s0, $0x11  }
0xbe: {  	s0 =	sor.u32 s0, s1  }
0xbf: {  	s0 =	sadd.s32 $0x8F2B, s0  }
0xc0: {  	[sflag:s0] =	ssyncadd.remote.s32 $0x1  }
0xc1: {  	_ =	sfence.sel $0xFFFF  }
0xc2: {  	[dreg:$0x0] =	wrdreg $0xFFFFFFFF;
	(pc) =	sbr.abs _section_cstart, $3  }
0xc3: {  	[dreg:$0x1] =	wrdreg $0xFFFFFFFF  }
0xc4: {  	_ =	task.clear_ibuf [dreg:s5], $0x2FFFF;
	_ =	strace $0x9FFFFFFF  }
0xc5: {  	(tm) =	ssettm $0x7FFFFFFF  }
tec
execute0_lowered:
.L_overlay_start_1:
0x0: {  	(tag) =	ssettag $0x1  }
0x1: {  	s2 =	rddreg [dreg:$0x0]  }
0x2: {  	s1 =	rddreg [dreg:$0x1]  }
0x3: {  	s5 =	rddreg [dreg:$0x2]  }
0x4: {  	s8 =	rddreg [dreg:$0x3]  }
0x5: {  	s6 =	rddreg [dreg:$0x4]  }
0x6: {  	s3 =	rddreg [dreg:$0x5]  }
0x7: {  	s4 =	rddreg [dreg:$0x6]  }
0x8: {  	s0 =	rddreg [dreg:$0x7];
	s9 =	simm.s32 $0x0;
	s7 =	stileid.u32  }
0x9: {  	[smem:$0x7FF] =	sst s9;
	s10 =	sadd.s32 $0xC00, s2;
	s11 =	sshll.u32 s7, $0xD  }
0xa: {  	s31 =	simm.s32 $0x1;
	_ =	strace $0x80000047;
	s11 =	sadd.s32 s10, s11  }
0xb: {  	[tilespmem:s9], [sflag:$0x1] =	stream.linear.gather [hbm4b:s11+s9], $0x10000, $0x38;
	[tilespmem:$0x13C08] =	vst v63  }
0xc: {  	_ =	swait.ge [sflag:s31], $0x10000  }
0xd: {  	[sflag:s31] =	ssyncset.done $0x0  }
0xe: {  	s12 =	simm.s32 $0x10000;
	[sflag:s31] =	ssyncadd.s32 $0xFFFF0000  }
0xf: {  	[tilespmem:s12], [sflag:$0x1] =	stream.linear.gather [hbm4b:s10+s9], $0x80, $0x38;
	[tilespmem:$0x13C08] =	vst v63  }
0x10: {  	_ =	swait.ge [sflag:s31], $0x80  }
0x11: {  	[sflag:s31] =	ssyncset.done $0x0  }
0x12: {  	[sflag:s31] =	ssyncadd.s32 $0xFFFFFF80  }
0x13: {  	v1 =	vld [tilespmem:$0x10000];
	_ =	sdelay $0x3  }
0x14: {  	v0 =	vimm.s32 $0x0  }
0x15: {  	v3 =	vimm.s32 $0x1;
	v2 =	vperm.xlane v1, v0  }
0x16: {  	v5 =	vimm.s32 $0x2;
	v4 =	vperm.xlane v1, v3  }
0x17: {  	v6 =	vimm.s32 $0x3;
	[tilespmem:$0x10080] =	vst v2;
	v2 =	vperm.xlane v1, v5  }
0x18: {  	v7 =	vimm.s32 $0x4;
	v58 =	vperm.xlane v1, v6;
	[tilespmem:$0x10090] =	vst v4  }
0x19: {  	v8 =	vimm.s32 $0x5;
	[tilespmem:$0x100A0] =	vst v2;
	v2 =	vperm.xlane v1, v7  }
0x1a: {  	v9 =	vimm.s32 $0x6;
	v59 =	vperm.xlane v1, v8;
	[tilespmem:$0x100B0] =	vst v58  }
0x1b: {  	v10 =	vimm.s32 $0x7;
	[tilespmem:$0x100C0] =	vst v2;
	v2 =	vperm.xlane v1, v9  }
0x1c: {  	v11 =	vimm.s32 $0x8;
	v60 =	vperm.xlane v1, v10;
	[tilespmem:$0x100D0] =	vst v59  }
0x1d: {  	v12 =	vimm.s32 $0x9;
	[tilespmem:$0x100E0] =	vst v2;
	v2 =	vperm.xlane v1, v11  }
0x1e: {  	v13 =	vimm.s32 $0xA;
	v61 =	vperm.xlane v1, v12;
	[tilespmem:$0x100F0] =	vst v60  }
0x1f: {  	v14 =	vimm.s32 $0xB;
	[tilespmem:$0x10100] =	vst v2;
	v2 =	vperm.xlane v1, v13  }
0x20: {  	v15 =	vimm.s32 $0xC;
	v16 =	vld [tilespmem:$0x10010];
	v62 =	vperm.xlane v1, v14;
	[tilespmem:$0x10110] =	vst v61  }
0x21: {  	v17 =	vimm.s32 $0xD;
	[tilespmem:$0x10120] =	vst v2;
	v2 =	vperm.xlane v1, v15  }
0x22: {  	v18 =	vimm.s32 $0xE;
	v63 =	vperm.xlane v1, v17;
	[tilespmem:$0x10130] =	vst v62  }
0x23: {  	v19 =	vimm.s32 $0xF;
	[tilespmem:$0x10140] =	vst v2;
	v2 =	vperm.xlane v1, v18  }
0x24: {  	[tilespmem:$0x10150] =	vst v63;
	v1 =	vperm.xlane v1, v19  }
0x25: {  	[tilespmem:$0x10160] =	vst v2;
	v2 =	vperm.xlane v16, v0  }
0x26: {  	[tilespmem:$0x10170] =	vst v1;
	v1 =	vperm.xlane v16, v3  }
0x27: {  	[tilespmem:$0x10180] =	vst v2;
	v2 =	vperm.xlane v16, v5  }
0x28: {  	[tilespmem:$0x10190] =	vst v1;
	v1 =	vperm.xlane v16, v6  }
0x29: {  	[tilespmem:$0x101A0] =	vst v2;
	v2 =	vperm.xlane v16, v7  }
0x2a: {  	[tilespmem:$0x101B0] =	vst v1;
	v1 =	vperm.xlane v16, v8  }
0x2b: {  	[tilespmem:$0x101C0] =	vst v2;
	v2 =	vperm.xlane v16, v9  }
0x2c: {  	[tilespmem:$0x101D0] =	vst v1;
	v1 =	vperm.xlane v16, v10  }
0x2d: {  	[tilespmem:$0x101E0] =	vst v2;
	v2 =	vperm.xlane v16, v11  }
0x2e: {  	[tilespmem:$0x101F0] =	vst v1;
	v1 =	vperm.xlane v16, v12  }
0x2f: {  	[tilespmem:$0x10200] =	vst v2;
	v2 =	vperm.xlane v16, v13  }
0x30: {  	[tilespmem:$0x10210] =	vst v1;
	v1 =	vperm.xlane v16, v14  }
0x31: {  	[tilespmem:$0x10220] =	vst v2;
	v2 =	vperm.xlane v16, v15  }
0x32: {  	[tilespmem:$0x10230] =	vst v1;
	v1 =	vperm.xlane v16, v17  }
0x33: {  	[tilespmem:$0x10240] =	vst v2;
	v2 =	vperm.xlane v16, v18  }
0x34: {  	[tilespmem:$0x10250] =	vst v1;
	v1 =	vperm.xlane v16, v19  }
0x35: {  	[tilespmem:$0x10260] =	vst v2  }
0x36: {  	s2 =	sadd.s32 $0x20C00, s2;
	s10 =	simm.s32 $0x0;
	[tilespmem:$0x10270] =	vst v1  }
.LBB2_1:
0x37: {  	p0 =	sne.s32 s10, $0x1FC0  }
.Ltmp0:
0x38: {  	_ = 	snop;
	(pc) =	sbr.rel @p0 .LBB2_1-.Ltmp0, $3  }
0x39: {  	_ =	sdelay $0x1  }
0x3a: {  	s11 =	sshra.s32 s10, $0x2  }
0x3b: {  	s10 =	sadd.s32 $0x40, s10;
	[tilespmem:s11+$0x10480] =	vst v0  }
0x3c: {  	v0 =	vlaneseq.u32  }
0x3d: {  	v1 =	vmul.u32 $0x80, v0;
	v0 =	vmov s9  }
0x3e: {  	v0 =	vshll.u32 v0, $0x7  }
0x3f: {  	v0 =	vor.u32 v1, v0  }
0x40: {  	v2 =	vor.u32 $0x1, v0;
	_ =	sdelay $0x1  }
0x41: {  	v4 =	vld [tilespmem:$0x10080];
	v3 =	vor.u32 $0x2, v0  }
0x42: {  	v7 =	vld [tilespmem:$0x10090];
	s9 =	simm.s32 $0x0  }
0x43: {  	v6 =	vor.u32 $0x3, v0;
	v5 =	vld.idx.msk [tilespmem:v0+s9+$0x0], $0xffff  }
0x44: {  	v2 =	vld.idx.msk [tilespmem:v2+s9+$0x0], $0xffff  }
0x45: {  	v9 =	vld [tilespmem:$0x100A0];
	v8 =	vor.u32 $0x4, v0  }
0x46: {  	v3 =	vld.idx.msk [tilespmem:v3+s9+$0x0], $0xffff  }
0x47: {  	v11 =	vld [tilespmem:$0x100B0];
	v10 =	vor.u32 $0x5, v0  }
0x48: {  	v6 =	vld.idx.msk [tilespmem:v6+s9+$0x0], $0xffff  }
0x49: {  	v44 =	vld [tilespmem:$0x100C0];
	v12 =	vor.u32 $0x6, v0;
	v4 =	vsub.f32 v5, v4;
	v2 =	vsub.f32 v2, v7  }
0x4a: {  	v45 =	vor.u32 $0x7, v0;
	v5 =	vld.idx.msk [tilespmem:v8+s9+$0x0], $0xffff  }
0x4b: {  	v47 =	vld [tilespmem:$0x100D0];
	v3 =	vsub.f32 v3, v9;
	v4 =	vmul.f32 v4, v4;
	v2 =	vmul.f32 v2, v2  }
0x4c: {  	v13 =	vor.u32 $0x8, v0;
	v46 =	vld.idx.msk [tilespmem:v10+s9+$0x0], $0xffff  }
0x4d: {  	v49 =	vld [tilespmem:$0x100E0];
	v3 =	vmul.f32 v3, v3;
	v2 =	vadd.f32 v2, v4;
	v4 =	vsub.f32 v6, v11  }
0x4e: {  	v50 =	vor.u32 $0x9, v0;
	v48 =	vld.idx.msk [tilespmem:v12+s9+$0x0], $0xffff  }
0x4f: {  	v51 =	vld [tilespmem:$0x100F0];
	v2 =	vadd.f32 v3, v2;
	v3 =	vmul.f32 v4, v4;
	v4 =	vsub.f32 v5, v44  }
0x50: {  	v52 =	vor.u32 $0xA, v0;
	v5 =	vld.idx.msk [tilespmem:v45+s9+$0x0], $0xffff  }
0x51: {  	v54 =	vld [tilespmem:$0x10100];
	v2 =	vadd.f32 v3, v2;
	v3 =	vmul.f32 v4, v4;
	v4 =	vsub.f32 v46, v47  }
0x52: {  	v55 =	vor.u32 $0xB, v0;
	v53 =	vld.idx.msk [tilespmem:v13+s9+$0x0], $0xffff  }
0x53: {  	v57 =	vld [tilespmem:$0x10110];
	v2 =	vadd.f32 v3, v2;
	v3 =	vmul.f32 v4, v4;
	v4 =	vsub.f32 v48, v49  }
0x54: {  	v58 =	vor.u32 $0xC, v0;
	v56 =	vld.idx.msk [tilespmem:v50+s9+$0x0], $0xffff  }
0x55: {  	v59 =	vld [tilespmem:$0x10120];
	v2 =	vadd.f32 v3, v2;
	v3 =	vmul.f32 v4, v4;
	v4 =	vsub.f32 v5, v51  }
0x56: {  	v60 =	vor.u32 $0xD, v0;
	v5 =	vld.idx.msk [tilespmem:v52+s9+$0x0], $0xffff  }
0x57: {  	v62 =	vld [tilespmem:$0x10130];
	v2 =	vadd.f32 v3, v2;
	v3 =	vmul.f32 v4, v4;
	v4 =	vsub.f32 v53, v54  }
0x58: {  	v63 =	vor.u32 $0xE, v0;
	v61 =	vld.idx.msk [tilespmem:v55+s9+$0x0], $0xffff  }
0x59: {  	v17 =	vld [tilespmem:$0x10140];
	v2 =	vadd.f32 v3, v2;
	v3 =	vmul.f32 v4, v4;
	v4 =	vsub.f32 v56, v57  }
0x5a: {  	v18 =	vor.u32 $0xF, v0;
	v16 =	vld.idx.msk [tilespmem:v58+s9+$0x0], $0xffff  }
0x5b: {  	v19 =	vld [tilespmem:$0x10150];
	v2 =	vadd.f32 v3, v2;
	v3 =	vmul.f32 v4, v4;
	v4 =	vsub.f32 v5, v59  }
0x5c: {  	v20 =	vor.u32 $0x10, v0;
	v5 =	vld.idx.msk [tilespmem:v60+s9+$0x0], $0xffff  }
0x5d: {  	v22 =	vld [tilespmem:$0x10160];
	v2 =	vadd.f32 v3, v2;
	v3 =	vmul.f32 v4, v4;
	v4 =	vsub.f32 v61, v62  }
0x5e: {  	v23 =	vor.u32 $0x11, v0;
	v21 =	vld.idx.msk [tilespmem:v63+s9+$0x0], $0xffff  }
0x5f: {  	v25 =	vld [tilespmem:$0x10170];
	v2 =	vadd.f32 v3, v2;
	v3 =	vmul.f32 v4, v4;
	v4 =	vsub.f32 v16, v17  }
0x60: {  	v26 =	vor.u32 $0x12, v0;
	v24 =	vld.idx.msk [tilespmem:v18+s9+$0x0], $0xffff  }
0x61: {  	v27 =	vld [tilespmem:$0x10180];
	v2 =	vadd.f32 v3, v2;
	v3 =	vmul.f32 v4, v4;
	v4 =	vsub.f32 v5, v19  }
0x62: {  	v28 =	vor.u32 $0x13, v0;
	v5 =	vld.idx.msk [tilespmem:v20+s9+$0x0], $0xffff  }
0x63: {  	v30 =	vld [tilespmem:$0x10190];
	v2 =	vadd.f32 v3, v2;
	v3 =	vmul.f32 v4, v4;
	v4 =	vsub.f32 v21, v22  }
0x64: {  	v31 =	vor.u32 $0x14, v0;
	v29 =	vld.idx.msk [tilespmem:v23+s9+$0x0], $0xffff  }
0x65: {  	v33 =	vld [tilespmem:$0x101A0];
	v2 =	vadd.f32 v3, v2;
	v3 =	vmul.f32 v4, v4;
	v4 =	vsub.f32 v24, v25  }
0x66: {  	v34 =	vor.u32 $0x15, v0;
	v32 =	vld.idx.msk [tilespmem:v26+s9+$0x0], $0xffff  }
0x67: {  	v35 =	vld [tilespmem:$0x101B0];
	v2 =	vadd.f32 v3, v2;
	v3 =	vmul.f32 v4, v4;
	v4 =	vsub.f32 v5, v27  }
0x68: {  	v36 =	vor.u32 $0x16, v0;
	v5 =	vld.idx.msk [tilespmem:v28+s9+$0x0], $0xffff  }
0x69: {  	v38 =	vld [tilespmem:$0x101C0];
	v2 =	vadd.f32 v3, v2;
	v3 =	vmul.f32 v4, v4;
	v4 =	vsub.f32 v29, v30  }
0x6a: {  	v39 =	vor.u32 $0x17, v0;
	v37 =	vld.idx.msk [tilespmem:v31+s9+$0x0], $0xffff  }
0x6b: {  	v41 =	vld [tilespmem:$0x101D0];
	v2 =	vadd.f32 v3, v2;
	v3 =	vmul.f32 v4, v4;
	v4 =	vsub.f32 v32, v33  }
0x6c: {  	v42 =	vor.u32 $0x18, v0;
	v40 =	vld.idx.msk [tilespmem:v34+s9+$0x0], $0xffff  }
0x6d: {  	v43 =	vld [tilespmem:$0x101E0];
	v2 =	vadd.f32 v3, v2;
	v3 =	vmul.f32 v4, v4;
	v4 =	vsub.f32 v5, v35  }
0x6e: {  	v44 =	vor.u32 $0x19, v0;
	v5 =	vld.idx.msk [tilespmem:v36+s9+$0x0], $0xffff  }
0x6f: {  	v45 =	vld.idx.msk [tilespmem:v39+s9+$0x0], $0xffff;
	v2 =	vadd.f32 v3, v2;
	v3 =	vmul.f32 v4, v4;
	v4 =	vsub.f32 v37, v38  }
0x70: {  	v46 =	vld [tilespmem:$0x101F0];
	v47 =	vor.u32 $0x1A, v0  }
0x71: {  	v48 =	vld.idx.msk [tilespmem:v42+s9+$0x0], $0xffff;
	v2 =	vadd.f32 v3, v2;
	v3 =	vmul.f32 v4, v4;
	v4 =	vsub.f32 v40, v41  }
0x72: {  	v50 =	vor.u32 $0x1B, v0;
	v49 =	vld [tilespmem:$0x10200]  }
0x73: {  	v51 =	vld [tilespmem:$0x10210];
	v2 =	vadd.f32 v3, v2;
	v3 =	vmul.f32 v4, v4;
	v4 =	vsub.f32 v5, v43  }
0x74: {  	v52 =	vor.u32 $0x1C, v0;
	v5 =	vld.idx.msk [tilespmem:v44+s9+$0x0], $0xffff  }
0x75: {  	v53 =	vld.idx.msk [tilespmem:v47+s9+$0x0], $0xffff;
	v2 =	vadd.f32 v3, v2;
	v3 =	vmul.f32 v4, v4;
	v4 =	vsub.f32 v45, v46  }
0x76: {  	v55 =	vor.u32 $0x1D, v0;
	v54 =	vld [tilespmem:$0x10220]  }
0x77: {  	v56 =	vld.idx.msk [tilespmem:v50+s9+$0x0], $0xffff;
	v2 =	vadd.f32 v3, v2;
	v3 =	vmul.f32 v4, v4;
	v4 =	vsub.f32 v48, v49  }
0x78: {  	v58 =	vor.u32 $0x1E, v0;
	v57 =	vld [tilespmem:$0x10230]  }
0x79: {  	v59 =	vld [tilespmem:$0x10240];
	v2 =	vadd.f32 v3, v2;
	v3 =	vmul.f32 v4, v4;
	v4 =	vsub.f32 v5, v51  }
0x7a: {  	v0 =	vor.u32 $0x1F, v0;
	v5 =	vld.idx.msk [tilespmem:v52+s9+$0x0], $0xffff  }
0x7b: {  	v60 =	vld.idx.msk [tilespmem:v55+s9+$0x0], $0xffff;
	v2 =	vadd.f32 v3, v2;
	v3 =	vmul.f32 v4, v4;
	v4 =	vsub.f32 v53, v54  }
0x7c: {  	v61 =	vld [tilespmem:$0x10250]  }
0x7d: {  	v63 =	vld [tilespmem:$0x10260];
	v2 =	vadd.f32 v3, v2;
	v3 =	vmul.f32 v4, v4;
	v4 =	vsub.f32 v56, v57  }
0x7e: {  	v62 =	vld.idx.msk [tilespmem:v58+s9+$0x0], $0xffff  }
0x7f: {  	v0 =	vld.idx.msk [tilespmem:v0+s9+$0x0], $0xffff;
	v2 =	vadd.f32 v3, v2;
	v3 =	vmul.f32 v4, v4;
	v4 =	vsub.f32 v5, v59  }
0x80: {  	v5 =	vld [tilespmem:$0x10270]  }
0x81: {  	v2 =	vadd.f32 v3, v2;
	v3 =	vmul.f32 v4, v4;
	v4 =	vsub.f32 v60, v61;
	_ =	sdelay $0x1  }
0x82: {  	v2 =	vadd.f32 v3, v2;
	v3 =	vmul.f32 v4, v4;
	v4 =	vsub.f32 v62, v63;
	_ =	sdelay $0x1  }
0x83: {  	v0 =	vsub.f32 v0, v5;
	v2 =	vadd.f32 v3, v2;
	v3 =	vmul.f32 v4, v4;
	_ =	sdelay $0x1  }
0x84: {  	v0 =	vmul.f32 v0, v0;
	v2 =	vadd.f32 v3, v2;
	_ =	sdelay $0x1  }
0x85: {  	v3 =	vadd.f32 v0, v2  }
0x86: {  	s11 =	simm.s32 $0x10280;
	s12 =	simm.s32 $0x10  }
0x87: {  	s10 =	simm.s32 $0x10480;
	v0 =	vimm.s32 $0x1;
	v2 =	vmov s12;
	s12 =	simm.s32 $0x20;
	[tilespmem:s11+$0x0] =	vst v3;
	v3 =	vshra.s32 v3, $0x14  }
.LBB2_3:
0x88: {  	p0 =	sne.s32 s12, $0x1F0;
	v2 =	vshll.u32 v2, $0x7  }
0x89: {  	v2 =	vor.u32 v1, v2  }
0x8a: {  	v4 =	vor.u32 $0x1, v2;
	_ =	sdelay $0x1  }
0x8b: {  	v5 =	vor.u32 $0x2, v2;
	[tilespmem:v3+s10+$0x0] =	vst.idx.add.s32.msk $0xffff, v0  }
0x8c: {  	v3 =	vld [tilespmem:$0x10080]  }
0x8d: {  	v7 =	vor.u32 $0x3, v2;
	v6 =	vld.idx.msk [tilespmem:v2+s9+$0x0], $0xffff  }
0x8e: {  	v4 =	vld.idx.msk [tilespmem:v4+s9+$0x0], $0xffff  }
0x8f: {  	v9 =	vor.u32 $0x4, v2;
	v8 =	vld [tilespmem:$0x10090]  }
0x90: {  	v5 =	vld.idx.msk [tilespmem:v5+s9+$0x0], $0xffff  }
0x91: {  	v11 =	vor.u32 $0x5, v2;
	v10 =	vld [tilespmem:$0x100A0]  }
0x92: {  	v7 =	vld.idx.msk [tilespmem:v7+s9+$0x0], $0xffff  }
0x93: {  	v13 =	vor.u32 $0x6, v2;
	v12 =	vld [tilespmem:$0x100B0]  }
0x94: {  	v3 =	vsub.f32 v6, v3;
	v4 =	vsub.f32 v4, v8;
	v6 =	vld.idx.msk [tilespmem:v9+s9+$0x0], $0xffff  }
0x95: {  	v9 =	vor.u32 $0x7, v2;
	v8 =	vld [tilespmem:$0x100C0]  }
0x96: {  	v3 =	vmul.f32 v3, v3;
	v4 =	vmul.f32 v4, v4;
	v5 =	vsub.f32 v5, v10;
	v10 =	vld.idx.msk [tilespmem:v11+s9+$0x0], $0xffff  }
0x97: {  	v14 =	vor.u32 $0x8, v2;
	v11 =	vld [tilespmem:$0x100D0]  }
0x98: {  	v3 =	vadd.f32 v4, v3;
	v4 =	vmul.f32 v5, v5;
	v5 =	vsub.f32 v7, v12;
	v7 =	vld.idx.msk [tilespmem:v13+s9+$0x0], $0xffff  }
0x99: {  	v13 =	vor.u32 $0x9, v2;
	v12 =	vld [tilespmem:$0x100E0]  }
0x9a: {  	v3 =	vadd.f32 v4, v3;
	v4 =	vmul.f32 v5, v5;
	v5 =	vsub.f32 v6, v8;
	v6 =	vld.idx.msk [tilespmem:v9+s9+$0x0], $0xffff  }
0x9b: {  	v9 =	vor.u32 $0xA, v2;
	v8 =	vld [tilespmem:$0x100F0]  }
0x9c: {  	v3 =	vadd.f32 v4, v3;
	v4 =	vmul.f32 v5, v5;
	v5 =	vsub.f32 v10, v11;
	v10 =	vld.idx.msk [tilespmem:v14+s9+$0x0], $0xffff  }
0x9d: {  	v14 =	vor.u32 $0xB, v2;
	v11 =	vld [tilespmem:$0x10100]  }
0x9e: {  	v3 =	vadd.f32 v4, v3;
	v4 =	vmul.f32 v5, v5;
	v5 =	vsub.f32 v7, v12;
	v7 =	vld.idx.msk [tilespmem:v13+s9+$0x0], $0xffff  }
0x9f: {  	v13 =	vor.u32 $0xC, v2;
	v12 =	vld [tilespmem:$0x10110]  }
0xa0: {  	v3 =	vadd.f32 v4, v3;
	v4 =	vmul.f32 v5, v5;
	v5 =	vsub.f32 v6, v8;
	v6 =	vld.idx.msk [tilespmem:v9+s9+$0x0], $0xffff  }
0xa1: {  	v9 =	vor.u32 $0xD, v2;
	v8 =	vld [tilespmem:$0x10120]  }
0xa2: {  	v3 =	vadd.f32 v4, v3;
	v4 =	vmul.f32 v5, v5;
	v5 =	vsub.f32 v10, v11;
	v10 =	vld.idx.msk [tilespmem:v14+s9+$0x0], $0xffff  }
0xa3: {  	v14 =	vor.u32 $0xE, v2;
	v11 =	vld [tilespmem:$0x10130]  }
0xa4: {  	v3 =	vadd.f32 v4, v3;
	v4 =	vmul.f32 v5, v5;
	v5 =	vsub.f32 v7, v12;
	v7 =	vld.idx.msk [tilespmem:v13+s9+$0x0], $0xffff  }
0xa5: {  	v13 =	vor.u32 $0xF, v2;
	v12 =	vld [tilespmem:$0x10140]  }
0xa6: {  	v3 =	vadd.f32 v4, v3;
	v4 =	vmul.f32 v5, v5;
	v5 =	vsub.f32 v6, v8;
	v6 =	vld.idx.msk [tilespmem:v9+s9+$0x0], $0xffff  }
0xa7: {  	v9 =	vor.u32 $0x10, v2;
	v8 =	vld [tilespmem:$0x10150]  }
0xa8: {  	v3 =	vadd.f32 v4, v3;
	v4 =	vmul.f32 v5, v5;
	v5 =	vsub.f32 v10, v11;
	v10 =	vld.idx.msk [tilespmem:v14+s9+$0x0], $0xffff  }
0xa9: {  	v14 =	vor.u32 $0x11, v2;
	v11 =	vld [tilespmem:$0x10160]  }
0xaa: {  	v3 =	vadd.f32 v4, v3;
	v4 =	vmul.f32 v5, v5;
	v5 =	vsub.f32 v7, v12;
	v7 =	vld.idx.msk [tilespmem:v13+s9+$0x0], $0xffff  }
0xab: {  	v13 =	vor.u32 $0x12, v2;
	v12 =	vld [tilespmem:$0x10170]  }
0xac: {  	v3 =	vadd.f32 v4, v3;
	v4 =	vmul.f32 v5, v5;
	v5 =	vsub.f32 v6, v8;
	v6 =	vld.idx.msk [tilespmem:v9+s9+$0x0], $0xffff  }
0xad: {  	v9 =	vor.u32 $0x13, v2;
	v8 =	vld [tilespmem:$0x10180]  }
0xae: {  	v3 =	vadd.f32 v4, v3;
	v4 =	vmul.f32 v5, v5;
	v5 =	vsub.f32 v10, v11;
	v10 =	vld.idx.msk [tilespmem:v14+s9+$0x0], $0xffff  }
0xaf: {  	v14 =	vor.u32 $0x14, v2;
	v11 =	vld [tilespmem:$0x10190]  }
0xb0: {  	v3 =	vadd.f32 v4, v3;
	v4 =	vmul.f32 v5, v5;
	v5 =	vsub.f32 v7, v12;
	v7 =	vld.idx.msk [tilespmem:v13+s9+$0x0], $0xffff  }
0xb1: {  	v13 =	vor.u32 $0x15, v2;
	v12 =	vld [tilespmem:$0x101A0]  }
0xb2: {  	v3 =	vadd.f32 v4, v3;
	v4 =	vmul.f32 v5, v5;
	v5 =	vsub.f32 v6, v8;
	v6 =	vld.idx.msk [tilespmem:v9+s9+$0x0], $0xffff  }
0xb3: {  	v9 =	vor.u32 $0x16, v2;
	v8 =	vld [tilespmem:$0x101B0]  }
0xb4: {  	v3 =	vadd.f32 v4, v3;
	v4 =	vmul.f32 v5, v5;
	v5 =	vsub.f32 v10, v11;
	v10 =	vld.idx.msk [tilespmem:v14+s9+$0x0], $0xffff  }
0xb5: {  	v14 =	vor.u32 $0x17, v2;
	v11 =	vld [tilespmem:$0x101C0]  }
0xb6: {  	v3 =	vadd.f32 v4, v3;
	v4 =	vmul.f32 v5, v5;
	v5 =	vsub.f32 v7, v12;
	v7 =	vld.idx.msk [tilespmem:v13+s9+$0x0], $0xffff  }
0xb7: {  	v13 =	vor.u32 $0x18, v2;
	v12 =	vld [tilespmem:$0x101D0]  }
0xb8: {  	v3 =	vadd.f32 v4, v3;
	v4 =	vmul.f32 v5, v5;
	v5 =	vsub.f32 v6, v8;
	v6 =	vld.idx.msk [tilespmem:v9+s9+$0x0], $0xffff  }
0xb9: {  	v9 =	vor.u32 $0x19, v2;
	v8 =	vld [tilespmem:$0x101E0]  }
0xba: {  	v3 =	vadd.f32 v4, v3;
	v4 =	vmul.f32 v5, v5;
	v5 =	vsub.f32 v10, v11;
	v10 =	vld.idx.msk [tilespmem:v14+s9+$0x0], $0xffff  }
0xbb: {  	v14 =	vor.u32 $0x1A, v2;
	v11 =	vld [tilespmem:$0x101F0]  }
0xbc: {  	v3 =	vadd.f32 v4, v3;
	v4 =	vmul.f32 v5, v5;
	v5 =	vsub.f32 v7, v12;
	v7 =	vld.idx.msk [tilespmem:v13+s9+$0x0], $0xffff  }
0xbd: {  	v13 =	vor.u32 $0x1B, v2;
	v12 =	vld [tilespmem:$0x10200]  }
0xbe: {  	v3 =	vadd.f32 v4, v3;
	v4 =	vmul.f32 v5, v5;
	v5 =	vsub.f32 v6, v8;
	v6 =	vld.idx.msk [tilespmem:v9+s9+$0x0], $0xffff  }
0xbf: {  	v9 =	vor.u32 $0x1C, v2;
	v8 =	vld [tilespmem:$0x10210]  }
0xc0: {  	v3 =	vadd.f32 v4, v3;
	v4 =	vmul.f32 v5, v5;
	v5 =	vsub.f32 v10, v11;
	v10 =	vld.idx.msk [tilespmem:v14+s9+$0x0], $0xffff  }
0xc1: {  	v14 =	vor.u32 $0x1D, v2;
	v11 =	vld [tilespmem:$0x10220]  }
0xc2: {  	v3 =	vadd.f32 v4, v3;
	v4 =	vmul.f32 v5, v5;
	v5 =	vsub.f32 v7, v12;
	v7 =	vld.idx.msk [tilespmem:v13+s9+$0x0], $0xffff  }
0xc3: {  	v13 =	vor.u32 $0x1E, v2;
	v12 =	vld [tilespmem:$0x10230]  }
0xc4: {  	v3 =	vadd.f32 v4, v3;
	v4 =	vmul.f32 v5, v5;
	v5 =	vsub.f32 v6, v8;
	v6 =	vld.idx.msk [tilespmem:v9+s9+$0x0], $0xffff  }
0xc5: {  	v2 =	vor.u32 $0x1F, v2;
	v8 =	vld [tilespmem:$0x10240]  }
0xc6: {  	v3 =	vadd.f32 v4, v3;
	v4 =	vmul.f32 v5, v5;
	v5 =	vsub.f32 v10, v11;
	v9 =	vld.idx.msk [tilespmem:v14+s9+$0x0], $0xffff  }
0xc7: {  	v10 =	vld [tilespmem:$0x10250]  }
0xc8: {  	v3 =	vadd.f32 v4, v3;
	v4 =	vmul.f32 v5, v5;
	v5 =	vsub.f32 v7, v12;
	v7 =	vld.idx.msk [tilespmem:v13+s9+$0x0], $0xffff  }
0xc9: {  	v11 =	vld [tilespmem:$0x10260]  }
0xca: {  	v3 =	vadd.f32 v4, v3;
	v4 =	vmul.f32 v5, v5;
	v5 =	vsub.f32 v6, v8;
	v2 =	vld.idx.msk [tilespmem:v2+s9+$0x0], $0xffff  }
0xcb: {  	v6 =	vld [tilespmem:$0x10270]  }
0xcc: {  	v3 =	vadd.f32 v4, v3;
	v4 =	vmul.f32 v5, v5;
	v5 =	vsub.f32 v9, v10;
	_ =	sdelay $0x1  }
0xcd: {  	v3 =	vadd.f32 v4, v3;
	v4 =	vmul.f32 v5, v5;
	v5 =	vsub.f32 v7, v11;
	_ =	sdelay $0x1  }
0xce: {  	v3 =	vadd.f32 v4, v3;
	v4 =	vmul.f32 v5, v5;
	v2 =	vsub.f32 v2, v6;
	_ =	sdelay $0x1  }
.Ltmp1:
0xcf: {  	v3 =	vadd.f32 v4, v3;
	v2 =	vmul.f32 v2, v2;
	(pc) =	sbr.rel @p0 .LBB2_3-.Ltmp1, $4  }
0xd0: {  	_ = 	snop  }
0xd1: {  	v3 =	vadd.f32 v2, v3  }
0xd2: {  	s11 =	sadd.s32 $0x10, s11  }
0xd3: {  	v2 =	vmov s12;
	s12 =	sadd.s32 $0x10, s12;
	[tilespmem:s11+$0x0] =	vst v3;
	v3 =	vshra.s32 v3, $0x14  }
0xd4: {  	_ = 	snop  }
0xd5: {  	v2 =	vshll.u32 v2, $0x7  }
0xd6: {  	v1 =	vor.u32 v1, v2  }
0xd7: {  	v2 =	vor.u32 $0x1, v1  }
0xd8: {  	[tilespmem:v3+s10+$0x0] =	vst.idx.add.s32.msk $0xffff, v0  }
0xd9: {  	v3 =	vld [tilespmem:$0x10080];
	v4 =	vor.u32 $0x2, v1  }
0xda: {  	v7 =	vld [tilespmem:$0x10090]  }
0xdb: {  	v6 =	vor.u32 $0x3, v1;
	v5 =	vld.idx.msk [tilespmem:v1+s9+$0x0], $0xffff  }
0xdc: {  	v2 =	vld.idx.msk [tilespmem:v2+s9+$0x0], $0xffff  }
0xdd: {  	v9 =	vld [tilespmem:$0x100A0];
	v8 =	vor.u32 $0x4, v1  }
0xde: {  	v4 =	vld.idx.msk [tilespmem:v4+s9+$0x0], $0xffff  }
0xdf: {  	v11 =	vld [tilespmem:$0x100B0];
	v10 =	vor.u32 $0x5, v1  }
0xe0: {  	v6 =	vld.idx.msk [tilespmem:v6+s9+$0x0], $0xffff  }
0xe1: {  	v19 =	vld [tilespmem:$0x100C0];
	v12 =	vor.u32 $0x6, v1;
	v3 =	vsub.f32 v5, v3;
	v2 =	vsub.f32 v2, v7  }
0xe2: {  	v20 =	vor.u32 $0x7, v1;
	v18 =	vld.idx.msk [tilespmem:v8+s9+$0x0], $0xffff  }
0xe3: {  	v22 =	vld [tilespmem:$0x100D0];
	v4 =	vsub.f32 v4, v9;
	v3 =	vmul.f32 v3, v3;
	v2 =	vmul.f32 v2, v2  }
0xe4: {  	v13 =	vor.u32 $0x8, v1;
	v21 =	vld.idx.msk [tilespmem:v10+s9+$0x0], $0xffff  }
0xe5: {  	v26 =	vld [tilespmem:$0x100E0];
	v24 =	vsub.f32 v6, v11;
	v23 =	vmul.f32 v4, v4;
	v2 =	vadd.f32 v2, v3  }
0xe6: {  	v27 =	vor.u32 $0x9, v1;
	v25 =	vld.idx.msk [tilespmem:v12+s9+$0x0], $0xffff  }
0xe7: {  	v31 =	vld [tilespmem:$0x100F0];
	v29 =	vsub.f32 v18, v19;
	v28 =	vmul.f32 v24, v24;
	v2 =	vadd.f32 v23, v2  }
0xe8: {  	v32 =	vor.u32 $0xA, v1;
	v30 =	vld.idx.msk [tilespmem:v20+s9+$0x0], $0xffff  }
0xe9: {  	v36 =	vld [tilespmem:$0x10100];
	v34 =	vsub.f32 v21, v22;
	v33 =	vmul.f32 v29, v29;
	v2 =	vadd.f32 v28, v2  }
0xea: {  	v37 =	vor.u32 $0xB, v1;
	v35 =	vld.idx.msk [tilespmem:v13+s9+$0x0], $0xffff  }
0xeb: {  	v41 =	vld [tilespmem:$0x10110];
	v39 =	vsub.f32 v25, v26;
	v38 =	vmul.f32 v34, v34;
	v2 =	vadd.f32 v33, v2  }
0xec: {  	v42 =	vor.u32 $0xC, v1;
	v40 =	vld.idx.msk [tilespmem:v27+s9+$0x0], $0xffff  }
0xed: {  	v46 =	vld [tilespmem:$0x10120];
	v44 =	vsub.f32 v30, v31;
	v43 =	vmul.f32 v39, v39;
	v2 =	vadd.f32 v38, v2  }
0xee: {  	v47 =	vor.u32 $0xD, v1;
	v45 =	vld.idx.msk [tilespmem:v32+s9+$0x0], $0xffff  }
0xef: {  	v51 =	vld [tilespmem:$0x10130];
	v49 =	vsub.f32 v35, v36;
	v48 =	vmul.f32 v44, v44;
	v2 =	vadd.f32 v43, v2  }
0xf0: {  	v52 =	vor.u32 $0xE, v1;
	v50 =	vld.idx.msk [tilespmem:v37+s9+$0x0], $0xffff  }
0xf1: {  	v56 =	vld [tilespmem:$0x10140];
	v54 =	vsub.f32 v40, v41;
	v53 =	vmul.f32 v49, v49;
	v2 =	vadd.f32 v48, v2  }
0xf2: {  	v57 =	vor.u32 $0xF, v1;
	v55 =	vld.idx.msk [tilespmem:v42+s9+$0x0], $0xffff  }
0xf3: {  	v61 =	vld [tilespmem:$0x10150];
	v59 =	vsub.f32 v45, v46;
	v58 =	vmul.f32 v54, v54;
	v2 =	vadd.f32 v53, v2  }
0xf4: {  	v62 =	vor.u32 $0x10, v1;
	v60 =	vld.idx.msk [tilespmem:v47+s9+$0x0], $0xffff  }
0xf5: {  	v17 =	vld.idx.msk [tilespmem:v52+s9+$0x0], $0xffff;
	v16 =	vsub.f32 v50, v51;
	v63 =	vmul.f32 v59, v59;
	v2 =	vadd.f32 v58, v2  }
0xf6: {  	v18 =	vld [tilespmem:$0x10160];
	v19 =	vor.u32 $0x11, v1  }
0xf7: {  	v21 =	vsub.f32 v55, v56;
	v22 =	vld.idx.msk [tilespmem:v57+s9+$0x0], $0xffff;
	v20 =	vmul.f32 v16, v16;
	v2 =	vadd.f32 v63, v2  }
0xf8: {  	v24 =	vor.u32 $0x12, v1;
	v23 =	vld [tilespmem:$0x10170]  }
0xf9: {  	v27 =	vld.idx.msk [tilespmem:v62+s9+$0x0], $0xffff;
	v26 =	vsub.f32 v60, v61;
	v25 =	vmul.f32 v21, v21;
	v2 =	vadd.f32 v20, v2  }
0xfa: {  	v29 =	vor.u32 $0x13, v1;
	v28 =	vld [tilespmem:$0x10180]  }
0xfb: {  	v30 =	vmul.f32 v26, v26;
	v31 =	vsub.f32 v17, v18;
	v32 =	vld.idx.msk [tilespmem:v19+s9+$0x0], $0xffff;
	v2 =	vadd.f32 v25, v2  }
0xfc: {  	v34 =	vor.u32 $0x14, v1;
	v33 =	vld [tilespmem:$0x10190]  }
0xfd: {  	v35 =	vmul.f32 v31, v31;
	v37 =	vld.idx.msk [tilespmem:v24+s9+$0x0], $0xffff;
	v36 =	vsub.f32 v22, v23;
	v2 =	vadd.f32 v30, v2  }
0xfe: {  	v39 =	vor.u32 $0x15, v1;
	v38 =	vld [tilespmem:$0x101A0]  }
0xff: {  	v42 =	vld.idx.msk [tilespmem:v29+s9+$0x0], $0xffff;
	v40 =	vmul.f32 v36, v36;
	v41 =	vsub.f32 v27, v28;
	v2 =	vadd.f32 v35, v2  }
0x100: {  	v44 =	vor.u32 $0x16, v1;
	v43 =	vld [tilespmem:$0x101B0]  }
0x101: {  	v47 =	vld.idx.msk [tilespmem:v34+s9+$0x0], $0xffff;
	v45 =	vmul.f32 v41, v41;
	v46 =	vsub.f32 v32, v33;
	v2 =	vadd.f32 v40, v2  }
0x102: {  	v49 =	vor.u32 $0x17, v1;
	v48 =	vld [tilespmem:$0x101C0]  }
0x103: {  	v52 =	vld.idx.msk [tilespmem:v39+s9+$0x0], $0xffff;
	v50 =	vmul.f32 v46, v46;
	v51 =	vsub.f32 v37, v38;
	v2 =	vadd.f32 v45, v2  }
0x104: {  	v54 =	vor.u32 $0x18, v1;
	v53 =	vld [tilespmem:$0x101D0]  }
0x105: {  	v57 =	vld.idx.msk [tilespmem:v44+s9+$0x0], $0xffff;
	v55 =	vmul.f32 v51, v51;
	v56 =	vsub.f32 v42, v43;
	v2 =	vadd.f32 v50, v2  }
0x106: {  	v59 =	vor.u32 $0x19, v1;
	v58 =	vld [tilespmem:$0x101E0]  }
0x107: {  	v62 =	vld.idx.msk [tilespmem:v49+s9+$0x0], $0xffff;
	v60 =	vmul.f32 v56, v56;
	v61 =	vsub.f32 v47, v48;
	v2 =	vadd.f32 v55, v2  }
0x108: {  	v16 =	vor.u32 $0x1A, v1;
	v63 =	vld [tilespmem:$0x101F0]  }
0x109: {  	v19 =	vld.idx.msk [tilespmem:v54+s9+$0x0], $0xffff;
	v17 =	vmul.f32 v61, v61;
	v18 =	vsub.f32 v52, v53;
	v2 =	vadd.f32 v60, v2  }
0x10a: {  	v21 =	vor.u32 $0x1B, v1;
	v20 =	vld [tilespmem:$0x10200]  }
0x10b: {  	v24 =	vld.idx.msk [tilespmem:v59+s9+$0x0], $0xffff;
	v22 =	vmul.f32 v18, v18;
	v23 =	vsub.f32 v57, v58;
	v2 =	vadd.f32 v17, v2  }
0x10c: {  	v26 =	vor.u32 $0x1C, v1;
	v25 =	vld [tilespmem:$0x10210]  }
0x10d: {  	v29 =	vld.idx.msk [tilespmem:v16+s9+$0x0], $0xffff;
	v27 =	vmul.f32 v23, v23;
	v28 =	vsub.f32 v62, v63;
	v2 =	vadd.f32 v22, v2  }
0x10e: {  	v31 =	vor.u32 $0x1D, v1;
	v30 =	vld [tilespmem:$0x10220]  }
0x10f: {  	v34 =	vld.idx.msk [tilespmem:v21+s9+$0x0], $0xffff;
	v32 =	vmul.f32 v28, v28;
	v33 =	vsub.f32 v19, v20;
	v2 =	vadd.f32 v27, v2  }
0x110: {  	v36 =	vor.u32 $0x1E, v1;
	v35 =	vld [tilespmem:$0x10230]  }
0x111: {  	v39 =	vld.idx.msk [tilespmem:v26+s9+$0x0], $0xffff;
	v37 =	vmul.f32 v33, v33;
	v38 =	vsub.f32 v24, v25;
	v2 =	vadd.f32 v32, v2  }
0x112: {  	v1 =	vor.u32 $0x1F, v1;
	v40 =	vld [tilespmem:$0x10240]  }
0x113: {  	v44 =	vld [tilespmem:$0x10250];
	v41 =	vmul.f32 v38, v38;
	v42 =	vsub.f32 v29, v30;
	v2 =	vadd.f32 v37, v2  }
0x114: {  	v43 =	vld.idx.msk [tilespmem:v31+s9+$0x0], $0xffff  }
0x115: {  	v47 =	vld.idx.msk [tilespmem:v36+s9+$0x0], $0xffff;
	v45 =	vmul.f32 v42, v42;
	v46 =	vsub.f32 v34, v35;
	v2 =	vadd.f32 v41, v2  }
0x116: {  	v48 =	vld [tilespmem:$0x10260]  }
0x117: {  	v1 =	vld.idx.msk [tilespmem:v1+s9+$0x0], $0xffff;
	v49 =	vmul.f32 v46, v46;
	v50 =	vsub.f32 v39, v40;
	v2 =	vadd.f32 v45, v2  }
0x118: {  	v51 =	vld [tilespmem:$0x10270]  }
0x119: {  	v53 =	vsub.f32 v43, v44;
	v52 =	vmul.f32 v50, v50;
	v2 =	vadd.f32 v49, v2;
	_ =	sdelay $0x1  }
0x11a: {  	v54 =	vmul.f32 v53, v53;
	v55 =	vsub.f32 v47, v48;
	v2 =	vadd.f32 v52, v2;
	_ =	sdelay $0x1  }
0x11b: {  	v1 =	vsub.f32 v1, v51;
	v56 =	vmul.f32 v55, v55;
	v2 =	vadd.f32 v54, v2;
	_ =	sdelay $0x1  }
0x11c: {  	v1 =	vmul.f32 v1, v1;
	v2 =	vadd.f32 v56, v2;
	_ =	sdelay $0x1  }
0x11d: {  	v1 =	vadd.f32 v1, v2;
	_ =	sdelay $0x1  }
0x11e: {  	v2 =	vshra.s32 v1, $0x14;
	_ =	sdelay $0x1  }
0x11f: {  	s12 =	sshrl.u32 s7, $0x3;
	s23 =	sshll.u32 s7, $0x7  }
0x120: {  	s11 =	sadd.s32 $0x10, s11;
	s24 =	simm.s32 $0x80;
	s13 =	sshll.u32 s12, $0xE  }
0x121: {  	s14 =	simm.s32 $0x400;
	s13 =	sadd.s32 s13, s8;
	s9 =	sand.u32 $0x380, s23;
	[tilespmem:s11+$0x0] =	vst v1  }
0x122: {  	s13 =	sadd.s32 s9, s13;
	s11 =	simm.s32 $0x10480;
	[tilespmem:v2+s10+$0x0] =	vst.idx.add.s32.msk $0xffff, v0;
	s10 =	simm.s32 $0x1  }
0x123: {  	[spmem:s13] =	stream.strided.scatter [tilespmem:s11], [sflag:$0x1], $0x800, s14, s24, $0x38;
	[tilespmem:$0x13C08] =	vst v63  }
0x124: {  	_ =	swait.ge [sflag:s10], $0x800  }
0x125: {  	[sflag:s10] =	ssyncset.done $0x0  }
0x126: {  	s25 =	sshll.u32 s7, $0xA;
	s28 =	simm.s32 $0x4000;
	[sflag:s10] =	ssyncadd.s32 $0xFFFFF800  }
0x127: {  	s15 =	simm.s32 $0x10C80;
	s26 =	sadd.s32 s25, s8;
	[bflag:$0x0] =	sbarrier.arrive $0xFFFF  }
0x128: {  	[tilespmem:s15], [sflag:$0x1] =	stream.strided.gather [spmem:s26], $0x800, s28, s14, $0x38;
	[tilespmem:$0x13C08] =	vst v63  }
0x129: {  	_ =	swait.ge [sflag:s10], $0x800  }
0x12a: {  	[sflag:s10] =	ssyncset.done $0x0  }
0x12b: {  	[sflag:s10] =	ssyncadd.s32 $0xFFFFF800  }
0x12c: {  	v7 =	vld [tilespmem:$0x10C80]  }
0x12d: {  	v6 =	vld [tilespmem:$0x10D00]  }
0x12e: {  	v8 =	vld [tilespmem:$0x10D80]  }
0x12f: {  	v10 =	vld [tilespmem:$0x10E00]  }
0x130: {  	v11 =	vld [tilespmem:$0x10E80]  }
0x131: {  	v13 =	vld [tilespmem:$0x10F00]  }
0x132: {  	v15 =	vld [tilespmem:$0x10F80]  }
0x133: {  	v16 =	vld [tilespmem:$0x11000]  }
0x134: {  	v18 =	vld [tilespmem:$0x11080]  }
0x135: {  	v39 =	vld [tilespmem:$0x11100]  }
0x136: {  	v41 =	vld [tilespmem:$0x11180]  }
0x137: {  	v44 =	vld [tilespmem:$0x11200]  }
0x138: {  	v47 =	vld [tilespmem:$0x11280]  }
0x139: {  	v58 =	vld [tilespmem:$0x11300]  }
0x13a: {  	v57 =	vld [tilespmem:$0x11380]  }
0x13b: {  	v59 =	vld [tilespmem:$0x11400]  }
0x13c: {  	v19 =	vld [tilespmem:$0x10C90]  }
0x13d: {  	v20 =	vld [tilespmem:$0x10D10]  }
0x13e: {  	v21 =	vld [tilespmem:$0x10D90]  }
0x13f: {  	v22 =	vld [tilespmem:$0x10E10]  }
0x140: {  	v23 =	vld [tilespmem:$0x10E90]  }
0x141: {  	v24 =	vld [tilespmem:$0x10F10]  }
0x142: {  	v25 =	vld [tilespmem:$0x10F90]  }
0x143: {  	v26 =	vld [tilespmem:$0x11010]  }
0x144: {  	v27 =	vld [tilespmem:$0x11090]  }
0x145: {  	v28 =	vld [tilespmem:$0x11110]  }
0x146: {  	v29 =	vld [tilespmem:$0x11190]  }
0x147: {  	v30 =	vld [tilespmem:$0x11210]  }
0x148: {  	v31 =	vld [tilespmem:$0x11290]  }
0x149: {  	v32 =	vld [tilespmem:$0x11310]  }
0x14a: {  	v33 =	vld [tilespmem:$0x11390]  }
0x14b: {  	v40 =	vld [tilespmem:$0x11410]  }
0x14c: {  	v35 =	vld [tilespmem:$0x10CA0]  }
0x14d: {  	v36 =	vld [tilespmem:$0x10D20]  }
0x14e: {  	v37 =	vld [tilespmem:$0x10DA0]  }
0x14f: {  	v38 =	vld [tilespmem:$0x10E20]  }
0x150: {  	v43 =	vld [tilespmem:$0x10EA0]  }
0x151: {  	v46 =	vld [tilespmem:$0x10F20]  }
0x152: {  	v62 =	vld [tilespmem:$0x10FA0]  }
0x153: {  	v60 =	vld [tilespmem:$0x11020]  }
0x154: {  	v61 =	vld [tilespmem:$0x110A0]  }
0x155: {  	v63 =	vld [tilespmem:$0x11120]  }
0x156: {  	v4 =	vld [tilespmem:$0x111A0]  }
0x157: {  	v5 =	vld [tilespmem:$0x11220]  }
0x158: {  	v9 =	vld [tilespmem:$0x112A0]  }
0x159: {  	v12 =	vld [tilespmem:$0x11320]  }
0x15a: {  	v14 =	vld [tilespmem:$0x113A0]  }
0x15b: {  	v17 =	vld [tilespmem:$0x11420]  }
0x15c: {  	v48 =	vld [tilespmem:$0x10CB0]  }
0x15d: {  	v49 =	vld [tilespmem:$0x10D30]  }
0x15e: {  	v50 =	vld [tilespmem:$0x10DB0]  }
0x15f: {  	v51 =	vld [tilespmem:$0x10E30]  }
0x160: {  	v52 =	vld [tilespmem:$0x10EB0]  }
0x161: {  	v53 =	vld [tilespmem:$0x10F30]  }
0x162: {  	v54 =	vld [tilespmem:$0x10FB0]  }
0x163: {  	v55 =	vld [tilespmem:$0x11030]  }
0x164: {  	v56 =	vld [tilespmem:$0x110B0]  }
0x165: {  	v34 =	vld [tilespmem:$0x111B0]  }
0x166: {  	v42 =	vld [tilespmem:$0x11230]  }
0x167: {  	v45 =	vld [tilespmem:$0x112B0]  }
0x168: {  	v1 =	vld [tilespmem:$0x10CC0]  }
0x169: {  	v0 =	vld [tilespmem:$0x10D40]  }
0x16a: {  	v2 =	vld [tilespmem:$0x10DC0]  }
0x16b: {  	v3 =	vld [tilespmem:$0x10E40]  }
0x16c: {  	[tilespmem:$0x1FE80] =	vst v57;
	v57 =	vld [tilespmem:$0x11130]  }
0x16d: {  	[tilespmem:$0x1FE90] =	vst v59;
	v59 =	vld [tilespmem:$0x11330]  }
0x16e: {  	[tilespmem:$0x1FEA0] =	vst v60;
	v60 =	vld [tilespmem:$0x113B0]  }
0x16f: {  	[tilespmem:$0x1FEB0] =	vst v61;
	v61 =	vld [tilespmem:$0x11430]  }
0x170: {  	[tilespmem:$0x1FED0] =	vst v4;
	v4 =	vld [tilespmem:$0x10EC0]  }
0x171: {  	[tilespmem:$0x1FEE0] =	vst v5;
	v5 =	vld [tilespmem:$0x10F40]  }
0x172: {  	[tilespmem:$0x1FF00] =	vst v9;
	v9 =	vld [tilespmem:$0x10FC0]  }
0x173: {  	[tilespmem:$0x1FF20] =	vst v12;
	v12 =	vld [tilespmem:$0x11040]  }
0x174: {  	[tilespmem:$0x1FF40] =	vst v14;
	v14 =	vld [tilespmem:$0x110C0]  }
0x175: {  	[tilespmem:$0x1FF60] =	vst v17;
	v17 =	vld [tilespmem:$0x11140]  }
0x176: {  	[tilespmem:$0x1FEF0] =	vst v34;
	v34 =	vld [tilespmem:$0x111C0]  }
0x177: {  	[tilespmem:$0x1FF10] =	vst v42;
	v42 =	vld [tilespmem:$0x11240]  }
0x178: {  	[tilespmem:$0x1FF30] =	vst v45;
	v45 =	vld [tilespmem:$0x112C0]  }
0x179: {  	[tilespmem:$0x1FEC0] =	vst v63;
	v63 =	vld [tilespmem:$0x10DD0]  }
0x17a: {  	v6 =	vadd.s32 v7, v6;
	v7 =	vld [tilespmem:$0x11050]  }
0x17b: {  	v0 =	vadd.s32 v1, v0;
	v1 =	vld [tilespmem:$0x11060]  }
0x17c: {  	v6 =	vadd.s32 v8, v6;
	v0 =	vadd.s32 v2, v0;
	v2 =	vld [tilespmem:$0x110E0]  }
0x17d: {  	v6 =	vadd.s32 v10, v6;
	v0 =	vadd.s32 v3, v0;
	v3 =	vld [tilespmem:$0x11160]  }
0x17e: {  	v6 =	vadd.s32 v11, v6;
	v11 =	vld [tilespmem:$0x11350]  }
0x17f: {  	[tilespmem:$0x1FFB0] =	vst v63;
	v63 =	vld [tilespmem:$0x10E50]  }
0x180: {  	v6 =	vadd.s32 v13, v6;
	v13 =	vld [tilespmem:$0x11250]  }
0x181: {  	[tilespmem:$0x1FF50] =	vst v59;
	v59 =	vld [tilespmem:$0x11340]  }
0x182: {  	[tilespmem:$0x1FF70] =	vst v60;
	v60 =	vld [tilespmem:$0x113C0]  }
0x183: {  	[tilespmem:$0x1FF80] =	vst v61;
	v61 =	vld [tilespmem:$0x10CD0]  }
0x184: {  	v0 =	vadd.s32 v4, v0;
	[tilespmem:$0x1FFC0] =	vst v63;
	v63 =	vld [tilespmem:$0x10ED0]  }
0x185: {  	v4 =	vld [tilespmem:$0x111E0];
	v0 =	vadd.s32 v5, v0  }
0x186: {  	v5 =	vld [tilespmem:$0x11260];
	v0 =	vadd.s32 v9, v0  }
0x187: {  	v9 =	vld [tilespmem:$0x112E0];
	v0 =	vadd.s32 v12, v0  }
0x188: {  	v12 =	vld [tilespmem:$0x11360];
	v0 =	vadd.s32 v14, v0  }
0x189: {  	v0 =	vadd.s32 v17, v0;
	[tilespmem:$0x1FFD0] =	vst v63;
	v63 =	vld [tilespmem:$0x10F50]  }
0x18a: {  	v14 =	vld [tilespmem:$0x113E0];
	v0 =	vadd.s32 v34, v0  }
0x18b: {  	[tilespmem:$0x1FF90] =	vst v60;
	v60 =	vld [tilespmem:$0x11440];
	v0 =	vadd.s32 v42, v0  }
0x18c: {  	v17 =	vld [tilespmem:$0x11460];
	v0 =	vadd.s32 v45, v0  }
0x18d: {  	v0 =	vadd.s32 v59, v0;
	v59 =	vld [tilespmem:$0x1FF90]  }
0x18e: {  	[tilespmem:$0x1FFE0] =	vst v63;
	v63 =	vld [tilespmem:$0x10FD0]  }
0x18f: {  	v42 =	vld [tilespmem:$0x10F70]  }
0x190: {  	v45 =	vld [tilespmem:$0x10FF0]  }
0x191: {  	[tilespmem:$0x1FFA0] =	vst v60;
	v60 =	vld [tilespmem:$0x10D50]  }
0x192: {  	v0 =	vadd.s32 v59, v0;
	v59 =	vld [tilespmem:$0x11470]  }
0x193: {  	[tilespmem:$0x1FFF0] =	vst v63;
	v63 =	vadd.s32 v19, v20;
	v19 =	vld [tilespmem:$0x110D0]  }
0x194: {  	v20 =	vld [tilespmem:$0x11150]  }
0x195: {  	v8 =	vadd.s32 v21, v63;
	v21 =	vld [tilespmem:$0x111D0]  }
0x196: {  	v63 =	vld [tilespmem:$0x10EF0]  }
0x197: {  	v8 =	vadd.s32 v22, v8;
	v22 =	vld [tilespmem:$0x10D60]  }
0x198: {  	v8 =	vadd.s32 v23, v8;
	v23 =	vadd.s32 v15, v6;
	v6 =	vld [tilespmem:$0x112D0]  }
0x199: {  	v10 =	vadd.s32 v16, v23;
	v23 =	vld [tilespmem:$0x10DE0]  }
0x19a: {  	v8 =	vadd.s32 v24, v8;
	v24 =	vld [tilespmem:$0x10E60]  }
0x19b: {  	v8 =	vadd.s32 v25, v8;
	v25 =	vadd.s32 v18, v10;
	v18 =	vld [tilespmem:$0x10CE0]  }
0x19c: {  	v15 =	vadd.s32 v39, v25;
	v25 =	vld [tilespmem:$0x10EE0]  }
0x19d: {  	v36 =	vadd.s32 v35, v36;
	v39 =	vld [tilespmem:$0x1FEB0]  }
0x19e: {  	v8 =	vadd.s32 v26, v8;
	v26 =	vadd.s32 v37, v36;
	v37 =	vadd.s32 v48, v49;
	v48 =	vld [tilespmem:$0x10CF0]  }
0x19f: {  	v49 =	vld [tilespmem:$0x1FF20]  }
0x1a0: {  	v26 =	vadd.s32 v38, v26;
	v38 =	vld [tilespmem:$0x1FEA0]  }
0x1a1: {  	v27 =	vadd.s32 v27, v8;
	v15 =	vadd.s32 v41, v15;
	v41 =	vld [tilespmem:$0x1FED0]  }
0x1a2: {  	v16 =	vadd.s32 v28, v27;
	v27 =	vld [tilespmem:$0x10F60]  }
0x1a3: {  	v26 =	vadd.s32 v43, v26;
	v43 =	vld [tilespmem:$0x1FEE0]  }
0x1a4: {  	v15 =	vadd.s32 v44, v15;
	v44 =	vld [tilespmem:$0x1FEF0]  }
0x1a5: {  	v28 =	vadd.s32 v50, v37;
	v50 =	vld [tilespmem:$0x1FF30]  }
0x1a6: {  	v16 =	vadd.s32 v29, v16;
	v29 =	vld [tilespmem:$0x10FE0]  }
0x1a7: {  	v26 =	vadd.s32 v46, v26;
	v46 =	vld [tilespmem:$0x1FF00]  }
0x1a8: {  	v15 =	vadd.s32 v47, v15;
	v47 =	vld [tilespmem:$0x1FF10]  }
0x1a9: {  	v28 =	vadd.s32 v51, v28;
	v51 =	vld [tilespmem:$0x10D70]  }
0x1aa: {  	v28 =	vadd.s32 v52, v28;
	v52 =	vld [tilespmem:$0x1FF40]  }
0x1ab: {  	v16 =	vadd.s32 v30, v16;
	v15 =	vadd.s32 v58, v15;
	v58 =	vld [tilespmem:$0x1FF80]  }
0x1ac: {  	v16 =	vadd.s32 v31, v16;
	v31 =	vld [tilespmem:$0x1FE80]  }
0x1ad: {  	v28 =	vadd.s32 v53, v28;
	v53 =	vld [tilespmem:$0x1FF50]  }
0x1ae: {  	v16 =	vadd.s32 v32, v16;
	v32 =	vld [tilespmem:$0x1FE90]  }
0x1af: {  	v28 =	vadd.s32 v54, v28;
	v54 =	vld [tilespmem:$0x10DF0];
	v16 =	vadd.s32 v33, v16  }
0x1b0: {  	v16 =	vadd.s32 v40, v16;
	v40 =	vld [tilespmem:$0x1FEC0]  }
0x1b1: {  	v26 =	vadd.s32 v62, v26;
	v18 =	vadd.s32 v18, v22;
	v28 =	vadd.s32 v55, v28;
	v55 =	vld [tilespmem:$0x1FF60]  }
0x1b2: {  	v18 =	vadd.s32 v23, v18;
	v26 =	vadd.s32 v38, v26;
	v28 =	vadd.s32 v56, v28;
	v56 =	vld [tilespmem:$0x1FF70]  }
0x1b3: {  	v18 =	vadd.s32 v24, v18;
	v26 =	vadd.s32 v39, v26;
	v28 =	vadd.s32 v57, v28;
	v57 =	vld [tilespmem:$0x10E70]  }
0x1b4: {  	v18 =	vadd.s32 v25, v18;
	v28 =	vadd.s32 v44, v28;
	v44 =	vadd.s32 v48, v51;
	v48 =	vld [tilespmem:$0x1FFE0]  }
0x1b5: {  	v18 =	vadd.s32 v27, v18;
	v51 =	vld [tilespmem:$0x11170];
	v26 =	vadd.s32 v40, v26  }
0x1b6: {  	v62 =	vadd.s32 v61, v60;
	v18 =	vadd.s32 v29, v18;
	v26 =	vadd.s32 v41, v26;
	v41 =	vld [tilespmem:$0x1FFB0]  }
0x1b7: {  	v15 =	vadd.s32 v31, v15;
	v1 =	vadd.s32 v1, v18;
	v26 =	vadd.s32 v43, v26;
	v43 =	vld [tilespmem:$0x1FFC0]  }
0x1b8: {  	v28 =	vadd.s32 v47, v28;
	v1 =	vadd.s32 v2, v1;
	v26 =	vadd.s32 v46, v26;
	v46 =	vld [tilespmem:$0x1FFD0]  }
0x1b9: {  	v15 =	vadd.s32 v32, v15;
	v47 =	vld [tilespmem:$0x11070];
	v28 =	vadd.s32 v50, v28;
	v1 =	vadd.s32 v3, v1  }
0x1ba: {  	v23 =	vadd.s32 v54, v44;
	v50 =	vld [tilespmem:$0x1FFF0];
	v28 =	vadd.s32 v53, v28;
	v1 =	vadd.s32 v4, v1  }
0x1bb: {  	v23 =	vadd.s32 v57, v23;
	v26 =	vadd.s32 v49, v26;
	v49 =	vld [tilespmem:$0x110F0];
	v34 =	vadd.s32 v41, v62  }
0x1bc: {  	v54 =	vld [tilespmem:$0x11270];
	v28 =	vadd.s32 v56, v28;
	v23 =	vadd.s32 v63, v23;
	v34 =	vadd.s32 v43, v34  }
0x1bd: {  	v22 =	vadd.s32 v42, v23;
	v26 =	vadd.s32 v52, v26;
	v52 =	vld [tilespmem:$0x111F0];
	v31 =	vadd.s32 v46, v34  }
0x1be: {  	v40 =	vld [tilespmem:$0x1FFA0];
	v1 =	vadd.s32 v5, v1;
	v53 =	vadd.s32 v45, v22;
	v31 =	vadd.s32 v48, v31  }
0x1bf: {  	v56 =	vld [tilespmem:$0x112F0];
	v26 =	vadd.s32 v55, v26;
	v55 =	vadd.s32 v47, v53;
	v31 =	vadd.s32 v50, v31  }
0x1c0: {  	v57 =	vld [tilespmem:$0x11370];
	v28 =	vadd.s32 v58, v28;
	v2 =	vadd.s32 v49, v55;
	v7 =	vadd.s32 v7, v31  }
0x1c1: {  	v58 =	vld [tilespmem:$0x113F0];
	v1 =	vadd.s32 v9, v1;
	v2 =	vadd.s32 v51, v2;
	v7 =	vadd.s32 v19, v7  }
0x1c2: {  	v10 =	vld [tilespmem:$0x113D0];
	[tilespmem:$0x11490] =	vst v16;
	v1 =	vadd.s32 v12, v1;
	v2 =	vadd.s32 v52, v2;
	v7 =	vadd.s32 v20, v7  }
0x1c3: {  	v8 =	vld [tilespmem:$0x11450];
	[tilespmem:$0x11480] =	vst v15;
	v1 =	vadd.s32 v14, v1;
	v2 =	vadd.s32 v54, v2;
	v7 =	vadd.s32 v21, v7  }
0x1c4: {  	[tilespmem:$0x114B0] =	vst v28;
	v0 =	vadd.s32 v40, v0;
	v2 =	vadd.s32 v56, v2;
	v7 =	vadd.s32 v13, v7  }
0x1c5: {  	v61 =	vadd.s32 v17, v1;
	[tilespmem:$0x114C0] =	vst v0;
	v2 =	vadd.s32 v57, v2;
	v6 =	vadd.s32 v6, v7  }
0x1c6: {  	[tilespmem:$0x114E0] =	vst v61;
	v62 =	vadd.s32 v58, v2;
	v6 =	vadd.s32 v11, v6  }
0x1c7: {  	s8 =	sshll.u32 s7, $0x9;
	[tilespmem:$0x114A0] =	vst v26;
	v63 =	vadd.s32 v59, v62;
	v6 =	vadd.s32 v10, v6  }
0x1c8: {  	s13 =	sshrl.u32 s8, $0x2;
	[tilespmem:$0x114F0] =	vst v63;
	v60 =	vadd.s32 v8, v6  }
0x1c9: {  	s30 =	simm.s32 $0x11480;
	p0 =	sne.s32 s7, $0x0;
	s29 =	sadd.s32 s13, s6;
	[tilespmem:$0x114D0] =	vst v60  }
0x1ca: {  	[spmem:s29] =	stream.linear.scatter [tilespmem:s30], [sflag:$0x1], $0x80, $0x38;
	[tilespmem:$0x13C08] =	vst v63  }
.Ltmp2:
0x1cb: {  	_ =	swait.ge [sflag:s10], $0x80;
	(pc) =	sbr.rel @p0 .LBB2_8-.Ltmp2, $4  }
0x1cc: {  	[sflag:s10] =	ssyncset.done $0x0  }
0x1cd: {  	[sflag:s10] =	ssyncadd.s32 $0xFFFFFF80  }
0x1ce: {  	s31 =	sshll.u32 s12, $0xB;
	[bflag:$0x0] =	sbarrier.arrive $0xFFFF  }
0x1cf: {  	s7 =	sadd.s32 s31, s4  }
0x1d0: {  	[tilespmem:s11], [sflag:$0x1] =	stream.linear.gather [spmem:s6], $0x800, $0x38;
	[tilespmem:$0x13C08] =	vst v63  }
0x1d1: {  	_ =	swait.ge [sflag:s10], $0x800  }
0x1d2: {  	[sflag:s10] =	ssyncset.done $0x0  }
0x1d3: {  	s29 =	simm.s32 $0x0;
	[sflag:s10] =	ssyncadd.s32 $0xFFFFF800  }
0x1d4: {  	v0 =	vld [tilespmem:s29+$0x10480];
	_ =	sdelay $0x4  }
0x1d5: {  	(xrf0) =	vadd.scan.msk.s32 $0xffff, v0  }
0x1d6: {  	s30 =	simm.s32 $0x10  }
0x1d7: {  	v1 =	vld [tilespmem:s30+$0x10480];
	_ =	sdelay $0x3  }
0x1d8: {  	v0 =	vimm.s32 $0x0;
	v3, _, _ =	vpop (xrf0)  }
0x1d9: {  	s31 =	simm.s32 $0x20;
	(xrf0) =	vadd.scan.msk.s32 $0xffff, v1;
	v2 =	vadd.s32 v0, v3  }
0x1da: {  	vm0 =	vlt.s32 v2, $0x80;
	v2 =	vld [tilespmem:s31+$0x10480];
	_ =	sdelay $0x1  }
0x1db: {  	v4 =	vmpcnt.ones.xlane vm0  }
0x1dc: {  	v3 =	vbroadcast v3, $0xF  }
0x1dd: {  	s6 =	simm.s32 $0xC0;
	v1 =	vadd.s32 v0, v4  }
.LBB2_6:
0x1de: {  	s11 =	sshra.s32 s6, $0x2;
	p1 =	sne.s32 s6, $0x1FC0;
	s6 =	sadd.s32 $0x40, s6;
	(xrf0) =	vadd.scan.msk.s32 $0xffff, v2;
	v4, _, _ =	vpop (xrf0);
	v0 =	vadd.s32 v0, v3  }
.Ltmp3:
0x1df: {  	v2 =	vld [tilespmem:s11+$0x10480];
	v3 =	vadd.s32 v0, v4;
	(pc) =	sbr.rel @p1 .LBB2_6-.Ltmp3, $4  }
0x1e0: {  	vm0 =	vlt.s32 v3, $0x80  }
0x1e1: {  	v5 =	vmpcnt.ones.xlane vm0  }
0x1e2: {  	v3 =	vbroadcast v4, $0xF  }
0x1e3: {  	v1 =	vadd.s32 v1, v5  }
0x1e4: {  	(xrf0) =	vadd.scan.msk.s32 $0xffff, v2;
	_ =	sdelay $0x2  }
0x1e5: {  	v62, _, _ =	vpop (xrf0)  }
0x1e6: {  	v4 =	vbroadcast v62, $0xF  }
0x1e7: {  	v0 =	vadd.s32 v0, v3  }
0x1e8: {  	v2 =	vadd.s32 v0, v62;
	v0 =	vadd.s32 v0, v4;
	v63, _, _ =	vpop (xrf0)  }
0x1e9: {  	vm0 =	vlt.s32 v2, $0x80;
	v0 =	vadd.s32 v0, v63  }
0x1ea: {  	v2 =	vmpcnt.ones.xlane vm0;
	vm15 =	vlt.s32 v0, $0x80  }
0x1eb: {  	v0 =	vmpcnt.ones.xlane vm15  }
0x1ec: {  	v1 =	vadd.s32 v1, v2  }
0x1ed: {  	v0 =	vadd.s32 v1, v0  }
0x1ee: {  	s6 =	simm.s32 $0x11680;
	s31 =	simm.s32 $0x1;
	[tilespmem:$0x11680] =	vst v0  }
0x1ef: {  	[spmem:s3] =	stream.linear.scatter [tilespmem:s6], [sflag:$0x1], $0x80, $0x38;
	[tilespmem:$0x13C08] =	vst v63  }
0x1f0: {  	_ =	swait.ge [sflag:s31], $0x80  }
0x1f1: {  	[sflag:s31] =	ssyncset.done $0x0  }
0x1f2: {  	[sflag:s31] =	ssyncadd.s32 $0xFFFFFF80  }
.LBB2_8:
0x1f3: {  	[bflag:$0x0] =	sbarrier.arrive $0xFFFF;
	s6 =	simm.s32 $0x11680  }
0x1f4: {  	[tilespmem:s6], [sflag:$0x1] =	stream.linear.gather [spmem:s3], $0x80, $0x38;
	[tilespmem:$0x13C08] =	vst v63  }
0x1f5: {  	_ =	swait.ge [sflag:s10], $0x80  }
0x1f6: {  	[sflag:s10] =	ssyncset.done $0x0  }
0x1f7: {  	s31 =	simm.s32 $0x0;
	[sflag:s10] =	ssyncadd.s32 $0xFFFFFF80  }
0x1f8: {  	v3 =	vld [tilespmem:s31+$0x10280]  }
0x1f9: {  	v0 =	vld [tilespmem:$0x11680];
	_ =	sdelay $0x3  }
0x1fa: {  	v2 =	vshra.s32 v3, $0x14  }
0x1fb: {  	v1 =	vimm.s32 $0x0;
	vm0 =	vle.s32 v2, v0  }
0x1fc: {  	v2 =	vsel vm0, $0x1, v1  }
0x1fd: {  	(xrf0) =	vadd.scan.msk.s32 $0xffff, v2;
	_ =	sdelay $0x5  }
0x1fe: {  	v2, _, _ =	vpop (xrf0)  }
0x1ff: {  	v2 =	vadd.s32 v2, v1  }
0x200: {  	v2 =	vadd.s32 $0xFFFFFFFF, v2  }
0x201: {  	vm1 =	vgt.s32 v2, $0x0  }
0x202: {  	v2 =	vnsel vm1, $0x0, v2  }
0x203: {  	v4 =	vmin.u32 v2, $0x7F;
	_ =	sdelay $0x2  }
0x204: {  	v5 =	vmpcnt.ones.xlane vm0  }
0x205: {  	s3 =	simm.s32 $0x11500;
	v2 =	vlaneseq.u32  }
0x206: {  	s10 =	simm.s32 $0x11580;
	v6 =	vor.u32 s8, v2;
	[tilespmem:v4+s3+$0x0] =	vst.idx.msk vm0, v3  }
0x207: {  	s11 =	simm.s32 $0x10;
	v3 =	vadd.s32 v1, v5;
	[tilespmem:v4+s10+$0x0] =	vst.idx.msk vm0, v6  }
0x208: {  	s6 =	sadd.s32 s9, s7;
	s7 =	sadd.s32 s13, s5;
	s9 =	simm.s32 $0x80;
	v5 =	vmov v3;
	v4 =	vld [tilespmem:s11+$0x10280]  }
.LBB2_9:
0x209: {  	p1 =	sne.s32 s9, $0x7C0;
	_ =	sdelay $0x3  }
0x20a: {  	v6 =	vshra.s32 v4, $0x14  }
0x20b: {  	vm0 =	vle.s32 v6, v0  }
0x20c: {  	v6 =	vsel vm0, $0x1, v1;
	v7 =	vmpcnt.ones.xlane vm0  }
0x20d: {  	(xrf0) =	vadd.scan.msk.s32 $0xffff, v6  }
0x20e: {  	v3 =	vadd.s32 v3, v7;
	_ =	sdelay $0x4  }
0x20f: {  	v6, _, _ =	vpop (xrf0)  }
0x210: {  	v6 =	vadd.s32 v6, v5;
	v5 =	vmov v3  }
0x211: {  	v6 =	vadd.s32 $0xFFFFFFFF, v6  }
0x212: {  	vm1 =	vgt.s32 v6, $0x0  }
0x213: {  	v6 =	vnsel vm1, $0x0, v6  }
0x214: {  	v6 =	vmin.u32 v6, $0x7F;
	_ =	sdelay $0x2  }
.Ltmp4:
0x215: {  	(pc) =	sbr.rel @p1 .LBB2_9-.Ltmp4, $4  }
0x216: {  	s8 =	sadd.s32 $0x10, s8  }
0x217: {  	[tilespmem:v6+s3+$0x0] =	vst.idx.msk vm0, v4;
	v4 =	vor.u32 s8, v2  }
0x218: {  	s11 =	sshra.s32 s9, $0x2;
	[tilespmem:v6+s10+$0x0] =	vst.idx.msk vm0, v4  }
0x219: {  	s9 =	sadd.s32 $0x40, s9;
	v4 =	vld [tilespmem:s11+$0x10280]  }
0x21a: {  	_ =	sdelay $0x3  }
0x21b: {  	v6 =	vshra.s32 v4, $0x14  }
0x21c: {  	vm0 =	vle.s32 v6, v0  }
0x21d: {  	v0 =	vsel vm0, $0x1, v1  }
0x21e: {  	(xrf0) =	vadd.scan.msk.s32 $0xffff, v0;
	_ =	sdelay $0x5  }
0x21f: {  	v0, _, _ =	vpop (xrf0)  }
0x220: {  	v0 =	vadd.s32 v0, v5  }
0x221: {  	v0 =	vadd.s32 $0xFFFFFFFF, v0  }
0x222: {  	vm1 =	vgt.s32 v0, $0x0  }
0x223: {  	v0 =	vnsel vm1, $0x0, v0  }
0x224: {  	v0 =	vmin.u32 v0, $0x7F;
	_ =	sdelay $0x3  }
0x225: {  	s8 =	sadd.s32 $0x10, s8;
	v63 =	vmpcnt.ones.xlane vm0  }
0x226: {  	v2 =	vor.u32 s8, v2;
	[tilespmem:v0+s3+$0x0] =	vst.idx.msk vm0, v4  }
0x227: {  	v1 =	vadd.s32 v3, v63;
	[tilespmem:v0+s10+$0x0] =	vst.idx.msk vm0, v2  }
0x228: {  	s29 =	simm.s32 $0x11500;
	s3 =	simm.s32 $0x1;
	[tilespmem:$0x11600] =	vst v1  }
0x229: {  	[spmem:s7] =	stream.linear.scatter [tilespmem:s29], [sflag:$0x1], $0x80, $0x38;
	[tilespmem:$0x13C08] =	vst v63  }
0x22a: {  	_ =	swait.ge [sflag:s3], $0x80  }
0x22b: {  	s30 =	simm.s32 $0x80;
	[sflag:s3] =	ssyncset.done $0x0  }
0x22c: {  	s31 =	simm.s32 $0x400;
	s9 =	simm.s32 $0x11580;
	[sflag:s3] =	ssyncadd.s32 $0xFFFFFF80  }
0x22d: {  	[spmem:s6] =	stream.strided.scatter [tilespmem:s9], [sflag:$0x1], $0x100, s31, s30, $0x38;
	[tilespmem:$0x13C08] =	vst v63  }
0x22e: {  	_ =	swait.ge [sflag:s3], $0x100  }
0x22f: {  	[sflag:s3] =	ssyncset.done $0x0  }
0x230: {  	[sflag:s3] =	ssyncadd.s32 $0xFFFFFF00  }
0x231: {  	[bflag:$0x0] =	sbarrier.arrive $0xFFFF  }
0x232: {  	_ =	sfence.sel @p0 $0x180000  }
0x233: {  	[bflag:$0x0] =	sbarrier.arrive @p0 $0xFFFF  }
0x234: {  	_ =	strace @p0 $0x90000047  }
0x235: {  	[bflag:$0x2] =	sbarrier.arrive @p0 $0xFFFF  }
0x236: {  	_ =	shalt @p0  }
.LBB2_11:
0x237: {  	s6 =	simm.s32 $0x11A00  }
0x238: {  	[tilespmem:s6], [sflag:$0x1] =	stream.linear.gather [spmem:s5], $0x800, $0x38;
	[tilespmem:$0x13C08] =	vst v63  }
0x239: {  	_ =	swait.ge [sflag:s3], $0x800  }
0x23a: {  	[sflag:s3] =	ssyncset.done $0x0  }
0x23b: {  	s28 =	simm.s32 $0x12200;
	[sflag:s3] =	ssyncadd.s32 $0xFFFFF800  }
0x23c: {  	[tilespmem:s28], [sflag:$0x1] =	stream.linear.gather [spmem:s4], $0x1000, $0x38;
	[tilespmem:$0x13C08] =	vst v63  }
0x23d: {  	_ =	swait.ge [sflag:s3], $0x1000  }
0x23e: {  	[sflag:s3] =	ssyncset.done $0x0  }
0x23f: {  	[sflag:s3] =	ssyncadd.s32 $0xFFFFF000  }
0x240: {  	v0 =	vld [tilespmem:$0x12600]  }
0x241: {  	v1 =	vld [tilespmem:$0x12680]  }
0x242: {  	v2 =	vld [tilespmem:$0x12700]  }
0x243: {  	v3 =	vld [tilespmem:$0x12780]  }
0x244: {  	v5 =	vimm.f32 $+Inf;
	v4 =	vld [tilespmem:$0x12800]  }
0x245: {  	v7 =	vimm.s32 $0x0;
	vm0 =	vmmov $0x1;
	v6 =	vld [tilespmem:$0x12880];
	[tilespmem:$0x11700] =	vst v5  }
0x246: {  	vm11 =	vmmov $0x3;
	v8 =	vld [tilespmem:$0x12900];
	[tilespmem:$0x11880] =	vst v7;
	v0 =	vsel vm0, v0, v1  }
0x247: {  	vm12 =	vmmov $0x7;
	v58 =	vld [tilespmem:$0x12980];
	[tilespmem:$0x11710] =	vst v5;
	v0 =	vsel vm11, v0, v2  }
0x248: {  	vm13 =	vmmov $0xf;
	v59 =	vld [tilespmem:$0x12E00];
	[tilespmem:$0x11890] =	vst v7;
	v0 =	vsel vm12, v0, v3  }
0x249: {  	vm14 =	vmmov $0x1f;
	v60 =	vld [tilespmem:$0x12E80];
	[tilespmem:$0x11720] =	vst v5;
	v0 =	vsel vm13, v0, v4  }
0x24a: {  	vm15 =	vmmov $0x3f;
	v61 =	vld [tilespmem:$0x12F00];
	[tilespmem:$0x118A0] =	vst v7;
	v0 =	vsel vm14, v0, v6  }
0x24b: {  	vm4 =	vmmov $0x7f;
	v62 =	vld [tilespmem:$0x12F80];
	[tilespmem:$0x11730] =	vst v5;
	v0 =	vsel vm15, v0, v8  }
0x24c: {  	vm5 =	vmmov $0xff;
	v63 =	vld [tilespmem:$0x13000];
	[tilespmem:$0x118B0] =	vst v7;
	v0 =	vsel vm4, v0, v58  }
0x24d: {  	vm6 =	vmmov $0x1ff;
	v11 =	vld [tilespmem:$0x13080];
	[tilespmem:$0x11740] =	vst v5;
	v0 =	vsel vm5, v0, v59  }
0x24e: {  	vm7 =	vmmov $0x3ff;
	v12 =	vld [tilespmem:$0x13100];
	[tilespmem:$0x118C0] =	vst v7;
	v0 =	vsel vm6, v0, v60  }
0x24f: {  	vm8 =	vmmov $0x7ff;
	v13 =	vld [tilespmem:$0x13180];
	[tilespmem:$0x11750] =	vst v5;
	v0 =	vsel vm7, v0, v61  }
0x250: {  	vm9 =	vmmov $0xfff;
	[tilespmem:$0x118D0] =	vst v7;
	v0 =	vsel vm8, v0, v62  }
0x251: {  	vm10 =	vmmov $0x1fff;
	[tilespmem:$0x11760] =	vst v5;
	v0 =	vsel vm9, v0, v63  }
0x252: {  	[tilespmem:$0x118E0] =	vst v7;
	vm11 =	vmmov $0x3fff;
	v0 =	vsel vm10, v0, v11  }
0x253: {  	[tilespmem:$0x11770] =	vst v5;
	vm12 =	vmmov $0x7fff;
	v0 =	vsel vm11, v0, v12  }
0x254: {  	[tilespmem:$0x118F0] =	vst v7;
	v0 =	vsel vm12, v0, v13  }
0x255: {  	[tilespmem:$0x11780] =	vst v5;
	(xrf0) =	vadd.scan.msk.s32 $0xffff, v0  }
0x256: {  	[tilespmem:$0x11900] =	vst v7  }
0x257: {  	[tilespmem:$0x11790] =	vst v5  }
0x258: {  	[tilespmem:$0x11910] =	vst v7  }
0x259: {  	[tilespmem:$0x117A0] =	vst v5  }
0x25a: {  	[tilespmem:$0x11920] =	vst v7  }
0x25b: {  	[tilespmem:$0x117B0] =	vst v5;
	v14, _, _ =	vpop (xrf0)  }
0x25c: {  	[tilespmem:$0x11930] =	vst v7;
	v2 =	vsub.s32 v14, v0  }
0x25d: {  	[tilespmem:$0x117C0] =	vst v5;
	v10 =	vperm.xlane v2, v7  }
0x25e: {  	[tilespmem:$0x11940] =	vst v7;
	v1 =	vlaneseq.u32  }
0x25f: {  	[tilespmem:$0x117D0] =	vst v5;
	v11 =	vperm.xlane v0, v7;
	v15 =	vadd.s32 v1, v10  }
0x260: {  	[tilespmem:$0x11950] =	vst v7;
	vm13 =	vgt.s32 v15, $0x0  }
0x261: {  	[tilespmem:$0x117E0] =	vst v5;
	vm1 =	vgt.s32 v11, v1;
	v3 =	vnsel vm13, $0x0, v15  }
0x262: {  	[tilespmem:$0x11960] =	vst v7;
	v16 =	vld [tilespmem:$0x11A00];
	v17 =	vmin.u32 v3, $0xFF  }
0x263: {  	[tilespmem:$0x117F0] =	vst v5;
	v18 =	vld [tilespmem:$0x12200]  }
0x264: {  	[tilespmem:$0x11970] =	vst v7  }
0x265: {  	[tilespmem:$0x11800] =	vst v5;
	v3 =	vor.u32 $0x10, v1  }
0x266: {  	s29 =	simm.s32 $0x11700;
	[tilespmem:$0x11980] =	vst v7;
	v19 =	vadd.s32 v3, v10  }
0x267: {  	s30 =	simm.s32 $0x11880;
	vm14 =	vgt.s32 v19, $0x0;
	[tilespmem:v17+s29+$0x0] =	vst.idx.msk vm1, v16  }
0x268: {  	vm15 =	vgt.s32 v11, v3;
	v20 =	vnsel vm14, $0x0, v19;
	[tilespmem:v17+s30+$0x0] =	vst.idx.msk vm1, v18  }
0x269: {  	v22 =	vmin.u32 v20, $0xFF;
	v21 =	vld [tilespmem:$0x11A10]  }
0x26a: {  	v23 =	vld [tilespmem:$0x12210];
	_ =	sdelay $0x1  }
0x26b: {  	v4 =	vor.u32 $0x20, v1  }
0x26c: {  	v24 =	vadd.s32 v4, v10  }
0x26d: {  	vm4 =	vgt.s32 v24, $0x0;
	[tilespmem:v22+s29+$0x0] =	vst.idx.msk vm15, v21  }
0x26e: {  	vm5 =	vgt.s32 v11, v4;
	v25 =	vnsel vm4, $0x0, v24;
	[tilespmem:v22+s30+$0x0] =	vst.idx.msk vm15, v23  }
0x26f: {  	v26 =	vmin.u32 v25, $0xFF;
	v6 =	vld [tilespmem:$0x11A20]  }
0x270: {  	v27 =	vld [tilespmem:$0x12220];
	_ =	sdelay $0x1  }
0x271: {  	v5 =	vor.u32 $0x30, v1  }
0x272: {  	v9 =	vadd.s32 v5, v10  }
0x273: {  	vm6 =	vgt.s32 v9, $0x0;
	[tilespmem:v26+s29+$0x0] =	vst.idx.msk vm5, v6  }
0x274: {  	vm7 =	vgt.s32 v11, v5;
	v28 =	vnsel vm6, $0x0, v9;
	[tilespmem:v26+s30+$0x0] =	vst.idx.msk vm5, v27  }
0x275: {  	v29 =	vmin.u32 v28, $0xFF;
	v7 =	vld [tilespmem:$0x11A30]  }
0x276: {  	v30 =	vld [tilespmem:$0x12230];
	_ =	sdelay $0x1  }
0x277: {  	v6 =	vor.u32 $0x40, v1  }
0x278: {  	v12 =	vadd.s32 v6, v10  }
0x279: {  	vm8 =	vgt.s32 v12, $0x0;
	[tilespmem:v29+s29+$0x0] =	vst.idx.msk vm7, v7  }
0x27a: {  	vm9 =	vgt.s32 v11, v6;
	v31 =	vnsel vm8, $0x0, v12;
	[tilespmem:v29+s30+$0x0] =	vst.idx.msk vm7, v30  }
0x27b: {  	v32 =	vmin.u32 v31, $0xFF;
	v8 =	vld [tilespmem:$0x11A40]  }
0x27c: {  	v33 =	vld [tilespmem:$0x12240];
	_ =	sdelay $0x1  }
0x27d: {  	v7 =	vor.u32 $0x50, v1  }
0x27e: {  	v13 =	vadd.s32 v7, v10  }
0x27f: {  	vm10 =	vgt.s32 v13, $0x0;
	[tilespmem:v32+s29+$0x0] =	vst.idx.msk vm9, v8  }
0x280: {  	vm11 =	vgt.s32 v11, v7;
	v34 =	vnsel vm10, $0x0, v13;
	[tilespmem:v32+s30+$0x0] =	vst.idx.msk vm9, v33  }
0x281: {  	v35 =	vmin.u32 v34, $0xFF;
	v9 =	vld [tilespmem:$0x11A50]  }
0x282: {  	v36 =	vld [tilespmem:$0x12250];
	_ =	sdelay $0x1  }
0x283: {  	v8 =	vor.u32 $0x60, v1  }
0x284: {  	v14 =	vadd.s32 v8, v10  }
0x285: {  	vm12 =	vgt.s32 v14, $0x0;
	[tilespmem:v35+s29+$0x0] =	vst.idx.msk vm11, v9  }
0x286: {  	vm13 =	vgt.s32 v11, v8;
	v37 =	vnsel vm12, $0x0, v14;
	[tilespmem:v35+s30+$0x0] =	vst.idx.msk vm11, v36  }
0x287: {  	v38 =	vmin.u32 v37, $0xFF;
	v12 =	vld [tilespmem:$0x11A60]  }
0x288: {  	v39 =	vld [tilespmem:$0x12260];
	_ =	sdelay $0x1  }
0x289: {  	v9 =	vor.u32 $0x70, v1  }
0x28a: {  	v10 =	vadd.s32 v9, v10  }
0x28b: {  	vm14 =	vgt.s32 v10, $0x0;
	[tilespmem:v38+s29+$0x0] =	vst.idx.msk vm13, v12  }
0x28c: {  	vm15 =	vgt.s32 v11, v9;
	v10 =	vnsel vm14, $0x0, v10;
	[tilespmem:v38+s30+$0x0] =	vst.idx.msk vm13, v39  }
0x28d: {  	v10 =	vmin.u32 v10, $0xFF;
	v40 =	vld [tilespmem:$0x11A70]  }
0x28e: {  	v41 =	vimm.s32 $0x1;
	v12 =	vld [tilespmem:$0x12270]  }
0x28f: {  	v42 =	vperm.xlane v2, v41;
	_ =	sdelay $0x1  }
0x290: {  	v15 =	vadd.s32 v1, v42;
	v13 =	vperm.xlane v0, v41  }
0x291: {  	vm4 =	vgt.s32 v15, $0x0;
	[tilespmem:v10+s29+$0x0] =	vst.idx.msk vm15, v40  }
0x292: {  	v43 =	vnsel vm4, $0x0, v15;
	vm5 =	vgt.s32 v13, v1;
	[tilespmem:v10+s30+$0x0] =	vst.idx.msk vm15, v12  }
0x293: {  	v10 =	vmin.u32 v43, $0xFF;
	v11 =	vld [tilespmem:$0x11A80]  }
0x294: {  	v12 =	vld [tilespmem:$0x12280];
	_ =	sdelay $0x2  }
0x295: {  	v44 =	vadd.s32 v3, v42  }
0x296: {  	vm6 =	vgt.s32 v44, $0x0;
	[tilespmem:v10+s29+$0x0] =	vst.idx.msk vm5, v11  }
0x297: {  	v45 =	vnsel vm6, $0x0, v44;
	vm7 =	vgt.s32 v13, v3;
	[tilespmem:v10+s30+$0x0] =	vst.idx.msk vm5, v12  }
0x298: {  	v10 =	vmin.u32 v45, $0xFF;
	v11 =	vld [tilespmem:$0x11A90]  }
0x299: {  	v12 =	vld [tilespmem:$0x12290];
	_ =	sdelay $0x2  }
0x29a: {  	v46 =	vadd.s32 v4, v42  }
0x29b: {  	vm8 =	vgt.s32 v46, $0x0;
	[tilespmem:v10+s29+$0x0] =	vst.idx.msk vm7, v11  }
0x29c: {  	v47 =	vnsel vm8, $0x0, v46;
	vm9 =	vgt.s32 v13, v4;
	[tilespmem:v10+s30+$0x0] =	vst.idx.msk vm7, v12  }
0x29d: {  	v10 =	vmin.u32 v47, $0xFF;
	v11 =	vld [tilespmem:$0x11AA0]  }
0x29e: {  	v12 =	vld [tilespmem:$0x122A0];
	_ =	sdelay $0x2  }
0x29f: {  	v48 =	vadd.s32 v5, v42  }
0x2a0: {  	vm10 =	vgt.s32 v48, $0x0;
	[tilespmem:v10+s29+$0x0] =	vst.idx.msk vm9, v11  }
0x2a1: {  	v49 =	vnsel vm10, $0x0, v48;
	vm11 =	vgt.s32 v13, v5;
	[tilespmem:v10+s30+$0x0] =	vst.idx.msk vm9, v12  }
0x2a2: {  	v10 =	vmin.u32 v49, $0xFF;
	v11 =	vld [tilespmem:$0x11AB0]  }
0x2a3: {  	v12 =	vld [tilespmem:$0x122B0];
	_ =	sdelay $0x2  }
0x2a4: {  	v50 =	vadd.s32 v6, v42  }
0x2a5: {  	vm12 =	vgt.s32 v50, $0x0;
	[tilespmem:v10+s29+$0x0] =	vst.idx.msk vm11, v11  }
0x2a6: {  	v51 =	vnsel vm12, $0x0, v50;
	vm13 =	vgt.s32 v13, v6;
	[tilespmem:v10+s30+$0x0] =	vst.idx.msk vm11, v12  }
0x2a7: {  	v10 =	vmin.u32 v51, $0xFF;
	v11 =	vld [tilespmem:$0x11AC0]  }
0x2a8: {  	v12 =	vld [tilespmem:$0x122C0];
	_ =	sdelay $0x2  }
0x2a9: {  	v52 =	vadd.s32 v7, v42  }
0x2aa: {  	vm14 =	vgt.s32 v52, $0x0;
	[tilespmem:v10+s29+$0x0] =	vst.idx.msk vm13, v11  }
0x2ab: {  	v53 =	vnsel vm14, $0x0, v52;
	vm15 =	vgt.s32 v13, v7;
	[tilespmem:v10+s30+$0x0] =	vst.idx.msk vm13, v12  }
0x2ac: {  	v10 =	vmin.u32 v53, $0xFF;
	v11 =	vld [tilespmem:$0x11AD0]  }
0x2ad: {  	v12 =	vld [tilespmem:$0x122D0];
	_ =	sdelay $0x2  }
0x2ae: {  	v54 =	vadd.s32 v8, v42  }
0x2af: {  	vm4 =	vgt.s32 v54, $0x0;
	[tilespmem:v10+s29+$0x0] =	vst.idx.msk vm15, v11  }
0x2b0: {  	v55 =	vnsel vm4, $0x0, v54;
	vm5 =	vgt.s32 v13, v8;
	[tilespmem:v10+s30+$0x0] =	vst.idx.msk vm15, v12  }
0x2b1: {  	v10 =	vmin.u32 v55, $0xFF;
	v11 =	vld [tilespmem:$0x11AE0]  }
0x2b2: {  	v12 =	vld [tilespmem:$0x122E0];
	_ =	sdelay $0x2  }
0x2b3: {  	v14 =	vadd.s32 v9, v42  }
0x2b4: {  	vm6 =	vgt.s32 v14, $0x0;
	[tilespmem:v10+s29+$0x0] =	vst.idx.msk vm5, v11  }
0x2b5: {  	v56 =	vnsel vm6, $0x0, v14;
	vm7 =	vgt.s32 v13, v9;
	[tilespmem:v10+s30+$0x0] =	vst.idx.msk vm5, v12  }
0x2b6: {  	v10 =	vmin.u32 v56, $0xFF;
	v11 =	vld [tilespmem:$0x11AF0]  }
0x2b7: {  	v57 =	vimm.s32 $0x2;
	v12 =	vld [tilespmem:$0x122F0]  }
0x2b8: {  	v58 =	vperm.xlane v2, v57;
	_ =	sdelay $0x1  }
0x2b9: {  	v59 =	vadd.s32 v1, v58;
	v13 =	vperm.xlane v0, v57  }
0x2ba: {  	vm8 =	vgt.s32 v59, $0x0;
	[tilespmem:v10+s29+$0x0] =	vst.idx.msk vm7, v11  }
0x2bb: {  	v60 =	vnsel vm8, $0x0, v59;
	vm9 =	vgt.s32 v13, v1;
	[tilespmem:v10+s30+$0x0] =	vst.idx.msk vm7, v12  }
0x2bc: {  	v10 =	vmin.u32 v60, $0xFF;
	v11 =	vld [tilespmem:$0x11B00]  }
0x2bd: {  	v12 =	vld [tilespmem:$0x12300];
	_ =	sdelay $0x2  }
0x2be: {  	v61 =	vadd.s32 v3, v58  }
0x2bf: {  	vm10 =	vgt.s32 v61, $0x0;
	[tilespmem:v10+s29+$0x0] =	vst.idx.msk vm9, v11  }
0x2c0: {  	v62 =	vnsel vm10, $0x0, v61;
	vm11 =	vgt.s32 v13, v3;
	[tilespmem:v10+s30+$0x0] =	vst.idx.msk vm9, v12  }
0x2c1: {  	v10 =	vmin.u32 v62, $0xFF;
	v11 =	vld [tilespmem:$0x11B10]  }
0x2c2: {  	v12 =	vld [tilespmem:$0x12310];
	_ =	sdelay $0x2  }
0x2c3: {  	v63 =	vadd.s32 v4, v58  }
0x2c4: {  	vm12 =	vgt.s32 v63, $0x0;
	[tilespmem:v10+s29+$0x0] =	vst.idx.msk vm11, v11  }
0x2c5: {  	v17 =	vnsel vm12, $0x0, v63;
	vm13 =	vgt.s32 v13, v4;
	[tilespmem:v10+s30+$0x0] =	vst.idx.msk vm11, v12  }
0x2c6: {  	v10 =	vmin.u32 v17, $0xFF;
	v11 =	vld [tilespmem:$0x11B20]  }
0x2c7: {  	v12 =	vld [tilespmem:$0x12320];
	_ =	sdelay $0x2  }
0x2c8: {  	v18 =	vadd.s32 v5, v58  }
0x2c9: {  	vm14 =	vgt.s32 v18, $0x0;
	[tilespmem:v10+s29+$0x0] =	vst.idx.msk vm13, v11  }
0x2ca: {  	v19 =	vnsel vm14, $0x0, v18;
	vm15 =	vgt.s32 v13, v5;
	[tilespmem:v10+s30+$0x0] =	vst.idx.msk vm13, v12  }
0x2cb: {  	v10 =	vmin.u32 v19, $0xFF;
	v11 =	vld [tilespmem:$0x11B30]  }
0x2cc: {  	v12 =	vld [tilespmem:$0x12330];
	_ =	sdelay $0x2  }
0x2cd: {  	v20 =	vadd.s32 v6, v58  }
0x2ce: {  	vm4 =	vgt.s32 v20, $0x0;
	[tilespmem:v10+s29+$0x0] =	vst.idx.msk vm15, v11  }
0x2cf: {  	v21 =	vnsel vm4, $0x0, v20;
	vm5 =	vgt.s32 v13, v6;
	[tilespmem:v10+s30+$0x0] =	vst.idx.msk vm15, v12  }
0x2d0: {  	v10 =	vmin.u32 v21, $0xFF;
	v11 =	vld [tilespmem:$0x11B40]  }
0x2d1: {  	v12 =	vld [tilespmem:$0x12340];
	_ =	sdelay $0x2  }
0x2d2: {  	v22 =	vadd.s32 v7, v58  }
0x2d3: {  	vm6 =	vgt.s32 v22, $0x0;
	[tilespmem:v10+s29+$0x0] =	vst.idx.msk vm5, v11  }
0x2d4: {  	v23 =	vnsel vm6, $0x0, v22;
	vm7 =	vgt.s32 v13, v7;
	[tilespmem:v10+s30+$0x0] =	vst.idx.msk vm5, v12  }
0x2d5: {  	v10 =	vmin.u32 v23, $0xFF;
	v11 =	vld [tilespmem:$0x11B50]  }
0x2d6: {  	v12 =	vld [tilespmem:$0x12350];
	_ =	sdelay $0x2  }
0x2d7: {  	v24 =	vadd.s32 v8, v58  }
0x2d8: {  	vm8 =	vgt.s32 v24, $0x0;
	[tilespmem:v10+s29+$0x0] =	vst.idx.msk vm7, v11  }
0x2d9: {  	v25 =	vnsel vm8, $0x0, v24;
	vm9 =	vgt.s32 v13, v8;
	[tilespmem:v10+s30+$0x0] =	vst.idx.msk vm7, v12  }
0x2da: {  	v10 =	vmin.u32 v25, $0xFF;
	v11 =	vld [tilespmem:$0x11B60]  }
0x2db: {  	v12 =	vld [tilespmem:$0x12360];
	_ =	sdelay $0x2  }
0x2dc: {  	v14 =	vadd.s32 v9, v58  }
0x2dd: {  	vm10 =	vgt.s32 v14, $0x0;
	[tilespmem:v10+s29+$0x0] =	vst.idx.msk vm9, v11  }
0x2de: {  	v26 =	vnsel vm10, $0x0, v14;
	vm11 =	vgt.s32 v13, v9;
	[tilespmem:v10+s30+$0x0] =	vst.idx.msk vm9, v12  }
0x2df: {  	v10 =	vmin.u32 v26, $0xFF;
	v11 =	vld [tilespmem:$0x11B70]  }
0x2e0: {  	v27 =	vimm.s32 $0x3;
	v12 =	vld [tilespmem:$0x12370]  }
0x2e1: {  	v28 =	vperm.xlane v2, v27;
	_ =	sdelay $0x1  }
0x2e2: {  	v29 =	vadd.s32 v1, v28;
	v13 =	vperm.xlane v0, v27  }
0x2e3: {  	vm12 =	vgt.s32 v29, $0x0;
	[tilespmem:v10+s29+$0x0] =	vst.idx.msk vm11, v11  }
0x2e4: {  	v30 =	vnsel vm12, $0x0, v29;
	vm13 =	vgt.s32 v13, v1;
	[tilespmem:v10+s30+$0x0] =	vst.idx.msk vm11, v12  }
0x2e5: {  	v10 =	vmin.u32 v30, $0xFF;
	v11 =	vld [tilespmem:$0x11B80]  }
0x2e6: {  	v12 =	vld [tilespmem:$0x12380];
	_ =	sdelay $0x2  }
0x2e7: {  	v31 =	vadd.s32 v3, v28  }
0x2e8: {  	vm14 =	vgt.s32 v31, $0x0;
	[tilespmem:v10+s29+$0x0] =	vst.idx.msk vm13, v11  }
0x2e9: {  	v32 =	vnsel vm14, $0x0, v31;
	vm15 =	vgt.s32 v13, v3;
	[tilespmem:v10+s30+$0x0] =	vst.idx.msk vm13, v12  }
0x2ea: {  	v10 =	vmin.u32 v32, $0xFF;
	v11 =	vld [tilespmem:$0x11B90]  }
0x2eb: {  	v12 =	vld [tilespmem:$0x12390];
	_ =	sdelay $0x2  }
0x2ec: {  	v33 =	vadd.s32 v4, v28  }
0x2ed: {  	vm4 =	vgt.s32 v33, $0x0;
	[tilespmem:v10+s29+$0x0] =	vst.idx.msk vm15, v11  }
0x2ee: {  	v34 =	vnsel vm4, $0x0, v33;
	vm5 =	vgt.s32 v13, v4;
	[tilespmem:v10+s30+$0x0] =	vst.idx.msk vm15, v12  }
0x2ef: {  	v10 =	vmin.u32 v34, $0xFF;
	v11 =	vld [tilespmem:$0x11BA0]  }
0x2f0: {  	v12 =	vld [tilespmem:$0x123A0];
	_ =	sdelay $0x2  }
0x2f1: {  	v35 =	vadd.s32 v5, v28  }
0x2f2: {  	vm6 =	vgt.s32 v35, $0x0;
	[tilespmem:v10+s29+$0x0] =	vst.idx.msk vm5, v11  }
0x2f3: {  	v36 =	vnsel vm6, $0x0, v35;
	vm7 =	vgt.s32 v13, v5;
	[tilespmem:v10+s30+$0x0] =	vst.idx.msk vm5, v12  }
0x2f4: {  	v10 =	vmin.u32 v36, $0xFF;
	v11 =	vld [tilespmem:$0x11BB0]  }
0x2f5: {  	v12 =	vld [tilespmem:$0x123B0];
	_ =	sdelay $0x2  }
0x2f6: {  	v37 =	vadd.s32 v6, v28  }
0x2f7: {  	vm8 =	vgt.s32 v37, $0x0;
	[tilespmem:v10+s29+$0x0] =	vst.idx.msk vm7, v11  }
0x2f8: {  	v38 =	vnsel vm8, $0x0, v37;
	vm9 =	vgt.s32 v13, v6;
	[tilespmem:v10+s30+$0x0] =	vst.idx.msk vm7, v12  }
0x2f9: {  	v10 =	vmin.u32 v38, $0xFF;
	v11 =	vld [tilespmem:$0x11BC0]  }
0x2fa: {  	v12 =	vld [tilespmem:$0x123C0];
	_ =	sdelay $0x2  }
0x2fb: {  	v39 =	vadd.s32 v7, v28  }
0x2fc: {  	vm10 =	vgt.s32 v39, $0x0;
	[tilespmem:v10+s29+$0x0] =	vst.idx.msk vm9, v11  }
0x2fd: {  	v40 =	vnsel vm10, $0x0, v39;
	vm11 =	vgt.s32 v13, v7;
	[tilespmem:v10+s30+$0x0] =	vst.idx.msk vm9, v12  }
0x2fe: {  	v10 =	vmin.u32 v40, $0xFF;
	v11 =	vld [tilespmem:$0x11BD0]  }
0x2ff: {  	v12 =	vld [tilespmem:$0x123D0];
	_ =	sdelay $0x2  }
0x300: {  	v41 =	vadd.s32 v8, v28  }
0x301: {  	vm12 =	vgt.s32 v41, $0x0;
	[tilespmem:v10+s29+$0x0] =	vst.idx.msk vm11, v11  }
0x302: {  	v42 =	vnsel vm12, $0x0, v41;
	vm13 =	vgt.s32 v13, v8;
	[tilespmem:v10+s30+$0x0] =	vst.idx.msk vm11, v12  }
0x303: {  	v10 =	vmin.u32 v42, $0xFF;
	v11 =	vld [tilespmem:$0x11BE0]  }
0x304: {  	v12 =	vld [tilespmem:$0x123E0];
	_ =	sdelay $0x2  }
0x305: {  	v14 =	vadd.s32 v9, v28  }
0x306: {  	vm14 =	vgt.s32 v14, $0x0;
	[tilespmem:v10+s29+$0x0] =	vst.idx.msk vm13, v11  }
0x307: {  	v43 =	vnsel vm14, $0x0, v14;
	vm15 =	vgt.s32 v13, v9;
	[tilespmem:v10+s30+$0x0] =	vst.idx.msk vm13, v12  }
0x308: {  	v10 =	vmin.u32 v43, $0xFF;
	v11 =	vld [tilespmem:$0x11BF0]  }
0x309: {  	v44 =	vimm.s32 $0x4;
	v12 =	vld [tilespmem:$0x123F0]  }
0x30a: {  	v45 =	vperm.xlane v2, v44;
	_ =	sdelay $0x1  }
0x30b: {  	v46 =	vadd.s32 v1, v45;
	v13 =	vperm.xlane v0, v44  }
0x30c: {  	vm4 =	vgt.s32 v46, $0x0;
	[tilespmem:v10+s29+$0x0] =	vst.idx.msk vm15, v11  }
0x30d: {  	v47 =	vnsel vm4, $0x0, v46;
	vm5 =	vgt.s32 v13, v1;
	[tilespmem:v10+s30+$0x0] =	vst.idx.msk vm15, v12  }
0x30e: {  	v10 =	vmin.u32 v47, $0xFF;
	v11 =	vld [tilespmem:$0x11C00]  }
0x30f: {  	v12 =	vld [tilespmem:$0x12400];
	_ =	sdelay $0x2  }
0x310: {  	v48 =	vadd.s32 v3, v45  }
0x311: {  	vm6 =	vgt.s32 v48, $0x0;
	[tilespmem:v10+s29+$0x0] =	vst.idx.msk vm5, v11  }
0x312: {  	v49 =	vnsel vm6, $0x0, v48;
	vm7 =	vgt.s32 v13, v3;
	[tilespmem:v10+s30+$0x0] =	vst.idx.msk vm5, v12  }
0x313: {  	v10 =	vmin.u32 v49, $0xFF;
	v11 =	vld [tilespmem:$0x11C10]  }
0x314: {  	v12 =	vld [tilespmem:$0x12410];
	_ =	sdelay $0x2  }
0x315: {  	v50 =	vadd.s32 v4, v45  }
0x316: {  	vm8 =	vgt.s32 v50, $0x0;
	[tilespmem:v10+s29+$0x0] =	vst.idx.msk vm7, v11  }
0x317: {  	v51 =	vnsel vm8, $0x0, v50;
	vm9 =	vgt.s32 v13, v4;
	[tilespmem:v10+s30+$0x0] =	vst.idx.msk vm7, v12  }
0x318: {  	v10 =	vmin.u32 v51, $0xFF;
	v11 =	vld [tilespmem:$0x11C20]  }
0x319: {  	v12 =	vld [tilespmem:$0x12420];
	_ =	sdelay $0x2  }
0x31a: {  	v52 =	vadd.s32 v5, v45  }
0x31b: {  	vm10 =	vgt.s32 v52, $0x0;
	[tilespmem:v10+s29+$0x0] =	vst.idx.msk vm9, v11  }
0x31c: {  	v53 =	vnsel vm10, $0x0, v52;
	vm11 =	vgt.s32 v13, v5;
	[tilespmem:v10+s30+$0x0] =	vst.idx.msk vm9, v12  }
0x31d: {  	v10 =	vmin.u32 v53, $0xFF;
	v11 =	vld [tilespmem:$0x11C30]  }
0x31e: {  	v12 =	vld [tilespmem:$0x12430];
	_ =	sdelay $0x2  }
0x31f: {  	v54 =	vadd.s32 v6, v45  }
0x320: {  	vm12 =	vgt.s32 v54, $0x0;
	[tilespmem:v10+s29+$0x0] =	vst.idx.msk vm11, v11  }
0x321: {  	v55 =	vnsel vm12, $0x0, v54;
	vm13 =	vgt.s32 v13, v6;
	[tilespmem:v10+s30+$0x0] =	vst.idx.msk vm11, v12  }
0x322: {  	v10 =	vmin.u32 v55, $0xFF;
	v11 =	vld [tilespmem:$0x11C40]  }
0x323: {  	v12 =	vld [tilespmem:$0x12440];
	_ =	sdelay $0x2  }
0x324: {  	v56 =	vadd.s32 v7, v45  }
0x325: {  	vm14 =	vgt.s32 v56, $0x0;
	[tilespmem:v10+s29+$0x0] =	vst.idx.msk vm13, v11  }
0x326: {  	v57 =	vnsel vm14, $0x0, v56;
	vm15 =	vgt.s32 v13, v7;
	[tilespmem:v10+s30+$0x0] =	vst.idx.msk vm13, v12  }
0x327: {  	v10 =	vmin.u32 v57, $0xFF;
	v11 =	vld [tilespmem:$0x11C50]  }
0x328: {  	v12 =	vld [tilespmem:$0x12450];
	_ =	sdelay $0x2  }
0x329: {  	v58 =	vadd.s32 v8, v45  }
0x32a: {  	vm4 =	vgt.s32 v58, $0x0;
	[tilespmem:v10+s29+$0x0] =	vst.idx.msk vm15, v11  }
0x32b: {  	v59 =	vnsel vm4, $0x0, v58;
	vm5 =	vgt.s32 v13, v8;
	[tilespmem:v10+s30+$0x0] =	vst.idx.msk vm15, v12  }
0x32c: {  	v10 =	vmin.u32 v59, $0xFF;
	v11 =	vld [tilespmem:$0x11C60]  }
0x32d: {  	v12 =	vld [tilespmem:$0x12460];
	_ =	sdelay $0x2  }
0x32e: {  	v14 =	vadd.s32 v9, v45  }
0x32f: {  	vm6 =	vgt.s32 v14, $0x0;
	[tilespmem:v10+s29+$0x0] =	vst.idx.msk vm5, v11  }
0x330: {  	v60 =	vnsel vm6, $0x0, v14;
	vm7 =	vgt.s32 v13, v9;
	[tilespmem:v10+s30+$0x0] =	vst.idx.msk vm5, v12  }
0x331: {  	v10 =	vmin.u32 v60, $0xFF;
	v11 =	vld [tilespmem:$0x11C70]  }
0x332: {  	v61 =	vimm.s32 $0x5;
	v12 =	vld [tilespmem:$0x12470]  }
0x333: {  	v62 =	vperm.xlane v2, v61;
	_ =	sdelay $0x1  }
0x334: {  	v63 =	vadd.s32 v1, v62;
	v13 =	vperm.xlane v0, v61  }
0x335: {  	vm8 =	vgt.s32 v63, $0x0;
	[tilespmem:v10+s29+$0x0] =	vst.idx.msk vm7, v11  }
0x336: {  	v18 =	vnsel vm8, $0x0, v63;
	vm9 =	vgt.s32 v13, v1;
	[tilespmem:v10+s30+$0x0] =	vst.idx.msk vm7, v12  }
0x337: {  	v10 =	vmin.u32 v18, $0xFF;
	v11 =	vld [tilespmem:$0x11C80]  }
0x338: {  	v12 =	vld [tilespmem:$0x12480];
	_ =	sdelay $0x2  }
0x339: {  	v19 =	vadd.s32 v3, v62  }
0x33a: {  	vm10 =	vgt.s32 v19, $0x0;
	[tilespmem:v10+s29+$0x0] =	vst.idx.msk vm9, v11  }
0x33b: {  	v20 =	vnsel vm10, $0x0, v19;
	vm11 =	vgt.s32 v13, v3;
	[tilespmem:v10+s30+$0x0] =	vst.idx.msk vm9, v12  }
0x33c: {  	v10 =	vmin.u32 v20, $0xFF;
	v11 =	vld [tilespmem:$0x11C90]  }
0x33d: {  	v12 =	vld [tilespmem:$0x12490];
	_ =	sdelay $0x2  }
0x33e: {  	v21 =	vadd.s32 v4, v62  }
0x33f: {  	vm12 =	vgt.s32 v21, $0x0;
	[tilespmem:v10+s29+$0x0] =	vst.idx.msk vm11, v11  }
0x340: {  	v22 =	vnsel vm12, $0x0, v21;
	vm13 =	vgt.s32 v13, v4;
	[tilespmem:v10+s30+$0x0] =	vst.idx.msk vm11, v12  }
0x341: {  	v10 =	vmin.u32 v22, $0xFF;
	v11 =	vld [tilespmem:$0x11CA0]  }
0x342: {  	v12 =	vld [tilespmem:$0x124A0];
	_ =	sdelay $0x2  }
0x343: {  	v23 =	vadd.s32 v5, v62  }
0x344: {  	vm14 =	vgt.s32 v23, $0x0;
	[tilespmem:v10+s29+$0x0] =	vst.idx.msk vm13, v11  }
0x345: {  	v24 =	vnsel vm14, $0x0, v23;
	vm15 =	vgt.s32 v13, v5;
	[tilespmem:v10+s30+$0x0] =	vst.idx.msk vm13, v12  }
0x346: {  	v10 =	vmin.u32 v24, $0xFF;
	v11 =	vld [tilespmem:$0x11CB0]  }
0x347: {  	v12 =	vld [tilespmem:$0x124B0];
	_ =	sdelay $0x2  }
0x348: {  	v25 =	vadd.s32 v6, v62  }
0x349: {  	vm4 =	vgt.s32 v25, $0x0;
	[tilespmem:v10+s29+$0x0] =	vst.idx.msk vm15, v11  }
0x34a: {  	v26 =	vnsel vm4, $0x0, v25;
	vm5 =	vgt.s32 v13, v6;
	[tilespmem:v10+s30+$0x0] =	vst.idx.msk vm15, v12  }
0x34b: {  	v10 =	vmin.u32 v26, $0xFF;
	v11 =	vld [tilespmem:$0x11CC0]  }
0x34c: {  	v12 =	vld [tilespmem:$0x124C0];
	_ =	sdelay $0x2  }
0x34d: {  	v27 =	vadd.s32 v7, v62  }
0x34e: {  	vm6 =	vgt.s32 v27, $0x0;
	[tilespmem:v10+s29+$0x0] =	vst.idx.msk vm5, v11  }
0x34f: {  	v28 =	vnsel vm6, $0x0, v27;
	vm7 =	vgt.s32 v13, v7;
	[tilespmem:v10+s30+$0x0] =	vst.idx.msk vm5, v12  }
0x350: {  	v10 =	vmin.u32 v28, $0xFF;
	v11 =	vld [tilespmem:$0x11CD0]  }
0x351: {  	v12 =	vld [tilespmem:$0x124D0];
	_ =	sdelay $0x2  }
0x352: {  	v29 =	vadd.s32 v8, v62  }
0x353: {  	vm8 =	vgt.s32 v29, $0x0;
	[tilespmem:v10+s29+$0x0] =	vst.idx.msk vm7, v11  }
0x354: {  	v30 =	vnsel vm8, $0x0, v29;
	vm9 =	vgt.s32 v13, v8;
	[tilespmem:v10+s30+$0x0] =	vst.idx.msk vm7, v12  }
0x355: {  	v10 =	vmin.u32 v30, $0xFF;
	v11 =	vld [tilespmem:$0x11CE0]  }
0x356: {  	v12 =	vld [tilespmem:$0x124E0];
	_ =	sdelay $0x2  }
0x357: {  	v14 =	vadd.s32 v9, v62  }
0x358: {  	vm10 =	vgt.s32 v14, $0x0;
	[tilespmem:v10+s29+$0x0] =	vst.idx.msk vm9, v11  }
0x359: {  	v31 =	vnsel vm10, $0x0, v14;
	vm11 =	vgt.s32 v13, v9;
	[tilespmem:v10+s30+$0x0] =	vst.idx.msk vm9, v12  }
0x35a: {  	v10 =	vmin.u32 v31, $0xFF;
	v11 =	vld [tilespmem:$0x11CF0]  }
0x35b: {  	v32 =	vimm.s32 $0x6;
	v12 =	vld [tilespmem:$0x124F0]  }
0x35c: {  	v33 =	vperm.xlane v2, v32;
	_ =	sdelay $0x1  }
0x35d: {  	v34 =	vadd.s32 v1, v33;
	v13 =	vperm.xlane v0, v32  }
0x35e: {  	vm12 =	vgt.s32 v34, $0x0;
	[tilespmem:v10+s29+$0x0] =	vst.idx.msk vm11, v11  }
0x35f: {  	v35 =	vnsel vm12, $0x0, v34;
	vm13 =	vgt.s32 v13, v1;
	[tilespmem:v10+s30+$0x0] =	vst.idx.msk vm11, v12  }
0x360: {  	v10 =	vmin.u32 v35, $0xFF;
	v11 =	vld [tilespmem:$0x11D00]  }
0x361: {  	v12 =	vld [tilespmem:$0x12500];
	_ =	sdelay $0x2  }
0x362: {  	v36 =	vadd.s32 v3, v33  }
0x363: {  	vm14 =	vgt.s32 v36, $0x0;
	[tilespmem:v10+s29+$0x0] =	vst.idx.msk vm13, v11  }
0x364: {  	v37 =	vnsel vm14, $0x0, v36;
	vm15 =	vgt.s32 v13, v3;
	[tilespmem:v10+s30+$0x0] =	vst.idx.msk vm13, v12  }
0x365: {  	v10 =	vmin.u32 v37, $0xFF;
	v11 =	vld [tilespmem:$0x11D10]  }
0x366: {  	v12 =	vld [tilespmem:$0x12510];
	_ =	sdelay $0x2  }
0x367: {  	v38 =	vadd.s32 v4, v33  }
0x368: {  	vm4 =	vgt.s32 v38, $0x0;
	[tilespmem:v10+s29+$0x0] =	vst.idx.msk vm15, v11  }
0x369: {  	v39 =	vnsel vm4, $0x0, v38;
	vm5 =	vgt.s32 v13, v4;
	[tilespmem:v10+s30+$0x0] =	vst.idx.msk vm15, v12  }
0x36a: {  	v10 =	vmin.u32 v39, $0xFF;
	v11 =	vld [tilespmem:$0x11D20]  }
0x36b: {  	v12 =	vld [tilespmem:$0x12520];
	_ =	sdelay $0x2  }
0x36c: {  	v40 =	vadd.s32 v5, v33  }
0x36d: {  	vm6 =	vgt.s32 v40, $0x0;
	[tilespmem:v10+s29+$0x0] =	vst.idx.msk vm5, v11  }
0x36e: {  	v41 =	vnsel vm6, $0x0, v40;
	vm7 =	vgt.s32 v13, v5;
	[tilespmem:v10+s30+$0x0] =	vst.idx.msk vm5, v12  }
0x36f: {  	v10 =	vmin.u32 v41, $0xFF;
	v11 =	vld [tilespmem:$0x11D30]  }
0x370: {  	v12 =	vld [tilespmem:$0x12530];
	_ =	sdelay $0x2  }
0x371: {  	v42 =	vadd.s32 v6, v33  }
0x372: {  	vm8 =	vgt.s32 v42, $0x0;
	[tilespmem:v10+s29+$0x0] =	vst.idx.msk vm7, v11  }
0x373: {  	v43 =	vnsel vm8, $0x0, v42;
	vm9 =	vgt.s32 v13, v6;
	[tilespmem:v10+s30+$0x0] =	vst.idx.msk vm7, v12  }
0x374: {  	v10 =	vmin.u32 v43, $0xFF;
	v11 =	vld [tilespmem:$0x11D40]  }
0x375: {  	v12 =	vld [tilespmem:$0x12540];
	_ =	sdelay $0x2  }
0x376: {  	v44 =	vadd.s32 v7, v33  }
0x377: {  	vm10 =	vgt.s32 v44, $0x0;
	[tilespmem:v10+s29+$0x0] =	vst.idx.msk vm9, v11  }
0x378: {  	v45 =	vnsel vm10, $0x0, v44;
	vm11 =	vgt.s32 v13, v7;
	[tilespmem:v10+s30+$0x0] =	vst.idx.msk vm9, v12  }
0x379: {  	v10 =	vmin.u32 v45, $0xFF;
	v11 =	vld [tilespmem:$0x11D50]  }
0x37a: {  	v12 =	vld [tilespmem:$0x12550];
	_ =	sdelay $0x2  }
0x37b: {  	v46 =	vadd.s32 v8, v33  }
0x37c: {  	vm12 =	vgt.s32 v46, $0x0;
	[tilespmem:v10+s29+$0x0] =	vst.idx.msk vm11, v11  }
0x37d: {  	v47 =	vnsel vm12, $0x0, v46;
	vm13 =	vgt.s32 v13, v8;
	[tilespmem:v10+s30+$0x0] =	vst.idx.msk vm11, v12  }
0x37e: {  	v10 =	vmin.u32 v47, $0xFF;
	v11 =	vld [tilespmem:$0x11D60]  }
0x37f: {  	v12 =	vld [tilespmem:$0x12560];
	_ =	sdelay $0x2  }
0x380: {  	v14 =	vadd.s32 v9, v33  }
0x381: {  	vm14 =	vgt.s32 v14, $0x0;
	[tilespmem:v10+s29+$0x0] =	vst.idx.msk vm13, v11  }
0x382: {  	v48 =	vnsel vm14, $0x0, v14;
	vm15 =	vgt.s32 v13, v9;
	[tilespmem:v10+s30+$0x0] =	vst.idx.msk vm13, v12  }
0x383: {  	v10 =	vmin.u32 v48, $0xFF;
	v11 =	vld [tilespmem:$0x11D70]  }
0x384: {  	v49 =	vimm.s32 $0x7;
	v12 =	vld [tilespmem:$0x12570]  }
0x385: {  	v50 =	vperm.xlane v2, v49;
	_ =	sdelay $0x1  }
0x386: {  	v51 =	vadd.s32 v1, v50;
	v13 =	vperm.xlane v0, v49  }
0x387: {  	vm4 =	vgt.s32 v51, $0x0;
	[tilespmem:v10+s29+$0x0] =	vst.idx.msk vm15, v11  }
0x388: {  	v52 =	vnsel vm4, $0x0, v51;
	vm5 =	vgt.s32 v13, v1;
	[tilespmem:v10+s30+$0x0] =	vst.idx.msk vm15, v12  }
0x389: {  	v10 =	vmin.u32 v52, $0xFF;
	v11 =	vld [tilespmem:$0x11D80]  }
0x38a: {  	v12 =	vld [tilespmem:$0x12580];
	_ =	sdelay $0x2  }
0x38b: {  	v53 =	vadd.s32 v3, v50  }
0x38c: {  	vm6 =	vgt.s32 v53, $0x0;
	[tilespmem:v10+s29+$0x0] =	vst.idx.msk vm5, v11  }
0x38d: {  	v54 =	vnsel vm6, $0x0, v53;
	vm7 =	vgt.s32 v13, v3;
	[tilespmem:v10+s30+$0x0] =	vst.idx.msk vm5, v12  }
0x38e: {  	v10 =	vmin.u32 v54, $0xFF;
	v11 =	vld [tilespmem:$0x11D90]  }
0x38f: {  	v12 =	vld [tilespmem:$0x12590];
	_ =	sdelay $0x2  }
0x390: {  	v55 =	vadd.s32 v4, v50  }
0x391: {  	vm8 =	vgt.s32 v55, $0x0;
	[tilespmem:v10+s29+$0x0] =	vst.idx.msk vm7, v11  }
0x392: {  	v56 =	vnsel vm8, $0x0, v55;
	vm9 =	vgt.s32 v13, v4;
	[tilespmem:v10+s30+$0x0] =	vst.idx.msk vm7, v12  }
0x393: {  	v10 =	vmin.u32 v56, $0xFF;
	v11 =	vld [tilespmem:$0x11DA0]  }
0x394: {  	v12 =	vld [tilespmem:$0x125A0];
	_ =	sdelay $0x2  }
0x395: {  	v57 =	vadd.s32 v5, v50  }
0x396: {  	vm10 =	vgt.s32 v57, $0x0;
	[tilespmem:v10+s29+$0x0] =	vst.idx.msk vm9, v11  }
0x397: {  	v58 =	vnsel vm10, $0x0, v57;
	vm11 =	vgt.s32 v13, v5;
	[tilespmem:v10+s30+$0x0] =	vst.idx.msk vm9, v12  }
0x398: {  	v10 =	vmin.u32 v58, $0xFF;
	v11 =	vld [tilespmem:$0x11DB0]  }
0x399: {  	v12 =	vld [tilespmem:$0x125B0];
	_ =	sdelay $0x2  }
0x39a: {  	v59 =	vadd.s32 v6, v50  }
0x39b: {  	vm12 =	vgt.s32 v59, $0x0;
	[tilespmem:v10+s29+$0x0] =	vst.idx.msk vm11, v11  }
0x39c: {  	v60 =	vnsel vm12, $0x0, v59;
	vm13 =	vgt.s32 v13, v6;
	[tilespmem:v10+s30+$0x0] =	vst.idx.msk vm11, v12  }
0x39d: {  	v10 =	vmin.u32 v60, $0xFF;
	v11 =	vld [tilespmem:$0x11DC0]  }
0x39e: {  	v12 =	vld [tilespmem:$0x125C0];
	_ =	sdelay $0x2  }
0x39f: {  	v61 =	vadd.s32 v7, v50  }
0x3a0: {  	vm14 =	vgt.s32 v61, $0x0;
	[tilespmem:v10+s29+$0x0] =	vst.idx.msk vm13, v11  }
0x3a1: {  	v62 =	vnsel vm14, $0x0, v61;
	vm15 =	vgt.s32 v13, v7;
	[tilespmem:v10+s30+$0x0] =	vst.idx.msk vm13, v12  }
0x3a2: {  	v10 =	vmin.u32 v62, $0xFF;
	v11 =	vld [tilespmem:$0x11DD0]  }
0x3a3: {  	v12 =	vld [tilespmem:$0x125D0];
	_ =	sdelay $0x2  }
0x3a4: {  	v63 =	vadd.s32 v8, v50  }
0x3a5: {  	vm4 =	vgt.s32 v63, $0x0;
	[tilespmem:v10+s29+$0x0] =	vst.idx.msk vm15, v11  }
0x3a6: {  	v17 =	vnsel vm4, $0x0, v63;
	vm5 =	vgt.s32 v13, v8;
	[tilespmem:v10+s30+$0x0] =	vst.idx.msk vm15, v12  }
0x3a7: {  	v10 =	vmin.u32 v17, $0xFF;
	v11 =	vld [tilespmem:$0x11DE0]  }
0x3a8: {  	v12 =	vld [tilespmem:$0x125E0];
	_ =	sdelay $0x2  }
0x3a9: {  	v14 =	vadd.s32 v9, v50  }
0x3aa: {  	vm6 =	vgt.s32 v14, $0x0;
	[tilespmem:v10+s29+$0x0] =	vst.idx.msk vm5, v11  }
0x3ab: {  	v18 =	vnsel vm6, $0x0, v14;
	vm7 =	vgt.s32 v13, v9;
	[tilespmem:v10+s30+$0x0] =	vst.idx.msk vm5, v12  }
0x3ac: {  	v10 =	vmin.u32 v18, $0xFF;
	v11 =	vld [tilespmem:$0x11DF0]  }
0x3ad: {  	v19 =	vimm.s32 $0x8;
	v12 =	vld [tilespmem:$0x125F0]  }
0x3ae: {  	v20 =	vperm.xlane v2, v19;
	_ =	sdelay $0x1  }
0x3af: {  	v21 =	vadd.s32 v1, v20;
	v13 =	vperm.xlane v0, v19  }
0x3b0: {  	vm8 =	vgt.s32 v21, $0x0;
	[tilespmem:v10+s29+$0x0] =	vst.idx.msk vm7, v11  }
0x3b1: {  	v22 =	vnsel vm8, $0x0, v21;
	vm9 =	vgt.s32 v13, v1;
	[tilespmem:v10+s30+$0x0] =	vst.idx.msk vm7, v12  }
0x3b2: {  	v10 =	vmin.u32 v22, $0xFF;
	v11 =	vld [tilespmem:$0x11E00]  }
0x3b3: {  	v12 =	vld [tilespmem:$0x12A00];
	_ =	sdelay $0x2  }
0x3b4: {  	v23 =	vadd.s32 v3, v20  }
0x3b5: {  	vm10 =	vgt.s32 v23, $0x0;
	[tilespmem:v10+s29+$0x0] =	vst.idx.msk vm9, v11  }
0x3b6: {  	v24 =	vnsel vm10, $0x0, v23;
	vm11 =	vgt.s32 v13, v3;
	[tilespmem:v10+s30+$0x0] =	vst.idx.msk vm9, v12  }
0x3b7: {  	v10 =	vmin.u32 v24, $0xFF;
	v11 =	vld [tilespmem:$0x11E10]  }
0x3b8: {  	v12 =	vld [tilespmem:$0x12A10];
	_ =	sdelay $0x2  }
0x3b9: {  	v25 =	vadd.s32 v4, v20  }
0x3ba: {  	vm12 =	vgt.s32 v25, $0x0;
	[tilespmem:v10+s29+$0x0] =	vst.idx.msk vm11, v11  }
0x3bb: {  	v26 =	vnsel vm12, $0x0, v25;
	vm13 =	vgt.s32 v13, v4;
	[tilespmem:v10+s30+$0x0] =	vst.idx.msk vm11, v12  }
0x3bc: {  	v10 =	vmin.u32 v26, $0xFF;
	v11 =	vld [tilespmem:$0x11E20]  }
0x3bd: {  	v12 =	vld [tilespmem:$0x12A20];
	_ =	sdelay $0x2  }
0x3be: {  	v27 =	vadd.s32 v5, v20  }
0x3bf: {  	vm14 =	vgt.s32 v27, $0x0;
	[tilespmem:v10+s29+$0x0] =	vst.idx.msk vm13, v11  }
0x3c0: {  	v28 =	vnsel vm14, $0x0, v27;
	vm15 =	vgt.s32 v13, v5;
	[tilespmem:v10+s30+$0x0] =	vst.idx.msk vm13, v12  }
0x3c1: {  	v10 =	vmin.u32 v28, $0xFF;
	v11 =	vld [tilespmem:$0x11E30]  }
0x3c2: {  	v12 =	vld [tilespmem:$0x12A30];
	_ =	sdelay $0x2  }
0x3c3: {  	v29 =	vadd.s32 v6, v20  }
0x3c4: {  	vm4 =	vgt.s32 v29, $0x0;
	[tilespmem:v10+s29+$0x0] =	vst.idx.msk vm15, v11  }
0x3c5: {  	v30 =	vnsel vm4, $0x0, v29;
	vm5 =	vgt.s32 v13, v6;
	[tilespmem:v10+s30+$0x0] =	vst.idx.msk vm15, v12  }
0x3c6: {  	v10 =	vmin.u32 v30, $0xFF;
	v11 =	vld [tilespmem:$0x11E40]  }
0x3c7: {  	v12 =	vld [tilespmem:$0x12A40];
	_ =	sdelay $0x2  }
0x3c8: {  	v31 =	vadd.s32 v7, v20  }
0x3c9: {  	vm6 =	vgt.s32 v31, $0x0;
	[tilespmem:v10+s29+$0x0] =	vst.idx.msk vm5, v11  }
0x3ca: {  	v32 =	vnsel vm6, $0x0, v31;
	vm7 =	vgt.s32 v13, v7;
	[tilespmem:v10+s30+$0x0] =	vst.idx.msk vm5, v12  }
0x3cb: {  	v10 =	vmin.u32 v32, $0xFF;
	v11 =	vld [tilespmem:$0x11E50]  }
0x3cc: {  	v12 =	vld [tilespmem:$0x12A50];
	_ =	sdelay $0x2  }
0x3cd: {  	v33 =	vadd.s32 v8, v20  }
0x3ce: {  	vm8 =	vgt.s32 v33, $0x0;
	[tilespmem:v10+s29+$0x0] =	vst.idx.msk vm7, v11  }
0x3cf: {  	v34 =	vnsel vm8, $0x0, v33;
	vm9 =	vgt.s32 v13, v8;
	[tilespmem:v10+s30+$0x0] =	vst.idx.msk vm7, v12  }
0x3d0: {  	v10 =	vmin.u32 v34, $0xFF;
	v11 =	vld [tilespmem:$0x11E60]  }
0x3d1: {  	v12 =	vld [tilespmem:$0x12A60];
	_ =	sdelay $0x2  }
0x3d2: {  	v14 =	vadd.s32 v9, v20  }
0x3d3: {  	vm10 =	vgt.s32 v14, $0x0;
	[tilespmem:v10+s29+$0x0] =	vst.idx.msk vm9, v11  }
0x3d4: {  	v35 =	vnsel vm10, $0x0, v14;
	vm11 =	vgt.s32 v13, v9;
	[tilespmem:v10+s30+$0x0] =	vst.idx.msk vm9, v12  }
0x3d5: {  	v10 =	vmin.u32 v35, $0xFF;
	v11 =	vld [tilespmem:$0x11E70]  }
0x3d6: {  	v36 =	vimm.s32 $0x9;
	v12 =	vld [tilespmem:$0x12A70]  }
0x3d7: {  	v37 =	vperm.xlane v2, v36;
	_ =	sdelay $0x1  }
0x3d8: {  	v38 =	vadd.s32 v1, v37;
	v13 =	vperm.xlane v0, v36  }
0x3d9: {  	vm12 =	vgt.s32 v38, $0x0;
	[tilespmem:v10+s29+$0x0] =	vst.idx.msk vm11, v11  }
0x3da: {  	v39 =	vnsel vm12, $0x0, v38;
	vm13 =	vgt.s32 v13, v1;
	[tilespmem:v10+s30+$0x0] =	vst.idx.msk vm11, v12  }
0x3db: {  	v10 =	vmin.u32 v39, $0xFF;
	v11 =	vld [tilespmem:$0x11E80]  }
0x3dc: {  	v12 =	vld [tilespmem:$0x12A80];
	_ =	sdelay $0x2  }
0x3dd: {  	v40 =	vadd.s32 v3, v37  }
0x3de: {  	vm14 =	vgt.s32 v40, $0x0;
	[tilespmem:v10+s29+$0x0] =	vst.idx.msk vm13, v11  }
0x3df: {  	v41 =	vnsel vm14, $0x0, v40;
	vm15 =	vgt.s32 v13, v3;
	[tilespmem:v10+s30+$0x0] =	vst.idx.msk vm13, v12  }
0x3e0: {  	v10 =	vmin.u32 v41, $0xFF;
	v11 =	vld [tilespmem:$0x11E90]  }
0x3e1: {  	v12 =	vld [tilespmem:$0x12A90];
	_ =	sdelay $0x2  }
0x3e2: {  	v42 =	vadd.s32 v4, v37  }
0x3e3: {  	vm4 =	vgt.s32 v42, $0x0;
	[tilespmem:v10+s29+$0x0] =	vst.idx.msk vm15, v11  }
0x3e4: {  	v43 =	vnsel vm4, $0x0, v42;
	vm5 =	vgt.s32 v13, v4;
	[tilespmem:v10+s30+$0x0] =	vst.idx.msk vm15, v12  }
0x3e5: {  	v10 =	vmin.u32 v43, $0xFF;
	v11 =	vld [tilespmem:$0x11EA0]  }
0x3e6: {  	v12 =	vld [tilespmem:$0x12AA0];
	_ =	sdelay $0x2  }
0x3e7: {  	v44 =	vadd.s32 v5, v37  }
0x3e8: {  	vm6 =	vgt.s32 v44, $0x0;
	[tilespmem:v10+s29+$0x0] =	vst.idx.msk vm5, v11  }
0x3e9: {  	v45 =	vnsel vm6, $0x0, v44;
	vm7 =	vgt.s32 v13, v5;
	[tilespmem:v10+s30+$0x0] =	vst.idx.msk vm5, v12  }
0x3ea: {  	v10 =	vmin.u32 v45, $0xFF;
	v11 =	vld [tilespmem:$0x11EB0]  }
0x3eb: {  	v12 =	vld [tilespmem:$0x12AB0];
	_ =	sdelay $0x2  }
0x3ec: {  	v46 =	vadd.s32 v6, v37  }
0x3ed: {  	vm8 =	vgt.s32 v46, $0x0;
	[tilespmem:v10+s29+$0x0] =	vst.idx.msk vm7, v11  }
0x3ee: {  	v47 =	vnsel vm8, $0x0, v46;
	vm9 =	vgt.s32 v13, v6;
	[tilespmem:v10+s30+$0x0] =	vst.idx.msk vm7, v12  }
0x3ef: {  	v10 =	vmin.u32 v47, $0xFF;
	v11 =	vld [tilespmem:$0x11EC0]  }
0x3f0: {  	v12 =	vld [tilespmem:$0x12AC0];
	_ =	sdelay $0x2  }
0x3f1: {  	v48 =	vadd.s32 v7, v37  }
0x3f2: {  	vm10 =	vgt.s32 v48, $0x0;
	[tilespmem:v10+s29+$0x0] =	vst.idx.msk vm9, v11  }
0x3f3: {  	v49 =	vnsel vm10, $0x0, v48;
	vm11 =	vgt.s32 v13, v7;
	[tilespmem:v10+s30+$0x0] =	vst.idx.msk vm9, v12  }
0x3f4: {  	v10 =	vmin.u32 v49, $0xFF;
	v11 =	vld [tilespmem:$0x11ED0]  }
0x3f5: {  	v12 =	vld [tilespmem:$0x12AD0];
	_ =	sdelay $0x2  }
0x3f6: {  	v50 =	vadd.s32 v8, v37  }
0x3f7: {  	vm12 =	vgt.s32 v50, $0x0;
	[tilespmem:v10+s29+$0x0] =	vst.idx.msk vm11, v11  }
0x3f8: {  	v51 =	vnsel vm12, $0x0, v50;
	vm13 =	vgt.s32 v13, v8;
	[tilespmem:v10+s30+$0x0] =	vst.idx.msk vm11, v12  }
0x3f9: {  	v10 =	vmin.u32 v51, $0xFF;
	v11 =	vld [tilespmem:$0x11EE0]  }
0x3fa: {  	v12 =	vld [tilespmem:$0x12AE0];
	_ =	sdelay $0x2  }
0x3fb: {  	v14 =	vadd.s32 v9, v37  }
0x3fc: {  	vm14 =	vgt.s32 v14, $0x0;
	[tilespmem:v10+s29+$0x0] =	vst.idx.msk vm13, v11  }
0x3fd: {  	v52 =	vnsel vm14, $0x0, v14;
	vm15 =	vgt.s32 v13, v9;
	[tilespmem:v10+s30+$0x0] =	vst.idx.msk vm13, v12  }
0x3fe: {  	v10 =	vmin.u32 v52, $0xFF;
	v11 =	vld [tilespmem:$0x11EF0]  }
0x3ff: {  	v53 =	vimm.s32 $0xA;
	v12 =	vld [tilespmem:$0x12AF0]  }
0x400: {  	v54 =	vperm.xlane v2, v53;
	_ =	sdelay $0x1  }
0x401: {  	v55 =	vadd.s32 v1, v54;
	v13 =	vperm.xlane v0, v53  }
0x402: {  	vm4 =	vgt.s32 v55, $0x0;
	[tilespmem:v10+s29+$0x0] =	vst.idx.msk vm15, v11  }
0x403: {  	v56 =	vnsel vm4, $0x0, v55;
	vm5 =	vgt.s32 v13, v1;
	[tilespmem:v10+s30+$0x0] =	vst.idx.msk vm15, v12  }
0x404: {  	v10 =	vmin.u32 v56, $0xFF;
	v11 =	vld [tilespmem:$0x11F00]  }
0x405: {  	v12 =	vld [tilespmem:$0x12B00];
	_ =	sdelay $0x2  }
0x406: {  	v57 =	vadd.s32 v3, v54  }
0x407: {  	vm6 =	vgt.s32 v57, $0x0;
	[tilespmem:v10+s29+$0x0] =	vst.idx.msk vm5, v11  }
0x408: {  	v58 =	vnsel vm6, $0x0, v57;
	vm7 =	vgt.s32 v13, v3;
	[tilespmem:v10+s30+$0x0] =	vst.idx.msk vm5, v12  }
0x409: {  	v10 =	vmin.u32 v58, $0xFF;
	v11 =	vld [tilespmem:$0x11F10]  }
0x40a: {  	v12 =	vld [tilespmem:$0x12B10];
	_ =	sdelay $0x2  }
0x40b: {  	v59 =	vadd.s32 v4, v54  }
0x40c: {  	vm8 =	vgt.s32 v59, $0x0;
	[tilespmem:v10+s29+$0x0] =	vst.idx.msk vm7, v11  }
0x40d: {  	v60 =	vnsel vm8, $0x0, v59;
	vm9 =	vgt.s32 v13, v4;
	[tilespmem:v10+s30+$0x0] =	vst.idx.msk vm7, v12  }
0x40e: {  	v10 =	vmin.u32 v60, $0xFF;
	v11 =	vld [tilespmem:$0x11F20]  }
0x40f: {  	v12 =	vld [tilespmem:$0x12B20];
	_ =	sdelay $0x2  }
0x410: {  	v61 =	vadd.s32 v5, v54  }
0x411: {  	vm10 =	vgt.s32 v61, $0x0;
	[tilespmem:v10+s29+$0x0] =	vst.idx.msk vm9, v11  }
0x412: {  	v62 =	vnsel vm10, $0x0, v61;
	vm11 =	vgt.s32 v13, v5;
	[tilespmem:v10+s30+$0x0] =	vst.idx.msk vm9, v12  }
0x413: {  	v10 =	vmin.u32 v62, $0xFF;
	v11 =	vld [tilespmem:$0x11F30]  }
0x414: {  	v12 =	vld [tilespmem:$0x12B30];
	_ =	sdelay $0x2  }
0x415: {  	v63 =	vadd.s32 v6, v54  }
0x416: {  	vm12 =	vgt.s32 v63, $0x0;
	[tilespmem:v10+s29+$0x0] =	vst.idx.msk vm11, v11  }
0x417: {  	v17 =	vnsel vm12, $0x0, v63;
	vm13 =	vgt.s32 v13, v6;
	[tilespmem:v10+s30+$0x0] =	vst.idx.msk vm11, v12  }
0x418: {  	v10 =	vmin.u32 v17, $0xFF;
	v11 =	vld [tilespmem:$0x11F40]  }
0x419: {  	v12 =	vld [tilespmem:$0x12B40];
	_ =	sdelay $0x2  }
0x41a: {  	v18 =	vadd.s32 v7, v54  }
0x41b: {  	vm14 =	vgt.s32 v18, $0x0;
	[tilespmem:v10+s29+$0x0] =	vst.idx.msk vm13, v11  }
0x41c: {  	v19 =	vnsel vm14, $0x0, v18;
	vm15 =	vgt.s32 v13, v7;
	[tilespmem:v10+s30+$0x0] =	vst.idx.msk vm13, v12  }
0x41d: {  	v10 =	vmin.u32 v19, $0xFF;
	v11 =	vld [tilespmem:$0x11F50]  }
0x41e: {  	v12 =	vld [tilespmem:$0x12B50];
	_ =	sdelay $0x2  }
0x41f: {  	v20 =	vadd.s32 v8, v54  }
0x420: {  	vm4 =	vgt.s32 v20, $0x0;
	[tilespmem:v10+s29+$0x0] =	vst.idx.msk vm15, v11  }
0x421: {  	v21 =	vnsel vm4, $0x0, v20;
	vm5 =	vgt.s32 v13, v8;
	[tilespmem:v10+s30+$0x0] =	vst.idx.msk vm15, v12  }
0x422: {  	v10 =	vmin.u32 v21, $0xFF;
	v11 =	vld [tilespmem:$0x11F60]  }
0x423: {  	v12 =	vld [tilespmem:$0x12B60];
	_ =	sdelay $0x2  }
0x424: {  	v14 =	vadd.s32 v9, v54  }
0x425: {  	vm6 =	vgt.s32 v14, $0x0;
	[tilespmem:v10+s29+$0x0] =	vst.idx.msk vm5, v11  }
0x426: {  	v22 =	vnsel vm6, $0x0, v14;
	vm7 =	vgt.s32 v13, v9;
	[tilespmem:v10+s30+$0x0] =	vst.idx.msk vm5, v12  }
0x427: {  	v10 =	vmin.u32 v22, $0xFF;
	v11 =	vld [tilespmem:$0x11F70]  }
0x428: {  	v23 =	vimm.s32 $0xB;
	v12 =	vld [tilespmem:$0x12B70]  }
0x429: {  	v24 =	vperm.xlane v2, v23;
	_ =	sdelay $0x1  }
0x42a: {  	v25 =	vadd.s32 v1, v24;
	v13 =	vperm.xlane v0, v23  }
0x42b: {  	vm8 =	vgt.s32 v25, $0x0;
	[tilespmem:v10+s29+$0x0] =	vst.idx.msk vm7, v11  }
0x42c: {  	v26 =	vnsel vm8, $0x0, v25;
	vm9 =	vgt.s32 v13, v1;
	[tilespmem:v10+s30+$0x0] =	vst.idx.msk vm7, v12  }
0x42d: {  	v10 =	vmin.u32 v26, $0xFF;
	v11 =	vld [tilespmem:$0x11F80]  }
0x42e: {  	v12 =	vld [tilespmem:$0x12B80];
	_ =	sdelay $0x2  }
0x42f: {  	v27 =	vadd.s32 v3, v24  }
0x430: {  	vm10 =	vgt.s32 v27, $0x0;
	[tilespmem:v10+s29+$0x0] =	vst.idx.msk vm9, v11  }
0x431: {  	v28 =	vnsel vm10, $0x0, v27;
	vm11 =	vgt.s32 v13, v3;
	[tilespmem:v10+s30+$0x0] =	vst.idx.msk vm9, v12  }
0x432: {  	v10 =	vmin.u32 v28, $0xFF;
	v11 =	vld [tilespmem:$0x11F90]  }
0x433: {  	v12 =	vld [tilespmem:$0x12B90];
	_ =	sdelay $0x2  }
0x434: {  	v29 =	vadd.s32 v4, v24  }
0x435: {  	vm12 =	vgt.s32 v29, $0x0;
	[tilespmem:v10+s29+$0x0] =	vst.idx.msk vm11, v11  }
0x436: {  	v30 =	vnsel vm12, $0x0, v29;
	vm13 =	vgt.s32 v13, v4;
	[tilespmem:v10+s30+$0x0] =	vst.idx.msk vm11, v12  }
0x437: {  	v10 =	vmin.u32 v30, $0xFF;
	v11 =	vld [tilespmem:$0x11FA0]  }
0x438: {  	v12 =	vld [tilespmem:$0x12BA0];
	_ =	sdelay $0x2  }
0x439: {  	v31 =	vadd.s32 v5, v24  }
0x43a: {  	vm14 =	vgt.s32 v31, $0x0;
	[tilespmem:v10+s29+$0x0] =	vst.idx.msk vm13, v11  }
0x43b: {  	v32 =	vnsel vm14, $0x0, v31;
	vm15 =	vgt.s32 v13, v5;
	[tilespmem:v10+s30+$0x0] =	vst.idx.msk vm13, v12  }
0x43c: {  	v10 =	vmin.u32 v32, $0xFF;
	v11 =	vld [tilespmem:$0x11FB0]  }
0x43d: {  	v12 =	vld [tilespmem:$0x12BB0];
	_ =	sdelay $0x2  }
0x43e: {  	v33 =	vadd.s32 v6, v24  }
0x43f: {  	vm4 =	vgt.s32 v33, $0x0;
	[tilespmem:v10+s29+$0x0] =	vst.idx.msk vm15, v11  }
0x440: {  	v34 =	vnsel vm4, $0x0, v33;
	vm5 =	vgt.s32 v13, v6;
	[tilespmem:v10+s30+$0x0] =	vst.idx.msk vm15, v12  }
0x441: {  	v10 =	vmin.u32 v34, $0xFF;
	v11 =	vld [tilespmem:$0x11FC0]  }
0x442: {  	v12 =	vld [tilespmem:$0x12BC0];
	_ =	sdelay $0x2  }
0x443: {  	v35 =	vadd.s32 v7, v24  }
0x444: {  	vm6 =	vgt.s32 v35, $0x0;
	[tilespmem:v10+s29+$0x0] =	vst.idx.msk vm5, v11  }
0x445: {  	v36 =	vnsel vm6, $0x0, v35;
	vm7 =	vgt.s32 v13, v7;
	[tilespmem:v10+s30+$0x0] =	vst.idx.msk vm5, v12  }
0x446: {  	v10 =	vmin.u32 v36, $0xFF;
	v11 =	vld [tilespmem:$0x11FD0]  }
0x447: {  	v12 =	vld [tilespmem:$0x12BD0];
	_ =	sdelay $0x2  }
0x448: {  	v37 =	vadd.s32 v8, v24  }
0x449: {  	vm8 =	vgt.s32 v37, $0x0;
	[tilespmem:v10+s29+$0x0] =	vst.idx.msk vm7, v11  }
0x44a: {  	v38 =	vnsel vm8, $0x0, v37;
	vm9 =	vgt.s32 v13, v8;
	[tilespmem:v10+s30+$0x0] =	vst.idx.msk vm7, v12  }
0x44b: {  	v10 =	vmin.u32 v38, $0xFF;
	v11 =	vld [tilespmem:$0x11FE0]  }
0x44c: {  	v12 =	vld [tilespmem:$0x12BE0];
	_ =	sdelay $0x2  }
0x44d: {  	v14 =	vadd.s32 v9, v24  }
0x44e: {  	vm10 =	vgt.s32 v14, $0x0;
	[tilespmem:v10+s29+$0x0] =	vst.idx.msk vm9, v11  }
0x44f: {  	v39 =	vnsel vm10, $0x0, v14;
	vm11 =	vgt.s32 v13, v9;
	[tilespmem:v10+s30+$0x0] =	vst.idx.msk vm9, v12  }
0x450: {  	v10 =	vmin.u32 v39, $0xFF;
	v11 =	vld [tilespmem:$0x11FF0]  }
0x451: {  	v40 =	vimm.s32 $0xC;
	v12 =	vld [tilespmem:$0x12BF0]  }
0x452: {  	v41 =	vperm.xlane v2, v40;
	_ =	sdelay $0x1  }
0x453: {  	v42 =	vadd.s32 v1, v41;
	v13 =	vperm.xlane v0, v40  }
0x454: {  	vm12 =	vgt.s32 v42, $0x0;
	[tilespmem:v10+s29+$0x0] =	vst.idx.msk vm11, v11  }
0x455: {  	v43 =	vnsel vm12, $0x0, v42;
	vm13 =	vgt.s32 v13, v1;
	[tilespmem:v10+s30+$0x0] =	vst.idx.msk vm11, v12  }
0x456: {  	v10 =	vmin.u32 v43, $0xFF;
	v11 =	vld [tilespmem:$0x12000]  }
0x457: {  	v12 =	vld [tilespmem:$0x12C00];
	_ =	sdelay $0x2  }
0x458: {  	v44 =	vadd.s32 v3, v41  }
0x459: {  	vm14 =	vgt.s32 v44, $0x0;
	[tilespmem:v10+s29+$0x0] =	vst.idx.msk vm13, v11  }
0x45a: {  	v45 =	vnsel vm14, $0x0, v44;
	vm15 =	vgt.s32 v13, v3;
	[tilespmem:v10+s30+$0x0] =	vst.idx.msk vm13, v12  }
0x45b: {  	v10 =	vmin.u32 v45, $0xFF;
	v11 =	vld [tilespmem:$0x12010]  }
0x45c: {  	v12 =	vld [tilespmem:$0x12C10];
	_ =	sdelay $0x2  }
0x45d: {  	v46 =	vadd.s32 v4, v41  }
0x45e: {  	vm4 =	vgt.s32 v46, $0x0;
	[tilespmem:v10+s29+$0x0] =	vst.idx.msk vm15, v11  }
0x45f: {  	v47 =	vnsel vm4, $0x0, v46;
	vm5 =	vgt.s32 v13, v4;
	[tilespmem:v10+s30+$0x0] =	vst.idx.msk vm15, v12  }
0x460: {  	v10 =	vmin.u32 v47, $0xFF;
	v11 =	vld [tilespmem:$0x12020]  }
0x461: {  	v12 =	vld [tilespmem:$0x12C20];
	_ =	sdelay $0x2  }
0x462: {  	v48 =	vadd.s32 v5, v41  }
0x463: {  	vm6 =	vgt.s32 v48, $0x0;
	[tilespmem:v10+s29+$0x0] =	vst.idx.msk vm5, v11  }
0x464: {  	v49 =	vnsel vm6, $0x0, v48;
	vm7 =	vgt.s32 v13, v5;
	[tilespmem:v10+s30+$0x0] =	vst.idx.msk vm5, v12  }
0x465: {  	v10 =	vmin.u32 v49, $0xFF;
	v11 =	vld [tilespmem:$0x12030]  }
0x466: {  	v12 =	vld [tilespmem:$0x12C30];
	_ =	sdelay $0x2  }
0x467: {  	v50 =	vadd.s32 v6, v41  }
0x468: {  	vm8 =	vgt.s32 v50, $0x0;
	[tilespmem:v10+s29+$0x0] =	vst.idx.msk vm7, v11  }
0x469: {  	v51 =	vnsel vm8, $0x0, v50;
	vm9 =	vgt.s32 v13, v6;
	[tilespmem:v10+s30+$0x0] =	vst.idx.msk vm7, v12  }
0x46a: {  	v10 =	vmin.u32 v51, $0xFF;
	v11 =	vld [tilespmem:$0x12040]  }
0x46b: {  	v12 =	vld [tilespmem:$0x12C40];
	_ =	sdelay $0x2  }
0x46c: {  	v52 =	vadd.s32 v7, v41  }
0x46d: {  	vm10 =	vgt.s32 v52, $0x0;
	[tilespmem:v10+s29+$0x0] =	vst.idx.msk vm9, v11  }
0x46e: {  	v53 =	vnsel vm10, $0x0, v52;
	vm11 =	vgt.s32 v13, v7;
	[tilespmem:v10+s30+$0x0] =	vst.idx.msk vm9, v12  }
0x46f: {  	v10 =	vmin.u32 v53, $0xFF;
	v11 =	vld [tilespmem:$0x12050]  }
0x470: {  	v12 =	vld [tilespmem:$0x12C50];
	_ =	sdelay $0x2  }
0x471: {  	v54 =	vadd.s32 v8, v41  }
0x472: {  	vm12 =	vgt.s32 v54, $0x0;
	[tilespmem:v10+s29+$0x0] =	vst.idx.msk vm11, v11  }
0x473: {  	v55 =	vnsel vm12, $0x0, v54;
	vm13 =	vgt.s32 v13, v8;
	[tilespmem:v10+s30+$0x0] =	vst.idx.msk vm11, v12  }
0x474: {  	v10 =	vmin.u32 v55, $0xFF;
	v11 =	vld [tilespmem:$0x12060]  }
0x475: {  	v12 =	vld [tilespmem:$0x12C60];
	_ =	sdelay $0x2  }
0x476: {  	v14 =	vadd.s32 v9, v41  }
0x477: {  	vm14 =	vgt.s32 v14, $0x0;
	[tilespmem:v10+s29+$0x0] =	vst.idx.msk vm13, v11  }
0x478: {  	v56 =	vnsel vm14, $0x0, v14;
	vm15 =	vgt.s32 v13, v9;
	[tilespmem:v10+s30+$0x0] =	vst.idx.msk vm13, v12  }
0x479: {  	v10 =	vmin.u32 v56, $0xFF;
	v11 =	vld [tilespmem:$0x12070]  }
0x47a: {  	v57 =	vimm.s32 $0xD;
	v12 =	vld [tilespmem:$0x12C70]  }
0x47b: {  	v58 =	vperm.xlane v2, v57;
	_ =	sdelay $0x1  }
0x47c: {  	v59 =	vadd.s32 v1, v58;
	v13 =	vperm.xlane v0, v57  }
0x47d: {  	vm4 =	vgt.s32 v59, $0x0;
	[tilespmem:v10+s29+$0x0] =	vst.idx.msk vm15, v11  }
0x47e: {  	v60 =	vnsel vm4, $0x0, v59;
	vm5 =	vgt.s32 v13, v1;
	[tilespmem:v10+s30+$0x0] =	vst.idx.msk vm15, v12  }
0x47f: {  	v10 =	vmin.u32 v60, $0xFF;
	v11 =	vld [tilespmem:$0x12080]  }
0x480: {  	v12 =	vld [tilespmem:$0x12C80];
	_ =	sdelay $0x2  }
0x481: {  	v61 =	vadd.s32 v3, v58  }
0x482: {  	vm6 =	vgt.s32 v61, $0x0;
	[tilespmem:v10+s29+$0x0] =	vst.idx.msk vm5, v11  }
0x483: {  	v62 =	vnsel vm6, $0x0, v61;
	vm7 =	vgt.s32 v13, v3;
	[tilespmem:v10+s30+$0x0] =	vst.idx.msk vm5, v12  }
0x484: {  	v10 =	vmin.u32 v62, $0xFF;
	v11 =	vld [tilespmem:$0x12090]  }
0x485: {  	v12 =	vld [tilespmem:$0x12C90];
	_ =	sdelay $0x2  }
0x486: {  	v63 =	vadd.s32 v4, v58  }
0x487: {  	vm8 =	vgt.s32 v63, $0x0;
	[tilespmem:v10+s29+$0x0] =	vst.idx.msk vm7, v11  }
0x488: {  	v18 =	vnsel vm8, $0x0, v63;
	vm9 =	vgt.s32 v13, v4;
	[tilespmem:v10+s30+$0x0] =	vst.idx.msk vm7, v12  }
0x489: {  	v10 =	vmin.u32 v18, $0xFF;
	v11 =	vld [tilespmem:$0x120A0]  }
0x48a: {  	v12 =	vld [tilespmem:$0x12CA0];
	_ =	sdelay $0x2  }
0x48b: {  	v19 =	vadd.s32 v5, v58  }
0x48c: {  	vm10 =	vgt.s32 v19, $0x0;
	[tilespmem:v10+s29+$0x0] =	vst.idx.msk vm9, v11  }
0x48d: {  	v20 =	vnsel vm10, $0x0, v19;
	vm11 =	vgt.s32 v13, v5;
	[tilespmem:v10+s30+$0x0] =	vst.idx.msk vm9, v12  }
0x48e: {  	v10 =	vmin.u32 v20, $0xFF;
	v11 =	vld [tilespmem:$0x120B0]  }
0x48f: {  	v12 =	vld [tilespmem:$0x12CB0];
	_ =	sdelay $0x2  }
0x490: {  	v21 =	vadd.s32 v6, v58  }
0x491: {  	vm12 =	vgt.s32 v21, $0x0;
	[tilespmem:v10+s29+$0x0] =	vst.idx.msk vm11, v11  }
0x492: {  	v22 =	vnsel vm12, $0x0, v21;
	vm13 =	vgt.s32 v13, v6;
	[tilespmem:v10+s30+$0x0] =	vst.idx.msk vm11, v12  }
0x493: {  	v10 =	vmin.u32 v22, $0xFF;
	v11 =	vld [tilespmem:$0x120C0]  }
0x494: {  	v12 =	vld [tilespmem:$0x12CC0];
	_ =	sdelay $0x2  }
0x495: {  	v23 =	vadd.s32 v7, v58  }
0x496: {  	vm14 =	vgt.s32 v23, $0x0;
	[tilespmem:v10+s29+$0x0] =	vst.idx.msk vm13, v11  }
0x497: {  	v24 =	vnsel vm14, $0x0, v23;
	vm15 =	vgt.s32 v13, v7;
	[tilespmem:v10+s30+$0x0] =	vst.idx.msk vm13, v12  }
0x498: {  	v10 =	vmin.u32 v24, $0xFF;
	v11 =	vld [tilespmem:$0x120D0]  }
0x499: {  	v12 =	vld [tilespmem:$0x12CD0];
	_ =	sdelay $0x2  }
0x49a: {  	v25 =	vadd.s32 v8, v58  }
0x49b: {  	vm4 =	vgt.s32 v25, $0x0;
	[tilespmem:v10+s29+$0x0] =	vst.idx.msk vm15, v11  }
0x49c: {  	v26 =	vnsel vm4, $0x0, v25;
	vm5 =	vgt.s32 v13, v8;
	[tilespmem:v10+s30+$0x0] =	vst.idx.msk vm15, v12  }
0x49d: {  	v10 =	vmin.u32 v26, $0xFF;
	v11 =	vld [tilespmem:$0x120E0]  }
0x49e: {  	v12 =	vld [tilespmem:$0x12CE0];
	_ =	sdelay $0x2  }
0x49f: {  	v14 =	vadd.s32 v9, v58  }
0x4a0: {  	vm6 =	vgt.s32 v14, $0x0;
	[tilespmem:v10+s29+$0x0] =	vst.idx.msk vm5, v11  }
0x4a1: {  	v27 =	vnsel vm6, $0x0, v14;
	vm7 =	vgt.s32 v13, v9;
	[tilespmem:v10+s30+$0x0] =	vst.idx.msk vm5, v12  }
0x4a2: {  	v10 =	vmin.u32 v27, $0xFF;
	v11 =	vld [tilespmem:$0x120F0]  }
0x4a3: {  	v28 =	vimm.s32 $0xE;
	v12 =	vld [tilespmem:$0x12CF0]  }
0x4a4: {  	v29 =	vperm.xlane v2, v28;
	_ =	sdelay $0x1  }
0x4a5: {  	v30 =	vadd.s32 v1, v29;
	v13 =	vperm.xlane v0, v28  }
0x4a6: {  	vm8 =	vgt.s32 v30, $0x0;
	[tilespmem:v10+s29+$0x0] =	vst.idx.msk vm7, v11  }
0x4a7: {  	v31 =	vnsel vm8, $0x0, v30;
	vm9 =	vgt.s32 v13, v1;
	[tilespmem:v10+s30+$0x0] =	vst.idx.msk vm7, v12  }
0x4a8: {  	v10 =	vmin.u32 v31, $0xFF;
	v11 =	vld [tilespmem:$0x12100]  }
0x4a9: {  	v12 =	vld [tilespmem:$0x12D00];
	_ =	sdelay $0x2  }
0x4aa: {  	v32 =	vadd.s32 v3, v29  }
0x4ab: {  	vm10 =	vgt.s32 v32, $0x0;
	[tilespmem:v10+s29+$0x0] =	vst.idx.msk vm9, v11  }
0x4ac: {  	v33 =	vnsel vm10, $0x0, v32;
	vm11 =	vgt.s32 v13, v3;
	[tilespmem:v10+s30+$0x0] =	vst.idx.msk vm9, v12  }
0x4ad: {  	v10 =	vmin.u32 v33, $0xFF;
	v11 =	vld [tilespmem:$0x12110]  }
0x4ae: {  	v12 =	vld [tilespmem:$0x12D10];
	_ =	sdelay $0x2  }
0x4af: {  	v34 =	vadd.s32 v4, v29  }
0x4b0: {  	vm12 =	vgt.s32 v34, $0x0;
	[tilespmem:v10+s29+$0x0] =	vst.idx.msk vm11, v11  }
0x4b1: {  	v35 =	vnsel vm12, $0x0, v34;
	vm13 =	vgt.s32 v13, v4;
	[tilespmem:v10+s30+$0x0] =	vst.idx.msk vm11, v12  }
0x4b2: {  	v10 =	vmin.u32 v35, $0xFF;
	v11 =	vld [tilespmem:$0x12120]  }
0x4b3: {  	v12 =	vld [tilespmem:$0x12D20];
	_ =	sdelay $0x2  }
0x4b4: {  	v36 =	vadd.s32 v5, v29  }
0x4b5: {  	vm14 =	vgt.s32 v36, $0x0;
	[tilespmem:v10+s29+$0x0] =	vst.idx.msk vm13, v11  }
0x4b6: {  	v37 =	vnsel vm14, $0x0, v36;
	vm15 =	vgt.s32 v13, v5;
	[tilespmem:v10+s30+$0x0] =	vst.idx.msk vm13, v12  }
0x4b7: {  	v10 =	vmin.u32 v37, $0xFF;
	v11 =	vld [tilespmem:$0x12130]  }
0x4b8: {  	v12 =	vld [tilespmem:$0x12D30];
	_ =	sdelay $0x2  }
0x4b9: {  	v38 =	vadd.s32 v6, v29  }
0x4ba: {  	vm4 =	vgt.s32 v38, $0x0;
	[tilespmem:v10+s29+$0x0] =	vst.idx.msk vm15, v11  }
0x4bb: {  	v39 =	vnsel vm4, $0x0, v38;
	vm5 =	vgt.s32 v13, v6;
	[tilespmem:v10+s30+$0x0] =	vst.idx.msk vm15, v12  }
0x4bc: {  	v10 =	vmin.u32 v39, $0xFF;
	v11 =	vld [tilespmem:$0x12140]  }
0x4bd: {  	v12 =	vld [tilespmem:$0x12D40];
	_ =	sdelay $0x2  }
0x4be: {  	v40 =	vadd.s32 v7, v29  }
0x4bf: {  	vm6 =	vgt.s32 v40, $0x0;
	[tilespmem:v10+s29+$0x0] =	vst.idx.msk vm5, v11  }
0x4c0: {  	v41 =	vnsel vm6, $0x0, v40;
	vm7 =	vgt.s32 v13, v7;
	[tilespmem:v10+s30+$0x0] =	vst.idx.msk vm5, v12  }
0x4c1: {  	v10 =	vmin.u32 v41, $0xFF;
	v11 =	vld [tilespmem:$0x12150]  }
0x4c2: {  	v12 =	vld [tilespmem:$0x12D50];
	_ =	sdelay $0x2  }
0x4c3: {  	v42 =	vadd.s32 v8, v29  }
0x4c4: {  	vm8 =	vgt.s32 v42, $0x0;
	[tilespmem:v10+s29+$0x0] =	vst.idx.msk vm7, v11  }
0x4c5: {  	v43 =	vnsel vm8, $0x0, v42;
	vm9 =	vgt.s32 v13, v8;
	[tilespmem:v10+s30+$0x0] =	vst.idx.msk vm7, v12  }
0x4c6: {  	v10 =	vmin.u32 v43, $0xFF;
	v11 =	vld [tilespmem:$0x12160]  }
0x4c7: {  	v12 =	vld [tilespmem:$0x12D60];
	_ =	sdelay $0x2  }
0x4c8: {  	v14 =	vadd.s32 v9, v29  }
0x4c9: {  	vm10 =	vgt.s32 v14, $0x0;
	[tilespmem:v10+s29+$0x0] =	vst.idx.msk vm9, v11  }
0x4ca: {  	v44 =	vnsel vm10, $0x0, v14;
	vm11 =	vgt.s32 v13, v9;
	[tilespmem:v10+s30+$0x0] =	vst.idx.msk vm9, v12  }
0x4cb: {  	v10 =	vmin.u32 v44, $0xFF;
	v11 =	vld [tilespmem:$0x12170]  }
0x4cc: {  	v45 =	vimm.s32 $0xF;
	v12 =	vld [tilespmem:$0x12D70]  }
0x4cd: {  	v2 =	vperm.xlane v2, v45;
	_ =	sdelay $0x1  }
0x4ce: {  	v46 =	vadd.s32 v1, v2;
	v0 =	vperm.xlane v0, v45  }
0x4cf: {  	vm12 =	vgt.s32 v46, $0x0;
	[tilespmem:v10+s29+$0x0] =	vst.idx.msk vm11, v11  }
0x4d0: {  	v47 =	vnsel vm12, $0x0, v46;
	vm13 =	vgt.s32 v0, v1;
	[tilespmem:v10+s30+$0x0] =	vst.idx.msk vm11, v12  }
0x4d1: {  	v1 =	vmin.u32 v47, $0xFF;
	v10 =	vld [tilespmem:$0x12180]  }
0x4d2: {  	v11 =	vld [tilespmem:$0x12D80];
	_ =	sdelay $0x2  }
0x4d3: {  	v48 =	vadd.s32 v3, v2  }
0x4d4: {  	vm14 =	vgt.s32 v48, $0x0;
	[tilespmem:v1+s29+$0x0] =	vst.idx.msk vm13, v10  }
0x4d5: {  	v49 =	vnsel vm14, $0x0, v48;
	vm15 =	vgt.s32 v0, v3;
	[tilespmem:v1+s30+$0x0] =	vst.idx.msk vm13, v11  }
0x4d6: {  	v1 =	vmin.u32 v49, $0xFF;
	v50 =	vld [tilespmem:$0x12190]  }
0x4d7: {  	v10 =	vld [tilespmem:$0x12D90];
	_ =	sdelay $0x2  }
0x4d8: {  	v51 =	vadd.s32 v4, v2  }
0x4d9: {  	vm4 =	vgt.s32 v51, $0x0;
	[tilespmem:v1+s29+$0x0] =	vst.idx.msk vm15, v50  }
0x4da: {  	v52 =	vnsel vm4, $0x0, v51;
	vm5 =	vgt.s32 v0, v4;
	[tilespmem:v1+s30+$0x0] =	vst.idx.msk vm15, v10  }
0x4db: {  	v1 =	vmin.u32 v52, $0xFF;
	v3 =	vld [tilespmem:$0x121A0]  }
0x4dc: {  	v53 =	vld [tilespmem:$0x12DA0];
	_ =	sdelay $0x2  }
0x4dd: {  	v54 =	vadd.s32 v5, v2  }
0x4de: {  	vm6 =	vgt.s32 v54, $0x0;
	[tilespmem:v1+s29+$0x0] =	vst.idx.msk vm5, v3  }
0x4df: {  	v55 =	vnsel vm6, $0x0, v54;
	vm7 =	vgt.s32 v0, v5;
	[tilespmem:v1+s30+$0x0] =	vst.idx.msk vm5, v53  }
0x4e0: {  	v1 =	vmin.u32 v55, $0xFF;
	v3 =	vld [tilespmem:$0x121B0]  }
0x4e1: {  	v4 =	vld [tilespmem:$0x12DB0];
	_ =	sdelay $0x2  }
0x4e2: {  	v56 =	vadd.s32 v6, v2  }
0x4e3: {  	vm8 =	vgt.s32 v56, $0x0;
	[tilespmem:v1+s29+$0x0] =	vst.idx.msk vm7, v3  }
0x4e4: {  	v57 =	vnsel vm8, $0x0, v56;
	vm9 =	vgt.s32 v0, v6;
	[tilespmem:v1+s30+$0x0] =	vst.idx.msk vm7, v4  }
0x4e5: {  	v1 =	vmin.u32 v57, $0xFF;
	v3 =	vld [tilespmem:$0x121C0]  }
0x4e6: {  	v4 =	vld [tilespmem:$0x12DC0];
	_ =	sdelay $0x2  }
0x4e7: {  	v58 =	vadd.s32 v7, v2  }
0x4e8: {  	vm10 =	vgt.s32 v58, $0x0;
	[tilespmem:v1+s29+$0x0] =	vst.idx.msk vm9, v3  }
0x4e9: {  	v59 =	vnsel vm10, $0x0, v58;
	vm11 =	vgt.s32 v0, v7;
	[tilespmem:v1+s30+$0x0] =	vst.idx.msk vm9, v4  }
0x4ea: {  	v1 =	vmin.u32 v59, $0xFF;
	v3 =	vld [tilespmem:$0x121D0]  }
0x4eb: {  	v4 =	vld [tilespmem:$0x12DD0];
	_ =	sdelay $0x2  }
0x4ec: {  	v60 =	vadd.s32 v8, v2  }
0x4ed: {  	vm12 =	vgt.s32 v60, $0x0;
	[tilespmem:v1+s29+$0x0] =	vst.idx.msk vm11, v3  }
0x4ee: {  	v61 =	vnsel vm12, $0x0, v60;
	vm13 =	vgt.s32 v0, v8;
	[tilespmem:v1+s30+$0x0] =	vst.idx.msk vm11, v4  }
0x4ef: {  	v1 =	vmin.u32 v61, $0xFF;
	v3 =	vld [tilespmem:$0x121E0]  }
0x4f0: {  	v4 =	vld [tilespmem:$0x12DE0];
	_ =	sdelay $0x2  }
0x4f1: {  	v2 =	vadd.s32 v9, v2  }
0x4f2: {  	vm14 =	vgt.s32 v2, $0x0;
	[tilespmem:v1+s29+$0x0] =	vst.idx.msk vm13, v3  }
0x4f3: {  	v62 =	vnsel vm14, $0x0, v2;
	vm15 =	vgt.s32 v0, v9;
	[tilespmem:v1+s30+$0x0] =	vst.idx.msk vm13, v4  }
0x4f4: {  	v0 =	vmin.u32 v62, $0xFF;
	v1 =	vld [tilespmem:$0x121F0]  }
0x4f5: {  	v63 =	vld [tilespmem:$0x12DF0];
	_ =	sdelay $0x3  }
0x4f6: {  	[tilespmem:v0+s29+$0x0] =	vst.idx.msk vm15, v1  }
0x4f7: {  	s31 =	simm.s32 $0x0;
	[tilespmem:v0+s30+$0x0] =	vst.idx.msk vm15, v63  }
0x4f8: {  	[hbm4b:s1+s31] =	stream.linear.scatter [tilespmem:s29], [sflag:$0x1], $0x180, $0x38;
	[tilespmem:$0x13C08] =	vst v63  }
0x4f9: {  	_ =	swait.ge [sflag:s3], $0x180  }
0x4fa: {  	[sflag:s3] =	ssyncset.done $0x0  }
0x4fb: {  	[sflag:s3] =	ssyncadd.s32 $0xFFFFFE80  }
0x4fc: {  	[hbm4b:s2+s31] =	stream.linear.scatter [tilespmem:s30], [sflag:$0x1], $0x180, $0x38;
	[tilespmem:$0x13C08] =	vst v63  }
0x4fd: {  	_ =	swait.ge [sflag:s3], $0x180  }
0x4fe: {  	[sflag:s3] =	ssyncset.done $0x0  }
0x4ff: {  	[sflag:s3] =	ssyncadd.s32 $0xFFFFFE80  }
0x500: {  	_ =	sfence.sel $0x180000  }
0x501: {  	[bflag:$0x0] =	sbarrier.arrive $0xFFFF  }
0x502: {  	_ =	strace $0x90000047  }
0x503: {  	s0 =	sadd.s32 $0x100000, s0;
	[bflag:$0x2] =	sbarrier.arrive $0xFFFF  }
0x504: {  	[sflag:s0] =	ssyncadd.tile.s32 $0x1;
	_ =	shalt  }
.Lfunc_end2:
_tile_overlayer_lowered:
.L_overlay_start_2:
0x505: {  	(tag) =	ssettag $0x2  }
0x506: {  	s0 =	rddreg [dreg:$0x0];
	s2 =	stileid.u32  }
0x507: {  	s1 =	rddreg [dreg:$0x1];
	p0 =	sne.s32 s2, $0x0  }
0x508: {  	s3 =	rddreg [dreg:$0x2];
	[bflag:$0x3] =	sbarrier.arrive $0xFFFF;
	s2 =	simm.s32 @!p0 $0x1C01  }
0x509: {  	[timem:s3], [sflag:s2] =	dma.local @!p0 [hbm:s0], s1  }
0x50a: {  	s0 =	simm.s32 @!p0 $0x1  }
0x50b: {  	_ =	swait.ge @!p0 [sflag:s0], s1  }
0x50c: {  	s1 =	ssub.s32 @!p0 $0x0, s1;
	[sflag:s0] =	ssyncset.done @!p0 $0x0  }
0x50d: {  	[sflag:s0] =	ssyncadd.s32 @!p0 s1  }
0x50e: {  	[bflag:$0x3] =	sbarrier.arrive $0xFFFF  }
0x50f: {  	_ =	shalt  }

</sc_bundles>
